<compile_context>
chip_gen: v7x
topology: tpu7x:2x2x1
jax: 0.10.2.dev20260603
libtpu: 0.0.44.dev20260713+nightly
codegen_flags: <defaults>
</compile_context>

<pallas_src>
import functools

import jax
import jax.numpy as jnp
from jax import lax
from jax.experimental import pallas as pl
from jax.experimental.pallas import tpu as pltpu
from jax.experimental.pallas import tpu_sc as plsc

_EPS = 1e-5


def _sc_info():
    try:
        info = plsc.get_sparse_core_info()
        return info.num_cores, info.num_subcores
    except Exception:
        return 2, 16


def _chunks(total, step):
    out = []
    st = 0
    while st < total:
        sz = min(step, total - st)
        out.append((st, sz))
        st += sz
    return out


@functools.lru_cache(maxsize=None)
def _make_segsum(n_pad, e_pad, d, cb, nc, ns, with_deg=False):
    nw = nc * ns
    cpw = e_pad // (nw * cb)
    nph = 2
    cpp = cpw // nph
    rps = n_pad // ns

    mesh = plsc.VectorSubcoreMesh(core_axis_name="c", subcore_axis_name="s")
    out_type = [jax.ShapeDtypeStruct((nc * n_pad, d), jnp.float32)]
    if with_deg:
        out_type.append(jax.ShapeDtypeStruct((nc * n_pad, d), jnp.float32))
    scratch = [
        pltpu.VMEM((cpp, cb), jnp.int32),
        pltpu.VMEM((cpp, cb), jnp.int32),
        pltpu.VMEM((cb, d), jnp.float32),
        pltpu.VMEM((cb, d), jnp.float32),
        pltpu.VMEM_SHARED((n_pad, d), jnp.float32),
        pltpu.SemaphoreType.DMA,
        pltpu.SemaphoreType.DMA,
        pltpu.SemaphoreType.DMA,
        pltpu.SemaphoreType.DMA,
    ]

    def body(x_hbm, srcs_hbm, dsts_hbm, *rest):
        if with_deg:
            (out_p, out_d, src_slab, dst_slab, rows0, rows1, acc,
             gsem0, gsem1, ssem0, ssem1) = rest
        else:
            (out_p, src_slab, dst_slab, rows0, rows1, acc,
             gsem0, gsem1, ssem0, ssem1) = rest
        c = lax.axis_index("c")
        s = lax.axis_index("s")
        wid = s * nc + c
        bufs = ((rows0, gsem0, ssem0), (rows1, gsem1, ssem1))

        def fill(val):
            def zr(i, carry):
                def zc(j, carry2):
                    rows0[i, pl.ds(j * 16, 16)] = jnp.full((16,), val, jnp.float32)
                    return carry2
                return lax.fori_loop(0, d // 16, zc, carry)
            lax.fori_loop(0, cb, zr, 0)

        def zero_acc():
            for (st, sz) in _chunks(rps, cb):
                pltpu.async_copy(rows0.at[pl.ds(0, sz)],
                                 acc.at[pl.ds(s * rps + st, sz)], ssem0)
            for (st, sz) in _chunks(rps, cb):
                pltpu.make_async_copy(rows0.at[pl.ds(0, sz)],
                                      acc.at[pl.ds(s * rps + st, sz)], ssem0).wait()

        def writeout(dst_hbm):
            for (st, sz) in _chunks(rps, cb):
                pltpu.async_copy(acc.at[pl.ds(s * rps + st, sz)],
                                 dst_hbm.at[pl.ds(c * n_pad + s * rps + st, sz)],
                                 ssem1)
            for (st, sz) in _chunks(rps, cb):
                pltpu.make_async_copy(acc.at[pl.ds(s * rps + st, sz)],
                                      dst_hbm.at[pl.ds(c * n_pad + s * rps + st, sz)],
                                      ssem1).wait()

        fill(0.0)
        zero_acc()
        plsc.subcore_barrier()

        if with_deg:
            fill(1.0)
            for ph in range(nph):
                base = wid * cpw + ph * cpp
                pltpu.sync_copy(dsts_hbm.at[pl.ds(base, cpp)], dst_slab)

                def dstep(o, carry):
                    for b in (0, 1):
                        g = o * 2 + b
                        sem = (ssem0, ssem1)[b]
                        osem = (ssem0, ssem1)[1 - b]
                        pltpu.async_copy(rows0, acc.at[dst_slab.at[g]], sem,
                                         add=True)

                        @pl.when(g >= 1)
                        def _():
                            pltpu.make_async_copy(
                                rows0, acc.at[dst_slab.at[g - 1]], osem).wait()
                    return carry
                lax.fori_loop(0, cpp // 2, dstep, 0)
                pltpu.make_async_copy(
                    rows0, acc.at[dst_slab.at[cpp - 1]], ssem1).wait()
            plsc.subcore_barrier()
            writeout(out_d)
            plsc.subcore_barrier()
            fill(0.0)
            zero_acc()
            plsc.subcore_barrier()

        for ph in range(nph):
            base = wid * cpw + ph * cpp
            pltpu.sync_copy(srcs_hbm.at[pl.ds(base, cpp)], src_slab)
            pltpu.sync_copy(dsts_hbm.at[pl.ds(base, cpp)], dst_slab)
            pltpu.async_copy(x_hbm.at[src_slab.at[0]], rows0, gsem0)

            def step(o, carry):
                for b, (rb, gsem, ssem) in enumerate(bufs):
                    g = o * 2 + b
                    orb, ogsem, ossem = bufs[1 - b]

                    @pl.when(g + 1 < cpp)
                    def _():
                        pltpu.async_copy(x_hbm.at[src_slab.at[g + 1]], orb, ogsem)

                    pltpu.make_async_copy(x_hbm.at[src_slab.at[g]], rb, gsem).wait()
                    pltpu.sync_copy(rb, acc.at[dst_slab.at[g]], add=True)
                return carry
            lax.fori_loop(0, cpp // 2, step, 0)
        plsc.subcore_barrier()

        writeout(out_p)

    return pl.kernel(body, mesh=mesh, out_type=out_type, scratch_types=scratch)


@functools.lru_cache(maxsize=None)
def _make_dense(n_nodes, n_pad, d, with_bn, out_pre, deg_wide=False):

    def body(*refs):
        if with_bn:
            p_ref, dp_ref, x_ref, wc, bc, ws, bs, g, b = refs[:9]
            outs = refs[9:]
        else:
            p_ref, dp_ref, x_ref, wc, bc, ws, bs = refs[:7]
            outs = refs[7:]
        p = p_ref[...]
        agg = p[0:n_nodes] + p[n_pad:n_pad + n_nodes]
        if deg_wide:
            dpv = dp_ref[...]
            deg = dpv[0:n_nodes, 0:1] + dpv[n_pad:n_pad + n_nodes, 0:1]
            invd = 1.0 / jnp.maximum(deg, 1.0)
            outs[0][...] = invd
            outs = outs[1:]
        else:
            invd = dp_ref[...]
        a = agg * invd
        x = x_ref[...]
        y = (jnp.dot(a, wc[...], preferred_element_type=jnp.float32)
             + bc[...][None, :]
             + jnp.dot(x, ws[...], preferred_element_type=jnp.float32)
             + bs[...][None, :])
        k = 0
        if out_pre:
            outs[k][...] = y
            k += 1
        if with_bn:
            m = jnp.mean(y, axis=0, keepdims=True)
            v = jnp.mean((y - m) ** 2, axis=0, keepdims=True)
            yn = g[...][None, :] * (y - m) / jnp.sqrt(v + _EPS) + b[...][None, :]
            outs[k][...] = jnp.maximum(yn, 0.0)
        else:
            outs[k][...] = y

    out_shape = ([jax.ShapeDtypeStruct((n_nodes, 1), jnp.float32)] if deg_wide else [])
    if out_pre:
        out_shape.append(jax.ShapeDtypeStruct((n_nodes, d), jnp.float32))
    out_shape.append(jax.ShapeDtypeStruct((n_nodes, d), jnp.float32))
    return pl.pallas_call(body, out_shape=out_shape)


def kernel(x, edge_index, W_conv0, b_conv0, W_skip0, b_skip0, W_conv1, b_conv1,
           W_skip1, b_skip1, W_conv2, b_conv2, W_skip2, b_skip2, gamma0, beta0,
           gamma1, beta1):
    n, d = x.shape
    e = edge_index.shape[1]
    nc, ns = _sc_info()
    nw = nc * ns
    cb = 128
    e_pad = -(-e // (nw * cb * 8)) * (nw * cb * 8)
    n_pad = -(-(n + 16) // (ns * 8)) * (ns * 8)

    src = edge_index[0]
    dst = edge_index[1]
    if e_pad > e:
        fill = jnp.arange(e_pad - e, dtype=jnp.int32)
        src = jnp.concatenate([src, fill % 16])
        dst = jnp.concatenate([dst, n + (fill % (n_pad - n))])
    srcs2 = src.reshape(e_pad // cb, cb)
    dsts2 = dst.reshape(e_pad // cb, cb)

    seg = _make_segsum(n_pad, e_pad, d, cb, nc, ns)
    seg_deg = _make_segsum(n_pad, e_pad, d, cb, nc, ns, with_deg=True)
    dense_bn = _make_dense(n, n_pad, d, True, False, deg_wide=True)
    dense_bn_pre = _make_dense(n, n_pad, d, True, True)
    dense_last = _make_dense(n, n_pad, d, False, False)

    p0, dp = seg_deg(x, srcs2, dsts2)
    invd, x1 = dense_bn(p0, dp, x, W_conv0, b_conv0, W_skip0, b_skip0, gamma0, beta0)
    (p1,) = seg(x1, srcs2, dsts2)
    h, x2 = dense_bn_pre(p1, invd, x1, W_conv1, b_conv1, W_skip1, b_skip1, gamma1, beta1)
    (p2,) = seg(x2, srcs2, dsts2)
    (y,) = dense_last(p2, invd, x2, W_conv2, b_conv2, W_skip2, b_skip2)
    return (h, y)

# --- scband reference (transcript-rebuilt; emitter-appended) ---
"""Pipeline reference for scband-sage-76725295775758 (READ-ONLY COPY).

The authoritative reference and input builder live on the scoring server;
editing this copy changes nothing except your own understanding.
"""

import jax, jax.numpy as jnp
import numpy as np

N = 10000
E = 320000
D_IN = 128
H = 128
D_OUT = 128


def setup_inputs(seed: int = 0):
    key = jax.random.key(seed)
    ks = jax.random.split(key, 24)
    inp = {}
    inp["x"] = jax.random.normal(ks[0], (N, D_IN), dtype=jnp.float32)
    inp["edge_index"] = jax.random.randint(ks[1], (2, E), 0, N, dtype=jnp.int32)
    dims = [(D_IN, H), (H, H), (H, D_OUT)]
    for i, (di, do) in enumerate(dims):
        inp[f"W_conv{i}"] = jax.random.normal(ks[2 + 4 * i], (di, do), dtype=jnp.float32) * 0.05
        inp[f"b_conv{i}"] = jnp.zeros((do,), dtype=jnp.float32)
        inp[f"W_skip{i}"] = jax.random.normal(ks[3 + 4 * i], (di, do), dtype=jnp.float32) * 0.05
        inp[f"b_skip{i}"] = jnp.zeros((do,), dtype=jnp.float32)
    for i in range(2):
        inp[f"gamma{i}"] = jnp.ones((H,), dtype=jnp.float32)
        inp[f"beta{i}"] = jnp.zeros((H,), dtype=jnp.float32)
    return inp


def _sage_conv(x, src, dst, W, b):
    # PyG SAGEConv with root_weight=False, aggr='mean':
    # out = lin_l(mean_{j in N(i)} x_j)
    msgs = x[src]
    agg = jax.ops.segment_sum(msgs, dst, num_segments=N)
    deg = jax.ops.segment_sum(jnp.ones((src.shape[0],), jnp.float32), dst, num_segments=N)
    agg = agg / jnp.clip(deg, 1.0, None)[:, None]
    return agg @ W + b


def _bn(x, gamma, beta, eps=1e-5):
    # BatchNorm1d in training mode (batch statistics)
    m = x.mean(axis=0)
    v = x.var(axis=0)
    return gamma * (x - m) / jnp.sqrt(v + eps) + beta


def reference(x, edge_index, W_conv0, b_conv0, W_skip0, b_skip0, W_conv1, b_conv1, W_skip1, b_skip1, W_conv2, b_conv2, W_skip2, b_skip2, gamma0, beta0, gamma1, beta1):
    # linear_l=False branch, num_layers=3, dropout=0.0 (identity)
    src = edge_index[0]
    dst = edge_index[1]
    # layer 0
    x = _sage_conv(x, src, dst, W_conv0, b_conv0) + (x @ W_skip0 + b_skip0)
    x = jax.nn.relu(_bn(x, gamma0, beta0))
    # layer 1 (i == num_layers - 2 -> h = x.clone() before bn)
    x = _sage_conv(x, src, dst, W_conv1, b_conv1) + (x @ W_skip1 + b_skip1)
    h = x
    x = jax.nn.relu(_bn(x, gamma1, beta1))
    # final layer (no bn / relu)
    x = _sage_conv(x, src, dst, W_conv2, b_conv2) + (x @ W_skip2 + b_skip2)
    return (h, x)

if __name__ == "__main__":
    import jax
    _d = setup_inputs()
    print(jax.jit(kernel)(*tuple(_d.values())))

</pallas_src>

<mosaic_0001>
#map = affine_map<(d0, d1) -> (0, 0)>
module attributes {stable_mosaic.version = 14 : i64} {
  func.func @body(%arg0: i32, %arg1: i32, %arg2: memref<10000x128xf32, #tpu.memory_space<hbm>>, %arg3: memref<2560x128xi32, #tpu.memory_space<hbm>>, %arg4: memref<2560x128xi32, #tpu.memory_space<hbm>>, %arg5: memref<20224x128xf32, #tpu.memory_space<hbm>>, %arg6: memref<40x128xi32, #tpu.memory_space<vmem>>, %arg7: memref<40x128xi32, #tpu.memory_space<vmem>>, %arg8: memref<128x128xf32, #tpu.memory_space<vmem>>, %arg9: memref<128x128xf32, #tpu.memory_space<vmem>>, %arg10: memref<10112x128xf32, #tpu.memory_space<vmem_shared>>, %arg11: memref<!tpu.dma_semaphore, #tpu.memory_space<semaphore_mem>>, %arg12: memref<!tpu.dma_semaphore, #tpu.memory_space<semaphore_mem>>, %arg13: memref<!tpu.dma_semaphore, #tpu.memory_space<semaphore_mem>>, %arg14: memref<!tpu.dma_semaphore, #tpu.memory_space<semaphore_mem>>) attributes {dimension_semantics = [#tpu.dimension_semantics<core_parallel>, #tpu.dimension_semantics<subcore_parallel>], iteration_bounds = array<i64: 2, 16>, scalar_prefetch = 0 : i64, scratch_operands = 9 : i64, tpu.core_type = #tpu.core_type<sc_vector_subcore>, window_params = [{transform_indices = #map}, {transform_indices = #map}, {transform_indices = #map}, {transform_indices = #map}]} {
    %mul3A = arith.constant 2 : i32
    %mul3A_0 = arith.muli %arg1, %mul3A : i32
    %add3A = arith.addi %mul3A_0, %arg0 : i32
    %scan3A = arith.constant 0 : i32
    %scan3A_1 = arith.constant 0 : i32
    %scan3A_2 = arith.constant 128 : i32
    %scan3A_3 = arith.addi %scan3A_1, %scan3A_2 : i32
    %scan3A_4 = arith.constant 1 : i32
    scf.for %scan3A_329 = %scan3A_1 to %scan3A_3 step %scan3A_4  : i32 {
      %scan3A_330 = arith.constant 0 : i32
      %scan3A_331 = arith.constant 8 : i32
      %scan3A_332 = arith.addi %scan3A_330, %scan3A_331 : i32
      %scan3A_333 = arith.constant 1 : i32
      scf.for %scan3A_335 = %scan3A_330 to %scan3A_332 step %scan3A_333  : i32 {
        %broadcast_in_dim3A = arith.constant 0.000000e+00 : f32
        %broadcast_in_dim3A_336 = vector.broadcast %broadcast_in_dim3A : f32 to vector<16xf32>
        %mul3A_337 = arith.constant 16 : i32
        %mul3A_338 = arith.muli %scan3A_335, %mul3A_337 : i32
        %swap3A = arith.index_cast %scan3A_329 : i32 to index
        %swap3A_339 = arith.index_cast %mul3A_338 : i32 to index
        %swap3A_340 = tpu.vector_load %arg8[%swap3A, %swap3A_339] {strides = array<i32>} : memref<128x128xf32, #tpu.memory_space<vmem>>, vector<1x16xf32>,
        %swap3A_341 = vector.shape_cast %swap3A_340 : vector<1x16xf32> to vector<16xf32>
        %swap3A_342 = vector.shape_cast %broadcast_in_dim3A_336 : vector<16xf32> to vector<1x16xf32>
        tpu.vector_store %arg8[%swap3A, %swap3A_339], %swap3A_342 {strides = array<i32>} : memref<128x128xf32, #tpu.memory_space<vmem>>, vector<1x16xf32>,
      }
      %scan3A_334 = arith.constant 8 : i32
    }
    %scan3A_5 = arith.constant 128 : i32
    %mul3A_6 = arith.constant 632 : i32
    %mul3A_7 = arith.muli %arg1, %mul3A_6 : i32
    %add3A_8 = arith.constant 0 : i32
    %add3A_9 = arith.addi %mul3A_7, %add3A_8 : i32
    %dma_start3A = arith.constant 0 : i32
    %dma_start3A_10 = arith.constant 0 : i32
    %dma_start3A_11 = tpu.memref_slice %arg8[%dma_start3A, %dma_start3A_10] : memref<128x128xf32, #tpu.memory_space<vmem>> -> memref<128x128xf32, #tpu.memory_space<vmem>>
    %dma_start3A_12 = arith.constant 0 : i32
    %dma_start3A_13 = tpu.memref_slice %arg10[%add3A_9, %dma_start3A_12] : memref<10112x128xf32, #tpu.memory_space<vmem_shared>> -> memref<128x128xf32, #tpu.memory_space<vmem_shared>>
    %dma_start3A_14 = arith.constant 0 : i32
    %dma_start3A_15 = tpu.memref_slice %arg10[%add3A_9, %dma_start3A_14] : memref<10112x128xf32, #tpu.memory_space<vmem_shared>> -> memref<128x128xf32, #tpu.memory_space<vmem_shared>>
    %dma_start3A_16 = arith.constant 0 : i32
    %dma_start3A_17 = arith.constant 0 : i32
    %dma_start3A_18 = tpu.memref_slice %arg8[%dma_start3A_16, %dma_start3A_17] : memref<128x128xf32, #tpu.memory_space<vmem>> -> memref<128x128xf32, #tpu.memory_space<vmem>>
    tpu.enqueue_dma source(%dma_start3A_18 : memref<128x128xf32, #tpu.memory_space<vmem>>) target(%dma_start3A_15 : memref<128x128xf32, #tpu.memory_space<vmem_shared>>) target_semaphore(%arg13 : memref<!tpu.dma_semaphore, #tpu.memory_space<semaphore_mem>>)
    %mul3A_19 = arith.constant 632 : i32
    %mul3A_20 = arith.muli %arg1, %mul3A_19 : i32
    %add3A_21 = arith.constant 128 : i32
    %add3A_22 = arith.addi %mul3A_20, %add3A_21 : i32
    %dma_start3A_23 = arith.constant 0 : i32
    %dma_start3A_24 = arith.constant 0 : i32
    %dma_start3A_25 = tpu.memref_slice %arg8[%dma_start3A_23, %dma_start3A_24] : memref<128x128xf32, #tpu.memory_space<vmem>> -> memref<128x128xf32, #tpu.memory_space<vmem>>
    %dma_start3A_26 = arith.constant 0 : i32
    %dma_start3A_27 = tpu.memref_slice %arg10[%add3A_22, %dma_start3A_26] : memref<10112x128xf32, #tpu.memory_space<vmem_shared>> -> memref<128x128xf32, #tpu.memory_space<vmem_shared>>
    %dma_start3A_28 = arith.constant 0 : i32
    %dma_start3A_29 = tpu.memref_slice %arg10[%add3A_22, %dma_start3A_28] : memref<10112x128xf32, #tpu.memory_space<vmem_shared>> -> memref<128x128xf32, #tpu.memory_space<vmem_shared>>
    %dma_start3A_30 = arith.constant 0 : i32
    %dma_start3A_31 = arith.constant 0 : i32
    %dma_start3A_32 = tpu.memref_slice %arg8[%dma_start3A_30, %dma_start3A_31] : memref<128x128xf32, #tpu.memory_space<vmem>> -> memref<128x128xf32, #tpu.memory_space<vmem>>
    tpu.enqueue_dma source(%dma_start3A_32 : memref<128x128xf32, #tpu.memory_space<vmem>>) target(%dma_start3A_29 : memref<128x128xf32, #tpu.memory_space<vmem_shared>>) target_semaphore(%arg13 : memref<!tpu.dma_semaphore, #tpu.memory_space<semaphore_mem>>)
    %mul3A_33 = arith.constant 632 : i32
    %mul3A_34 = arith.muli %arg1, %mul3A_33 : i32
    %add3A_35 = arith.constant 256 : i32
    %add3A_36 = arith.addi %mul3A_34, %add3A_35 : i32
    %dma_start3A_37 = arith.constant 0 : i32
    %dma_start3A_38 = arith.constant 0 : i32
    %dma_start3A_39 = tpu.memref_slice %arg8[%dma_start3A_37, %dma_start3A_38] : memref<128x128xf32, #tpu.memory_space<vmem>> -> memref<128x128xf32, #tpu.memory_space<vmem>>
    %dma_start3A_40 = arith.constant 0 : i32
    %dma_start3A_41 = tpu.memref_slice %arg10[%add3A_36, %dma_start3A_40] : memref<10112x128xf32, #tpu.memory_space<vmem_shared>> -> memref<128x128xf32, #tpu.memory_space<vmem_shared>>
    %dma_start3A_42 = arith.constant 0 : i32
    %dma_start3A_43 = tpu.memref_slice %arg10[%add3A_36, %dma_start3A_42] : memref<10112x128xf32, #tpu.memory_space<vmem_shared>> -> memref<128x128xf32, #tpu.memory_space<vmem_shared>>
    %dma_start3A_44 = arith.constant 0 : i32
    %dma_start3A_45 = arith.constant 0 : i32
    %dma_start3A_46 = tpu.memref_slice %arg8[%dma_start3A_44, %dma_start3A_45] : memref<128x128xf32, #tpu.memory_space<vmem>> -> memref<128x128xf32, #tpu.memory_space<vmem>>
    tpu.enqueue_dma source(%dma_start3A_46 : memref<128x128xf32, #tpu.memory_space<vmem>>) target(%dma_start3A_43 : memref<128x128xf32, #tpu.memory_space<vmem_shared>>) target_semaphore(%arg13 : memref<!tpu.dma_semaphore, #tpu.memory_space<semaphore_mem>>)
    %mul3A_47 = arith.constant 632 : i32
    %mul3A_48 = arith.muli %arg1, %mul3A_47 : i32
    %add3A_49 = arith.constant 384 : i32
    %add3A_50 = arith.addi %mul3A_48, %add3A_49 : i32
    %dma_start3A_51 = arith.constant 0 : i32
    %dma_start3A_52 = arith.constant 0 : i32
    %dma_start3A_53 = tpu.memref_slice %arg8[%dma_start3A_51, %dma_start3A_52] : memref<128x128xf32, #tpu.memory_space<vmem>> -> memref<128x128xf32, #tpu.memory_space<vmem>>
    %dma_start3A_54 = arith.constant 0 : i32
    %dma_start3A_55 = tpu.memref_slice %arg10[%add3A_50, %dma_start3A_54] : memref<10112x128xf32, #tpu.memory_space<vmem_shared>> -> memref<128x128xf32, #tpu.memory_space<vmem_shared>>
    %dma_start3A_56 = arith.constant 0 : i32
    %dma_start3A_57 = tpu.memref_slice %arg10[%add3A_50, %dma_start3A_56] : memref<10112x128xf32, #tpu.memory_space<vmem_shared>> -> memref<128x128xf32, #tpu.memory_space<vmem_shared>>
    %dma_start3A_58 = arith.constant 0 : i32
    %dma_start3A_59 = arith.constant 0 : i32
    %dma_start3A_60 = tpu.memref_slice %arg8[%dma_start3A_58, %dma_start3A_59] : memref<128x128xf32, #tpu.memory_space<vmem>> -> memref<128x128xf32, #tpu.memory_space<vmem>>
    tpu.enqueue_dma source(%dma_start3A_60 : memref<128x128xf32, #tpu.memory_space<vmem>>) target(%dma_start3A_57 : memref<128x128xf32, #tpu.memory_space<vmem_shared>>) target_semaphore(%arg13 : memref<!tpu.dma_semaphore, #tpu.memory_space<semaphore_mem>>)
    %mul3A_61 = arith.constant 632 : i32
    %mul3A_62 = arith.muli %arg1, %mul3A_61 : i32
    %add3A_63 = arith.constant 512 : i32
    %add3A_64 = arith.addi %mul3A_62, %add3A_63 : i32
    %dma_start3A_65 = arith.constant 0 : i32
    %dma_start3A_66 = arith.constant 0 : i32
    %dma_start3A_67 = tpu.memref_slice %arg8[%dma_start3A_65, %dma_start3A_66] : memref<128x128xf32, #tpu.memory_space<vmem>> -> memref<120x128xf32, #tpu.memory_space<vmem>>
    %dma_start3A_68 = arith.constant 0 : i32
    %dma_start3A_69 = tpu.memref_slice %arg10[%add3A_64, %dma_start3A_68] : memref<10112x128xf32, #tpu.memory_space<vmem_shared>> -> memref<120x128xf32, #tpu.memory_space<vmem_shared>>
    %dma_start3A_70 = arith.constant 0 : i32
    %dma_start3A_71 = tpu.memref_slice %arg10[%add3A_64, %dma_start3A_70] : memref<10112x128xf32, #tpu.memory_space<vmem_shared>> -> memref<120x128xf32, #tpu.memory_space<vmem_shared>>
    %dma_start3A_72 = arith.constant 0 : i32
    %dma_start3A_73 = arith.constant 0 : i32
    %dma_start3A_74 = tpu.memref_slice %arg8[%dma_start3A_72, %dma_start3A_73] : memref<128x128xf32, #tpu.memory_space<vmem>> -> memref<120x128xf32, #tpu.memory_space<vmem>>
    tpu.enqueue_dma source(%dma_start3A_74 : memref<120x128xf32, #tpu.memory_space<vmem>>) target(%dma_start3A_71 : memref<120x128xf32, #tpu.memory_space<vmem_shared>>) target_semaphore(%arg13 : memref<!tpu.dma_semaphore, #tpu.memory_space<semaphore_mem>>)
    %mul3A_75 = arith.constant 632 : i32
    %mul3A_76 = arith.muli %arg1, %mul3A_75 : i32
    %add3A_77 = arith.constant 0 : i32
    %add3A_78 = arith.addi %mul3A_76, %add3A_77 : i32
    %dma_wait3A = arith.constant 0 : i32
    %dma_wait3A_79 = arith.constant 0 : i32
    %dma_wait3A_80 = tpu.memref_slice %arg8[%dma_wait3A, %dma_wait3A_79] : memref<128x128xf32, #tpu.memory_space<vmem>> -> memref<128x128xf32, #tpu.memory_space<vmem>>
    %dma_wait3A_81 = arith.constant 0 : i32
    %dma_wait3A_82 = tpu.memref_slice %arg10[%add3A_78, %dma_wait3A_81] : memref<10112x128xf32, #tpu.memory_space<vmem_shared>> -> memref<128x128xf32, #tpu.memory_space<vmem_shared>>
    %dma_wait3A_83 = arith.constant 0 : i32
    %dma_wait3A_84 = tpu.memref_slice %arg10[%add3A_78, %dma_wait3A_83] : memref<10112x128xf32, #tpu.memory_space<vmem_shared>> -> memref<128x128xf32, #tpu.memory_space<vmem_shared>>
    %dma_wait3A_85 = arith.constant 0 : i32
    %dma_wait3A_86 = arith.constant 0 : i32
    %dma_wait3A_87 = tpu.memref_slice %arg8[%dma_wait3A_85, %dma_wait3A_86] : memref<128x128xf32, #tpu.memory_space<vmem>> -> memref<128x128xf32, #tpu.memory_space<vmem>>
    tpu.wait_dma2 semaphore(%arg13 : memref<!tpu.dma_semaphore, #tpu.memory_space<semaphore_mem>>) src(%dma_wait3A_87 : memref<128x128xf32, #tpu.memory_space<vmem>>) dst(%dma_wait3A_84 : memref<128x128xf32, #tpu.memory_space<vmem_shared>>)
    %mul3A_88 = arith.constant 632 : i32
    %mul3A_89 = arith.muli %arg1, %mul3A_88 : i32
    %add3A_90 = arith.constant 128 : i32
    %add3A_91 = arith.addi %mul3A_89, %add3A_90 : i32
    %dma_wait3A_92 = arith.constant 0 : i32
    %dma_wait3A_93 = arith.constant 0 : i32
    %dma_wait3A_94 = tpu.memref_slice %arg8[%dma_wait3A_92, %dma_wait3A_93] : memref<128x128xf32, #tpu.memory_space<vmem>> -> memref<128x128xf32, #tpu.memory_space<vmem>>
    %dma_wait3A_95 = arith.constant 0 : i32
    %dma_wait3A_96 = tpu.memref_slice %arg10[%add3A_91, %dma_wait3A_95] : memref<10112x128xf32, #tpu.memory_space<vmem_shared>> -> memref<128x128xf32, #tpu.memory_space<vmem_shared>>
    %dma_wait3A_97 = arith.constant 0 : i32
    %dma_wait3A_98 = tpu.memref_slice %arg10[%add3A_91, %dma_wait3A_97] : memref<10112x128xf32, #tpu.memory_space<vmem_shared>> -> memref<128x128xf32, #tpu.memory_space<vmem_shared>>
    %dma_wait3A_99 = arith.constant 0 : i32
    %dma_wait3A_100 = arith.constant 0 : i32
    %dma_wait3A_101 = tpu.memref_slice %arg8[%dma_wait3A_99, %dma_wait3A_100] : memref<128x128xf32, #tpu.memory_space<vmem>> -> memref<128x128xf32, #tpu.memory_space<vmem>>
    tpu.wait_dma2 semaphore(%arg13 : memref<!tpu.dma_semaphore, #tpu.memory_space<semaphore_mem>>) src(%dma_wait3A_101 : memref<128x128xf32, #tpu.memory_space<vmem>>) dst(%dma_wait3A_98 : memref<128x128xf32, #tpu.memory_space<vmem_shared>>)
    %mul3A_102 = arith.constant 632 : i32
    %mul3A_103 = arith.muli %arg1, %mul3A_102 : i32
    %add3A_104 = arith.constant 256 : i32
    %add3A_105 = arith.addi %mul3A_103, %add3A_104 : i32
    %dma_wait3A_106 = arith.constant 0 : i32
    %dma_wait3A_107 = arith.constant 0 : i32
    %dma_wait3A_108 = tpu.memref_slice %arg8[%dma_wait3A_106, %dma_wait3A_107] : memref<128x128xf32, #tpu.memory_space<vmem>> -> memref<128x128xf32, #tpu.memory_space<vmem>>
    %dma_wait3A_109 = arith.constant 0 : i32
    %dma_wait3A_110 = tpu.memref_slice %arg10[%add3A_105, %dma_wait3A_109] : memref<10112x128xf32, #tpu.memory_space<vmem_shared>> -> memref<128x128xf32, #tpu.memory_space<vmem_shared>>
    %dma_wait3A_111 = arith.constant 0 : i32
    %dma_wait3A_112 = tpu.memref_slice %arg10[%add3A_105, %dma_wait3A_111] : memref<10112x128xf32, #tpu.memory_space<vmem_shared>> -> memref<128x128xf32, #tpu.memory_space<vmem_shared>>
    %dma_wait3A_113 = arith.constant 0 : i32
    %dma_wait3A_114 = arith.constant 0 : i32
    %dma_wait3A_115 = tpu.memref_slice %arg8[%dma_wait3A_113, %dma_wait3A_114] : memref<128x128xf32, #tpu.memory_space<vmem>> -> memref<128x128xf32, #tpu.memory_space<vmem>>
    tpu.wait_dma2 semaphore(%arg13 : memref<!tpu.dma_semaphore, #tpu.memory_space<semaphore_mem>>) src(%dma_wait3A_115 : memref<128x128xf32, #tpu.memory_space<vmem>>) dst(%dma_wait3A_112 : memref<128x128xf32, #tpu.memory_space<vmem_shared>>)
    %mul3A_116 = arith.constant 632 : i32
    %mul3A_117 = arith.muli %arg1, %mul3A_116 : i32
    %add3A_118 = arith.constant 384 : i32
    %add3A_119 = arith.addi %mul3A_117, %add3A_118 : i32
    %dma_wait3A_120 = arith.constant 0 : i32
    %dma_wait3A_121 = arith.constant 0 : i32
    %dma_wait3A_122 = tpu.memref_slice %arg8[%dma_wait3A_120, %dma_wait3A_121] : memref<128x128xf32, #tpu.memory_space<vmem>> -> memref<128x128xf32, #tpu.memory_space<vmem>>
    %dma_wait3A_123 = arith.constant 0 : i32
    %dma_wait3A_124 = tpu.memref_slice %arg10[%add3A_119, %dma_wait3A_123] : memref<10112x128xf32, #tpu.memory_space<vmem_shared>> -> memref<128x128xf32, #tpu.memory_space<vmem_shared>>
    %dma_wait3A_125 = arith.constant 0 : i32
    %dma_wait3A_126 = tpu.memref_slice %arg10[%add3A_119, %dma_wait3A_125] : memref<10112x128xf32, #tpu.memory_space<vmem_shared>> -> memref<128x128xf32, #tpu.memory_space<vmem_shared>>
    %dma_wait3A_127 = arith.constant 0 : i32
    %dma_wait3A_128 = arith.constant 0 : i32
    %dma_wait3A_129 = tpu.memref_slice %arg8[%dma_wait3A_127, %dma_wait3A_128] : memref<128x128xf32, #tpu.memory_space<vmem>> -> memref<128x128xf32, #tpu.memory_space<vmem>>
    tpu.wait_dma2 semaphore(%arg13 : memref<!tpu.dma_semaphore, #tpu.memory_space<semaphore_mem>>) src(%dma_wait3A_129 : memref<128x128xf32, #tpu.memory_space<vmem>>) dst(%dma_wait3A_126 : memref<128x128xf32, #tpu.memory_space<vmem_shared>>)
    %mul3A_130 = arith.constant 632 : i32
    %mul3A_131 = arith.muli %arg1, %mul3A_130 : i32
    %add3A_132 = arith.constant 512 : i32
    %add3A_133 = arith.addi %mul3A_131, %add3A_132 : i32
    %dma_wait3A_134 = arith.constant 0 : i32
    %dma_wait3A_135 = arith.constant 0 : i32
    %dma_wait3A_136 = tpu.memref_slice %arg8[%dma_wait3A_134, %dma_wait3A_135] : memref<128x128xf32, #tpu.memory_space<vmem>> -> memref<120x128xf32, #tpu.memory_space<vmem>>
    %dma_wait3A_137 = arith.constant 0 : i32
    %dma_wait3A_138 = tpu.memref_slice %arg10[%add3A_133, %dma_wait3A_137] : memref<10112x128xf32, #tpu.memory_space<vmem_shared>> -> memref<120x128xf32, #tpu.memory_space<vmem_shared>>
    %dma_wait3A_139 = arith.constant 0 : i32
    %dma_wait3A_140 = tpu.memref_slice %arg10[%add3A_133, %dma_wait3A_139] : memref<10112x128xf32, #tpu.memory_space<vmem_shared>> -> memref<120x128xf32, #tpu.memory_space<vmem_shared>>
    %dma_wait3A_141 = arith.constant 0 : i32
    %dma_wait3A_142 = arith.constant 0 : i32
    %dma_wait3A_143 = tpu.memref_slice %arg8[%dma_wait3A_141, %dma_wait3A_142] : memref<128x128xf32, #tpu.memory_space<vmem>> -> memref<120x128xf32, #tpu.memory_space<vmem>>
    tpu.wait_dma2 semaphore(%arg13 : memref<!tpu.dma_semaphore, #tpu.memory_space<semaphore_mem>>) src(%dma_wait3A_143 : memref<120x128xf32, #tpu.memory_space<vmem>>) dst(%dma_wait3A_140 : memref<120x128xf32, #tpu.memory_space<vmem_shared>>)
    %barrier3A = arith.constant 0 : index
    tpu.barrier barrier_id(%barrier3A)
    %mul3A_144 = arith.constant 80 : i32
    %mul3A_145 = arith.muli %add3A, %mul3A_144 : i32
    %add3A_146 = arith.constant 0 : i32
    %add3A_147 = arith.addi %mul3A_145, %add3A_146 : i32
    "tpu.region"() ({
      %run_scoped3A = tpu.sem_alloc : memref<!tpu.dma_semaphore, #tpu.memory_space<semaphore_mem>>
      %dma_start3A_329 = arith.constant 0 : i32
      %dma_start3A_330 = tpu.memref_slice %arg3[%add3A_147, %dma_start3A_329] : memref<2560x128xi32, #tpu.memory_space<hbm>> -> memref<40x128xi32, #tpu.memory_space<hbm>>
      %dma_start3A_331 = arith.constant 0 : i32
      %dma_start3A_332 = tpu.memref_slice %arg3[%add3A_147, %dma_start3A_331] : memref<2560x128xi32, #tpu.memory_space<hbm>> -> memref<40x128xi32, #tpu.memory_space<hbm>>
      tpu.enqueue_dma source(%dma_start3A_332 : memref<40x128xi32, #tpu.memory_space<hbm>>) target(%arg6 : memref<40x128xi32, #tpu.memory_space<vmem>>) target_semaphore(%run_scoped3A : memref<!tpu.dma_semaphore, #tpu.memory_space<semaphore_mem>>)
      %dma_wait3A_333 = arith.constant 0 : i32
      %dma_wait3A_334 = tpu.memref_slice %arg3[%add3A_147, %dma_wait3A_333] : memref<2560x128xi32, #tpu.memory_space<hbm>> -> memref<40x128xi32, #tpu.memory_space<hbm>>
      %dma_wait3A_335 = arith.constant 0 : i32
      %dma_wait3A_336 = tpu.memref_slice %arg3[%add3A_147, %dma_wait3A_335] : memref<2560x128xi32, #tpu.memory_space<hbm>> -> memref<40x128xi32, #tpu.memory_space<hbm>>
      tpu.wait_dma2 semaphore(%run_scoped3A : memref<!tpu.dma_semaphore, #tpu.memory_space<semaphore_mem>>) src(%dma_wait3A_336 : memref<40x128xi32, #tpu.memory_space<hbm>>) dst(%arg6 : memref<40x128xi32, #tpu.memory_space<vmem>>)
      tpu.yield
    }) : () -> ()
    "tpu.region"() ({
      %run_scoped3A = tpu.sem_alloc : memref<!tpu.dma_semaphore, #tpu.memory_space<semaphore_mem>>
      %dma_start3A_329 = arith.constant 0 : i32
      %dma_start3A_330 = tpu.memref_slice %arg4[%add3A_147, %dma_start3A_329] : memref<2560x128xi32, #tpu.memory_space<hbm>> -> memref<40x128xi32, #tpu.memory_space<hbm>>
      %dma_start3A_331 = arith.constant 0 : i32
      %dma_start3A_332 = tpu.memref_slice %arg4[%add3A_147, %dma_start3A_331] : memref<2560x128xi32, #tpu.memory_space<hbm>> -> memref<40x128xi32, #tpu.memory_space<hbm>>
      tpu.enqueue_dma source(%dma_start3A_332 : memref<40x128xi32, #tpu.memory_space<hbm>>) target(%arg7 : memref<40x128xi32, #tpu.memory_space<vmem>>) target_semaphore(%run_scoped3A : memref<!tpu.dma_semaphore, #tpu.memory_space<semaphore_mem>>)
      %dma_wait3A_333 = arith.constant 0 : i32
      %dma_wait3A_334 = tpu.memref_slice %arg4[%add3A_147, %dma_wait3A_333] : memref<2560x128xi32, #tpu.memory_space<hbm>> -> memref<40x128xi32, #tpu.memory_space<hbm>>
      %dma_wait3A_335 = arith.constant 0 : i32
      %dma_wait3A_336 = tpu.memref_slice %arg4[%add3A_147, %dma_wait3A_335] : memref<2560x128xi32, #tpu.memory_space<hbm>> -> memref<40x128xi32, #tpu.memory_space<hbm>>
      tpu.wait_dma2 semaphore(%run_scoped3A : memref<!tpu.dma_semaphore, #tpu.memory_space<semaphore_mem>>) src(%dma_wait3A_336 : memref<40x128xi32, #tpu.memory_space<hbm>>) dst(%arg7 : memref<40x128xi32, #tpu.memory_space<vmem>>)
      tpu.yield
    }) : () -> ()
    %dma_start3A_148 = arith.constant 0 : i32
    %dma_start3A_149 = arith.constant 0 : i32
    %dma_start3A_150 = tpu.memref_slice %arg6[%dma_start3A_148, %dma_start3A_149] : memref<40x128xi32, #tpu.memory_space<vmem>> -> memref<1x128xi32, #tpu.memory_space<vmem>>
    %dma_start3A_151 = tpu.memref_squeeze %dma_start3A_150 : memref<1x128xi32, #tpu.memory_space<vmem>> -> memref<128xi32, #tpu.memory_space<vmem>>
    %dma_start3A_152 = arith.constant 0 : i32
    %dma_start3A_153 = arith.constant 0 : i32
    %dma_start3A_154 = tpu.memref_slice %arg2[%dma_start3A_152, %dma_start3A_153] : memref<10000x128xf32, #tpu.memory_space<hbm>> -> memref<10000x128xf32, #tpu.memory_space<hbm>>
    tpu.enqueue_indirect_dma source(%dma_start3A_154 : memref<10000x128xf32, #tpu.memory_space<hbm>>) target(%arg8 : memref<128x128xf32, #tpu.memory_space<vmem>>) offsets(%dma_start3A_151 : memref<128xi32, #tpu.memory_space<vmem>>) semaphore(%arg11 : memref<!tpu.dma_semaphore, #tpu.memory_space<semaphore_mem>>)
    %scan3A_155 = arith.constant 0 : i32
    %scan3A_156 = arith.constant 0 : i32
    %scan3A_157 = arith.constant 20 : i32
    %scan3A_158 = arith.addi %scan3A_156, %scan3A_157 : i32
    %scan3A_159 = arith.constant 1 : i32
    scf.for %scan3A_329 = %scan3A_156 to %scan3A_158 step %scan3A_159  : i32 {
      %mul3A_330 = arith.constant 2 : i32
      %mul3A_331 = arith.muli %scan3A_329, %mul3A_330 : i32
      %add3A_332 = arith.constant 0 : i32
      %add3A_333 = arith.addi %mul3A_331, %add3A_332 : i32
      %add3A_334 = arith.constant 1 : i32
      %add3A_335 = arith.addi %add3A_333, %add3A_334 : i32
      %lt3A = arith.constant 40 : i32
      %lt3A_336 = arith.cmpi slt, %add3A_335, %lt3A : i32
      %convert_element_type3A = arith.extui %lt3A_336 : i1 to i32
      %cond3A = arith.constant 0 : i32
      %cond3A_337 = arith.cmpi ne, %convert_element_type3A, %cond3A : i32
      scf.if %cond3A_337 {
        %add3A_361 = arith.constant 1 : i32
        %add3A_362 = arith.addi %add3A_333, %add3A_361 : i32
        %dma_start3A_363 = arith.constant 0 : i32
        %dma_start3A_364 = tpu.memref_slice %arg6[%add3A_362, %dma_start3A_363] : memref<40x128xi32, #tpu.memory_space<vmem>> -> memref<1x128xi32, #tpu.memory_space<vmem>>
        %dma_start3A_365 = tpu.memref_squeeze %dma_start3A_364 : memref<1x128xi32, #tpu.memory_space<vmem>> -> memref<128xi32, #tpu.memory_space<vmem>>
        %dma_start3A_366 = arith.constant 0 : i32
        %dma_start3A_367 = arith.constant 0 : i32
        %dma_start3A_368 = tpu.memref_slice %arg2[%dma_start3A_366, %dma_start3A_367] : memref<10000x128xf32, #tpu.memory_space<hbm>> -> memref<10000x128xf32, #tpu.memory_space<hbm>>
        tpu.enqueue_indirect_dma source(%dma_start3A_368 : memref<10000x128xf32, #tpu.memory_space<hbm>>) target(%arg9 : memref<128x128xf32, #tpu.memory_space<vmem>>) offsets(%dma_start3A_365 : memref<128xi32, #tpu.memory_space<vmem>>) semaphore(%arg12 : memref<!tpu.dma_semaphore, #tpu.memory_space<semaphore_mem>>)
      } else {
      }
      %dma_wait3A_338 = arith.constant 0 : i32
      %dma_wait3A_339 = tpu.memref_slice %arg6[%add3A_333, %dma_wait3A_338] : memref<40x128xi32, #tpu.memory_space<vmem>> -> memref<1x128xi32, #tpu.memory_space<vmem>>
      %dma_wait3A_340 = tpu.memref_squeeze %dma_wait3A_339 : memref<1x128xi32, #tpu.memory_space<vmem>> -> memref<128xi32, #tpu.memory_space<vmem>>
      %dma_wait3A_341 = arith.constant 0 : i32
      %dma_wait3A_342 = arith.constant 0 : i32
      %dma_wait3A_343 = tpu.memref_slice %arg2[%dma_wait3A_341, %dma_wait3A_342] : memref<10000x128xf32, #tpu.memory_space<hbm>> -> memref<10000x128xf32, #tpu.memory_space<hbm>>
      tpu.wait_indirect_dma semaphore(%arg11 : memref<!tpu.dma_semaphore, #tpu.memory_space<semaphore_mem>>) src(%dma_wait3A_343 : memref<10000x128xf32, #tpu.memory_space<hbm>>) dst(%arg8 : memref<128x128xf32, #tpu.memory_space<vmem>>)
      "tpu.region"() ({
        %run_scoped3A = tpu.sem_alloc : memref<!tpu.dma_semaphore, #tpu.memory_space<semaphore_mem>>
        %dma_start3A_361 = arith.constant 0 : i32
        %dma_start3A_362 = tpu.memref_slice %arg7[%add3A_333, %dma_start3A_361] : memref<40x128xi32, #tpu.memory_space<vmem>> -> memref<1x128xi32, #tpu.memory_space<vmem>>
        %dma_start3A_363 = tpu.memref_squeeze %dma_start3A_362 : memref<1x128xi32, #tpu.memory_space<vmem>> -> memref<128xi32, #tpu.memory_space<vmem>>
        %dma_start3A_364 = arith.constant 0 : i32
        %dma_start3A_365 = arith.constant 0 : i32
        %dma_start3A_366 = tpu.memref_slice %arg10[%dma_start3A_364, %dma_start3A_365] : memref<10112x128xf32, #tpu.memory_space<vmem_shared>> -> memref<10112x128xf32, #tpu.memory_space<vmem_shared>>
        tpu.enqueue_indirect_dma source(%arg8 : memref<128x128xf32, #tpu.memory_space<vmem>>) target(%dma_start3A_366 : memref<10112x128xf32, #tpu.memory_space<vmem_shared>>) offsets(%dma_start3A_363 : memref<128xi32, #tpu.memory_space<vmem>>) semaphore(%run_scoped3A : memref<!tpu.dma_semaphore, #tpu.memory_space<semaphore_mem>>) {add = true}
        %dma_wait3A_367 = arith.constant 0 : i32
        %dma_wait3A_368 = tpu.memref_slice %arg7[%add3A_333, %dma_wait3A_367] : memref<40x128xi32, #tpu.memory_space<vmem>> -> memref<1x128xi32, #tpu.memory_space<vmem>>
        %dma_wait3A_369 = tpu.memref_squeeze %dma_wait3A_368 : memref<1x128xi32, #tpu.memory_space<vmem>> -> memref<128xi32, #tpu.memory_space<vmem>>
        %dma_wait3A_370 = arith.constant 0 : i32
        %dma_wait3A_371 = arith.constant 0 : i32
        %dma_wait3A_372 = tpu.memref_slice %arg10[%dma_wait3A_370, %dma_wait3A_371] : memref<10112x128xf32, #tpu.memory_space<vmem_shared>> -> memref<10112x128xf32, #tpu.memory_space<vmem_shared>>
        tpu.wait_indirect_dma semaphore(%run_scoped3A : memref<!tpu.dma_semaphore, #tpu.memory_space<semaphore_mem>>) src(%arg8 : memref<128x128xf32, #tpu.memory_space<vmem>>) dst(%dma_wait3A_372 : memref<10112x128xf32, #tpu.memory_space<vmem_shared>>)
        tpu.yield
      }) : () -> ()
      %mul3A_344 = arith.constant 2 : i32
      %mul3A_345 = arith.muli %scan3A_329, %mul3A_344 : i32
      %add3A_346 = arith.constant 1 : i32
      %add3A_347 = arith.addi %mul3A_345, %add3A_346 : i32
      %add3A_348 = arith.constant 1 : i32
      %add3A_349 = arith.addi %add3A_347, %add3A_348 : i32
      %lt3A_350 = arith.constant 40 : i32
      %lt3A_351 = arith.cmpi slt, %add3A_349, %lt3A_350 : i32
      %convert_element_type3A_352 = arith.extui %lt3A_351 : i1 to i32
      %cond3A_353 = arith.constant 0 : i32
      %cond3A_354 = arith.cmpi ne, %convert_element_type3A_352, %cond3A_353 : i32
      scf.if %cond3A_354 {
        %add3A_361 = arith.constant 1 : i32
        %add3A_362 = arith.addi %add3A_347, %add3A_361 : i32
        %dma_start3A_363 = arith.constant 0 : i32
        %dma_start3A_364 = tpu.memref_slice %arg6[%add3A_362, %dma_start3A_363] : memref<40x128xi32, #tpu.memory_space<vmem>> -> memref<1x128xi32, #tpu.memory_space<vmem>>
        %dma_start3A_365 = tpu.memref_squeeze %dma_start3A_364 : memref<1x128xi32, #tpu.memory_space<vmem>> -> memref<128xi32, #tpu.memory_space<vmem>>
        %dma_start3A_366 = arith.constant 0 : i32
        %dma_start3A_367 = arith.constant 0 : i32
        %dma_start3A_368 = tpu.memref_slice %arg2[%dma_start3A_366, %dma_start3A_367] : memref<10000x128xf32, #tpu.memory_space<hbm>> -> memref<10000x128xf32, #tpu.memory_space<hbm>>
        tpu.enqueue_indirect_dma source(%dma_start3A_368 : memref<10000x128xf32, #tpu.memory_space<hbm>>) target(%arg8 : memref<128x128xf32, #tpu.memory_space<vmem>>) offsets(%dma_start3A_365 : memref<128xi32, #tpu.memory_space<vmem>>) semaphore(%arg11 : memref<!tpu.dma_semaphore, #tpu.memory_space<semaphore_mem>>)
      } else {
      }
      %dma_wait3A_355 = arith.constant 0 : i32
      %dma_wait3A_356 = tpu.memref_slice %arg6[%add3A_347, %dma_wait3A_355] : memref<40x128xi32, #tpu.memory_space<vmem>> -> memref<1x128xi32, #tpu.memory_space<vmem>>
      %dma_wait3A_357 = tpu.memref_squeeze %dma_wait3A_356 : memref<1x128xi32, #tpu.memory_space<vmem>> -> memref<128xi32, #tpu.memory_space<vmem>>
      %dma_wait3A_358 = arith.constant 0 : i32
      %dma_wait3A_359 = arith.constant 0 : i32
      %dma_wait3A_360 = tpu.memref_slice %arg2[%dma_wait3A_358, %dma_wait3A_359] : memref<10000x128xf32, #tpu.memory_space<hbm>> -> memref<10000x128xf32, #tpu.memory_space<hbm>>
      tpu.wait_indirect_dma semaphore(%arg12 : memref<!tpu.dma_semaphore, #tpu.memory_space<semaphore_mem>>) src(%dma_wait3A_360 : memref<10000x128xf32, #tpu.memory_space<hbm>>) dst(%arg9 : memref<128x128xf32, #tpu.memory_space<vmem>>)
      "tpu.region"() ({
        %run_scoped3A = tpu.sem_alloc : memref<!tpu.dma_semaphore, #tpu.memory_space<semaphore_mem>>
        %dma_start3A_361 = arith.constant 0 : i32
        %dma_start3A_362 = tpu.memref_slice %arg7[%add3A_347, %dma_start3A_361] : memref<40x128xi32, #tpu.memory_space<vmem>> -> memref<1x128xi32, #tpu.memory_space<vmem>>
        %dma_start3A_363 = tpu.memref_squeeze %dma_start3A_362 : memref<1x128xi32, #tpu.memory_space<vmem>> -> memref<128xi32, #tpu.memory_space<vmem>>
        %dma_start3A_364 = arith.constant 0 : i32
        %dma_start3A_365 = arith.constant 0 : i32
        %dma_start3A_366 = tpu.memref_slice %arg10[%dma_start3A_364, %dma_start3A_365] : memref<10112x128xf32, #tpu.memory_space<vmem_shared>> -> memref<10112x128xf32, #tpu.memory_space<vmem_shared>>
        tpu.enqueue_indirect_dma source(%arg9 : memref<128x128xf32, #tpu.memory_space<vmem>>) target(%dma_start3A_366 : memref<10112x128xf32, #tpu.memory_space<vmem_shared>>) offsets(%dma_start3A_363 : memref<128xi32, #tpu.memory_space<vmem>>) semaphore(%run_scoped3A : memref<!tpu.dma_semaphore, #tpu.memory_space<semaphore_mem>>) {add = true}
        %dma_wait3A_367 = arith.constant 0 : i32
        %dma_wait3A_368 = tpu.memref_slice %arg7[%add3A_347, %dma_wait3A_367] : memref<40x128xi32, #tpu.memory_space<vmem>> -> memref<1x128xi32, #tpu.memory_space<vmem>>
        %dma_wait3A_369 = tpu.memref_squeeze %dma_wait3A_368 : memref<1x128xi32, #tpu.memory_space<vmem>> -> memref<128xi32, #tpu.memory_space<vmem>>
        %dma_wait3A_370 = arith.constant 0 : i32
        %dma_wait3A_371 = arith.constant 0 : i32
        %dma_wait3A_372 = tpu.memref_slice %arg10[%dma_wait3A_370, %dma_wait3A_371] : memref<10112x128xf32, #tpu.memory_space<vmem_shared>> -> memref<10112x128xf32, #tpu.memory_space<vmem_shared>>
        tpu.wait_indirect_dma semaphore(%run_scoped3A : memref<!tpu.dma_semaphore, #tpu.memory_space<semaphore_mem>>) src(%arg9 : memref<128x128xf32, #tpu.memory_space<vmem>>) dst(%dma_wait3A_372 : memref<10112x128xf32, #tpu.memory_space<vmem_shared>>)
        tpu.yield
      }) : () -> ()
    }
    %scan3A_160 = arith.constant 20 : i32
    %mul3A_161 = arith.constant 80 : i32
    %mul3A_162 = arith.muli %add3A, %mul3A_161 : i32
    %add3A_163 = arith.constant 40 : i32
    %add3A_164 = arith.addi %mul3A_162, %add3A_163 : i32
    "tpu.region"() ({
      %run_scoped3A = tpu.sem_alloc : memref<!tpu.dma_semaphore, #tpu.memory_space<semaphore_mem>>
      %dma_start3A_329 = arith.constant 0 : i32
      %dma_start3A_330 = tpu.memref_slice %arg3[%add3A_164, %dma_start3A_329] : memref<2560x128xi32, #tpu.memory_space<hbm>> -> memref<40x128xi32, #tpu.memory_space<hbm>>
      %dma_start3A_331 = arith.constant 0 : i32
      %dma_start3A_332 = tpu.memref_slice %arg3[%add3A_164, %dma_start3A_331] : memref<2560x128xi32, #tpu.memory_space<hbm>> -> memref<40x128xi32, #tpu.memory_space<hbm>>
      tpu.enqueue_dma source(%dma_start3A_332 : memref<40x128xi32, #tpu.memory_space<hbm>>) target(%arg6 : memref<40x128xi32, #tpu.memory_space<vmem>>) target_semaphore(%run_scoped3A : memref<!tpu.dma_semaphore, #tpu.memory_space<semaphore_mem>>)
      %dma_wait3A_333 = arith.constant 0 : i32
      %dma_wait3A_334 = tpu.memref_slice %arg3[%add3A_164, %dma_wait3A_333] : memref<2560x128xi32, #tpu.memory_space<hbm>> -> memref<40x128xi32, #tpu.memory_space<hbm>>
      %dma_wait3A_335 = arith.constant 0 : i32
      %dma_wait3A_336 = tpu.memref_slice %arg3[%add3A_164, %dma_wait3A_335] : memref<2560x128xi32, #tpu.memory_space<hbm>> -> memref<40x128xi32, #tpu.memory_space<hbm>>
      tpu.wait_dma2 semaphore(%run_scoped3A : memref<!tpu.dma_semaphore, #tpu.memory_space<semaphore_mem>>) src(%dma_wait3A_336 : memref<40x128xi32, #tpu.memory_space<hbm>>) dst(%arg6 : memref<40x128xi32, #tpu.memory_space<vmem>>)
      tpu.yield
    }) : () -> ()
    "tpu.region"() ({
      %run_scoped3A = tpu.sem_alloc : memref<!tpu.dma_semaphore, #tpu.memory_space<semaphore_mem>>
      %dma_start3A_329 = arith.constant 0 : i32
      %dma_start3A_330 = tpu.memref_slice %arg4[%add3A_164, %dma_start3A_329] : memref<2560x128xi32, #tpu.memory_space<hbm>> -> memref<40x128xi32, #tpu.memory_space<hbm>>
      %dma_start3A_331 = arith.constant 0 : i32
      %dma_start3A_332 = tpu.memref_slice %arg4[%add3A_164, %dma_start3A_331] : memref<2560x128xi32, #tpu.memory_space<hbm>> -> memref<40x128xi32, #tpu.memory_space<hbm>>
      tpu.enqueue_dma source(%dma_start3A_332 : memref<40x128xi32, #tpu.memory_space<hbm>>) target(%arg7 : memref<40x128xi32, #tpu.memory_space<vmem>>) target_semaphore(%run_scoped3A : memref<!tpu.dma_semaphore, #tpu.memory_space<semaphore_mem>>)
      %dma_wait3A_333 = arith.constant 0 : i32
      %dma_wait3A_334 = tpu.memref_slice %arg4[%add3A_164, %dma_wait3A_333] : memref<2560x128xi32, #tpu.memory_space<hbm>> -> memref<40x128xi32, #tpu.memory_space<hbm>>
      %dma_wait3A_335 = arith.constant 0 : i32
      %dma_wait3A_336 = tpu.memref_slice %arg4[%add3A_164, %dma_wait3A_335] : memref<2560x128xi32, #tpu.memory_space<hbm>> -> memref<40x128xi32, #tpu.memory_space<hbm>>
      tpu.wait_dma2 semaphore(%run_scoped3A : memref<!tpu.dma_semaphore, #tpu.memory_space<semaphore_mem>>) src(%dma_wait3A_336 : memref<40x128xi32, #tpu.memory_space<hbm>>) dst(%arg7 : memref<40x128xi32, #tpu.memory_space<vmem>>)
      tpu.yield
    }) : () -> ()
    %dma_start3A_165 = arith.constant 0 : i32
    %dma_start3A_166 = arith.constant 0 : i32
    %dma_start3A_167 = tpu.memref_slice %arg6[%dma_start3A_165, %dma_start3A_166] : memref<40x128xi32, #tpu.memory_space<vmem>> -> memref<1x128xi32, #tpu.memory_space<vmem>>
    %dma_start3A_168 = tpu.memref_squeeze %dma_start3A_167 : memref<1x128xi32, #tpu.memory_space<vmem>> -> memref<128xi32, #tpu.memory_space<vmem>>
    %dma_start3A_169 = arith.constant 0 : i32
    %dma_start3A_170 = arith.constant 0 : i32
    %dma_start3A_171 = tpu.memref_slice %arg2[%dma_start3A_169, %dma_start3A_170] : memref<10000x128xf32, #tpu.memory_space<hbm>> -> memref<10000x128xf32, #tpu.memory_space<hbm>>
    tpu.enqueue_indirect_dma source(%dma_start3A_171 : memref<10000x128xf32, #tpu.memory_space<hbm>>) target(%arg8 : memref<128x128xf32, #tpu.memory_space<vmem>>) offsets(%dma_start3A_168 : memref<128xi32, #tpu.memory_space<vmem>>) semaphore(%arg11 : memref<!tpu.dma_semaphore, #tpu.memory_space<semaphore_mem>>)
    %scan3A_172 = arith.constant 0 : i32
    %scan3A_173 = arith.constant 0 : i32
    %scan3A_174 = arith.constant 20 : i32
    %scan3A_175 = arith.addi %scan3A_173, %scan3A_174 : i32
    %scan3A_176 = arith.constant 1 : i32
    scf.for %scan3A_329 = %scan3A_173 to %scan3A_175 step %scan3A_176  : i32 {
      %mul3A_330 = arith.constant 2 : i32
      %mul3A_331 = arith.muli %scan3A_329, %mul3A_330 : i32
      %add3A_332 = arith.constant 0 : i32
      %add3A_333 = arith.addi %mul3A_331, %add3A_332 : i32
      %add3A_334 = arith.constant 1 : i32
      %add3A_335 = arith.addi %add3A_333, %add3A_334 : i32
      %lt3A = arith.constant 40 : i32
      %lt3A_336 = arith.cmpi slt, %add3A_335, %lt3A : i32
      %convert_element_type3A = arith.extui %lt3A_336 : i1 to i32
      %cond3A = arith.constant 0 : i32
      %cond3A_337 = arith.cmpi ne, %convert_element_type3A, %cond3A : i32
      scf.if %cond3A_337 {
        %add3A_361 = arith.constant 1 : i32
        %add3A_362 = arith.addi %add3A_333, %add3A_361 : i32
        %dma_start3A_363 = arith.constant 0 : i32
        %dma_start3A_364 = tpu.memref_slice %arg6[%add3A_362, %dma_start3A_363] : memref<40x128xi32, #tpu.memory_space<vmem>> -> memref<1x128xi32, #tpu.memory_space<vmem>>
        %dma_start3A_365 = tpu.memref_squeeze %dma_start3A_364 : memref<1x128xi32, #tpu.memory_space<vmem>> -> memref<128xi32, #tpu.memory_space<vmem>>
        %dma_start3A_366 = arith.constant 0 : i32
        %dma_start3A_367 = arith.constant 0 : i32
        %dma_start3A_368 = tpu.memref_slice %arg2[%dma_start3A_366, %dma_start3A_367] : memref<10000x128xf32, #tpu.memory_space<hbm>> -> memref<10000x128xf32, #tpu.memory_space<hbm>>
        tpu.enqueue_indirect_dma source(%dma_start3A_368 : memref<10000x128xf32, #tpu.memory_space<hbm>>) target(%arg9 : memref<128x128xf32, #tpu.memory_space<vmem>>) offsets(%dma_start3A_365 : memref<128xi32, #tpu.memory_space<vmem>>) semaphore(%arg12 : memref<!tpu.dma_semaphore, #tpu.memory_space<semaphore_mem>>)
      } else {
      }
      %dma_wait3A_338 = arith.constant 0 : i32
      %dma_wait3A_339 = tpu.memref_slice %arg6[%add3A_333, %dma_wait3A_338] : memref<40x128xi32, #tpu.memory_space<vmem>> -> memref<1x128xi32, #tpu.memory_space<vmem>>
      %dma_wait3A_340 = tpu.memref_squeeze %dma_wait3A_339 : memref<1x128xi32, #tpu.memory_space<vmem>> -> memref<128xi32, #tpu.memory_space<vmem>>
      %dma_wait3A_341 = arith.constant 0 : i32
      %dma_wait3A_342 = arith.constant 0 : i32
      %dma_wait3A_343 = tpu.memref_slice %arg2[%dma_wait3A_341, %dma_wait3A_342] : memref<10000x128xf32, #tpu.memory_space<hbm>> -> memref<10000x128xf32, #tpu.memory_space<hbm>>
      tpu.wait_indirect_dma semaphore(%arg11 : memref<!tpu.dma_semaphore, #tpu.memory_space<semaphore_mem>>) src(%dma_wait3A_343 : memref<10000x128xf32, #tpu.memory_space<hbm>>) dst(%arg8 : memref<128x128xf32, #tpu.memory_space<vmem>>)
      "tpu.region"() ({
        %run_scoped3A = tpu.sem_alloc : memref<!tpu.dma_semaphore, #tpu.memory_space<semaphore_mem>>
        %dma_start3A_361 = arith.constant 0 : i32
        %dma_start3A_362 = tpu.memref_slice %arg7[%add3A_333, %dma_start3A_361] : memref<40x128xi32, #tpu.memory_space<vmem>> -> memref<1x128xi32, #tpu.memory_space<vmem>>
        %dma_start3A_363 = tpu.memref_squeeze %dma_start3A_362 : memref<1x128xi32, #tpu.memory_space<vmem>> -> memref<128xi32, #tpu.memory_space<vmem>>
        %dma_start3A_364 = arith.constant 0 : i32
        %dma_start3A_365 = arith.constant 0 : i32
        %dma_start3A_366 = tpu.memref_slice %arg10[%dma_start3A_364, %dma_start3A_365] : memref<10112x128xf32, #tpu.memory_space<vmem_shared>> -> memref<10112x128xf32, #tpu.memory_space<vmem_shared>>
        tpu.enqueue_indirect_dma source(%arg8 : memref<128x128xf32, #tpu.memory_space<vmem>>) target(%dma_start3A_366 : memref<10112x128xf32, #tpu.memory_space<vmem_shared>>) offsets(%dma_start3A_363 : memref<128xi32, #tpu.memory_space<vmem>>) semaphore(%run_scoped3A : memref<!tpu.dma_semaphore, #tpu.memory_space<semaphore_mem>>) {add = true}
        %dma_wait3A_367 = arith.constant 0 : i32
        %dma_wait3A_368 = tpu.memref_slice %arg7[%add3A_333, %dma_wait3A_367] : memref<40x128xi32, #tpu.memory_space<vmem>> -> memref<1x128xi32, #tpu.memory_space<vmem>>
        %dma_wait3A_369 = tpu.memref_squeeze %dma_wait3A_368 : memref<1x128xi32, #tpu.memory_space<vmem>> -> memref<128xi32, #tpu.memory_space<vmem>>
        %dma_wait3A_370 = arith.constant 0 : i32
        %dma_wait3A_371 = arith.constant 0 : i32
        %dma_wait3A_372 = tpu.memref_slice %arg10[%dma_wait3A_370, %dma_wait3A_371] : memref<10112x128xf32, #tpu.memory_space<vmem_shared>> -> memref<10112x128xf32, #tpu.memory_space<vmem_shared>>
        tpu.wait_indirect_dma semaphore(%run_scoped3A : memref<!tpu.dma_semaphore, #tpu.memory_space<semaphore_mem>>) src(%arg8 : memref<128x128xf32, #tpu.memory_space<vmem>>) dst(%dma_wait3A_372 : memref<10112x128xf32, #tpu.memory_space<vmem_shared>>)
        tpu.yield
      }) : () -> ()
      %mul3A_344 = arith.constant 2 : i32
      %mul3A_345 = arith.muli %scan3A_329, %mul3A_344 : i32
      %add3A_346 = arith.constant 1 : i32
      %add3A_347 = arith.addi %mul3A_345, %add3A_346 : i32
      %add3A_348 = arith.constant 1 : i32
      %add3A_349 = arith.addi %add3A_347, %add3A_348 : i32
      %lt3A_350 = arith.constant 40 : i32
      %lt3A_351 = arith.cmpi slt, %add3A_349, %lt3A_350 : i32
      %convert_element_type3A_352 = arith.extui %lt3A_351 : i1 to i32
      %cond3A_353 = arith.constant 0 : i32
      %cond3A_354 = arith.cmpi ne, %convert_element_type3A_352, %cond3A_353 : i32
      scf.if %cond3A_354 {
        %add3A_361 = arith.constant 1 : i32
        %add3A_362 = arith.addi %add3A_347, %add3A_361 : i32
        %dma_start3A_363 = arith.constant 0 : i32
        %dma_start3A_364 = tpu.memref_slice %arg6[%add3A_362, %dma_start3A_363] : memref<40x128xi32, #tpu.memory_space<vmem>> -> memref<1x128xi32, #tpu.memory_space<vmem>>
        %dma_start3A_365 = tpu.memref_squeeze %dma_start3A_364 : memref<1x128xi32, #tpu.memory_space<vmem>> -> memref<128xi32, #tpu.memory_space<vmem>>
        %dma_start3A_366 = arith.constant 0 : i32
        %dma_start3A_367 = arith.constant 0 : i32
        %dma_start3A_368 = tpu.memref_slice %arg2[%dma_start3A_366, %dma_start3A_367] : memref<10000x128xf32, #tpu.memory_space<hbm>> -> memref<10000x128xf32, #tpu.memory_space<hbm>>
        tpu.enqueue_indirect_dma source(%dma_start3A_368 : memref<10000x128xf32, #tpu.memory_space<hbm>>) target(%arg8 : memref<128x128xf32, #tpu.memory_space<vmem>>) offsets(%dma_start3A_365 : memref<128xi32, #tpu.memory_space<vmem>>) semaphore(%arg11 : memref<!tpu.dma_semaphore, #tpu.memory_space<semaphore_mem>>)
      } else {
      }
      %dma_wait3A_355 = arith.constant 0 : i32
      %dma_wait3A_356 = tpu.memref_slice %arg6[%add3A_347, %dma_wait3A_355] : memref<40x128xi32, #tpu.memory_space<vmem>> -> memref<1x128xi32, #tpu.memory_space<vmem>>
      %dma_wait3A_357 = tpu.memref_squeeze %dma_wait3A_356 : memref<1x128xi32, #tpu.memory_space<vmem>> -> memref<128xi32, #tpu.memory_space<vmem>>
      %dma_wait3A_358 = arith.constant 0 : i32
      %dma_wait3A_359 = arith.constant 0 : i32
      %dma_wait3A_360 = tpu.memref_slice %arg2[%dma_wait3A_358, %dma_wait3A_359] : memref<10000x128xf32, #tpu.memory_space<hbm>> -> memref<10000x128xf32, #tpu.memory_space<hbm>>
      tpu.wait_indirect_dma semaphore(%arg12 : memref<!tpu.dma_semaphore, #tpu.memory_space<semaphore_mem>>) src(%dma_wait3A_360 : memref<10000x128xf32, #tpu.memory_space<hbm>>) dst(%arg9 : memref<128x128xf32, #tpu.memory_space<vmem>>)
      "tpu.region"() ({
        %run_scoped3A = tpu.sem_alloc : memref<!tpu.dma_semaphore, #tpu.memory_space<semaphore_mem>>
        %dma_start3A_361 = arith.constant 0 : i32
        %dma_start3A_362 = tpu.memref_slice %arg7[%add3A_347, %dma_start3A_361] : memref<40x128xi32, #tpu.memory_space<vmem>> -> memref<1x128xi32, #tpu.memory_space<vmem>>
        %dma_start3A_363 = tpu.memref_squeeze %dma_start3A_362 : memref<1x128xi32, #tpu.memory_space<vmem>> -> memref<128xi32, #tpu.memory_space<vmem>>
        %dma_start3A_364 = arith.constant 0 : i32
        %dma_start3A_365 = arith.constant 0 : i32
        %dma_start3A_366 = tpu.memref_slice %arg10[%dma_start3A_364, %dma_start3A_365] : memref<10112x128xf32, #tpu.memory_space<vmem_shared>> -> memref<10112x128xf32, #tpu.memory_space<vmem_shared>>
        tpu.enqueue_indirect_dma source(%arg9 : memref<128x128xf32, #tpu.memory_space<vmem>>) target(%dma_start3A_366 : memref<10112x128xf32, #tpu.memory_space<vmem_shared>>) offsets(%dma_start3A_363 : memref<128xi32, #tpu.memory_space<vmem>>) semaphore(%run_scoped3A : memref<!tpu.dma_semaphore, #tpu.memory_space<semaphore_mem>>) {add = true}
        %dma_wait3A_367 = arith.constant 0 : i32
        %dma_wait3A_368 = tpu.memref_slice %arg7[%add3A_347, %dma_wait3A_367] : memref<40x128xi32, #tpu.memory_space<vmem>> -> memref<1x128xi32, #tpu.memory_space<vmem>>
        %dma_wait3A_369 = tpu.memref_squeeze %dma_wait3A_368 : memref<1x128xi32, #tpu.memory_space<vmem>> -> memref<128xi32, #tpu.memory_space<vmem>>
        %dma_wait3A_370 = arith.constant 0 : i32
        %dma_wait3A_371 = arith.constant 0 : i32
        %dma_wait3A_372 = tpu.memref_slice %arg10[%dma_wait3A_370, %dma_wait3A_371] : memref<10112x128xf32, #tpu.memory_space<vmem_shared>> -> memref<10112x128xf32, #tpu.memory_space<vmem_shared>>
        tpu.wait_indirect_dma semaphore(%run_scoped3A : memref<!tpu.dma_semaphore, #tpu.memory_space<semaphore_mem>>) src(%arg9 : memref<128x128xf32, #tpu.memory_space<vmem>>) dst(%dma_wait3A_372 : memref<10112x128xf32, #tpu.memory_space<vmem_shared>>)
        tpu.yield
      }) : () -> ()
    }
    %scan3A_177 = arith.constant 20 : i32
    %barrier3A_178 = arith.constant 0 : index
    tpu.barrier barrier_id(%barrier3A_178)
    %mul3A_179 = arith.constant 632 : i32
    %mul3A_180 = arith.muli %arg1, %mul3A_179 : i32
    %add3A_181 = arith.constant 0 : i32
    %add3A_182 = arith.addi %mul3A_180, %add3A_181 : i32
    %mul3A_183 = arith.constant 10112 : i32
    %mul3A_184 = arith.muli %arg0, %mul3A_183 : i32
    %mul3A_185 = arith.constant 632 : i32
    %mul3A_186 = arith.muli %arg1, %mul3A_185 : i32
    %add3A_187 = arith.addi %mul3A_184, %mul3A_186 : i32
    %add3A_188 = arith.constant 0 : i32
    %add3A_189 = arith.addi %add3A_187, %add3A_188 : i32
    %dma_start3A_190 = arith.constant 0 : i32
    %dma_start3A_191 = tpu.memref_slice %arg5[%add3A_189, %dma_start3A_190] : memref<20224x128xf32, #tpu.memory_space<hbm>> -> memref<128x128xf32, #tpu.memory_space<hbm>>
    %dma_start3A_192 = arith.constant 0 : i32
    %dma_start3A_193 = tpu.memref_slice %arg10[%add3A_182, %dma_start3A_192] : memref<10112x128xf32, #tpu.memory_space<vmem_shared>> -> memref<128x128xf32, #tpu.memory_space<vmem_shared>>
    tpu.enqueue_dma source(%dma_start3A_193 : memref<128x128xf32, #tpu.memory_space<vmem_shared>>) target(%dma_start3A_191 : memref<128x128xf32, #tpu.memory_space<hbm>>) target_semaphore(%arg14 : memref<!tpu.dma_semaphore, #tpu.memory_space<semaphore_mem>>)
    %mul3A_194 = arith.constant 632 : i32
    %mul3A_195 = arith.muli %arg1, %mul3A_194 : i32
    %add3A_196 = arith.constant 128 : i32
    %add3A_197 = arith.addi %mul3A_195, %add3A_196 : i32
    %mul3A_198 = arith.constant 10112 : i32
    %mul3A_199 = arith.muli %arg0, %mul3A_198 : i32
    %mul3A_200 = arith.constant 632 : i32
    %mul3A_201 = arith.muli %arg1, %mul3A_200 : i32
    %add3A_202 = arith.addi %mul3A_199, %mul3A_201 : i32
    %add3A_203 = arith.constant 128 : i32
    %add3A_204 = arith.addi %add3A_202, %add3A_203 : i32
    %dma_start3A_205 = arith.constant 0 : i32
    %dma_start3A_206 = tpu.memref_slice %arg5[%add3A_204, %dma_start3A_205] : memref<20224x128xf32, #tpu.memory_space<hbm>> -> memref<128x128xf32, #tpu.memory_space<hbm>>
    %dma_start3A_207 = arith.constant 0 : i32
    %dma_start3A_208 = tpu.memref_slice %arg10[%add3A_197, %dma_start3A_207] : memref<10112x128xf32, #tpu.memory_space<vmem_shared>> -> memref<128x128xf32, #tpu.memory_space<vmem_shared>>
    tpu.enqueue_dma source(%dma_start3A_208 : memref<128x128xf32, #tpu.memory_space<vmem_shared>>) target(%dma_start3A_206 : memref<128x128xf32, #tpu.memory_space<hbm>>) target_semaphore(%arg14 : memref<!tpu.dma_semaphore, #tpu.memory_space<semaphore_mem>>)
    %mul3A_209 = arith.constant 632 : i32
    %mul3A_210 = arith.muli %arg1, %mul3A_209 : i32
    %add3A_211 = arith.constant 256 : i32
    %add3A_212 = arith.addi %mul3A_210, %add3A_211 : i32
    %mul3A_213 = arith.constant 10112 : i32
    %mul3A_214 = arith.muli %arg0, %mul3A_213 : i32
    %mul3A_215 = arith.constant 632 : i32
    %mul3A_216 = arith.muli %arg1, %mul3A_215 : i32
    %add3A_217 = arith.addi %mul3A_214, %mul3A_216 : i32
    %add3A_218 = arith.constant 256 : i32
    %add3A_219 = arith.addi %add3A_217, %add3A_218 : i32
    %dma_start3A_220 = arith.constant 0 : i32
    %dma_start3A_221 = tpu.memref_slice %arg5[%add3A_219, %dma_start3A_220] : memref<20224x128xf32, #tpu.memory_space<hbm>> -> memref<128x128xf32, #tpu.memory_space<hbm>>
    %dma_start3A_222 = arith.constant 0 : i32
    %dma_start3A_223 = tpu.memref_slice %arg10[%add3A_212, %dma_start3A_222] : memref<10112x128xf32, #tpu.memory_space<vmem_shared>> -> memref<128x128xf32, #tpu.memory_space<vmem_shared>>
    tpu.enqueue_dma source(%dma_start3A_223 : memref<128x128xf32, #tpu.memory_space<vmem_shared>>) target(%dma_start3A_221 : memref<128x128xf32, #tpu.memory_space<hbm>>) target_semaphore(%arg14 : memref<!tpu.dma_semaphore, #tpu.memory_space<semaphore_mem>>)
    %mul3A_224 = arith.constant 632 : i32
    %mul3A_225 = arith.muli %arg1, %mul3A_224 : i32
    %add3A_226 = arith.constant 384 : i32
    %add3A_227 = arith.addi %mul3A_225, %add3A_226 : i32
    %mul3A_228 = arith.constant 10112 : i32
    %mul3A_229 = arith.muli %arg0, %mul3A_228 : i32
    %mul3A_230 = arith.constant 632 : i32
    %mul3A_231 = arith.muli %arg1, %mul3A_230 : i32
    %add3A_232 = arith.addi %mul3A_229, %mul3A_231 : i32
    %add3A_233 = arith.constant 384 : i32
    %add3A_234 = arith.addi %add3A_232, %add3A_233 : i32
    %dma_start3A_235 = arith.constant 0 : i32
    %dma_start3A_236 = tpu.memref_slice %arg5[%add3A_234, %dma_start3A_235] : memref<20224x128xf32, #tpu.memory_space<hbm>> -> memref<128x128xf32, #tpu.memory_space<hbm>>
    %dma_start3A_237 = arith.constant 0 : i32
    %dma_start3A_238 = tpu.memref_slice %arg10[%add3A_227, %dma_start3A_237] : memref<10112x128xf32, #tpu.memory_space<vmem_shared>> -> memref<128x128xf32, #tpu.memory_space<vmem_shared>>
    tpu.enqueue_dma source(%dma_start3A_238 : memref<128x128xf32, #tpu.memory_space<vmem_shared>>) target(%dma_start3A_236 : memref<128x128xf32, #tpu.memory_space<hbm>>) target_semaphore(%arg14 : memref<!tpu.dma_semaphore, #tpu.memory_space<semaphore_mem>>)
    %mul3A_239 = arith.constant 632 : i32
    %mul3A_240 = arith.muli %arg1, %mul3A_239 : i32
    %add3A_241 = arith.constant 512 : i32
    %add3A_242 = arith.addi %mul3A_240, %add3A_241 : i32
    %mul3A_243 = arith.constant 10112 : i32
    %mul3A_244 = arith.muli %arg0, %mul3A_243 : i32
    %mul3A_245 = arith.constant 632 : i32
    %mul3A_246 = arith.muli %arg1, %mul3A_245 : i32
    %add3A_247 = arith.addi %mul3A_244, %mul3A_246 : i32
    %add3A_248 = arith.constant 512 : i32
    %add3A_249 = arith.addi %add3A_247, %add3A_248 : i32
    %dma_start3A_250 = arith.constant 0 : i32
    %dma_start3A_251 = tpu.memref_slice %arg5[%add3A_249, %dma_start3A_250] : memref<20224x128xf32, #tpu.memory_space<hbm>> -> memref<120x128xf32, #tpu.memory_space<hbm>>
    %dma_start3A_252 = arith.constant 0 : i32
    %dma_start3A_253 = tpu.memref_slice %arg10[%add3A_242, %dma_start3A_252] : memref<10112x128xf32, #tpu.memory_space<vmem_shared>> -> memref<120x128xf32, #tpu.memory_space<vmem_shared>>
    tpu.enqueue_dma source(%dma_start3A_253 : memref<120x128xf32, #tpu.memory_space<vmem_shared>>) target(%dma_start3A_251 : memref<120x128xf32, #tpu.memory_space<hbm>>) target_semaphore(%arg14 : memref<!tpu.dma_semaphore, #tpu.memory_space<semaphore_mem>>)
    %mul3A_254 = arith.constant 632 : i32
    %mul3A_255 = arith.muli %arg1, %mul3A_254 : i32
    %add3A_256 = arith.constant 0 : i32
    %add3A_257 = arith.addi %mul3A_255, %add3A_256 : i32
    %mul3A_258 = arith.constant 10112 : i32
    %mul3A_259 = arith.muli %arg0, %mul3A_258 : i32
    %mul3A_260 = arith.constant 632 : i32
    %mul3A_261 = arith.muli %arg1, %mul3A_260 : i32
    %add3A_262 = arith.addi %mul3A_259, %mul3A_261 : i32
    %add3A_263 = arith.constant 0 : i32
    %add3A_264 = arith.addi %add3A_262, %add3A_263 : i32
    %dma_wait3A_265 = arith.constant 0 : i32
    %dma_wait3A_266 = tpu.memref_slice %arg5[%add3A_264, %dma_wait3A_265] : memref<20224x128xf32, #tpu.memory_space<hbm>> -> memref<128x128xf32, #tpu.memory_space<hbm>>
    %dma_wait3A_267 = arith.constant 0 : i32
    %dma_wait3A_268 = tpu.memref_slice %arg10[%add3A_257, %dma_wait3A_267] : memref<10112x128xf32, #tpu.memory_space<vmem_shared>> -> memref<128x128xf32, #tpu.memory_space<vmem_shared>>
    tpu.wait_dma2 semaphore(%arg14 : memref<!tpu.dma_semaphore, #tpu.memory_space<semaphore_mem>>) src(%dma_wait3A_268 : memref<128x128xf32, #tpu.memory_space<vmem_shared>>) dst(%dma_wait3A_266 : memref<128x128xf32, #tpu.memory_space<hbm>>)
    %mul3A_269 = arith.constant 632 : i32
    %mul3A_270 = arith.muli %arg1, %mul3A_269 : i32
    %add3A_271 = arith.constant 128 : i32
    %add3A_272 = arith.addi %mul3A_270, %add3A_271 : i32
    %mul3A_273 = arith.constant 10112 : i32
    %mul3A_274 = arith.muli %arg0, %mul3A_273 : i32
    %mul3A_275 = arith.constant 632 : i32
    %mul3A_276 = arith.muli %arg1, %mul3A_275 : i32
    %add3A_277 = arith.addi %mul3A_274, %mul3A_276 : i32
    %add3A_278 = arith.constant 128 : i32
    %add3A_279 = arith.addi %add3A_277, %add3A_278 : i32
    %dma_wait3A_280 = arith.constant 0 : i32
    %dma_wait3A_281 = tpu.memref_slice %arg5[%add3A_279, %dma_wait3A_280] : memref<20224x128xf32, #tpu.memory_space<hbm>> -> memref<128x128xf32, #tpu.memory_space<hbm>>
    %dma_wait3A_282 = arith.constant 0 : i32
    %dma_wait3A_283 = tpu.memref_slice %arg10[%add3A_272, %dma_wait3A_282] : memref<10112x128xf32, #tpu.memory_space<vmem_shared>> -> memref<128x128xf32, #tpu.memory_space<vmem_shared>>
    tpu.wait_dma2 semaphore(%arg14 : memref<!tpu.dma_semaphore, #tpu.memory_space<semaphore_mem>>) src(%dma_wait3A_283 : memref<128x128xf32, #tpu.memory_space<vmem_shared>>) dst(%dma_wait3A_281 : memref<128x128xf32, #tpu.memory_space<hbm>>)
    %mul3A_284 = arith.constant 632 : i32
    %mul3A_285 = arith.muli %arg1, %mul3A_284 : i32
    %add3A_286 = arith.constant 256 : i32
    %add3A_287 = arith.addi %mul3A_285, %add3A_286 : i32
    %mul3A_288 = arith.constant 10112 : i32
    %mul3A_289 = arith.muli %arg0, %mul3A_288 : i32
    %mul3A_290 = arith.constant 632 : i32
    %mul3A_291 = arith.muli %arg1, %mul3A_290 : i32
    %add3A_292 = arith.addi %mul3A_289, %mul3A_291 : i32
    %add3A_293 = arith.constant 256 : i32
    %add3A_294 = arith.addi %add3A_292, %add3A_293 : i32
    %dma_wait3A_295 = arith.constant 0 : i32
    %dma_wait3A_296 = tpu.memref_slice %arg5[%add3A_294, %dma_wait3A_295] : memref<20224x128xf32, #tpu.memory_space<hbm>> -> memref<128x128xf32, #tpu.memory_space<hbm>>
    %dma_wait3A_297 = arith.constant 0 : i32
    %dma_wait3A_298 = tpu.memref_slice %arg10[%add3A_287, %dma_wait3A_297] : memref<10112x128xf32, #tpu.memory_space<vmem_shared>> -> memref<128x128xf32, #tpu.memory_space<vmem_shared>>
    tpu.wait_dma2 semaphore(%arg14 : memref<!tpu.dma_semaphore, #tpu.memory_space<semaphore_mem>>) src(%dma_wait3A_298 : memref<128x128xf32, #tpu.memory_space<vmem_shared>>) dst(%dma_wait3A_296 : memref<128x128xf32, #tpu.memory_space<hbm>>)
    %mul3A_299 = arith.constant 632 : i32
    %mul3A_300 = arith.muli %arg1, %mul3A_299 : i32
    %add3A_301 = arith.constant 384 : i32
    %add3A_302 = arith.addi %mul3A_300, %add3A_301 : i32
    %mul3A_303 = arith.constant 10112 : i32
    %mul3A_304 = arith.muli %arg0, %mul3A_303 : i32
    %mul3A_305 = arith.constant 632 : i32
    %mul3A_306 = arith.muli %arg1, %mul3A_305 : i32
    %add3A_307 = arith.addi %mul3A_304, %mul3A_306 : i32
    %add3A_308 = arith.constant 384 : i32
    %add3A_309 = arith.addi %add3A_307, %add3A_308 : i32
    %dma_wait3A_310 = arith.constant 0 : i32
    %dma_wait3A_311 = tpu.memref_slice %arg5[%add3A_309, %dma_wait3A_310] : memref<20224x128xf32, #tpu.memory_space<hbm>> -> memref<128x128xf32, #tpu.memory_space<hbm>>
    %dma_wait3A_312 = arith.constant 0 : i32
    %dma_wait3A_313 = tpu.memref_slice %arg10[%add3A_302, %dma_wait3A_312] : memref<10112x128xf32, #tpu.memory_space<vmem_shared>> -> memref<128x128xf32, #tpu.memory_space<vmem_shared>>
    tpu.wait_dma2 semaphore(%arg14 : memref<!tpu.dma_semaphore, #tpu.memory_space<semaphore_mem>>) src(%dma_wait3A_313 : memref<128x128xf32, #tpu.memory_space<vmem_shared>>) dst(%dma_wait3A_311 : memref<128x128xf32, #tpu.memory_space<hbm>>)
    %mul3A_314 = arith.constant 632 : i32
    %mul3A_315 = arith.muli %arg1, %mul3A_314 : i32
    %add3A_316 = arith.constant 512 : i32
    %add3A_317 = arith.addi %mul3A_315, %add3A_316 : i32
    %mul3A_318 = arith.constant 10112 : i32
    %mul3A_319 = arith.muli %arg0, %mul3A_318 : i32
    %mul3A_320 = arith.constant 632 : i32
    %mul3A_321 = arith.muli %arg1, %mul3A_320 : i32
    %add3A_322 = arith.addi %mul3A_319, %mul3A_321 : i32
    %add3A_323 = arith.constant 512 : i32
    %add3A_324 = arith.addi %add3A_322, %add3A_323 : i32
    %dma_wait3A_325 = arith.constant 0 : i32
    %dma_wait3A_326 = tpu.memref_slice %arg5[%add3A_324, %dma_wait3A_325] : memref<20224x128xf32, #tpu.memory_space<hbm>> -> memref<120x128xf32, #tpu.memory_space<hbm>>
    %dma_wait3A_327 = arith.constant 0 : i32
    %dma_wait3A_328 = tpu.memref_slice %arg10[%add3A_317, %dma_wait3A_327] : memref<10112x128xf32, #tpu.memory_space<vmem_shared>> -> memref<120x128xf32, #tpu.memory_space<vmem_shared>>
    tpu.wait_dma2 semaphore(%arg14 : memref<!tpu.dma_semaphore, #tpu.memory_space<semaphore_mem>>) src(%dma_wait3A_328 : memref<120x128xf32, #tpu.memory_space<vmem_shared>>) dst(%dma_wait3A_326 : memref<120x128xf32, #tpu.memory_space<hbm>>)
    return
  }
}

#map = affine_map<(d0, d1) -> (0, 0)>
module attributes {stable_mosaic.version = 14 : i64} {
  func.func @body(%arg0: i32, %arg1: i32, %arg2: memref<10000x128xf32, #tpu.memory_space<hbm>>, %arg3: memref<2560x128xi32, #tpu.memory_space<hbm>>, %arg4: memref<2560x128xi32, #tpu.memory_space<hbm>>, %arg5: memref<20224x128xf32, #tpu.memory_space<hbm>>, %arg6: memref<20224x128xf32, #tpu.memory_space<hbm>>, %arg7: memref<40x128xi32, #tpu.memory_space<vmem>>, %arg8: memref<40x128xi32, #tpu.memory_space<vmem>>, %arg9: memref<128x128xf32, #tpu.memory_space<vmem>>, %arg10: memref<128x128xf32, #tpu.memory_space<vmem>>, %arg11: memref<10112x128xf32, #tpu.memory_space<vmem_shared>>, %arg12: memref<!tpu.dma_semaphore, #tpu.memory_space<semaphore_mem>>, %arg13: memref<!tpu.dma_semaphore, #tpu.memory_space<semaphore_mem>>, %arg14: memref<!tpu.dma_semaphore, #tpu.memory_space<semaphore_mem>>, %arg15: memref<!tpu.dma_semaphore, #tpu.memory_space<semaphore_mem>>) attributes {dimension_semantics = [#tpu.dimension_semantics<core_parallel>, #tpu.dimension_semantics<subcore_parallel>], iteration_bounds = array<i64: 2, 16>, scalar_prefetch = 0 : i64, scratch_operands = 9 : i64, tpu.core_type = #tpu.core_type<sc_vector_subcore>, window_params = [{transform_indices = #map}, {transform_indices = #map}, {transform_indices = #map}, {transform_indices = #map}, {transform_indices = #map}]} {
    %mul3A = arith.constant 2 : i32
    %mul3A_0 = arith.muli %arg1, %mul3A : i32
    %add3A = arith.addi %mul3A_0, %arg0 : i32
    %scan3A = arith.constant 0 : i32
    %scan3A_1 = arith.constant 0 : i32
    %scan3A_2 = arith.constant 128 : i32
    %scan3A_3 = arith.addi %scan3A_1, %scan3A_2 : i32
    %scan3A_4 = arith.constant 1 : i32
    scf.for %scan3A_668 = %scan3A_1 to %scan3A_3 step %scan3A_4  : i32 {
      %scan3A_669 = arith.constant 0 : i32
      %scan3A_670 = arith.constant 8 : i32
      %scan3A_671 = arith.addi %scan3A_669, %scan3A_670 : i32
      %scan3A_672 = arith.constant 1 : i32
      scf.for %scan3A_674 = %scan3A_669 to %scan3A_671 step %scan3A_672  : i32 {
        %broadcast_in_dim3A = arith.constant 0.000000e+00 : f32
        %broadcast_in_dim3A_675 = vector.broadcast %broadcast_in_dim3A : f32 to vector<16xf32>
        %mul3A_676 = arith.constant 16 : i32
        %mul3A_677 = arith.muli %scan3A_674, %mul3A_676 : i32
        %swap3A = arith.index_cast %scan3A_668 : i32 to index
        %swap3A_678 = arith.index_cast %mul3A_677 : i32 to index
        %swap3A_679 = tpu.vector_load %arg9[%swap3A, %swap3A_678] {strides = array<i32>} : memref<128x128xf32, #tpu.memory_space<vmem>>, vector<1x16xf32>,
        %swap3A_680 = vector.shape_cast %swap3A_679 : vector<1x16xf32> to vector<16xf32>
        %swap3A_681 = vector.shape_cast %broadcast_in_dim3A_675 : vector<16xf32> to vector<1x16xf32>
        tpu.vector_store %arg9[%swap3A, %swap3A_678], %swap3A_681 {strides = array<i32>} : memref<128x128xf32, #tpu.memory_space<vmem>>, vector<1x16xf32>,
      }
      %scan3A_673 = arith.constant 8 : i32
    }
    %scan3A_5 = arith.constant 128 : i32
    %mul3A_6 = arith.constant 632 : i32
    %mul3A_7 = arith.muli %arg1, %mul3A_6 : i32
    %add3A_8 = arith.constant 0 : i32
    %add3A_9 = arith.addi %mul3A_7, %add3A_8 : i32
    %dma_start3A = arith.constant 0 : i32
    %dma_start3A_10 = arith.constant 0 : i32
    %dma_start3A_11 = tpu.memref_slice %arg9[%dma_start3A, %dma_start3A_10] : memref<128x128xf32, #tpu.memory_space<vmem>> -> memref<128x128xf32, #tpu.memory_space<vmem>>
    %dma_start3A_12 = arith.constant 0 : i32
    %dma_start3A_13 = tpu.memref_slice %arg11[%add3A_9, %dma_start3A_12] : memref<10112x128xf32, #tpu.memory_space<vmem_shared>> -> memref<128x128xf32, #tpu.memory_space<vmem_shared>>
    %dma_start3A_14 = arith.constant 0 : i32
    %dma_start3A_15 = tpu.memref_slice %arg11[%add3A_9, %dma_start3A_14] : memref<10112x128xf32, #tpu.memory_space<vmem_shared>> -> memref<128x128xf32, #tpu.memory_space<vmem_shared>>
    %dma_start3A_16 = arith.constant 0 : i32
    %dma_start3A_17 = arith.constant 0 : i32
    %dma_start3A_18 = tpu.memref_slice %arg9[%dma_start3A_16, %dma_start3A_17] : memref<128x128xf32, #tpu.memory_space<vmem>> -> memref<128x128xf32, #tpu.memory_space<vmem>>
    tpu.enqueue_dma source(%dma_start3A_18 : memref<128x128xf32, #tpu.memory_space<vmem>>) target(%dma_start3A_15 : memref<128x128xf32, #tpu.memory_space<vmem_shared>>) target_semaphore(%arg14 : memref<!tpu.dma_semaphore, #tpu.memory_space<semaphore_mem>>)
    %mul3A_19 = arith.constant 632 : i32
    %mul3A_20 = arith.muli %arg1, %mul3A_19 : i32
    %add3A_21 = arith.constant 128 : i32
    %add3A_22 = arith.addi %mul3A_20, %add3A_21 : i32
    %dma_start3A_23 = arith.constant 0 : i32
    %dma_start3A_24 = arith.constant 0 : i32
    %dma_start3A_25 = tpu.memref_slice %arg9[%dma_start3A_23, %dma_start3A_24] : memref<128x128xf32, #tpu.memory_space<vmem>> -> memref<128x128xf32, #tpu.memory_space<vmem>>
    %dma_start3A_26 = arith.constant 0 : i32
    %dma_start3A_27 = tpu.memref_slice %arg11[%add3A_22, %dma_start3A_26] : memref<10112x128xf32, #tpu.memory_space<vmem_shared>> -> memref<128x128xf32, #tpu.memory_space<vmem_shared>>
    %dma_start3A_28 = arith.constant 0 : i32
    %dma_start3A_29 = tpu.memref_slice %arg11[%add3A_22, %dma_start3A_28] : memref<10112x128xf32, #tpu.memory_space<vmem_shared>> -> memref<128x128xf32, #tpu.memory_space<vmem_shared>>
    %dma_start3A_30 = arith.constant 0 : i32
    %dma_start3A_31 = arith.constant 0 : i32
    %dma_start3A_32 = tpu.memref_slice %arg9[%dma_start3A_30, %dma_start3A_31] : memref<128x128xf32, #tpu.memory_space<vmem>> -> memref<128x128xf32, #tpu.memory_space<vmem>>
    tpu.enqueue_dma source(%dma_start3A_32 : memref<128x128xf32, #tpu.memory_space<vmem>>) target(%dma_start3A_29 : memref<128x128xf32, #tpu.memory_space<vmem_shared>>) target_semaphore(%arg14 : memref<!tpu.dma_semaphore, #tpu.memory_space<semaphore_mem>>)
    %mul3A_33 = arith.constant 632 : i32
    %mul3A_34 = arith.muli %arg1, %mul3A_33 : i32
    %add3A_35 = arith.constant 256 : i32
    %add3A_36 = arith.addi %mul3A_34, %add3A_35 : i32
    %dma_start3A_37 = arith.constant 0 : i32
    %dma_start3A_38 = arith.constant 0 : i32
    %dma_start3A_39 = tpu.memref_slice %arg9[%dma_start3A_37, %dma_start3A_38] : memref<128x128xf32, #tpu.memory_space<vmem>> -> memref<128x128xf32, #tpu.memory_space<vmem>>
    %dma_start3A_40 = arith.constant 0 : i32
    %dma_start3A_41 = tpu.memref_slice %arg11[%add3A_36, %dma_start3A_40] : memref<10112x128xf32, #tpu.memory_space<vmem_shared>> -> memref<128x128xf32, #tpu.memory_space<vmem_shared>>
    %dma_start3A_42 = arith.constant 0 : i32
    %dma_start3A_43 = tpu.memref_slice %arg11[%add3A_36, %dma_start3A_42] : memref<10112x128xf32, #tpu.memory_space<vmem_shared>> -> memref<128x128xf32, #tpu.memory_space<vmem_shared>>
    %dma_start3A_44 = arith.constant 0 : i32
    %dma_start3A_45 = arith.constant 0 : i32
    %dma_start3A_46 = tpu.memref_slice %arg9[%dma_start3A_44, %dma_start3A_45] : memref<128x128xf32, #tpu.memory_space<vmem>> -> memref<128x128xf32, #tpu.memory_space<vmem>>
    tpu.enqueue_dma source(%dma_start3A_46 : memref<128x128xf32, #tpu.memory_space<vmem>>) target(%dma_start3A_43 : memref<128x128xf32, #tpu.memory_space<vmem_shared>>) target_semaphore(%arg14 : memref<!tpu.dma_semaphore, #tpu.memory_space<semaphore_mem>>)
    %mul3A_47 = arith.constant 632 : i32
    %mul3A_48 = arith.muli %arg1, %mul3A_47 : i32
    %add3A_49 = arith.constant 384 : i32
    %add3A_50 = arith.addi %mul3A_48, %add3A_49 : i32
    %dma_start3A_51 = arith.constant 0 : i32
    %dma_start3A_52 = arith.constant 0 : i32
    %dma_start3A_53 = tpu.memref_slice %arg9[%dma_start3A_51, %dma_start3A_52] : memref<128x128xf32, #tpu.memory_space<vmem>> -> memref<128x128xf32, #tpu.memory_space<vmem>>
    %dma_start3A_54 = arith.constant 0 : i32
    %dma_start3A_55 = tpu.memref_slice %arg11[%add3A_50, %dma_start3A_54] : memref<10112x128xf32, #tpu.memory_space<vmem_shared>> -> memref<128x128xf32, #tpu.memory_space<vmem_shared>>
    %dma_start3A_56 = arith.constant 0 : i32
    %dma_start3A_57 = tpu.memref_slice %arg11[%add3A_50, %dma_start3A_56] : memref<10112x128xf32, #tpu.memory_space<vmem_shared>> -> memref<128x128xf32, #tpu.memory_space<vmem_shared>>
    %dma_start3A_58 = arith.constant 0 : i32
    %dma_start3A_59 = arith.constant 0 : i32
    %dma_start3A_60 = tpu.memref_slice %arg9[%dma_start3A_58, %dma_start3A_59] : memref<128x128xf32, #tpu.memory_space<vmem>> -> memref<128x128xf32, #tpu.memory_space<vmem>>
    tpu.enqueue_dma source(%dma_start3A_60 : memref<128x128xf32, #tpu.memory_space<vmem>>) target(%dma_start3A_57 : memref<128x128xf32, #tpu.memory_space<vmem_shared>>) target_semaphore(%arg14 : memref<!tpu.dma_semaphore, #tpu.memory_space<semaphore_mem>>)
    %mul3A_61 = arith.constant 632 : i32
    %mul3A_62 = arith.muli %arg1, %mul3A_61 : i32
    %add3A_63 = arith.constant 512 : i32
    %add3A_64 = arith.addi %mul3A_62, %add3A_63 : i32
    %dma_start3A_65 = arith.constant 0 : i32
    %dma_start3A_66 = arith.constant 0 : i32
    %dma_start3A_67 = tpu.memref_slice %arg9[%dma_start3A_65, %dma_start3A_66] : memref<128x128xf32, #tpu.memory_space<vmem>> -> memref<120x128xf32, #tpu.memory_space<vmem>>
    %dma_start3A_68 = arith.constant 0 : i32
    %dma_start3A_69 = tpu.memref_slice %arg11[%add3A_64, %dma_start3A_68] : memref<10112x128xf32, #tpu.memory_space<vmem_shared>> -> memref<120x128xf32, #tpu.memory_space<vmem_shared>>
    %dma_start3A_70 = arith.constant 0 : i32
    %dma_start3A_71 = tpu.memref_slice %arg11[%add3A_64, %dma_start3A_70] : memref<10112x128xf32, #tpu.memory_space<vmem_shared>> -> memref<120x128xf32, #tpu.memory_space<vmem_shared>>
    %dma_start3A_72 = arith.constant 0 : i32
    %dma_start3A_73 = arith.constant 0 : i32
    %dma_start3A_74 = tpu.memref_slice %arg9[%dma_start3A_72, %dma_start3A_73] : memref<128x128xf32, #tpu.memory_space<vmem>> -> memref<120x128xf32, #tpu.memory_space<vmem>>
    tpu.enqueue_dma source(%dma_start3A_74 : memref<120x128xf32, #tpu.memory_space<vmem>>) target(%dma_start3A_71 : memref<120x128xf32, #tpu.memory_space<vmem_shared>>) target_semaphore(%arg14 : memref<!tpu.dma_semaphore, #tpu.memory_space<semaphore_mem>>)
    %mul3A_75 = arith.constant 632 : i32
    %mul3A_76 = arith.muli %arg1, %mul3A_75 : i32
    %add3A_77 = arith.constant 0 : i32
    %add3A_78 = arith.addi %mul3A_76, %add3A_77 : i32
    %dma_wait3A = arith.constant 0 : i32
    %dma_wait3A_79 = arith.constant 0 : i32
    %dma_wait3A_80 = tpu.memref_slice %arg9[%dma_wait3A, %dma_wait3A_79] : memref<128x128xf32, #tpu.memory_space<vmem>> -> memref<128x128xf32, #tpu.memory_space<vmem>>
    %dma_wait3A_81 = arith.constant 0 : i32
    %dma_wait3A_82 = tpu.memref_slice %arg11[%add3A_78, %dma_wait3A_81] : memref<10112x128xf32, #tpu.memory_space<vmem_shared>> -> memref<128x128xf32, #tpu.memory_space<vmem_shared>>
    %dma_wait3A_83 = arith.constant 0 : i32
    %dma_wait3A_84 = tpu.memref_slice %arg11[%add3A_78, %dma_wait3A_83] : memref<10112x128xf32, #tpu.memory_space<vmem_shared>> -> memref<128x128xf32, #tpu.memory_space<vmem_shared>>
    %dma_wait3A_85 = arith.constant 0 : i32
    %dma_wait3A_86 = arith.constant 0 : i32
    %dma_wait3A_87 = tpu.memref_slice %arg9[%dma_wait3A_85, %dma_wait3A_86] : memref<128x128xf32, #tpu.memory_space<vmem>> -> memref<128x128xf32, #tpu.memory_space<vmem>>
    tpu.wait_dma2 semaphore(%arg14 : memref<!tpu.dma_semaphore, #tpu.memory_space<semaphore_mem>>) src(%dma_wait3A_87 : memref<128x128xf32, #tpu.memory_space<vmem>>) dst(%dma_wait3A_84 : memref<128x128xf32, #tpu.memory_space<vmem_shared>>)
    %mul3A_88 = arith.constant 632 : i32
    %mul3A_89 = arith.muli %arg1, %mul3A_88 : i32
    %add3A_90 = arith.constant 128 : i32
    %add3A_91 = arith.addi %mul3A_89, %add3A_90 : i32
    %dma_wait3A_92 = arith.constant 0 : i32
    %dma_wait3A_93 = arith.constant 0 : i32
    %dma_wait3A_94 = tpu.memref_slice %arg9[%dma_wait3A_92, %dma_wait3A_93] : memref<128x128xf32, #tpu.memory_space<vmem>> -> memref<128x128xf32, #tpu.memory_space<vmem>>
    %dma_wait3A_95 = arith.constant 0 : i32
    %dma_wait3A_96 = tpu.memref_slice %arg11[%add3A_91, %dma_wait3A_95] : memref<10112x128xf32, #tpu.memory_space<vmem_shared>> -> memref<128x128xf32, #tpu.memory_space<vmem_shared>>
    %dma_wait3A_97 = arith.constant 0 : i32
    %dma_wait3A_98 = tpu.memref_slice %arg11[%add3A_91, %dma_wait3A_97] : memref<10112x128xf32, #tpu.memory_space<vmem_shared>> -> memref<128x128xf32, #tpu.memory_space<vmem_shared>>
    %dma_wait3A_99 = arith.constant 0 : i32
    %dma_wait3A_100 = arith.constant 0 : i32
    %dma_wait3A_101 = tpu.memref_slice %arg9[%dma_wait3A_99, %dma_wait3A_100] : memref<128x128xf32, #tpu.memory_space<vmem>> -> memref<128x128xf32, #tpu.memory_space<vmem>>
    tpu.wait_dma2 semaphore(%arg14 : memref<!tpu.dma_semaphore, #tpu.memory_space<semaphore_mem>>) src(%dma_wait3A_101 : memref<128x128xf32, #tpu.memory_space<vmem>>) dst(%dma_wait3A_98 : memref<128x128xf32, #tpu.memory_space<vmem_shared>>)
    %mul3A_102 = arith.constant 632 : i32
    %mul3A_103 = arith.muli %arg1, %mul3A_102 : i32
    %add3A_104 = arith.constant 256 : i32
    %add3A_105 = arith.addi %mul3A_103, %add3A_104 : i32
    %dma_wait3A_106 = arith.constant 0 : i32
    %dma_wait3A_107 = arith.constant 0 : i32
    %dma_wait3A_108 = tpu.memref_slice %arg9[%dma_wait3A_106, %dma_wait3A_107] : memref<128x128xf32, #tpu.memory_space<vmem>> -> memref<128x128xf32, #tpu.memory_space<vmem>>
    %dma_wait3A_109 = arith.constant 0 : i32
    %dma_wait3A_110 = tpu.memref_slice %arg11[%add3A_105, %dma_wait3A_109] : memref<10112x128xf32, #tpu.memory_space<vmem_shared>> -> memref<128x128xf32, #tpu.memory_space<vmem_shared>>
    %dma_wait3A_111 = arith.constant 0 : i32
    %dma_wait3A_112 = tpu.memref_slice %arg11[%add3A_105, %dma_wait3A_111] : memref<10112x128xf32, #tpu.memory_space<vmem_shared>> -> memref<128x128xf32, #tpu.memory_space<vmem_shared>>
    %dma_wait3A_113 = arith.constant 0 : i32
    %dma_wait3A_114 = arith.constant 0 : i32
    %dma_wait3A_115 = tpu.memref_slice %arg9[%dma_wait3A_113, %dma_wait3A_114] : memref<128x128xf32, #tpu.memory_space<vmem>> -> memref<128x128xf32, #tpu.memory_space<vmem>>
    tpu.wait_dma2 semaphore(%arg14 : memref<!tpu.dma_semaphore, #tpu.memory_space<semaphore_mem>>) src(%dma_wait3A_115 : memref<128x128xf32, #tpu.memory_space<vmem>>) dst(%dma_wait3A_112 : memref<128x128xf32, #tpu.memory_space<vmem_shared>>)
    %mul3A_116 = arith.constant 632 : i32
    %mul3A_117 = arith.muli %arg1, %mul3A_116 : i32
    %add3A_118 = arith.constant 384 : i32
    %add3A_119 = arith.addi %mul3A_117, %add3A_118 : i32
    %dma_wait3A_120 = arith.constant 0 : i32
    %dma_wait3A_121 = arith.constant 0 : i32
    %dma_wait3A_122 = tpu.memref_slice %arg9[%dma_wait3A_120, %dma_wait3A_121] : memref<128x128xf32, #tpu.memory_space<vmem>> -> memref<128x128xf32, #tpu.memory_space<vmem>>
    %dma_wait3A_123 = arith.constant 0 : i32
    %dma_wait3A_124 = tpu.memref_slice %arg11[%add3A_119, %dma_wait3A_123] : memref<10112x128xf32, #tpu.memory_space<vmem_shared>> -> memref<128x128xf32, #tpu.memory_space<vmem_shared>>
    %dma_wait3A_125 = arith.constant 0 : i32
    %dma_wait3A_126 = tpu.memref_slice %arg11[%add3A_119, %dma_wait3A_125] : memref<10112x128xf32, #tpu.memory_space<vmem_shared>> -> memref<128x128xf32, #tpu.memory_space<vmem_shared>>
    %dma_wait3A_127 = arith.constant 0 : i32
    %dma_wait3A_128 = arith.constant 0 : i32
    %dma_wait3A_129 = tpu.memref_slice %arg9[%dma_wait3A_127, %dma_wait3A_128] : memref<128x128xf32, #tpu.memory_space<vmem>> -> memref<128x128xf32, #tpu.memory_space<vmem>>
    tpu.wait_dma2 semaphore(%arg14 : memref<!tpu.dma_semaphore, #tpu.memory_space<semaphore_mem>>) src(%dma_wait3A_129 : memref<128x128xf32, #tpu.memory_space<vmem>>) dst(%dma_wait3A_126 : memref<128x128xf32, #tpu.memory_space<vmem_shared>>)
    %mul3A_130 = arith.constant 632 : i32
    %mul3A_131 = arith.muli %arg1, %mul3A_130 : i32
    %add3A_132 = arith.constant 512 : i32
    %add3A_133 = arith.addi %mul3A_131, %add3A_132 : i32
    %dma_wait3A_134 = arith.constant 0 : i32
    %dma_wait3A_135 = arith.constant 0 : i32
    %dma_wait3A_136 = tpu.memref_slice %arg9[%dma_wait3A_134, %dma_wait3A_135] : memref<128x128xf32, #tpu.memory_space<vmem>> -> memref<120x128xf32, #tpu.memory_space<vmem>>
    %dma_wait3A_137 = arith.constant 0 : i32
    %dma_wait3A_138 = tpu.memref_slice %arg11[%add3A_133, %dma_wait3A_137] : memref<10112x128xf32, #tpu.memory_space<vmem_shared>> -> memref<120x128xf32, #tpu.memory_space<vmem_shared>>
    %dma_wait3A_139 = arith.constant 0 : i32
    %dma_wait3A_140 = tpu.memref_slice %arg11[%add3A_133, %dma_wait3A_139] : memref<10112x128xf32, #tpu.memory_space<vmem_shared>> -> memref<120x128xf32, #tpu.memory_space<vmem_shared>>
    %dma_wait3A_141 = arith.constant 0 : i32
    %dma_wait3A_142 = arith.constant 0 : i32
    %dma_wait3A_143 = tpu.memref_slice %arg9[%dma_wait3A_141, %dma_wait3A_142] : memref<128x128xf32, #tpu.memory_space<vmem>> -> memref<120x128xf32, #tpu.memory_space<vmem>>
    tpu.wait_dma2 semaphore(%arg14 : memref<!tpu.dma_semaphore, #tpu.memory_space<semaphore_mem>>) src(%dma_wait3A_143 : memref<120x128xf32, #tpu.memory_space<vmem>>) dst(%dma_wait3A_140 : memref<120x128xf32, #tpu.memory_space<vmem_shared>>)
    %barrier3A = arith.constant 0 : index
    tpu.barrier barrier_id(%barrier3A)
    %scan3A_144 = arith.constant 0 : i32
    %scan3A_145 = arith.constant 0 : i32
    %scan3A_146 = arith.constant 128 : i32
    %scan3A_147 = arith.addi %scan3A_145, %scan3A_146 : i32
    %scan3A_148 = arith.constant 1 : i32
    scf.for %scan3A_668 = %scan3A_145 to %scan3A_147 step %scan3A_148  : i32 {
      %scan3A_669 = arith.constant 0 : i32
      %scan3A_670 = arith.constant 8 : i32
      %scan3A_671 = arith.addi %scan3A_669, %scan3A_670 : i32
      %scan3A_672 = arith.constant 1 : i32
      scf.for %scan3A_674 = %scan3A_669 to %scan3A_671 step %scan3A_672  : i32 {
        %broadcast_in_dim3A = arith.constant 1.000000e+00 : f32
        %broadcast_in_dim3A_675 = vector.broadcast %broadcast_in_dim3A : f32 to vector<16xf32>
        %mul3A_676 = arith.constant 16 : i32
        %mul3A_677 = arith.muli %scan3A_674, %mul3A_676 : i32
        %swap3A = arith.index_cast %scan3A_668 : i32 to index
        %swap3A_678 = arith.index_cast %mul3A_677 : i32 to index
        %swap3A_679 = tpu.vector_load %arg9[%swap3A, %swap3A_678] {strides = array<i32>} : memref<128x128xf32, #tpu.memory_space<vmem>>, vector<1x16xf32>,
        %swap3A_680 = vector.shape_cast %swap3A_679 : vector<1x16xf32> to vector<16xf32>
        %swap3A_681 = vector.shape_cast %broadcast_in_dim3A_675 : vector<16xf32> to vector<1x16xf32>
        tpu.vector_store %arg9[%swap3A, %swap3A_678], %swap3A_681 {strides = array<i32>} : memref<128x128xf32, #tpu.memory_space<vmem>>, vector<1x16xf32>,
      }
      %scan3A_673 = arith.constant 8 : i32
    }
    %scan3A_149 = arith.constant 128 : i32
    %mul3A_150 = arith.constant 80 : i32
    %mul3A_151 = arith.muli %add3A, %mul3A_150 : i32
    %add3A_152 = arith.constant 0 : i32
    %add3A_153 = arith.addi %mul3A_151, %add3A_152 : i32
    "tpu.region"() ({
      %run_scoped3A = tpu.sem_alloc : memref<!tpu.dma_semaphore, #tpu.memory_space<semaphore_mem>>
      %dma_start3A_668 = arith.constant 0 : i32
      %dma_start3A_669 = tpu.memref_slice %arg4[%add3A_153, %dma_start3A_668] : memref<2560x128xi32, #tpu.memory_space<hbm>> -> memref<40x128xi32, #tpu.memory_space<hbm>>
      %dma_start3A_670 = arith.constant 0 : i32
      %dma_start3A_671 = tpu.memref_slice %arg4[%add3A_153, %dma_start3A_670] : memref<2560x128xi32, #tpu.memory_space<hbm>> -> memref<40x128xi32, #tpu.memory_space<hbm>>
      tpu.enqueue_dma source(%dma_start3A_671 : memref<40x128xi32, #tpu.memory_space<hbm>>) target(%arg8 : memref<40x128xi32, #tpu.memory_space<vmem>>) target_semaphore(%run_scoped3A : memref<!tpu.dma_semaphore, #tpu.memory_space<semaphore_mem>>)
      %dma_wait3A_672 = arith.constant 0 : i32
      %dma_wait3A_673 = tpu.memref_slice %arg4[%add3A_153, %dma_wait3A_672] : memref<2560x128xi32, #tpu.memory_space<hbm>> -> memref<40x128xi32, #tpu.memory_space<hbm>>
      %dma_wait3A_674 = arith.constant 0 : i32
      %dma_wait3A_675 = tpu.memref_slice %arg4[%add3A_153, %dma_wait3A_674] : memref<2560x128xi32, #tpu.memory_space<hbm>> -> memref<40x128xi32, #tpu.memory_space<hbm>>
      tpu.wait_dma2 semaphore(%run_scoped3A : memref<!tpu.dma_semaphore, #tpu.memory_space<semaphore_mem>>) src(%dma_wait3A_675 : memref<40x128xi32, #tpu.memory_space<hbm>>) dst(%arg8 : memref<40x128xi32, #tpu.memory_space<vmem>>)
      tpu.yield
    }) : () -> ()
    %scan3A_154 = arith.constant 0 : i32
    %scan3A_155 = arith.constant 0 : i32
    %scan3A_156 = arith.constant 20 : i32
    %scan3A_157 = arith.addi %scan3A_155, %scan3A_156 : i32
    %scan3A_158 = arith.constant 1 : i32
    scf.for %scan3A_668 = %scan3A_155 to %scan3A_157 step %scan3A_158  : i32 {
      %mul3A_669 = arith.constant 2 : i32
      %mul3A_670 = arith.muli %scan3A_668, %mul3A_669 : i32
      %add3A_671 = arith.constant 0 : i32
      %add3A_672 = arith.addi %mul3A_670, %add3A_671 : i32
      %dma_start3A_673 = arith.constant 0 : i32
      %dma_start3A_674 = tpu.memref_slice %arg8[%add3A_672, %dma_start3A_673] : memref<40x128xi32, #tpu.memory_space<vmem>> -> memref<1x128xi32, #tpu.memory_space<vmem>>
      %dma_start3A_675 = tpu.memref_squeeze %dma_start3A_674 : memref<1x128xi32, #tpu.memory_space<vmem>> -> memref<128xi32, #tpu.memory_space<vmem>>
      %dma_start3A_676 = arith.constant 0 : i32
      %dma_start3A_677 = arith.constant 0 : i32
      %dma_start3A_678 = tpu.memref_slice %arg11[%dma_start3A_676, %dma_start3A_677] : memref<10112x128xf32, #tpu.memory_space<vmem_shared>> -> memref<10112x128xf32, #tpu.memory_space<vmem_shared>>
      tpu.enqueue_indirect_dma source(%arg9 : memref<128x128xf32, #tpu.memory_space<vmem>>) target(%dma_start3A_678 : memref<10112x128xf32, #tpu.memory_space<vmem_shared>>) offsets(%dma_start3A_675 : memref<128xi32, #tpu.memory_space<vmem>>) semaphore(%arg14 : memref<!tpu.dma_semaphore, #tpu.memory_space<semaphore_mem>>) {add = true}
      %ge3A = arith.constant 1 : i32
      %ge3A_679 = arith.cmpi sge, %add3A_672, %ge3A : i32
      %convert_element_type3A = arith.extui %ge3A_679 : i1 to i32
      %cond3A = arith.constant 0 : i32
      %cond3A_680 = arith.cmpi ne, %convert_element_type3A, %cond3A : i32
      scf.if %cond3A_680 {
        %sub3A = arith.constant 1 : i32
        %sub3A_696 = arith.subi %add3A_672, %sub3A : i32
        %dma_wait3A_697 = arith.constant 0 : i32
        %dma_wait3A_698 = tpu.memref_slice %arg8[%sub3A_696, %dma_wait3A_697] : memref<40x128xi32, #tpu.memory_space<vmem>> -> memref<1x128xi32, #tpu.memory_space<vmem>>
        %dma_wait3A_699 = tpu.memref_squeeze %dma_wait3A_698 : memref<1x128xi32, #tpu.memory_space<vmem>> -> memref<128xi32, #tpu.memory_space<vmem>>
        %dma_wait3A_700 = arith.constant 0 : i32
        %dma_wait3A_701 = arith.constant 0 : i32
        %dma_wait3A_702 = tpu.memref_slice %arg11[%dma_wait3A_700, %dma_wait3A_701] : memref<10112x128xf32, #tpu.memory_space<vmem_shared>> -> memref<10112x128xf32, #tpu.memory_space<vmem_shared>>
        tpu.wait_indirect_dma semaphore(%arg15 : memref<!tpu.dma_semaphore, #tpu.memory_space<semaphore_mem>>) src(%arg9 : memref<128x128xf32, #tpu.memory_space<vmem>>) dst(%dma_wait3A_702 : memref<10112x128xf32, #tpu.memory_space<vmem_shared>>)
      } else {
      }
      %mul3A_681 = arith.constant 2 : i32
      %mul3A_682 = arith.muli %scan3A_668, %mul3A_681 : i32
      %add3A_683 = arith.constant 1 : i32
      %add3A_684 = arith.addi %mul3A_682, %add3A_683 : i32
      %dma_start3A_685 = arith.constant 0 : i32
      %dma_start3A_686 = tpu.memref_slice %arg8[%add3A_684, %dma_start3A_685] : memref<40x128xi32, #tpu.memory_space<vmem>> -> memref<1x128xi32, #tpu.memory_space<vmem>>
      %dma_start3A_687 = tpu.memref_squeeze %dma_start3A_686 : memref<1x128xi32, #tpu.memory_space<vmem>> -> memref<128xi32, #tpu.memory_space<vmem>>
      %dma_start3A_688 = arith.constant 0 : i32
      %dma_start3A_689 = arith.constant 0 : i32
      %dma_start3A_690 = tpu.memref_slice %arg11[%dma_start3A_688, %dma_start3A_689] : memref<10112x128xf32, #tpu.memory_space<vmem_shared>> -> memref<10112x128xf32, #tpu.memory_space<vmem_shared>>
      tpu.enqueue_indirect_dma source(%arg9 : memref<128x128xf32, #tpu.memory_space<vmem>>) target(%dma_start3A_690 : memref<10112x128xf32, #tpu.memory_space<vmem_shared>>) offsets(%dma_start3A_687 : memref<128xi32, #tpu.memory_space<vmem>>) semaphore(%arg15 : memref<!tpu.dma_semaphore, #tpu.memory_space<semaphore_mem>>) {add = true}
      %ge3A_691 = arith.constant 1 : i32
      %ge3A_692 = arith.cmpi sge, %add3A_684, %ge3A_691 : i32
      %convert_element_type3A_693 = arith.extui %ge3A_692 : i1 to i32
      %cond3A_694 = arith.constant 0 : i32
      %cond3A_695 = arith.cmpi ne, %convert_element_type3A_693, %cond3A_694 : i32
      scf.if %cond3A_695 {
        %sub3A = arith.constant 1 : i32
        %sub3A_696 = arith.subi %add3A_684, %sub3A : i32
        %dma_wait3A_697 = arith.constant 0 : i32
        %dma_wait3A_698 = tpu.memref_slice %arg8[%sub3A_696, %dma_wait3A_697] : memref<40x128xi32, #tpu.memory_space<vmem>> -> memref<1x128xi32, #tpu.memory_space<vmem>>
        %dma_wait3A_699 = tpu.memref_squeeze %dma_wait3A_698 : memref<1x128xi32, #tpu.memory_space<vmem>> -> memref<128xi32, #tpu.memory_space<vmem>>
        %dma_wait3A_700 = arith.constant 0 : i32
        %dma_wait3A_701 = arith.constant 0 : i32
        %dma_wait3A_702 = tpu.memref_slice %arg11[%dma_wait3A_700, %dma_wait3A_701] : memref<10112x128xf32, #tpu.memory_space<vmem_shared>> -> memref<10112x128xf32, #tpu.memory_space<vmem_shared>>
        tpu.wait_indirect_dma semaphore(%arg14 : memref<!tpu.dma_semaphore, #tpu.memory_space<semaphore_mem>>) src(%arg9 : memref<128x128xf32, #tpu.memory_space<vmem>>) dst(%dma_wait3A_702 : memref<10112x128xf32, #tpu.memory_space<vmem_shared>>)
      } else {
      }
    }
    %scan3A_159 = arith.constant 20 : i32
    %dma_wait3A_160 = arith.constant 39 : i32
    %dma_wait3A_161 = arith.constant 0 : i32
    %dma_wait3A_162 = tpu.memref_slice %arg8[%dma_wait3A_160, %dma_wait3A_161] : memref<40x128xi32, #tpu.memory_space<vmem>> -> memref<1x128xi32, #tpu.memory_space<vmem>>
    %dma_wait3A_163 = tpu.memref_squeeze %dma_wait3A_162 : memref<1x128xi32, #tpu.memory_space<vmem>> -> memref<128xi32, #tpu.memory_space<vmem>>
    %dma_wait3A_164 = arith.constant 0 : i32
    %dma_wait3A_165 = arith.constant 0 : i32
    %dma_wait3A_166 = tpu.memref_slice %arg11[%dma_wait3A_164, %dma_wait3A_165] : memref<10112x128xf32, #tpu.memory_space<vmem_shared>> -> memref<10112x128xf32, #tpu.memory_space<vmem_shared>>
    tpu.wait_indirect_dma semaphore(%arg15 : memref<!tpu.dma_semaphore, #tpu.memory_space<semaphore_mem>>) src(%arg9 : memref<128x128xf32, #tpu.memory_space<vmem>>) dst(%dma_wait3A_166 : memref<10112x128xf32, #tpu.memory_space<vmem_shared>>)
    %mul3A_167 = arith.constant 80 : i32
    %mul3A_168 = arith.muli %add3A, %mul3A_167 : i32
    %add3A_169 = arith.constant 40 : i32
    %add3A_170 = arith.addi %mul3A_168, %add3A_169 : i32
    "tpu.region"() ({
      %run_scoped3A = tpu.sem_alloc : memref<!tpu.dma_semaphore, #tpu.memory_space<semaphore_mem>>
      %dma_start3A_668 = arith.constant 0 : i32
      %dma_start3A_669 = tpu.memref_slice %arg4[%add3A_170, %dma_start3A_668] : memref<2560x128xi32, #tpu.memory_space<hbm>> -> memref<40x128xi32, #tpu.memory_space<hbm>>
      %dma_start3A_670 = arith.constant 0 : i32
      %dma_start3A_671 = tpu.memref_slice %arg4[%add3A_170, %dma_start3A_670] : memref<2560x128xi32, #tpu.memory_space<hbm>> -> memref<40x128xi32, #tpu.memory_space<hbm>>
      tpu.enqueue_dma source(%dma_start3A_671 : memref<40x128xi32, #tpu.memory_space<hbm>>) target(%arg8 : memref<40x128xi32, #tpu.memory_space<vmem>>) target_semaphore(%run_scoped3A : memref<!tpu.dma_semaphore, #tpu.memory_space<semaphore_mem>>)
      %dma_wait3A_672 = arith.constant 0 : i32
      %dma_wait3A_673 = tpu.memref_slice %arg4[%add3A_170, %dma_wait3A_672] : memref<2560x128xi32, #tpu.memory_space<hbm>> -> memref<40x128xi32, #tpu.memory_space<hbm>>
      %dma_wait3A_674 = arith.constant 0 : i32
      %dma_wait3A_675 = tpu.memref_slice %arg4[%add3A_170, %dma_wait3A_674] : memref<2560x128xi32, #tpu.memory_space<hbm>> -> memref<40x128xi32, #tpu.memory_space<hbm>>
      tpu.wait_dma2 semaphore(%run_scoped3A : memref<!tpu.dma_semaphore, #tpu.memory_space<semaphore_mem>>) src(%dma_wait3A_675 : memref<40x128xi32, #tpu.memory_space<hbm>>) dst(%arg8 : memref<40x128xi32, #tpu.memory_space<vmem>>)
      tpu.yield
    }) : () -> ()
    %scan3A_171 = arith.constant 0 : i32
    %scan3A_172 = arith.constant 0 : i32
    %scan3A_173 = arith.constant 20 : i32
    %scan3A_174 = arith.addi %scan3A_172, %scan3A_173 : i32
    %scan3A_175 = arith.constant 1 : i32
    scf.for %scan3A_668 = %scan3A_172 to %scan3A_174 step %scan3A_175  : i32 {
      %mul3A_669 = arith.constant 2 : i32
      %mul3A_670 = arith.muli %scan3A_668, %mul3A_669 : i32
      %add3A_671 = arith.constant 0 : i32
      %add3A_672 = arith.addi %mul3A_670, %add3A_671 : i32
      %dma_start3A_673 = arith.constant 0 : i32
      %dma_start3A_674 = tpu.memref_slice %arg8[%add3A_672, %dma_start3A_673] : memref<40x128xi32, #tpu.memory_space<vmem>> -> memref<1x128xi32, #tpu.memory_space<vmem>>
      %dma_start3A_675 = tpu.memref_squeeze %dma_start3A_674 : memref<1x128xi32, #tpu.memory_space<vmem>> -> memref<128xi32, #tpu.memory_space<vmem>>
      %dma_start3A_676 = arith.constant 0 : i32
      %dma_start3A_677 = arith.constant 0 : i32
      %dma_start3A_678 = tpu.memref_slice %arg11[%dma_start3A_676, %dma_start3A_677] : memref<10112x128xf32, #tpu.memory_space<vmem_shared>> -> memref<10112x128xf32, #tpu.memory_space<vmem_shared>>
      tpu.enqueue_indirect_dma source(%arg9 : memref<128x128xf32, #tpu.memory_space<vmem>>) target(%dma_start3A_678 : memref<10112x128xf32, #tpu.memory_space<vmem_shared>>) offsets(%dma_start3A_675 : memref<128xi32, #tpu.memory_space<vmem>>) semaphore(%arg14 : memref<!tpu.dma_semaphore, #tpu.memory_space<semaphore_mem>>) {add = true}
      %ge3A = arith.constant 1 : i32
      %ge3A_679 = arith.cmpi sge, %add3A_672, %ge3A : i32
      %convert_element_type3A = arith.extui %ge3A_679 : i1 to i32
      %cond3A = arith.constant 0 : i32
      %cond3A_680 = arith.cmpi ne, %convert_element_type3A, %cond3A : i32
      scf.if %cond3A_680 {
        %sub3A = arith.constant 1 : i32
        %sub3A_696 = arith.subi %add3A_672, %sub3A : i32
        %dma_wait3A_697 = arith.constant 0 : i32
        %dma_wait3A_698 = tpu.memref_slice %arg8[%sub3A_696, %dma_wait3A_697] : memref<40x128xi32, #tpu.memory_space<vmem>> -> memref<1x128xi32, #tpu.memory_space<vmem>>
        %dma_wait3A_699 = tpu.memref_squeeze %dma_wait3A_698 : memref<1x128xi32, #tpu.memory_space<vmem>> -> memref<128xi32, #tpu.memory_space<vmem>>
        %dma_wait3A_700 = arith.constant 0 : i32
        %dma_wait3A_701 = arith.constant 0 : i32
        %dma_wait3A_702 = tpu.memref_slice %arg11[%dma_wait3A_700, %dma_wait3A_701] : memref<10112x128xf32, #tpu.memory_space<vmem_shared>> -> memref<10112x128xf32, #tpu.memory_space<vmem_shared>>
        tpu.wait_indirect_dma semaphore(%arg15 : memref<!tpu.dma_semaphore, #tpu.memory_space<semaphore_mem>>) src(%arg9 : memref<128x128xf32, #tpu.memory_space<vmem>>) dst(%dma_wait3A_702 : memref<10112x128xf32, #tpu.memory_space<vmem_shared>>)
      } else {
      }
      %mul3A_681 = arith.constant 2 : i32
      %mul3A_682 = arith.muli %scan3A_668, %mul3A_681 : i32
      %add3A_683 = arith.constant 1 : i32
      %add3A_684 = arith.addi %mul3A_682, %add3A_683 : i32
      %dma_start3A_685 = arith.constant 0 : i32
      %dma_start3A_686 = tpu.memref_slice %arg8[%add3A_684, %dma_start3A_685] : memref<40x128xi32, #tpu.memory_space<vmem>> -> memref<1x128xi32, #tpu.memory_space<vmem>>
      %dma_start3A_687 = tpu.memref_squeeze %dma_start3A_686 : memref<1x128xi32, #tpu.memory_space<vmem>> -> memref<128xi32, #tpu.memory_space<vmem>>
      %dma_start3A_688 = arith.constant 0 : i32
      %dma_start3A_689 = arith.constant 0 : i32
      %dma_start3A_690 = tpu.memref_slice %arg11[%dma_start3A_688, %dma_start3A_689] : memref<10112x128xf32, #tpu.memory_space<vmem_shared>> -> memref<10112x128xf32, #tpu.memory_space<vmem_shared>>
      tpu.enqueue_indirect_dma source(%arg9 : memref<128x128xf32, #tpu.memory_space<vmem>>) target(%dma_start3A_690 : memref<10112x128xf32, #tpu.memory_space<vmem_shared>>) offsets(%dma_start3A_687 : memref<128xi32, #tpu.memory_space<vmem>>) semaphore(%arg15 : memref<!tpu.dma_semaphore, #tpu.memory_space<semaphore_mem>>) {add = true}
      %ge3A_691 = arith.constant 1 : i32
      %ge3A_692 = arith.cmpi sge, %add3A_684, %ge3A_691 : i32
      %convert_element_type3A_693 = arith.extui %ge3A_692 : i1 to i32
      %cond3A_694 = arith.constant 0 : i32
      %cond3A_695 = arith.cmpi ne, %convert_element_type3A_693, %cond3A_694 : i32
      scf.if %cond3A_695 {
        %sub3A = arith.constant 1 : i32
        %sub3A_696 = arith.subi %add3A_684, %sub3A : i32
        %dma_wait3A_697 = arith.constant 0 : i32
        %dma_wait3A_698 = tpu.memref_slice %arg8[%sub3A_696, %dma_wait3A_697] : memref<40x128xi32, #tpu.memory_space<vmem>> -> memref<1x128xi32, #tpu.memory_space<vmem>>
        %dma_wait3A_699 = tpu.memref_squeeze %dma_wait3A_698 : memref<1x128xi32, #tpu.memory_space<vmem>> -> memref<128xi32, #tpu.memory_space<vmem>>
        %dma_wait3A_700 = arith.constant 0 : i32
        %dma_wait3A_701 = arith.constant 0 : i32
        %dma_wait3A_702 = tpu.memref_slice %arg11[%dma_wait3A_700, %dma_wait3A_701] : memref<10112x128xf32, #tpu.memory_space<vmem_shared>> -> memref<10112x128xf32, #tpu.memory_space<vmem_shared>>
        tpu.wait_indirect_dma semaphore(%arg14 : memref<!tpu.dma_semaphore, #tpu.memory_space<semaphore_mem>>) src(%arg9 : memref<128x128xf32, #tpu.memory_space<vmem>>) dst(%dma_wait3A_702 : memref<10112x128xf32, #tpu.memory_space<vmem_shared>>)
      } else {
      }
    }
    %scan3A_176 = arith.constant 20 : i32
    %dma_wait3A_177 = arith.constant 39 : i32
    %dma_wait3A_178 = arith.constant 0 : i32
    %dma_wait3A_179 = tpu.memref_slice %arg8[%dma_wait3A_177, %dma_wait3A_178] : memref<40x128xi32, #tpu.memory_space<vmem>> -> memref<1x128xi32, #tpu.memory_space<vmem>>
    %dma_wait3A_180 = tpu.memref_squeeze %dma_wait3A_179 : memref<1x128xi32, #tpu.memory_space<vmem>> -> memref<128xi32, #tpu.memory_space<vmem>>
    %dma_wait3A_181 = arith.constant 0 : i32
    %dma_wait3A_182 = arith.constant 0 : i32
    %dma_wait3A_183 = tpu.memref_slice %arg11[%dma_wait3A_181, %dma_wait3A_182] : memref<10112x128xf32, #tpu.memory_space<vmem_shared>> -> memref<10112x128xf32, #tpu.memory_space<vmem_shared>>
    tpu.wait_indirect_dma semaphore(%arg15 : memref<!tpu.dma_semaphore, #tpu.memory_space<semaphore_mem>>) src(%arg9 : memref<128x128xf32, #tpu.memory_space<vmem>>) dst(%dma_wait3A_183 : memref<10112x128xf32, #tpu.memory_space<vmem_shared>>)
    %barrier3A_184 = arith.constant 0 : index
    tpu.barrier barrier_id(%barrier3A_184)
    %mul3A_185 = arith.constant 632 : i32
    %mul3A_186 = arith.muli %arg1, %mul3A_185 : i32
    %add3A_187 = arith.constant 0 : i32
    %add3A_188 = arith.addi %mul3A_186, %add3A_187 : i32
    %mul3A_189 = arith.constant 10112 : i32
    %mul3A_190 = arith.muli %arg0, %mul3A_189 : i32
    %mul3A_191 = arith.constant 632 : i32
    %mul3A_192 = arith.muli %arg1, %mul3A_191 : i32
    %add3A_193 = arith.addi %mul3A_190, %mul3A_192 : i32
    %add3A_194 = arith.constant 0 : i32
    %add3A_195 = arith.addi %add3A_193, %add3A_194 : i32
    %dma_start3A_196 = arith.constant 0 : i32
    %dma_start3A_197 = tpu.memref_slice %arg6[%add3A_195, %dma_start3A_196] : memref<20224x128xf32, #tpu.memory_space<hbm>> -> memref<128x128xf32, #tpu.memory_space<hbm>>
    %dma_start3A_198 = arith.constant 0 : i32
    %dma_start3A_199 = tpu.memref_slice %arg11[%add3A_188, %dma_start3A_198] : memref<10112x128xf32, #tpu.memory_space<vmem_shared>> -> memref<128x128xf32, #tpu.memory_space<vmem_shared>>
    tpu.enqueue_dma source(%dma_start3A_199 : memref<128x128xf32, #tpu.memory_space<vmem_shared>>) target(%dma_start3A_197 : memref<128x128xf32, #tpu.memory_space<hbm>>) target_semaphore(%arg15 : memref<!tpu.dma_semaphore, #tpu.memory_space<semaphore_mem>>)
    %mul3A_200 = arith.constant 632 : i32
    %mul3A_201 = arith.muli %arg1, %mul3A_200 : i32
    %add3A_202 = arith.constant 128 : i32
    %add3A_203 = arith.addi %mul3A_201, %add3A_202 : i32
    %mul3A_204 = arith.constant 10112 : i32
    %mul3A_205 = arith.muli %arg0, %mul3A_204 : i32
    %mul3A_206 = arith.constant 632 : i32
    %mul3A_207 = arith.muli %arg1, %mul3A_206 : i32
    %add3A_208 = arith.addi %mul3A_205, %mul3A_207 : i32
    %add3A_209 = arith.constant 128 : i32
    %add3A_210 = arith.addi %add3A_208, %add3A_209 : i32
    %dma_start3A_211 = arith.constant 0 : i32
    %dma_start3A_212 = tpu.memref_slice %arg6[%add3A_210, %dma_start3A_211] : memref<20224x128xf32, #tpu.memory_space<hbm>> -> memref<128x128xf32, #tpu.memory_space<hbm>>
    %dma_start3A_213 = arith.constant 0 : i32
    %dma_start3A_214 = tpu.memref_slice %arg11[%add3A_203, %dma_start3A_213] : memref<10112x128xf32, #tpu.memory_space<vmem_shared>> -> memref<128x128xf32, #tpu.memory_space<vmem_shared>>
    tpu.enqueue_dma source(%dma_start3A_214 : memref<128x128xf32, #tpu.memory_space<vmem_shared>>) target(%dma_start3A_212 : memref<128x128xf32, #tpu.memory_space<hbm>>) target_semaphore(%arg15 : memref<!tpu.dma_semaphore, #tpu.memory_space<semaphore_mem>>)
    %mul3A_215 = arith.constant 632 : i32
    %mul3A_216 = arith.muli %arg1, %mul3A_215 : i32
    %add3A_217 = arith.constant 256 : i32
    %add3A_218 = arith.addi %mul3A_216, %add3A_217 : i32
    %mul3A_219 = arith.constant 10112 : i32
    %mul3A_220 = arith.muli %arg0, %mul3A_219 : i32
    %mul3A_221 = arith.constant 632 : i32
    %mul3A_222 = arith.muli %arg1, %mul3A_221 : i32
    %add3A_223 = arith.addi %mul3A_220, %mul3A_222 : i32
    %add3A_224 = arith.constant 256 : i32
    %add3A_225 = arith.addi %add3A_223, %add3A_224 : i32
    %dma_start3A_226 = arith.constant 0 : i32
    %dma_start3A_227 = tpu.memref_slice %arg6[%add3A_225, %dma_start3A_226] : memref<20224x128xf32, #tpu.memory_space<hbm>> -> memref<128x128xf32, #tpu.memory_space<hbm>>
    %dma_start3A_228 = arith.constant 0 : i32
    %dma_start3A_229 = tpu.memref_slice %arg11[%add3A_218, %dma_start3A_228] : memref<10112x128xf32, #tpu.memory_space<vmem_shared>> -> memref<128x128xf32, #tpu.memory_space<vmem_shared>>
    tpu.enqueue_dma source(%dma_start3A_229 : memref<128x128xf32, #tpu.memory_space<vmem_shared>>) target(%dma_start3A_227 : memref<128x128xf32, #tpu.memory_space<hbm>>) target_semaphore(%arg15 : memref<!tpu.dma_semaphore, #tpu.memory_space<semaphore_mem>>)
    %mul3A_230 = arith.constant 632 : i32
    %mul3A_231 = arith.muli %arg1, %mul3A_230 : i32
    %add3A_232 = arith.constant 384 : i32
    %add3A_233 = arith.addi %mul3A_231, %add3A_232 : i32
    %mul3A_234 = arith.constant 10112 : i32
    %mul3A_235 = arith.muli %arg0, %mul3A_234 : i32
    %mul3A_236 = arith.constant 632 : i32
    %mul3A_237 = arith.muli %arg1, %mul3A_236 : i32
    %add3A_238 = arith.addi %mul3A_235, %mul3A_237 : i32
    %add3A_239 = arith.constant 384 : i32
    %add3A_240 = arith.addi %add3A_238, %add3A_239 : i32
    %dma_start3A_241 = arith.constant 0 : i32
    %dma_start3A_242 = tpu.memref_slice %arg6[%add3A_240, %dma_start3A_241] : memref<20224x128xf32, #tpu.memory_space<hbm>> -> memref<128x128xf32, #tpu.memory_space<hbm>>
    %dma_start3A_243 = arith.constant 0 : i32
    %dma_start3A_244 = tpu.memref_slice %arg11[%add3A_233, %dma_start3A_243] : memref<10112x128xf32, #tpu.memory_space<vmem_shared>> -> memref<128x128xf32, #tpu.memory_space<vmem_shared>>
    tpu.enqueue_dma source(%dma_start3A_244 : memref<128x128xf32, #tpu.memory_space<vmem_shared>>) target(%dma_start3A_242 : memref<128x128xf32, #tpu.memory_space<hbm>>) target_semaphore(%arg15 : memref<!tpu.dma_semaphore, #tpu.memory_space<semaphore_mem>>)
    %mul3A_245 = arith.constant 632 : i32
    %mul3A_246 = arith.muli %arg1, %mul3A_245 : i32
    %add3A_247 = arith.constant 512 : i32
    %add3A_248 = arith.addi %mul3A_246, %add3A_247 : i32
    %mul3A_249 = arith.constant 10112 : i32
    %mul3A_250 = arith.muli %arg0, %mul3A_249 : i32
    %mul3A_251 = arith.constant 632 : i32
    %mul3A_252 = arith.muli %arg1, %mul3A_251 : i32
    %add3A_253 = arith.addi %mul3A_250, %mul3A_252 : i32
    %add3A_254 = arith.constant 512 : i32
    %add3A_255 = arith.addi %add3A_253, %add3A_254 : i32
    %dma_start3A_256 = arith.constant 0 : i32
    %dma_start3A_257 = tpu.memref_slice %arg6[%add3A_255, %dma_start3A_256] : memref<20224x128xf32, #tpu.memory_space<hbm>> -> memref<120x128xf32, #tpu.memory_space<hbm>>
    %dma_start3A_258 = arith.constant 0 : i32
    %dma_start3A_259 = tpu.memref_slice %arg11[%add3A_248, %dma_start3A_258] : memref<10112x128xf32, #tpu.memory_space<vmem_shared>> -> memref<120x128xf32, #tpu.memory_space<vmem_shared>>
    tpu.enqueue_dma source(%dma_start3A_259 : memref<120x128xf32, #tpu.memory_space<vmem_shared>>) target(%dma_start3A_257 : memref<120x128xf32, #tpu.memory_space<hbm>>) target_semaphore(%arg15 : memref<!tpu.dma_semaphore, #tpu.memory_space<semaphore_mem>>)
    %mul3A_260 = arith.constant 632 : i32
    %mul3A_261 = arith.muli %arg1, %mul3A_260 : i32
    %add3A_262 = arith.constant 0 : i32
    %add3A_263 = arith.addi %mul3A_261, %add3A_262 : i32
    %mul3A_264 = arith.constant 10112 : i32
    %mul3A_265 = arith.muli %arg0, %mul3A_264 : i32
    %mul3A_266 = arith.constant 632 : i32
    %mul3A_267 = arith.muli %arg1, %mul3A_266 : i32
    %add3A_268 = arith.addi %mul3A_265, %mul3A_267 : i32
    %add3A_269 = arith.constant 0 : i32
    %add3A_270 = arith.addi %add3A_268, %add3A_269 : i32
    %dma_wait3A_271 = arith.constant 0 : i32
    %dma_wait3A_272 = tpu.memref_slice %arg6[%add3A_270, %dma_wait3A_271] : memref<20224x128xf32, #tpu.memory_space<hbm>> -> memref<128x128xf32, #tpu.memory_space<hbm>>
    %dma_wait3A_273 = arith.constant 0 : i32
    %dma_wait3A_274 = tpu.memref_slice %arg11[%add3A_263, %dma_wait3A_273] : memref<10112x128xf32, #tpu.memory_space<vmem_shared>> -> memref<128x128xf32, #tpu.memory_space<vmem_shared>>
    tpu.wait_dma2 semaphore(%arg15 : memref<!tpu.dma_semaphore, #tpu.memory_space<semaphore_mem>>) src(%dma_wait3A_274 : memref<128x128xf32, #tpu.memory_space<vmem_shared>>) dst(%dma_wait3A_272 : memref<128x128xf32, #tpu.memory_space<hbm>>)
    %mul3A_275 = arith.constant 632 : i32
    %mul3A_276 = arith.muli %arg1, %mul3A_275 : i32
    %add3A_277 = arith.constant 128 : i32
    %add3A_278 = arith.addi %mul3A_276, %add3A_277 : i32
    %mul3A_279 = arith.constant 10112 : i32
    %mul3A_280 = arith.muli %arg0, %mul3A_279 : i32
    %mul3A_281 = arith.constant 632 : i32
    %mul3A_282 = arith.muli %arg1, %mul3A_281 : i32
    %add3A_283 = arith.addi %mul3A_280, %mul3A_282 : i32
    %add3A_284 = arith.constant 128 : i32
    %add3A_285 = arith.addi %add3A_283, %add3A_284 : i32
    %dma_wait3A_286 = arith.constant 0 : i32
    %dma_wait3A_287 = tpu.memref_slice %arg6[%add3A_285, %dma_wait3A_286] : memref<20224x128xf32, #tpu.memory_space<hbm>> -> memref<128x128xf32, #tpu.memory_space<hbm>>
    %dma_wait3A_288 = arith.constant 0 : i32
    %dma_wait3A_289 = tpu.memref_slice %arg11[%add3A_278, %dma_wait3A_288] : memref<10112x128xf32, #tpu.memory_space<vmem_shared>> -> memref<128x128xf32, #tpu.memory_space<vmem_shared>>
    tpu.wait_dma2 semaphore(%arg15 : memref<!tpu.dma_semaphore, #tpu.memory_space<semaphore_mem>>) src(%dma_wait3A_289 : memref<128x128xf32, #tpu.memory_space<vmem_shared>>) dst(%dma_wait3A_287 : memref<128x128xf32, #tpu.memory_space<hbm>>)
    %mul3A_290 = arith.constant 632 : i32
    %mul3A_291 = arith.muli %arg1, %mul3A_290 : i32
    %add3A_292 = arith.constant 256 : i32
    %add3A_293 = arith.addi %mul3A_291, %add3A_292 : i32
    %mul3A_294 = arith.constant 10112 : i32
    %mul3A_295 = arith.muli %arg0, %mul3A_294 : i32
    %mul3A_296 = arith.constant 632 : i32
    %mul3A_297 = arith.muli %arg1, %mul3A_296 : i32
    %add3A_298 = arith.addi %mul3A_295, %mul3A_297 : i32
    %add3A_299 = arith.constant 256 : i32
    %add3A_300 = arith.addi %add3A_298, %add3A_299 : i32
    %dma_wait3A_301 = arith.constant 0 : i32
    %dma_wait3A_302 = tpu.memref_slice %arg6[%add3A_300, %dma_wait3A_301] : memref<20224x128xf32, #tpu.memory_space<hbm>> -> memref<128x128xf32, #tpu.memory_space<hbm>>
    %dma_wait3A_303 = arith.constant 0 : i32
    %dma_wait3A_304 = tpu.memref_slice %arg11[%add3A_293, %dma_wait3A_303] : memref<10112x128xf32, #tpu.memory_space<vmem_shared>> -> memref<128x128xf32, #tpu.memory_space<vmem_shared>>
    tpu.wait_dma2 semaphore(%arg15 : memref<!tpu.dma_semaphore, #tpu.memory_space<semaphore_mem>>) src(%dma_wait3A_304 : memref<128x128xf32, #tpu.memory_space<vmem_shared>>) dst(%dma_wait3A_302 : memref<128x128xf32, #tpu.memory_space<hbm>>)
    %mul3A_305 = arith.constant 632 : i32
    %mul3A_306 = arith.muli %arg1, %mul3A_305 : i32
    %add3A_307 = arith.constant 384 : i32
    %add3A_308 = arith.addi %mul3A_306, %add3A_307 : i32
    %mul3A_309 = arith.constant 10112 : i32
    %mul3A_310 = arith.muli %arg0, %mul3A_309 : i32
    %mul3A_311 = arith.constant 632 : i32
    %mul3A_312 = arith.muli %arg1, %mul3A_311 : i32
    %add3A_313 = arith.addi %mul3A_310, %mul3A_312 : i32
    %add3A_314 = arith.constant 384 : i32
    %add3A_315 = arith.addi %add3A_313, %add3A_314 : i32
    %dma_wait3A_316 = arith.constant 0 : i32
    %dma_wait3A_317 = tpu.memref_slice %arg6[%add3A_315, %dma_wait3A_316] : memref<20224x128xf32, #tpu.memory_space<hbm>> -> memref<128x128xf32, #tpu.memory_space<hbm>>
    %dma_wait3A_318 = arith.constant 0 : i32
    %dma_wait3A_319 = tpu.memref_slice %arg11[%add3A_308, %dma_wait3A_318] : memref<10112x128xf32, #tpu.memory_space<vmem_shared>> -> memref<128x128xf32, #tpu.memory_space<vmem_shared>>
    tpu.wait_dma2 semaphore(%arg15 : memref<!tpu.dma_semaphore, #tpu.memory_space<semaphore_mem>>) src(%dma_wait3A_319 : memref<128x128xf32, #tpu.memory_space<vmem_shared>>) dst(%dma_wait3A_317 : memref<128x128xf32, #tpu.memory_space<hbm>>)
    %mul3A_320 = arith.constant 632 : i32
    %mul3A_321 = arith.muli %arg1, %mul3A_320 : i32
    %add3A_322 = arith.constant 512 : i32
    %add3A_323 = arith.addi %mul3A_321, %add3A_322 : i32
    %mul3A_324 = arith.constant 10112 : i32
    %mul3A_325 = arith.muli %arg0, %mul3A_324 : i32
    %mul3A_326 = arith.constant 632 : i32
    %mul3A_327 = arith.muli %arg1, %mul3A_326 : i32
    %add3A_328 = arith.addi %mul3A_325, %mul3A_327 : i32
    %add3A_329 = arith.constant 512 : i32
    %add3A_330 = arith.addi %add3A_328, %add3A_329 : i32
    %dma_wait3A_331 = arith.constant 0 : i32
    %dma_wait3A_332 = tpu.memref_slice %arg6[%add3A_330, %dma_wait3A_331] : memref<20224x128xf32, #tpu.memory_space<hbm>> -> memref<120x128xf32, #tpu.memory_space<hbm>>
    %dma_wait3A_333 = arith.constant 0 : i32
    %dma_wait3A_334 = tpu.memref_slice %arg11[%add3A_323, %dma_wait3A_333] : memref<10112x128xf32, #tpu.memory_space<vmem_shared>> -> memref<120x128xf32, #tpu.memory_space<vmem_shared>>
    tpu.wait_dma2 semaphore(%arg15 : memref<!tpu.dma_semaphore, #tpu.memory_space<semaphore_mem>>) src(%dma_wait3A_334 : memref<120x128xf32, #tpu.memory_space<vmem_shared>>) dst(%dma_wait3A_332 : memref<120x128xf32, #tpu.memory_space<hbm>>)
    %barrier3A_335 = arith.constant 0 : index
    tpu.barrier barrier_id(%barrier3A_335)
    %scan3A_336 = arith.constant 0 : i32
    %scan3A_337 = arith.constant 0 : i32
    %scan3A_338 = arith.constant 128 : i32
    %scan3A_339 = arith.addi %scan3A_337, %scan3A_338 : i32
    %scan3A_340 = arith.constant 1 : i32
    scf.for %scan3A_668 = %scan3A_337 to %scan3A_339 step %scan3A_340  : i32 {
      %scan3A_669 = arith.constant 0 : i32
      %scan3A_670 = arith.constant 8 : i32
      %scan3A_671 = arith.addi %scan3A_669, %scan3A_670 : i32
      %scan3A_672 = arith.constant 1 : i32
      scf.for %scan3A_674 = %scan3A_669 to %scan3A_671 step %scan3A_672  : i32 {
        %broadcast_in_dim3A = arith.constant 0.000000e+00 : f32
        %broadcast_in_dim3A_675 = vector.broadcast %broadcast_in_dim3A : f32 to vector<16xf32>
        %mul3A_676 = arith.constant 16 : i32
        %mul3A_677 = arith.muli %scan3A_674, %mul3A_676 : i32
        %swap3A = arith.index_cast %scan3A_668 : i32 to index
        %swap3A_678 = arith.index_cast %mul3A_677 : i32 to index
        %swap3A_679 = tpu.vector_load %arg9[%swap3A, %swap3A_678] {strides = array<i32>} : memref<128x128xf32, #tpu.memory_space<vmem>>, vector<1x16xf32>,
        %swap3A_680 = vector.shape_cast %swap3A_679 : vector<1x16xf32> to vector<16xf32>
        %swap3A_681 = vector.shape_cast %broadcast_in_dim3A_675 : vector<16xf32> to vector<1x16xf32>
        tpu.vector_store %arg9[%swap3A, %swap3A_678], %swap3A_681 {strides = array<i32>} : memref<128x128xf32, #tpu.memory_space<vmem>>, vector<1x16xf32>,
      }
      %scan3A_673 = arith.constant 8 : i32
    }
    %scan3A_341 = arith.constant 128 : i32
    %mul3A_342 = arith.constant 632 : i32
    %mul3A_343 = arith.muli %arg1, %mul3A_342 : i32
    %add3A_344 = arith.constant 0 : i32
    %add3A_345 = arith.addi %mul3A_343, %add3A_344 : i32
    %dma_start3A_346 = arith.constant 0 : i32
    %dma_start3A_347 = arith.constant 0 : i32
    %dma_start3A_348 = tpu.memref_slice %arg9[%dma_start3A_346, %dma_start3A_347] : memref<128x128xf32, #tpu.memory_space<vmem>> -> memref<128x128xf32, #tpu.memory_space<vmem>>
    %dma_start3A_349 = arith.constant 0 : i32
    %dma_start3A_350 = tpu.memref_slice %arg11[%add3A_345, %dma_start3A_349] : memref<10112x128xf32, #tpu.memory_space<vmem_shared>> -> memref<128x128xf32, #tpu.memory_space<vmem_shared>>
    %dma_start3A_351 = arith.constant 0 : i32
    %dma_start3A_352 = tpu.memref_slice %arg11[%add3A_345, %dma_start3A_351] : memref<10112x128xf32, #tpu.memory_space<vmem_shared>> -> memref<128x128xf32, #tpu.memory_space<vmem_shared>>
    %dma_start3A_353 = arith.constant 0 : i32
    %dma_start3A_354 = arith.constant 0 : i32
    %dma_start3A_355 = tpu.memref_slice %arg9[%dma_start3A_353, %dma_start3A_354] : memref<128x128xf32, #tpu.memory_space<vmem>> -> memref<128x128xf32, #tpu.memory_space<vmem>>
    tpu.enqueue_dma source(%dma_start3A_355 : memref<128x128xf32, #tpu.memory_space<vmem>>) target(%dma_start3A_352 : memref<128x128xf32, #tpu.memory_space<vmem_shared>>) target_semaphore(%arg14 : memref<!tpu.dma_semaphore, #tpu.memory_space<semaphore_mem>>)
    %mul3A_356 = arith.constant 632 : i32
    %mul3A_357 = arith.muli %arg1, %mul3A_356 : i32
    %add3A_358 = arith.constant 128 : i32
    %add3A_359 = arith.addi %mul3A_357, %add3A_358 : i32
    %dma_start3A_360 = arith.constant 0 : i32
    %dma_start3A_361 = arith.constant 0 : i32
    %dma_start3A_362 = tpu.memref_slice %arg9[%dma_start3A_360, %dma_start3A_361] : memref<128x128xf32, #tpu.memory_space<vmem>> -> memref<128x128xf32, #tpu.memory_space<vmem>>
    %dma_start3A_363 = arith.constant 0 : i32
    %dma_start3A_364 = tpu.memref_slice %arg11[%add3A_359, %dma_start3A_363] : memref<10112x128xf32, #tpu.memory_space<vmem_shared>> -> memref<128x128xf32, #tpu.memory_space<vmem_shared>>
    %dma_start3A_365 = arith.constant 0 : i32
    %dma_start3A_366 = tpu.memref_slice %arg11[%add3A_359, %dma_start3A_365] : memref<10112x128xf32, #tpu.memory_space<vmem_shared>> -> memref<128x128xf32, #tpu.memory_space<vmem_shared>>
    %dma_start3A_367 = arith.constant 0 : i32
    %dma_start3A_368 = arith.constant 0 : i32
    %dma_start3A_369 = tpu.memref_slice %arg9[%dma_start3A_367, %dma_start3A_368] : memref<128x128xf32, #tpu.memory_space<vmem>> -> memref<128x128xf32, #tpu.memory_space<vmem>>
    tpu.enqueue_dma source(%dma_start3A_369 : memref<128x128xf32, #tpu.memory_space<vmem>>) target(%dma_start3A_366 : memref<128x128xf32, #tpu.memory_space<vmem_shared>>) target_semaphore(%arg14 : memref<!tpu.dma_semaphore, #tpu.memory_space<semaphore_mem>>)
    %mul3A_370 = arith.constant 632 : i32
    %mul3A_371 = arith.muli %arg1, %mul3A_370 : i32
    %add3A_372 = arith.constant 256 : i32
    %add3A_373 = arith.addi %mul3A_371, %add3A_372 : i32
    %dma_start3A_374 = arith.constant 0 : i32
    %dma_start3A_375 = arith.constant 0 : i32
    %dma_start3A_376 = tpu.memref_slice %arg9[%dma_start3A_374, %dma_start3A_375] : memref<128x128xf32, #tpu.memory_space<vmem>> -> memref<128x128xf32, #tpu.memory_space<vmem>>
    %dma_start3A_377 = arith.constant 0 : i32
    %dma_start3A_378 = tpu.memref_slice %arg11[%add3A_373, %dma_start3A_377] : memref<10112x128xf32, #tpu.memory_space<vmem_shared>> -> memref<128x128xf32, #tpu.memory_space<vmem_shared>>
    %dma_start3A_379 = arith.constant 0 : i32
    %dma_start3A_380 = tpu.memref_slice %arg11[%add3A_373, %dma_start3A_379] : memref<10112x128xf32, #tpu.memory_space<vmem_shared>> -> memref<128x128xf32, #tpu.memory_space<vmem_shared>>
    %dma_start3A_381 = arith.constant 0 : i32
    %dma_start3A_382 = arith.constant 0 : i32
    %dma_start3A_383 = tpu.memref_slice %arg9[%dma_start3A_381, %dma_start3A_382] : memref<128x128xf32, #tpu.memory_space<vmem>> -> memref<128x128xf32, #tpu.memory_space<vmem>>
    tpu.enqueue_dma source(%dma_start3A_383 : memref<128x128xf32, #tpu.memory_space<vmem>>) target(%dma_start3A_380 : memref<128x128xf32, #tpu.memory_space<vmem_shared>>) target_semaphore(%arg14 : memref<!tpu.dma_semaphore, #tpu.memory_space<semaphore_mem>>)
    %mul3A_384 = arith.constant 632 : i32
    %mul3A_385 = arith.muli %arg1, %mul3A_384 : i32
    %add3A_386 = arith.constant 384 : i32
    %add3A_387 = arith.addi %mul3A_385, %add3A_386 : i32
    %dma_start3A_388 = arith.constant 0 : i32
    %dma_start3A_389 = arith.constant 0 : i32
    %dma_start3A_390 = tpu.memref_slice %arg9[%dma_start3A_388, %dma_start3A_389] : memref<128x128xf32, #tpu.memory_space<vmem>> -> memref<128x128xf32, #tpu.memory_space<vmem>>
    %dma_start3A_391 = arith.constant 0 : i32
    %dma_start3A_392 = tpu.memref_slice %arg11[%add3A_387, %dma_start3A_391] : memref<10112x128xf32, #tpu.memory_space<vmem_shared>> -> memref<128x128xf32, #tpu.memory_space<vmem_shared>>
    %dma_start3A_393 = arith.constant 0 : i32
    %dma_start3A_394 = tpu.memref_slice %arg11[%add3A_387, %dma_start3A_393] : memref<10112x128xf32, #tpu.memory_space<vmem_shared>> -> memref<128x128xf32, #tpu.memory_space<vmem_shared>>
    %dma_start3A_395 = arith.constant 0 : i32
    %dma_start3A_396 = arith.constant 0 : i32
    %dma_start3A_397 = tpu.memref_slice %arg9[%dma_start3A_395, %dma_start3A_396] : memref<128x128xf32, #tpu.memory_space<vmem>> -> memref<128x128xf32, #tpu.memory_space<vmem>>
    tpu.enqueue_dma source(%dma_start3A_397 : memref<128x128xf32, #tpu.memory_space<vmem>>) target(%dma_start3A_394 : memref<128x128xf32, #tpu.memory_space<vmem_shared>>) target_semaphore(%arg14 : memref<!tpu.dma_semaphore, #tpu.memory_space<semaphore_mem>>)
    %mul3A_398 = arith.constant 632 : i32
    %mul3A_399 = arith.muli %arg1, %mul3A_398 : i32
    %add3A_400 = arith.constant 512 : i32
    %add3A_401 = arith.addi %mul3A_399, %add3A_400 : i32
    %dma_start3A_402 = arith.constant 0 : i32
    %dma_start3A_403 = arith.constant 0 : i32
    %dma_start3A_404 = tpu.memref_slice %arg9[%dma_start3A_402, %dma_start3A_403] : memref<128x128xf32, #tpu.memory_space<vmem>> -> memref<120x128xf32, #tpu.memory_space<vmem>>
    %dma_start3A_405 = arith.constant 0 : i32
    %dma_start3A_406 = tpu.memref_slice %arg11[%add3A_401, %dma_start3A_405] : memref<10112x128xf32, #tpu.memory_space<vmem_shared>> -> memref<120x128xf32, #tpu.memory_space<vmem_shared>>
    %dma_start3A_407 = arith.constant 0 : i32
    %dma_start3A_408 = tpu.memref_slice %arg11[%add3A_401, %dma_start3A_407] : memref<10112x128xf32, #tpu.memory_space<vmem_shared>> -> memref<120x128xf32, #tpu.memory_space<vmem_shared>>
    %dma_start3A_409 = arith.constant 0 : i32
    %dma_start3A_410 = arith.constant 0 : i32
    %dma_start3A_411 = tpu.memref_slice %arg9[%dma_start3A_409, %dma_start3A_410] : memref<128x128xf32, #tpu.memory_space<vmem>> -> memref<120x128xf32, #tpu.memory_space<vmem>>
    tpu.enqueue_dma source(%dma_start3A_411 : memref<120x128xf32, #tpu.memory_space<vmem>>) target(%dma_start3A_408 : memref<120x128xf32, #tpu.memory_space<vmem_shared>>) target_semaphore(%arg14 : memref<!tpu.dma_semaphore, #tpu.memory_space<semaphore_mem>>)
    %mul3A_412 = arith.constant 632 : i32
    %mul3A_413 = arith.muli %arg1, %mul3A_412 : i32
    %add3A_414 = arith.constant 0 : i32
    %add3A_415 = arith.addi %mul3A_413, %add3A_414 : i32
    %dma_wait3A_416 = arith.constant 0 : i32
    %dma_wait3A_417 = arith.constant 0 : i32
    %dma_wait3A_418 = tpu.memref_slice %arg9[%dma_wait3A_416, %dma_wait3A_417] : memref<128x128xf32, #tpu.memory_space<vmem>> -> memref<128x128xf32, #tpu.memory_space<vmem>>
    %dma_wait3A_419 = arith.constant 0 : i32
    %dma_wait3A_420 = tpu.memref_slice %arg11[%add3A_415, %dma_wait3A_419] : memref<10112x128xf32, #tpu.memory_space<vmem_shared>> -> memref<128x128xf32, #tpu.memory_space<vmem_shared>>
    %dma_wait3A_421 = arith.constant 0 : i32
    %dma_wait3A_422 = tpu.memref_slice %arg11[%add3A_415, %dma_wait3A_421] : memref<10112x128xf32, #tpu.memory_space<vmem_shared>> -> memref<128x128xf32, #tpu.memory_space<vmem_shared>>
    %dma_wait3A_423 = arith.constant 0 : i32
    %dma_wait3A_424 = arith.constant 0 : i32
    %dma_wait3A_425 = tpu.memref_slice %arg9[%dma_wait3A_423, %dma_wait3A_424] : memref<128x128xf32, #tpu.memory_space<vmem>> -> memref<128x128xf32, #tpu.memory_space<vmem>>
    tpu.wait_dma2 semaphore(%arg14 : memref<!tpu.dma_semaphore, #tpu.memory_space<semaphore_mem>>) src(%dma_wait3A_425 : memref<128x128xf32, #tpu.memory_space<vmem>>) dst(%dma_wait3A_422 : memref<128x128xf32, #tpu.memory_space<vmem_shared>>)
    %mul3A_426 = arith.constant 632 : i32
    %mul3A_427 = arith.muli %arg1, %mul3A_426 : i32
    %add3A_428 = arith.constant 128 : i32
    %add3A_429 = arith.addi %mul3A_427, %add3A_428 : i32
    %dma_wait3A_430 = arith.constant 0 : i32
    %dma_wait3A_431 = arith.constant 0 : i32
    %dma_wait3A_432 = tpu.memref_slice %arg9[%dma_wait3A_430, %dma_wait3A_431] : memref<128x128xf32, #tpu.memory_space<vmem>> -> memref<128x128xf32, #tpu.memory_space<vmem>>
    %dma_wait3A_433 = arith.constant 0 : i32
    %dma_wait3A_434 = tpu.memref_slice %arg11[%add3A_429, %dma_wait3A_433] : memref<10112x128xf32, #tpu.memory_space<vmem_shared>> -> memref<128x128xf32, #tpu.memory_space<vmem_shared>>
    %dma_wait3A_435 = arith.constant 0 : i32
    %dma_wait3A_436 = tpu.memref_slice %arg11[%add3A_429, %dma_wait3A_435] : memref<10112x128xf32, #tpu.memory_space<vmem_shared>> -> memref<128x128xf32, #tpu.memory_space<vmem_shared>>
    %dma_wait3A_437 = arith.constant 0 : i32
    %dma_wait3A_438 = arith.constant 0 : i32
    %dma_wait3A_439 = tpu.memref_slice %arg9[%dma_wait3A_437, %dma_wait3A_438] : memref<128x128xf32, #tpu.memory_space<vmem>> -> memref<128x128xf32, #tpu.memory_space<vmem>>
    tpu.wait_dma2 semaphore(%arg14 : memref<!tpu.dma_semaphore, #tpu.memory_space<semaphore_mem>>) src(%dma_wait3A_439 : memref<128x128xf32, #tpu.memory_space<vmem>>) dst(%dma_wait3A_436 : memref<128x128xf32, #tpu.memory_space<vmem_shared>>)
    %mul3A_440 = arith.constant 632 : i32
    %mul3A_441 = arith.muli %arg1, %mul3A_440 : i32
    %add3A_442 = arith.constant 256 : i32
    %add3A_443 = arith.addi %mul3A_441, %add3A_442 : i32
    %dma_wait3A_444 = arith.constant 0 : i32
    %dma_wait3A_445 = arith.constant 0 : i32
    %dma_wait3A_446 = tpu.memref_slice %arg9[%dma_wait3A_444, %dma_wait3A_445] : memref<128x128xf32, #tpu.memory_space<vmem>> -> memref<128x128xf32, #tpu.memory_space<vmem>>
    %dma_wait3A_447 = arith.constant 0 : i32
    %dma_wait3A_448 = tpu.memref_slice %arg11[%add3A_443, %dma_wait3A_447] : memref<10112x128xf32, #tpu.memory_space<vmem_shared>> -> memref<128x128xf32, #tpu.memory_space<vmem_shared>>
    %dma_wait3A_449 = arith.constant 0 : i32
    %dma_wait3A_450 = tpu.memref_slice %arg11[%add3A_443, %dma_wait3A_449] : memref<10112x128xf32, #tpu.memory_space<vmem_shared>> -> memref<128x128xf32, #tpu.memory_space<vmem_shared>>
    %dma_wait3A_451 = arith.constant 0 : i32
    %dma_wait3A_452 = arith.constant 0 : i32
    %dma_wait3A_453 = tpu.memref_slice %arg9[%dma_wait3A_451, %dma_wait3A_452] : memref<128x128xf32, #tpu.memory_space<vmem>> -> memref<128x128xf32, #tpu.memory_space<vmem>>
    tpu.wait_dma2 semaphore(%arg14 : memref<!tpu.dma_semaphore, #tpu.memory_space<semaphore_mem>>) src(%dma_wait3A_453 : memref<128x128xf32, #tpu.memory_space<vmem>>) dst(%dma_wait3A_450 : memref<128x128xf32, #tpu.memory_space<vmem_shared>>)
    %mul3A_454 = arith.constant 632 : i32
    %mul3A_455 = arith.muli %arg1, %mul3A_454 : i32
    %add3A_456 = arith.constant 384 : i32
    %add3A_457 = arith.addi %mul3A_455, %add3A_456 : i32
    %dma_wait3A_458 = arith.constant 0 : i32
    %dma_wait3A_459 = arith.constant 0 : i32
    %dma_wait3A_460 = tpu.memref_slice %arg9[%dma_wait3A_458, %dma_wait3A_459] : memref<128x128xf32, #tpu.memory_space<vmem>> -> memref<128x128xf32, #tpu.memory_space<vmem>>
    %dma_wait3A_461 = arith.constant 0 : i32
    %dma_wait3A_462 = tpu.memref_slice %arg11[%add3A_457, %dma_wait3A_461] : memref<10112x128xf32, #tpu.memory_space<vmem_shared>> -> memref<128x128xf32, #tpu.memory_space<vmem_shared>>
    %dma_wait3A_463 = arith.constant 0 : i32
    %dma_wait3A_464 = tpu.memref_slice %arg11[%add3A_457, %dma_wait3A_463] : memref<10112x128xf32, #tpu.memory_space<vmem_shared>> -> memref<128x128xf32, #tpu.memory_space<vmem_shared>>
    %dma_wait3A_465 = arith.constant 0 : i32
    %dma_wait3A_466 = arith.constant 0 : i32
    %dma_wait3A_467 = tpu.memref_slice %arg9[%dma_wait3A_465, %dma_wait3A_466] : memref<128x128xf32, #tpu.memory_space<vmem>> -> memref<128x128xf32, #tpu.memory_space<vmem>>
    tpu.wait_dma2 semaphore(%arg14 : memref<!tpu.dma_semaphore, #tpu.memory_space<semaphore_mem>>) src(%dma_wait3A_467 : memref<128x128xf32, #tpu.memory_space<vmem>>) dst(%dma_wait3A_464 : memref<128x128xf32, #tpu.memory_space<vmem_shared>>)
    %mul3A_468 = arith.constant 632 : i32
    %mul3A_469 = arith.muli %arg1, %mul3A_468 : i32
    %add3A_470 = arith.constant 512 : i32
    %add3A_471 = arith.addi %mul3A_469, %add3A_470 : i32
    %dma_wait3A_472 = arith.constant 0 : i32
    %dma_wait3A_473 = arith.constant 0 : i32
    %dma_wait3A_474 = tpu.memref_slice %arg9[%dma_wait3A_472, %dma_wait3A_473] : memref<128x128xf32, #tpu.memory_space<vmem>> -> memref<120x128xf32, #tpu.memory_space<vmem>>
    %dma_wait3A_475 = arith.constant 0 : i32
    %dma_wait3A_476 = tpu.memref_slice %arg11[%add3A_471, %dma_wait3A_475] : memref<10112x128xf32, #tpu.memory_space<vmem_shared>> -> memref<120x128xf32, #tpu.memory_space<vmem_shared>>
    %dma_wait3A_477 = arith.constant 0 : i32
    %dma_wait3A_478 = tpu.memref_slice %arg11[%add3A_471, %dma_wait3A_477] : memref<10112x128xf32, #tpu.memory_space<vmem_shared>> -> memref<120x128xf32, #tpu.memory_space<vmem_shared>>
    %dma_wait3A_479 = arith.constant 0 : i32
    %dma_wait3A_480 = arith.constant 0 : i32
    %dma_wait3A_481 = tpu.memref_slice %arg9[%dma_wait3A_479, %dma_wait3A_480] : memref<128x128xf32, #tpu.memory_space<vmem>> -> memref<120x128xf32, #tpu.memory_space<vmem>>
    tpu.wait_dma2 semaphore(%arg14 : memref<!tpu.dma_semaphore, #tpu.memory_space<semaphore_mem>>) src(%dma_wait3A_481 : memref<120x128xf32, #tpu.memory_space<vmem>>) dst(%dma_wait3A_478 : memref<120x128xf32, #tpu.memory_space<vmem_shared>>)
    %barrier3A_482 = arith.constant 0 : index
    tpu.barrier barrier_id(%barrier3A_482)
    %mul3A_483 = arith.constant 80 : i32
    %mul3A_484 = arith.muli %add3A, %mul3A_483 : i32
    %add3A_485 = arith.constant 0 : i32
    %add3A_486 = arith.addi %mul3A_484, %add3A_485 : i32
    "tpu.region"() ({
      %run_scoped3A = tpu.sem_alloc : memref<!tpu.dma_semaphore, #tpu.memory_space<semaphore_mem>>
      %dma_start3A_668 = arith.constant 0 : i32
      %dma_start3A_669 = tpu.memref_slice %arg3[%add3A_486, %dma_start3A_668] : memref<2560x128xi32, #tpu.memory_space<hbm>> -> memref<40x128xi32, #tpu.memory_space<hbm>>
      %dma_start3A_670 = arith.constant 0 : i32
      %dma_start3A_671 = tpu.memref_slice %arg3[%add3A_486, %dma_start3A_670] : memref<2560x128xi32, #tpu.memory_space<hbm>> -> memref<40x128xi32, #tpu.memory_space<hbm>>
      tpu.enqueue_dma source(%dma_start3A_671 : memref<40x128xi32, #tpu.memory_space<hbm>>) target(%arg7 : memref<40x128xi32, #tpu.memory_space<vmem>>) target_semaphore(%run_scoped3A : memref<!tpu.dma_semaphore, #tpu.memory_space<semaphore_mem>>)
      %dma_wait3A_672 = arith.constant 0 : i32
      %dma_wait3A_673 = tpu.memref_slice %arg3[%add3A_486, %dma_wait3A_672] : memref<2560x128xi32, #tpu.memory_space<hbm>> -> memref<40x128xi32, #tpu.memory_space<hbm>>
      %dma_wait3A_674 = arith.constant 0 : i32
      %dma_wait3A_675 = tpu.memref_slice %arg3[%add3A_486, %dma_wait3A_674] : memref<2560x128xi32, #tpu.memory_space<hbm>> -> memref<40x128xi32, #tpu.memory_space<hbm>>
      tpu.wait_dma2 semaphore(%run_scoped3A : memref<!tpu.dma_semaphore, #tpu.memory_space<semaphore_mem>>) src(%dma_wait3A_675 : memref<40x128xi32, #tpu.memory_space<hbm>>) dst(%arg7 : memref<40x128xi32, #tpu.memory_space<vmem>>)
      tpu.yield
    }) : () -> ()
    "tpu.region"() ({
      %run_scoped3A = tpu.sem_alloc : memref<!tpu.dma_semaphore, #tpu.memory_space<semaphore_mem>>
      %dma_start3A_668 = arith.constant 0 : i32
      %dma_start3A_669 = tpu.memref_slice %arg4[%add3A_486, %dma_start3A_668] : memref<2560x128xi32, #tpu.memory_space<hbm>> -> memref<40x128xi32, #tpu.memory_space<hbm>>
      %dma_start3A_670 = arith.constant 0 : i32
      %dma_start3A_671 = tpu.memref_slice %arg4[%add3A_486, %dma_start3A_670] : memref<2560x128xi32, #tpu.memory_space<hbm>> -> memref<40x128xi32, #tpu.memory_space<hbm>>
      tpu.enqueue_dma source(%dma_start3A_671 : memref<40x128xi32, #tpu.memory_space<hbm>>) target(%arg8 : memref<40x128xi32, #tpu.memory_space<vmem>>) target_semaphore(%run_scoped3A : memref<!tpu.dma_semaphore, #tpu.memory_space<semaphore_mem>>)
      %dma_wait3A_672 = arith.constant 0 : i32
      %dma_wait3A_673 = tpu.memref_slice %arg4[%add3A_486, %dma_wait3A_672] : memref<2560x128xi32, #tpu.memory_space<hbm>> -> memref<40x128xi32, #tpu.memory_space<hbm>>
      %dma_wait3A_674 = arith.constant 0 : i32
      %dma_wait3A_675 = tpu.memref_slice %arg4[%add3A_486, %dma_wait3A_674] : memref<2560x128xi32, #tpu.memory_space<hbm>> -> memref<40x128xi32, #tpu.memory_space<hbm>>
      tpu.wait_dma2 semaphore(%run_scoped3A : memref<!tpu.dma_semaphore, #tpu.memory_space<semaphore_mem>>) src(%dma_wait3A_675 : memref<40x128xi32, #tpu.memory_space<hbm>>) dst(%arg8 : memref<40x128xi32, #tpu.memory_space<vmem>>)
      tpu.yield
    }) : () -> ()
    %dma_start3A_487 = arith.constant 0 : i32
    %dma_start3A_488 = arith.constant 0 : i32
    %dma_start3A_489 = tpu.memref_slice %arg7[%dma_start3A_487, %dma_start3A_488] : memref<40x128xi32, #tpu.memory_space<vmem>> -> memref<1x128xi32, #tpu.memory_space<vmem>>
    %dma_start3A_490 = tpu.memref_squeeze %dma_start3A_489 : memref<1x128xi32, #tpu.memory_space<vmem>> -> memref<128xi32, #tpu.memory_space<vmem>>
    %dma_start3A_491 = arith.constant 0 : i32
    %dma_start3A_492 = arith.constant 0 : i32
    %dma_start3A_493 = tpu.memref_slice %arg2[%dma_start3A_491, %dma_start3A_492] : memref<10000x128xf32, #tpu.memory_space<hbm>> -> memref<10000x128xf32, #tpu.memory_space<hbm>>
    tpu.enqueue_indirect_dma source(%dma_start3A_493 : memref<10000x128xf32, #tpu.memory_space<hbm>>) target(%arg9 : memref<128x128xf32, #tpu.memory_space<vmem>>) offsets(%dma_start3A_490 : memref<128xi32, #tpu.memory_space<vmem>>) semaphore(%arg12 : memref<!tpu.dma_semaphore, #tpu.memory_space<semaphore_mem>>)
    %scan3A_494 = arith.constant 0 : i32
    %scan3A_495 = arith.constant 0 : i32
    %scan3A_496 = arith.constant 20 : i32
    %scan3A_497 = arith.addi %scan3A_495, %scan3A_496 : i32
    %scan3A_498 = arith.constant 1 : i32
    scf.for %scan3A_668 = %scan3A_495 to %scan3A_497 step %scan3A_498  : i32 {
      %mul3A_669 = arith.constant 2 : i32
      %mul3A_670 = arith.muli %scan3A_668, %mul3A_669 : i32
      %add3A_671 = arith.constant 0 : i32
      %add3A_672 = arith.addi %mul3A_670, %add3A_671 : i32
      %add3A_673 = arith.constant 1 : i32
      %add3A_674 = arith.addi %add3A_672, %add3A_673 : i32
      %lt3A = arith.constant 40 : i32
      %lt3A_675 = arith.cmpi slt, %add3A_674, %lt3A : i32
      %convert_element_type3A = arith.extui %lt3A_675 : i1 to i32
      %cond3A = arith.constant 0 : i32
      %cond3A_676 = arith.cmpi ne, %convert_element_type3A, %cond3A : i32
      scf.if %cond3A_676 {
        %add3A_700 = arith.constant 1 : i32
        %add3A_701 = arith.addi %add3A_672, %add3A_700 : i32
        %dma_start3A_702 = arith.constant 0 : i32
        %dma_start3A_703 = tpu.memref_slice %arg7[%add3A_701, %dma_start3A_702] : memref<40x128xi32, #tpu.memory_space<vmem>> -> memref<1x128xi32, #tpu.memory_space<vmem>>
        %dma_start3A_704 = tpu.memref_squeeze %dma_start3A_703 : memref<1x128xi32, #tpu.memory_space<vmem>> -> memref<128xi32, #tpu.memory_space<vmem>>
        %dma_start3A_705 = arith.constant 0 : i32
        %dma_start3A_706 = arith.constant 0 : i32
        %dma_start3A_707 = tpu.memref_slice %arg2[%dma_start3A_705, %dma_start3A_706] : memref<10000x128xf32, #tpu.memory_space<hbm>> -> memref<10000x128xf32, #tpu.memory_space<hbm>>
        tpu.enqueue_indirect_dma source(%dma_start3A_707 : memref<10000x128xf32, #tpu.memory_space<hbm>>) target(%arg10 : memref<128x128xf32, #tpu.memory_space<vmem>>) offsets(%dma_start3A_704 : memref<128xi32, #tpu.memory_space<vmem>>) semaphore(%arg13 : memref<!tpu.dma_semaphore, #tpu.memory_space<semaphore_mem>>)
      } else {
      }
      %dma_wait3A_677 = arith.constant 0 : i32
      %dma_wait3A_678 = tpu.memref_slice %arg7[%add3A_672, %dma_wait3A_677] : memref<40x128xi32, #tpu.memory_space<vmem>> -> memref<1x128xi32, #tpu.memory_space<vmem>>
      %dma_wait3A_679 = tpu.memref_squeeze %dma_wait3A_678 : memref<1x128xi32, #tpu.memory_space<vmem>> -> memref<128xi32, #tpu.memory_space<vmem>>
      %dma_wait3A_680 = arith.constant 0 : i32
      %dma_wait3A_681 = arith.constant 0 : i32
      %dma_wait3A_682 = tpu.memref_slice %arg2[%dma_wait3A_680, %dma_wait3A_681] : memref<10000x128xf32, #tpu.memory_space<hbm>> -> memref<10000x128xf32, #tpu.memory_space<hbm>>
      tpu.wait_indirect_dma semaphore(%arg12 : memref<!tpu.dma_semaphore, #tpu.memory_space<semaphore_mem>>) src(%dma_wait3A_682 : memref<10000x128xf32, #tpu.memory_space<hbm>>) dst(%arg9 : memref<128x128xf32, #tpu.memory_space<vmem>>)
      "tpu.region"() ({
        %run_scoped3A = tpu.sem_alloc : memref<!tpu.dma_semaphore, #tpu.memory_space<semaphore_mem>>
        %dma_start3A_700 = arith.constant 0 : i32
        %dma_start3A_701 = tpu.memref_slice %arg8[%add3A_672, %dma_start3A_700] : memref<40x128xi32, #tpu.memory_space<vmem>> -> memref<1x128xi32, #tpu.memory_space<vmem>>
        %dma_start3A_702 = tpu.memref_squeeze %dma_start3A_701 : memref<1x128xi32, #tpu.memory_space<vmem>> -> memref<128xi32, #tpu.memory_space<vmem>>
        %dma_start3A_703 = arith.constant 0 : i32
        %dma_start3A_704 = arith.constant 0 : i32
        %dma_start3A_705 = tpu.memref_slice %arg11[%dma_start3A_703, %dma_start3A_704] : memref<10112x128xf32, #tpu.memory_space<vmem_shared>> -> memref<10112x128xf32, #tpu.memory_space<vmem_shared>>
        tpu.enqueue_indirect_dma source(%arg9 : memref<128x128xf32, #tpu.memory_space<vmem>>) target(%dma_start3A_705 : memref<10112x128xf32, #tpu.memory_space<vmem_shared>>) offsets(%dma_start3A_702 : memref<128xi32, #tpu.memory_space<vmem>>) semaphore(%run_scoped3A : memref<!tpu.dma_semaphore, #tpu.memory_space<semaphore_mem>>) {add = true}
        %dma_wait3A_706 = arith.constant 0 : i32
        %dma_wait3A_707 = tpu.memref_slice %arg8[%add3A_672, %dma_wait3A_706] : memref<40x128xi32, #tpu.memory_space<vmem>> -> memref<1x128xi32, #tpu.memory_space<vmem>>
        %dma_wait3A_708 = tpu.memref_squeeze %dma_wait3A_707 : memref<1x128xi32, #tpu.memory_space<vmem>> -> memref<128xi32, #tpu.memory_space<vmem>>
        %dma_wait3A_709 = arith.constant 0 : i32
        %dma_wait3A_710 = arith.constant 0 : i32
        %dma_wait3A_711 = tpu.memref_slice %arg11[%dma_wait3A_709, %dma_wait3A_710] : memref<10112x128xf32, #tpu.memory_space<vmem_shared>> -> memref<10112x128xf32, #tpu.memory_space<vmem_shared>>
        tpu.wait_indirect_dma semaphore(%run_scoped3A : memref<!tpu.dma_semaphore, #tpu.memory_space<semaphore_mem>>) src(%arg9 : memref<128x128xf32, #tpu.memory_space<vmem>>) dst(%dma_wait3A_711 : memref<10112x128xf32, #tpu.memory_space<vmem_shared>>)
        tpu.yield
      }) : () -> ()
      %mul3A_683 = arith.constant 2 : i32
      %mul3A_684 = arith.muli %scan3A_668, %mul3A_683 : i32
      %add3A_685 = arith.constant 1 : i32
      %add3A_686 = arith.addi %mul3A_684, %add3A_685 : i32
      %add3A_687 = arith.constant 1 : i32
      %add3A_688 = arith.addi %add3A_686, %add3A_687 : i32
      %lt3A_689 = arith.constant 40 : i32
      %lt3A_690 = arith.cmpi slt, %add3A_688, %lt3A_689 : i32
      %convert_element_type3A_691 = arith.extui %lt3A_690 : i1 to i32
      %cond3A_692 = arith.constant 0 : i32
      %cond3A_693 = arith.cmpi ne, %convert_element_type3A_691, %cond3A_692 : i32
      scf.if %cond3A_693 {
        %add3A_700 = arith.constant 1 : i32
        %add3A_701 = arith.addi %add3A_686, %add3A_700 : i32
        %dma_start3A_702 = arith.constant 0 : i32
        %dma_start3A_703 = tpu.memref_slice %arg7[%add3A_701, %dma_start3A_702] : memref<40x128xi32, #tpu.memory_space<vmem>> -> memref<1x128xi32, #tpu.memory_space<vmem>>
        %dma_start3A_704 = tpu.memref_squeeze %dma_start3A_703 : memref<1x128xi32, #tpu.memory_space<vmem>> -> memref<128xi32, #tpu.memory_space<vmem>>
        %dma_start3A_705 = arith.constant 0 : i32
        %dma_start3A_706 = arith.constant 0 : i32
        %dma_start3A_707 = tpu.memref_slice %arg2[%dma_start3A_705, %dma_start3A_706] : memref<10000x128xf32, #tpu.memory_space<hbm>> -> memref<10000x128xf32, #tpu.memory_space<hbm>>
        tpu.enqueue_indirect_dma source(%dma_start3A_707 : memref<10000x128xf32, #tpu.memory_space<hbm>>) target(%arg9 : memref<128x128xf32, #tpu.memory_space<vmem>>) offsets(%dma_start3A_704 : memref<128xi32, #tpu.memory_space<vmem>>) semaphore(%arg12 : memref<!tpu.dma_semaphore, #tpu.memory_space<semaphore_mem>>)
      } else {
      }
      %dma_wait3A_694 = arith.constant 0 : i32
      %dma_wait3A_695 = tpu.memref_slice %arg7[%add3A_686, %dma_wait3A_694] : memref<40x128xi32, #tpu.memory_space<vmem>> -> memref<1x128xi32, #tpu.memory_space<vmem>>
      %dma_wait3A_696 = tpu.memref_squeeze %dma_wait3A_695 : memref<1x128xi32, #tpu.memory_space<vmem>> -> memref<128xi32, #tpu.memory_space<vmem>>
      %dma_wait3A_697 = arith.constant 0 : i32
      %dma_wait3A_698 = arith.constant 0 : i32
      %dma_wait3A_699 = tpu.memref_slice %arg2[%dma_wait3A_697, %dma_wait3A_698] : memref<10000x128xf32, #tpu.memory_space<hbm>> -> memref<10000x128xf32, #tpu.memory_space<hbm>>
      tpu.wait_indirect_dma semaphore(%arg13 : memref<!tpu.dma_semaphore, #tpu.memory_space<semaphore_mem>>) src(%dma_wait3A_699 : memref<10000x128xf32, #tpu.memory_space<hbm>>) dst(%arg10 : memref<128x128xf32, #tpu.memory_space<vmem>>)
      "tpu.region"() ({
        %run_scoped3A = tpu.sem_alloc : memref<!tpu.dma_semaphore, #tpu.memory_space<semaphore_mem>>
        %dma_start3A_700 = arith.constant 0 : i32
        %dma_start3A_701 = tpu.memref_slice %arg8[%add3A_686, %dma_start3A_700] : memref<40x128xi32, #tpu.memory_space<vmem>> -> memref<1x128xi32, #tpu.memory_space<vmem>>
        %dma_start3A_702 = tpu.memref_squeeze %dma_start3A_701 : memref<1x128xi32, #tpu.memory_space<vmem>> -> memref<128xi32, #tpu.memory_space<vmem>>
        %dma_start3A_703 = arith.constant 0 : i32
        %dma_start3A_704 = arith.constant 0 : i32
        %dma_start3A_705 = tpu.memref_slice %arg11[%dma_start3A_703, %dma_start3A_704] : memref<10112x128xf32, #tpu.memory_space<vmem_shared>> -> memref<10112x128xf32, #tpu.memory_space<vmem_shared>>
        tpu.enqueue_indirect_dma source(%arg10 : memref<128x128xf32, #tpu.memory_space<vmem>>) target(%dma_start3A_705 : memref<10112x128xf32, #tpu.memory_space<vmem_shared>>) offsets(%dma_start3A_702 : memref<128xi32, #tpu.memory_space<vmem>>) semaphore(%run_scoped3A : memref<!tpu.dma_semaphore, #tpu.memory_space<semaphore_mem>>) {add = true}
        %dma_wait3A_706 = arith.constant 0 : i32
        %dma_wait3A_707 = tpu.memref_slice %arg8[%add3A_686, %dma_wait3A_706] : memref<40x128xi32, #tpu.memory_space<vmem>> -> memref<1x128xi32, #tpu.memory_space<vmem>>
        %dma_wait3A_708 = tpu.memref_squeeze %dma_wait3A_707 : memref<1x128xi32, #tpu.memory_space<vmem>> -> memref<128xi32, #tpu.memory_space<vmem>>
        %dma_wait3A_709 = arith.constant 0 : i32
        %dma_wait3A_710 = arith.constant 0 : i32
        %dma_wait3A_711 = tpu.memref_slice %arg11[%dma_wait3A_709, %dma_wait3A_710] : memref<10112x128xf32, #tpu.memory_space<vmem_shared>> -> memref<10112x128xf32, #tpu.memory_space<vmem_shared>>
        tpu.wait_indirect_dma semaphore(%run_scoped3A : memref<!tpu.dma_semaphore, #tpu.memory_space<semaphore_mem>>) src(%arg10 : memref<128x128xf32, #tpu.memory_space<vmem>>) dst(%dma_wait3A_711 : memref<10112x128xf32, #tpu.memory_space<vmem_shared>>)
        tpu.yield
      }) : () -> ()
    }
    %scan3A_499 = arith.constant 20 : i32
    %mul3A_500 = arith.constant 80 : i32
    %mul3A_501 = arith.muli %add3A, %mul3A_500 : i32
    %add3A_502 = arith.constant 40 : i32
    %add3A_503 = arith.addi %mul3A_501, %add3A_502 : i32
    "tpu.region"() ({
      %run_scoped3A = tpu.sem_alloc : memref<!tpu.dma_semaphore, #tpu.memory_space<semaphore_mem>>
      %dma_start3A_668 = arith.constant 0 : i32
      %dma_start3A_669 = tpu.memref_slice %arg3[%add3A_503, %dma_start3A_668] : memref<2560x128xi32, #tpu.memory_space<hbm>> -> memref<40x128xi32, #tpu.memory_space<hbm>>
      %dma_start3A_670 = arith.constant 0 : i32
      %dma_start3A_671 = tpu.memref_slice %arg3[%add3A_503, %dma_start3A_670] : memref<2560x128xi32, #tpu.memory_space<hbm>> -> memref<40x128xi32, #tpu.memory_space<hbm>>
      tpu.enqueue_dma source(%dma_start3A_671 : memref<40x128xi32, #tpu.memory_space<hbm>>) target(%arg7 : memref<40x128xi32, #tpu.memory_space<vmem>>) target_semaphore(%run_scoped3A : memref<!tpu.dma_semaphore, #tpu.memory_space<semaphore_mem>>)
      %dma_wait3A_672 = arith.constant 0 : i32
      %dma_wait3A_673 = tpu.memref_slice %arg3[%add3A_503, %dma_wait3A_672] : memref<2560x128xi32, #tpu.memory_space<hbm>> -> memref<40x128xi32, #tpu.memory_space<hbm>>
      %dma_wait3A_674 = arith.constant 0 : i32
      %dma_wait3A_675 = tpu.memref_slice %arg3[%add3A_503, %dma_wait3A_674] : memref<2560x128xi32, #tpu.memory_space<hbm>> -> memref<40x128xi32, #tpu.memory_space<hbm>>
      tpu.wait_dma2 semaphore(%run_scoped3A : memref<!tpu.dma_semaphore, #tpu.memory_space<semaphore_mem>>) src(%dma_wait3A_675 : memref<40x128xi32, #tpu.memory_space<hbm>>) dst(%arg7 : memref<40x128xi32, #tpu.memory_space<vmem>>)
      tpu.yield
    }) : () -> ()
    "tpu.region"() ({
      %run_scoped3A = tpu.sem_alloc : memref<!tpu.dma_semaphore, #tpu.memory_space<semaphore_mem>>
      %dma_start3A_668 = arith.constant 0 : i32
      %dma_start3A_669 = tpu.memref_slice %arg4[%add3A_503, %dma_start3A_668] : memref<2560x128xi32, #tpu.memory_space<hbm>> -> memref<40x128xi32, #tpu.memory_space<hbm>>
      %dma_start3A_670 = arith.constant 0 : i32
      %dma_start3A_671 = tpu.memref_slice %arg4[%add3A_503, %dma_start3A_670] : memref<2560x128xi32, #tpu.memory_space<hbm>> -> memref<40x128xi32, #tpu.memory_space<hbm>>
      tpu.enqueue_dma source(%dma_start3A_671 : memref<40x128xi32, #tpu.memory_space<hbm>>) target(%arg8 : memref<40x128xi32, #tpu.memory_space<vmem>>) target_semaphore(%run_scoped3A : memref<!tpu.dma_semaphore, #tpu.memory_space<semaphore_mem>>)
      %dma_wait3A_672 = arith.constant 0 : i32
      %dma_wait3A_673 = tpu.memref_slice %arg4[%add3A_503, %dma_wait3A_672] : memref<2560x128xi32, #tpu.memory_space<hbm>> -> memref<40x128xi32, #tpu.memory_space<hbm>>
      %dma_wait3A_674 = arith.constant 0 : i32
      %dma_wait3A_675 = tpu.memref_slice %arg4[%add3A_503, %dma_wait3A_674] : memref<2560x128xi32, #tpu.memory_space<hbm>> -> memref<40x128xi32, #tpu.memory_space<hbm>>
      tpu.wait_dma2 semaphore(%run_scoped3A : memref<!tpu.dma_semaphore, #tpu.memory_space<semaphore_mem>>) src(%dma_wait3A_675 : memref<40x128xi32, #tpu.memory_space<hbm>>) dst(%arg8 : memref<40x128xi32, #tpu.memory_space<vmem>>)
      tpu.yield
    }) : () -> ()
    %dma_start3A_504 = arith.constant 0 : i32
    %dma_start3A_505 = arith.constant 0 : i32
    %dma_start3A_506 = tpu.memref_slice %arg7[%dma_start3A_504, %dma_start3A_505] : memref<40x128xi32, #tpu.memory_space<vmem>> -> memref<1x128xi32, #tpu.memory_space<vmem>>
    %dma_start3A_507 = tpu.memref_squeeze %dma_start3A_506 : memref<1x128xi32, #tpu.memory_space<vmem>> -> memref<128xi32, #tpu.memory_space<vmem>>
    %dma_start3A_508 = arith.constant 0 : i32
    %dma_start3A_509 = arith.constant 0 : i32
    %dma_start3A_510 = tpu.memref_slice %arg2[%dma_start3A_508, %dma_start3A_509] : memref<10000x128xf32, #tpu.memory_space<hbm>> -> memref<10000x128xf32, #tpu.memory_space<hbm>>
    tpu.enqueue_indirect_dma source(%dma_start3A_510 : memref<10000x128xf32, #tpu.memory_space<hbm>>) target(%arg9 : memref<128x128xf32, #tpu.memory_space<vmem>>) offsets(%dma_start3A_507 : memref<128xi32, #tpu.memory_space<vmem>>) semaphore(%arg12 : memref<!tpu.dma_semaphore, #tpu.memory_space<semaphore_mem>>)
    %scan3A_511 = arith.constant 0 : i32
    %scan3A_512 = arith.constant 0 : i32
    %scan3A_513 = arith.constant 20 : i32
    %scan3A_514 = arith.addi %scan3A_512, %scan3A_513 : i32
    %scan3A_515 = arith.constant 1 : i32
    scf.for %scan3A_668 = %scan3A_512 to %scan3A_514 step %scan3A_515  : i32 {
      %mul3A_669 = arith.constant 2 : i32
      %mul3A_670 = arith.muli %scan3A_668, %mul3A_669 : i32
      %add3A_671 = arith.constant 0 : i32
      %add3A_672 = arith.addi %mul3A_670, %add3A_671 : i32
      %add3A_673 = arith.constant 1 : i32
      %add3A_674 = arith.addi %add3A_672, %add3A_673 : i32
      %lt3A = arith.constant 40 : i32
      %lt3A_675 = arith.cmpi slt, %add3A_674, %lt3A : i32
      %convert_element_type3A = arith.extui %lt3A_675 : i1 to i32
      %cond3A = arith.constant 0 : i32
      %cond3A_676 = arith.cmpi ne, %convert_element_type3A, %cond3A : i32
      scf.if %cond3A_676 {
        %add3A_700 = arith.constant 1 : i32
        %add3A_701 = arith.addi %add3A_672, %add3A_700 : i32
        %dma_start3A_702 = arith.constant 0 : i32
        %dma_start3A_703 = tpu.memref_slice %arg7[%add3A_701, %dma_start3A_702] : memref<40x128xi32, #tpu.memory_space<vmem>> -> memref<1x128xi32, #tpu.memory_space<vmem>>
        %dma_start3A_704 = tpu.memref_squeeze %dma_start3A_703 : memref<1x128xi32, #tpu.memory_space<vmem>> -> memref<128xi32, #tpu.memory_space<vmem>>
        %dma_start3A_705 = arith.constant 0 : i32
        %dma_start3A_706 = arith.constant 0 : i32
        %dma_start3A_707 = tpu.memref_slice %arg2[%dma_start3A_705, %dma_start3A_706] : memref<10000x128xf32, #tpu.memory_space<hbm>> -> memref<10000x128xf32, #tpu.memory_space<hbm>>
        tpu.enqueue_indirect_dma source(%dma_start3A_707 : memref<10000x128xf32, #tpu.memory_space<hbm>>) target(%arg10 : memref<128x128xf32, #tpu.memory_space<vmem>>) offsets(%dma_start3A_704 : memref<128xi32, #tpu.memory_space<vmem>>) semaphore(%arg13 : memref<!tpu.dma_semaphore, #tpu.memory_space<semaphore_mem>>)
      } else {
      }
      %dma_wait3A_677 = arith.constant 0 : i32
      %dma_wait3A_678 = tpu.memref_slice %arg7[%add3A_672, %dma_wait3A_677] : memref<40x128xi32, #tpu.memory_space<vmem>> -> memref<1x128xi32, #tpu.memory_space<vmem>>
      %dma_wait3A_679 = tpu.memref_squeeze %dma_wait3A_678 : memref<1x128xi32, #tpu.memory_space<vmem>> -> memref<128xi32, #tpu.memory_space<vmem>>
      %dma_wait3A_680 = arith.constant 0 : i32
      %dma_wait3A_681 = arith.constant 0 : i32
      %dma_wait3A_682 = tpu.memref_slice %arg2[%dma_wait3A_680, %dma_wait3A_681] : memref<10000x128xf32, #tpu.memory_space<hbm>> -> memref<10000x128xf32, #tpu.memory_space<hbm>>
      tpu.wait_indirect_dma semaphore(%arg12 : memref<!tpu.dma_semaphore, #tpu.memory_space<semaphore_mem>>) src(%dma_wait3A_682 : memref<10000x128xf32, #tpu.memory_space<hbm>>) dst(%arg9 : memref<128x128xf32, #tpu.memory_space<vmem>>)
      "tpu.region"() ({
        %run_scoped3A = tpu.sem_alloc : memref<!tpu.dma_semaphore, #tpu.memory_space<semaphore_mem>>
        %dma_start3A_700 = arith.constant 0 : i32
        %dma_start3A_701 = tpu.memref_slice %arg8[%add3A_672, %dma_start3A_700] : memref<40x128xi32, #tpu.memory_space<vmem>> -> memref<1x128xi32, #tpu.memory_space<vmem>>
        %dma_start3A_702 = tpu.memref_squeeze %dma_start3A_701 : memref<1x128xi32, #tpu.memory_space<vmem>> -> memref<128xi32, #tpu.memory_space<vmem>>
        %dma_start3A_703 = arith.constant 0 : i32
        %dma_start3A_704 = arith.constant 0 : i32
        %dma_start3A_705 = tpu.memref_slice %arg11[%dma_start3A_703, %dma_start3A_704] : memref<10112x128xf32, #tpu.memory_space<vmem_shared>> -> memref<10112x128xf32, #tpu.memory_space<vmem_shared>>
        tpu.enqueue_indirect_dma source(%arg9 : memref<128x128xf32, #tpu.memory_space<vmem>>) target(%dma_start3A_705 : memref<10112x128xf32, #tpu.memory_space<vmem_shared>>) offsets(%dma_start3A_702 : memref<128xi32, #tpu.memory_space<vmem>>) semaphore(%run_scoped3A : memref<!tpu.dma_semaphore, #tpu.memory_space<semaphore_mem>>) {add = true}
        %dma_wait3A_706 = arith.constant 0 : i32
        %dma_wait3A_707 = tpu.memref_slice %arg8[%add3A_672, %dma_wait3A_706] : memref<40x128xi32, #tpu.memory_space<vmem>> -> memref<1x128xi32, #tpu.memory_space<vmem>>
        %dma_wait3A_708 = tpu.memref_squeeze %dma_wait3A_707 : memref<1x128xi32, #tpu.memory_space<vmem>> -> memref<128xi32, #tpu.memory_space<vmem>>
        %dma_wait3A_709 = arith.constant 0 : i32
        %dma_wait3A_710 = arith.constant 0 : i32
        %dma_wait3A_711 = tpu.memref_slice %arg11[%dma_wait3A_709, %dma_wait3A_710] : memref<10112x128xf32, #tpu.memory_space<vmem_shared>> -> memref<10112x128xf32, #tpu.memory_space<vmem_shared>>
        tpu.wait_indirect_dma semaphore(%run_scoped3A : memref<!tpu.dma_semaphore, #tpu.memory_space<semaphore_mem>>) src(%arg9 : memref<128x128xf32, #tpu.memory_space<vmem>>) dst(%dma_wait3A_711 : memref<10112x128xf32, #tpu.memory_space<vmem_shared>>)
        tpu.yield
      }) : () -> ()
      %mul3A_683 = arith.constant 2 : i32
      %mul3A_684 = arith.muli %scan3A_668, %mul3A_683 : i32
      %add3A_685 = arith.constant 1 : i32
      %add3A_686 = arith.addi %mul3A_684, %add3A_685 : i32
      %add3A_687 = arith.constant 1 : i32
      %add3A_688 = arith.addi %add3A_686, %add3A_687 : i32
      %lt3A_689 = arith.constant 40 : i32
      %lt3A_690 = arith.cmpi slt, %add3A_688, %lt3A_689 : i32
      %convert_element_type3A_691 = arith.extui %lt3A_690 : i1 to i32
      %cond3A_692 = arith.constant 0 : i32
      %cond3A_693 = arith.cmpi ne, %convert_element_type3A_691, %cond3A_692 : i32
      scf.if %cond3A_693 {
        %add3A_700 = arith.constant 1 : i32
        %add3A_701 = arith.addi %add3A_686, %add3A_700 : i32
        %dma_start3A_702 = arith.constant 0 : i32
        %dma_start3A_703 = tpu.memref_slice %arg7[%add3A_701, %dma_start3A_702] : memref<40x128xi32, #tpu.memory_space<vmem>> -> memref<1x128xi32, #tpu.memory_space<vmem>>
        %dma_start3A_704 = tpu.memref_squeeze %dma_start3A_703 : memref<1x128xi32, #tpu.memory_space<vmem>> -> memref<128xi32, #tpu.memory_space<vmem>>
        %dma_start3A_705 = arith.constant 0 : i32
        %dma_start3A_706 = arith.constant 0 : i32
        %dma_start3A_707 = tpu.memref_slice %arg2[%dma_start3A_705, %dma_start3A_706] : memref<10000x128xf32, #tpu.memory_space<hbm>> -> memref<10000x128xf32, #tpu.memory_space<hbm>>
        tpu.enqueue_indirect_dma source(%dma_start3A_707 : memref<10000x128xf32, #tpu.memory_space<hbm>>) target(%arg9 : memref<128x128xf32, #tpu.memory_space<vmem>>) offsets(%dma_start3A_704 : memref<128xi32, #tpu.memory_space<vmem>>) semaphore(%arg12 : memref<!tpu.dma_semaphore, #tpu.memory_space<semaphore_mem>>)
      } else {
      }
      %dma_wait3A_694 = arith.constant 0 : i32
      %dma_wait3A_695 = tpu.memref_slice %arg7[%add3A_686, %dma_wait3A_694] : memref<40x128xi32, #tpu.memory_space<vmem>> -> memref<1x128xi32, #tpu.memory_space<vmem>>
      %dma_wait3A_696 = tpu.memref_squeeze %dma_wait3A_695 : memref<1x128xi32, #tpu.memory_space<vmem>> -> memref<128xi32, #tpu.memory_space<vmem>>
      %dma_wait3A_697 = arith.constant 0 : i32
      %dma_wait3A_698 = arith.constant 0 : i32
      %dma_wait3A_699 = tpu.memref_slice %arg2[%dma_wait3A_697, %dma_wait3A_698] : memref<10000x128xf32, #tpu.memory_space<hbm>> -> memref<10000x128xf32, #tpu.memory_space<hbm>>
      tpu.wait_indirect_dma semaphore(%arg13 : memref<!tpu.dma_semaphore, #tpu.memory_space<semaphore_mem>>) src(%dma_wait3A_699 : memref<10000x128xf32, #tpu.memory_space<hbm>>) dst(%arg10 : memref<128x128xf32, #tpu.memory_space<vmem>>)
      "tpu.region"() ({
        %run_scoped3A = tpu.sem_alloc : memref<!tpu.dma_semaphore, #tpu.memory_space<semaphore_mem>>
        %dma_start3A_700 = arith.constant 0 : i32
        %dma_start3A_701 = tpu.memref_slice %arg8[%add3A_686, %dma_start3A_700] : memref<40x128xi32, #tpu.memory_space<vmem>> -> memref<1x128xi32, #tpu.memory_space<vmem>>
        %dma_start3A_702 = tpu.memref_squeeze %dma_start3A_701 : memref<1x128xi32, #tpu.memory_space<vmem>> -> memref<128xi32, #tpu.memory_space<vmem>>
        %dma_start3A_703 = arith.constant 0 : i32
        %dma_start3A_704 = arith.constant 0 : i32
        %dma_start3A_705 = tpu.memref_slice %arg11[%dma_start3A_703, %dma_start3A_704] : memref<10112x128xf32, #tpu.memory_space<vmem_shared>> -> memref<10112x128xf32, #tpu.memory_space<vmem_shared>>
        tpu.enqueue_indirect_dma source(%arg10 : memref<128x128xf32, #tpu.memory_space<vmem>>) target(%dma_start3A_705 : memref<10112x128xf32, #tpu.memory_space<vmem_shared>>) offsets(%dma_start3A_702 : memref<128xi32, #tpu.memory_space<vmem>>) semaphore(%run_scoped3A : memref<!tpu.dma_semaphore, #tpu.memory_space<semaphore_mem>>) {add = true}
        %dma_wait3A_706 = arith.constant 0 : i32
        %dma_wait3A_707 = tpu.memref_slice %arg8[%add3A_686, %dma_wait3A_706] : memref<40x128xi32, #tpu.memory_space<vmem>> -> memref<1x128xi32, #tpu.memory_space<vmem>>
        %dma_wait3A_708 = tpu.memref_squeeze %dma_wait3A_707 : memref<1x128xi32, #tpu.memory_space<vmem>> -> memref<128xi32, #tpu.memory_space<vmem>>
        %dma_wait3A_709 = arith.constant 0 : i32
        %dma_wait3A_710 = arith.constant 0 : i32
        %dma_wait3A_711 = tpu.memref_slice %arg11[%dma_wait3A_709, %dma_wait3A_710] : memref<10112x128xf32, #tpu.memory_space<vmem_shared>> -> memref<10112x128xf32, #tpu.memory_space<vmem_shared>>
        tpu.wait_indirect_dma semaphore(%run_scoped3A : memref<!tpu.dma_semaphore, #tpu.memory_space<semaphore_mem>>) src(%arg10 : memref<128x128xf32, #tpu.memory_space<vmem>>) dst(%dma_wait3A_711 : memref<10112x128xf32, #tpu.memory_space<vmem_shared>>)
        tpu.yield
      }) : () -> ()
    }
    %scan3A_516 = arith.constant 20 : i32
    %barrier3A_517 = arith.constant 0 : index
    tpu.barrier barrier_id(%barrier3A_517)
    %mul3A_518 = arith.constant 632 : i32
    %mul3A_519 = arith.muli %arg1, %mul3A_518 : i32
    %add3A_520 = arith.constant 0 : i32
    %add3A_521 = arith.addi %mul3A_519, %add3A_520 : i32
    %mul3A_522 = arith.constant 10112 : i32
    %mul3A_523 = arith.muli %arg0, %mul3A_522 : i32
    %mul3A_524 = arith.constant 632 : i32
    %mul3A_525 = arith.muli %arg1, %mul3A_524 : i32
    %add3A_526 = arith.addi %mul3A_523, %mul3A_525 : i32
    %add3A_527 = arith.constant 0 : i32
    %add3A_528 = arith.addi %add3A_526, %add3A_527 : i32
    %dma_start3A_529 = arith.constant 0 : i32
    %dma_start3A_530 = tpu.memref_slice %arg5[%add3A_528, %dma_start3A_529] : memref<20224x128xf32, #tpu.memory_space<hbm>> -> memref<128x128xf32, #tpu.memory_space<hbm>>
    %dma_start3A_531 = arith.constant 0 : i32
    %dma_start3A_532 = tpu.memref_slice %arg11[%add3A_521, %dma_start3A_531] : memref<10112x128xf32, #tpu.memory_space<vmem_shared>> -> memref<128x128xf32, #tpu.memory_space<vmem_shared>>
    tpu.enqueue_dma source(%dma_start3A_532 : memref<128x128xf32, #tpu.memory_space<vmem_shared>>) target(%dma_start3A_530 : memref<128x128xf32, #tpu.memory_space<hbm>>) target_semaphore(%arg15 : memref<!tpu.dma_semaphore, #tpu.memory_space<semaphore_mem>>)
    %mul3A_533 = arith.constant 632 : i32
    %mul3A_534 = arith.muli %arg1, %mul3A_533 : i32
    %add3A_535 = arith.constant 128 : i32
    %add3A_536 = arith.addi %mul3A_534, %add3A_535 : i32
    %mul3A_537 = arith.constant 10112 : i32
    %mul3A_538 = arith.muli %arg0, %mul3A_537 : i32
    %mul3A_539 = arith.constant 632 : i32
    %mul3A_540 = arith.muli %arg1, %mul3A_539 : i32
    %add3A_541 = arith.addi %mul3A_538, %mul3A_540 : i32
    %add3A_542 = arith.constant 128 : i32
    %add3A_543 = arith.addi %add3A_541, %add3A_542 : i32
    %dma_start3A_544 = arith.constant 0 : i32
    %dma_start3A_545 = tpu.memref_slice %arg5[%add3A_543, %dma_start3A_544] : memref<20224x128xf32, #tpu.memory_space<hbm>> -> memref<128x128xf32, #tpu.memory_space<hbm>>
    %dma_start3A_546 = arith.constant 0 : i32
    %dma_start3A_547 = tpu.memref_slice %arg11[%add3A_536, %dma_start3A_546] : memref<10112x128xf32, #tpu.memory_space<vmem_shared>> -> memref<128x128xf32, #tpu.memory_space<vmem_shared>>
    tpu.enqueue_dma source(%dma_start3A_547 : memref<128x128xf32, #tpu.memory_space<vmem_shared>>) target(%dma_start3A_545 : memref<128x128xf32, #tpu.memory_space<hbm>>) target_semaphore(%arg15 : memref<!tpu.dma_semaphore, #tpu.memory_space<semaphore_mem>>)
    %mul3A_548 = arith.constant 632 : i32
    %mul3A_549 = arith.muli %arg1, %mul3A_548 : i32
    %add3A_550 = arith.constant 256 : i32
    %add3A_551 = arith.addi %mul3A_549, %add3A_550 : i32
    %mul3A_552 = arith.constant 10112 : i32
    %mul3A_553 = arith.muli %arg0, %mul3A_552 : i32
    %mul3A_554 = arith.constant 632 : i32
    %mul3A_555 = arith.muli %arg1, %mul3A_554 : i32
    %add3A_556 = arith.addi %mul3A_553, %mul3A_555 : i32
    %add3A_557 = arith.constant 256 : i32
    %add3A_558 = arith.addi %add3A_556, %add3A_557 : i32
    %dma_start3A_559 = arith.constant 0 : i32
    %dma_start3A_560 = tpu.memref_slice %arg5[%add3A_558, %dma_start3A_559] : memref<20224x128xf32, #tpu.memory_space<hbm>> -> memref<128x128xf32, #tpu.memory_space<hbm>>
    %dma_start3A_561 = arith.constant 0 : i32
    %dma_start3A_562 = tpu.memref_slice %arg11[%add3A_551, %dma_start3A_561] : memref<10112x128xf32, #tpu.memory_space<vmem_shared>> -> memref<128x128xf32, #tpu.memory_space<vmem_shared>>
    tpu.enqueue_dma source(%dma_start3A_562 : memref<128x128xf32, #tpu.memory_space<vmem_shared>>) target(%dma_start3A_560 : memref<128x128xf32, #tpu.memory_space<hbm>>) target_semaphore(%arg15 : memref<!tpu.dma_semaphore, #tpu.memory_space<semaphore_mem>>)
    %mul3A_563 = arith.constant 632 : i32
    %mul3A_564 = arith.muli %arg1, %mul3A_563 : i32
    %add3A_565 = arith.constant 384 : i32
    %add3A_566 = arith.addi %mul3A_564, %add3A_565 : i32
    %mul3A_567 = arith.constant 10112 : i32
    %mul3A_568 = arith.muli %arg0, %mul3A_567 : i32
    %mul3A_569 = arith.constant 632 : i32
    %mul3A_570 = arith.muli %arg1, %mul3A_569 : i32
    %add3A_571 = arith.addi %mul3A_568, %mul3A_570 : i32
    %add3A_572 = arith.constant 384 : i32
    %add3A_573 = arith.addi %add3A_571, %add3A_572 : i32
    %dma_start3A_574 = arith.constant 0 : i32
    %dma_start3A_575 = tpu.memref_slice %arg5[%add3A_573, %dma_start3A_574] : memref<20224x128xf32, #tpu.memory_space<hbm>> -> memref<128x128xf32, #tpu.memory_space<hbm>>
    %dma_start3A_576 = arith.constant 0 : i32
    %dma_start3A_577 = tpu.memref_slice %arg11[%add3A_566, %dma_start3A_576] : memref<10112x128xf32, #tpu.memory_space<vmem_shared>> -> memref<128x128xf32, #tpu.memory_space<vmem_shared>>
    tpu.enqueue_dma source(%dma_start3A_577 : memref<128x128xf32, #tpu.memory_space<vmem_shared>>) target(%dma_start3A_575 : memref<128x128xf32, #tpu.memory_space<hbm>>) target_semaphore(%arg15 : memref<!tpu.dma_semaphore, #tpu.memory_space<semaphore_mem>>)
    %mul3A_578 = arith.constant 632 : i32
    %mul3A_579 = arith.muli %arg1, %mul3A_578 : i32
    %add3A_580 = arith.constant 512 : i32
    %add3A_581 = arith.addi %mul3A_579, %add3A_580 : i32
    %mul3A_582 = arith.constant 10112 : i32
    %mul3A_583 = arith.muli %arg0, %mul3A_582 : i32
    %mul3A_584 = arith.constant 632 : i32
    %mul3A_585 = arith.muli %arg1, %mul3A_584 : i32
    %add3A_586 = arith.addi %mul3A_583, %mul3A_585 : i32
    %add3A_587 = arith.constant 512 : i32
    %add3A_588 = arith.addi %add3A_586, %add3A_587 : i32
    %dma_start3A_589 = arith.constant 0 : i32
    %dma_start3A_590 = tpu.memref_slice %arg5[%add3A_588, %dma_start3A_589] : memref<20224x128xf32, #tpu.memory_space<hbm>> -> memref<120x128xf32, #tpu.memory_space<hbm>>
    %dma_start3A_591 = arith.constant 0 : i32
    %dma_start3A_592 = tpu.memref_slice %arg11[%add3A_581, %dma_start3A_591] : memref<10112x128xf32, #tpu.memory_space<vmem_shared>> -> memref<120x128xf32, #tpu.memory_space<vmem_shared>>
    tpu.enqueue_dma source(%dma_start3A_592 : memref<120x128xf32, #tpu.memory_space<vmem_shared>>) target(%dma_start3A_590 : memref<120x128xf32, #tpu.memory_space<hbm>>) target_semaphore(%arg15 : memref<!tpu.dma_semaphore, #tpu.memory_space<semaphore_mem>>)
    %mul3A_593 = arith.constant 632 : i32
    %mul3A_594 = arith.muli %arg1, %mul3A_593 : i32
    %add3A_595 = arith.constant 0 : i32
    %add3A_596 = arith.addi %mul3A_594, %add3A_595 : i32
    %mul3A_597 = arith.constant 10112 : i32
    %mul3A_598 = arith.muli %arg0, %mul3A_597 : i32
    %mul3A_599 = arith.constant 632 : i32
    %mul3A_600 = arith.muli %arg1, %mul3A_599 : i32
    %add3A_601 = arith.addi %mul3A_598, %mul3A_600 : i32
    %add3A_602 = arith.constant 0 : i32
    %add3A_603 = arith.addi %add3A_601, %add3A_602 : i32
    %dma_wait3A_604 = arith.constant 0 : i32
    %dma_wait3A_605 = tpu.memref_slice %arg5[%add3A_603, %dma_wait3A_604] : memref<20224x128xf32, #tpu.memory_space<hbm>> -> memref<128x128xf32, #tpu.memory_space<hbm>>
    %dma_wait3A_606 = arith.constant 0 : i32
    %dma_wait3A_607 = tpu.memref_slice %arg11[%add3A_596, %dma_wait3A_606] : memref<10112x128xf32, #tpu.memory_space<vmem_shared>> -> memref<128x128xf32, #tpu.memory_space<vmem_shared>>
    tpu.wait_dma2 semaphore(%arg15 : memref<!tpu.dma_semaphore, #tpu.memory_space<semaphore_mem>>) src(%dma_wait3A_607 : memref<128x128xf32, #tpu.memory_space<vmem_shared>>) dst(%dma_wait3A_605 : memref<128x128xf32, #tpu.memory_space<hbm>>)
    %mul3A_608 = arith.constant 632 : i32
    %mul3A_609 = arith.muli %arg1, %mul3A_608 : i32
    %add3A_610 = arith.constant 128 : i32
    %add3A_611 = arith.addi %mul3A_609, %add3A_610 : i32
    %mul3A_612 = arith.constant 10112 : i32
    %mul3A_613 = arith.muli %arg0, %mul3A_612 : i32
    %mul3A_614 = arith.constant 632 : i32
    %mul3A_615 = arith.muli %arg1, %mul3A_614 : i32
    %add3A_616 = arith.addi %mul3A_613, %mul3A_615 : i32
    %add3A_617 = arith.constant 128 : i32
    %add3A_618 = arith.addi %add3A_616, %add3A_617 : i32
    %dma_wait3A_619 = arith.constant 0 : i32
    %dma_wait3A_620 = tpu.memref_slice %arg5[%add3A_618, %dma_wait3A_619] : memref<20224x128xf32, #tpu.memory_space<hbm>> -> memref<128x128xf32, #tpu.memory_space<hbm>>
    %dma_wait3A_621 = arith.constant 0 : i32
    %dma_wait3A_622 = tpu.memref_slice %arg11[%add3A_611, %dma_wait3A_621] : memref<10112x128xf32, #tpu.memory_space<vmem_shared>> -> memref<128x128xf32, #tpu.memory_space<vmem_shared>>
    tpu.wait_dma2 semaphore(%arg15 : memref<!tpu.dma_semaphore, #tpu.memory_space<semaphore_mem>>) src(%dma_wait3A_622 : memref<128x128xf32, #tpu.memory_space<vmem_shared>>) dst(%dma_wait3A_620 : memref<128x128xf32, #tpu.memory_space<hbm>>)
    %mul3A_623 = arith.constant 632 : i32
    %mul3A_624 = arith.muli %arg1, %mul3A_623 : i32
    %add3A_625 = arith.constant 256 : i32
    %add3A_626 = arith.addi %mul3A_624, %add3A_625 : i32
    %mul3A_627 = arith.constant 10112 : i32
    %mul3A_628 = arith.muli %arg0, %mul3A_627 : i32
    %mul3A_629 = arith.constant 632 : i32
    %mul3A_630 = arith.muli %arg1, %mul3A_629 : i32
    %add3A_631 = arith.addi %mul3A_628, %mul3A_630 : i32
    %add3A_632 = arith.constant 256 : i32
    %add3A_633 = arith.addi %add3A_631, %add3A_632 : i32
    %dma_wait3A_634 = arith.constant 0 : i32
    %dma_wait3A_635 = tpu.memref_slice %arg5[%add3A_633, %dma_wait3A_634] : memref<20224x128xf32, #tpu.memory_space<hbm>> -> memref<128x128xf32, #tpu.memory_space<hbm>>
    %dma_wait3A_636 = arith.constant 0 : i32
    %dma_wait3A_637 = tpu.memref_slice %arg11[%add3A_626, %dma_wait3A_636] : memref<10112x128xf32, #tpu.memory_space<vmem_shared>> -> memref<128x128xf32, #tpu.memory_space<vmem_shared>>
    tpu.wait_dma2 semaphore(%arg15 : memref<!tpu.dma_semaphore, #tpu.memory_space<semaphore_mem>>) src(%dma_wait3A_637 : memref<128x128xf32, #tpu.memory_space<vmem_shared>>) dst(%dma_wait3A_635 : memref<128x128xf32, #tpu.memory_space<hbm>>)
    %mul3A_638 = arith.constant 632 : i32
    %mul3A_639 = arith.muli %arg1, %mul3A_638 : i32
    %add3A_640 = arith.constant 384 : i32
    %add3A_641 = arith.addi %mul3A_639, %add3A_640 : i32
    %mul3A_642 = arith.constant 10112 : i32
    %mul3A_643 = arith.muli %arg0, %mul3A_642 : i32
    %mul3A_644 = arith.constant 632 : i32
    %mul3A_645 = arith.muli %arg1, %mul3A_644 : i32
    %add3A_646 = arith.addi %mul3A_643, %mul3A_645 : i32
    %add3A_647 = arith.constant 384 : i32
    %add3A_648 = arith.addi %add3A_646, %add3A_647 : i32
    %dma_wait3A_649 = arith.constant 0 : i32
    %dma_wait3A_650 = tpu.memref_slice %arg5[%add3A_648, %dma_wait3A_649] : memref<20224x128xf32, #tpu.memory_space<hbm>> -> memref<128x128xf32, #tpu.memory_space<hbm>>
    %dma_wait3A_651 = arith.constant 0 : i32
    %dma_wait3A_652 = tpu.memref_slice %arg11[%add3A_641, %dma_wait3A_651] : memref<10112x128xf32, #tpu.memory_space<vmem_shared>> -> memref<128x128xf32, #tpu.memory_space<vmem_shared>>
    tpu.wait_dma2 semaphore(%arg15 : memref<!tpu.dma_semaphore, #tpu.memory_space<semaphore_mem>>) src(%dma_wait3A_652 : memref<128x128xf32, #tpu.memory_space<vmem_shared>>) dst(%dma_wait3A_650 : memref<128x128xf32, #tpu.memory_space<hbm>>)
    %mul3A_653 = arith.constant 632 : i32
    %mul3A_654 = arith.muli %arg1, %mul3A_653 : i32
    %add3A_655 = arith.constant 512 : i32
    %add3A_656 = arith.addi %mul3A_654, %add3A_655 : i32
    %mul3A_657 = arith.constant 10112 : i32
    %mul3A_658 = arith.muli %arg0, %mul3A_657 : i32
    %mul3A_659 = arith.constant 632 : i32
    %mul3A_660 = arith.muli %arg1, %mul3A_659 : i32
    %add3A_661 = arith.addi %mul3A_658, %mul3A_660 : i32
    %add3A_662 = arith.constant 512 : i32
    %add3A_663 = arith.addi %add3A_661, %add3A_662 : i32
    %dma_wait3A_664 = arith.constant 0 : i32
    %dma_wait3A_665 = tpu.memref_slice %arg5[%add3A_663, %dma_wait3A_664] : memref<20224x128xf32, #tpu.memory_space<hbm>> -> memref<120x128xf32, #tpu.memory_space<hbm>>
    %dma_wait3A_666 = arith.constant 0 : i32
    %dma_wait3A_667 = tpu.memref_slice %arg11[%add3A_656, %dma_wait3A_666] : memref<10112x128xf32, #tpu.memory_space<vmem_shared>> -> memref<120x128xf32, #tpu.memory_space<vmem_shared>>
    tpu.wait_dma2 semaphore(%arg15 : memref<!tpu.dma_semaphore, #tpu.memory_space<semaphore_mem>>) src(%dma_wait3A_667 : memref<120x128xf32, #tpu.memory_space<vmem_shared>>) dst(%dma_wait3A_665 : memref<120x128xf32, #tpu.memory_space<hbm>>)
    return
  }
}

#map = affine_map<(d0, d1) -> (0, 0)>
module attributes {stable_mosaic.version = 14 : i64} {
  func.func @body(%arg0: i32, %arg1: i32, %arg2: memref<10000x128xf32, #tpu.memory_space<hbm>>, %arg3: memref<2560x128xi32, #tpu.memory_space<hbm>>, %arg4: memref<2560x128xi32, #tpu.memory_space<hbm>>, %arg5: memref<20224x128xf32, #tpu.memory_space<hbm>>, %arg6: memref<40x128xi32, #tpu.memory_space<vmem>>, %arg7: memref<40x128xi32, #tpu.memory_space<vmem>>, %arg8: memref<128x128xf32, #tpu.memory_space<vmem>>, %arg9: memref<128x128xf32, #tpu.memory_space<vmem>>, %arg10: memref<10112x128xf32, #tpu.memory_space<vmem_shared>>, %arg11: memref<!tpu.dma_semaphore, #tpu.memory_space<semaphore_mem>>, %arg12: memref<!tpu.dma_semaphore, #tpu.memory_space<semaphore_mem>>, %arg13: memref<!tpu.dma_semaphore, #tpu.memory_space<semaphore_mem>>, %arg14: memref<!tpu.dma_semaphore, #tpu.memory_space<semaphore_mem>>) attributes {dimension_semantics = [#tpu.dimension_semantics<core_parallel>, #tpu.dimension_semantics<subcore_parallel>], iteration_bounds = array<i64: 2, 16>, scalar_prefetch = 0 : i64, scratch_operands = 9 : i64, tpu.core_type = #tpu.core_type<sc_vector_subcore>, window_params = [{transform_indices = #map}, {transform_indices = #map}, {transform_indices = #map}, {transform_indices = #map}]} {
    %mul3A = arith.constant 2 : i32
    %mul3A_0 = arith.muli %arg1, %mul3A : i32
    %add3A = arith.addi %mul3A_0, %arg0 : i32
    %scan3A = arith.constant 0 : i32
    %scan3A_1 = arith.constant 0 : i32
    %scan3A_2 = arith.constant 128 : i32
    %scan3A_3 = arith.addi %scan3A_1, %scan3A_2 : i32
    %scan3A_4 = arith.constant 1 : i32
    scf.for %scan3A_329 = %scan3A_1 to %scan3A_3 step %scan3A_4  : i32 {
      %scan3A_330 = arith.constant 0 : i32
      %scan3A_331 = arith.constant 8 : i32
      %scan3A_332 = arith.addi %scan3A_330, %scan3A_331 : i32
      %scan3A_333 = arith.constant 1 : i32
      scf.for %scan3A_335 = %scan3A_330 to %scan3A_332 step %scan3A_333  : i32 {
        %broadcast_in_dim3A = arith.constant 0.000000e+00 : f32
        %broadcast_in_dim3A_336 = vector.broadcast %broadcast_in_dim3A : f32 to vector<16xf32>
        %mul3A_337 = arith.constant 16 : i32
        %mul3A_338 = arith.muli %scan3A_335, %mul3A_337 : i32
        %swap3A = arith.index_cast %scan3A_329 : i32 to index
        %swap3A_339 = arith.index_cast %mul3A_338 : i32 to index
        %swap3A_340 = tpu.vector_load %arg8[%swap3A, %swap3A_339] {strides = array<i32>} : memref<128x128xf32, #tpu.memory_space<vmem>>, vector<1x16xf32>,
        %swap3A_341 = vector.shape_cast %swap3A_340 : vector<1x16xf32> to vector<16xf32>
        %swap3A_342 = vector.shape_cast %broadcast_in_dim3A_336 : vector<16xf32> to vector<1x16xf32>
        tpu.vector_store %arg8[%swap3A, %swap3A_339], %swap3A_342 {strides = array<i32>} : memref<128x128xf32, #tpu.memory_space<vmem>>, vector<1x16xf32>,
      }
      %scan3A_334 = arith.constant 8 : i32
    }
    %scan3A_5 = arith.constant 128 : i32
    %mul3A_6 = arith.constant 632 : i32
    %mul3A_7 = arith.muli %arg1, %mul3A_6 : i32
    %add3A_8 = arith.constant 0 : i32
    %add3A_9 = arith.addi %mul3A_7, %add3A_8 : i32
    %dma_start3A = arith.constant 0 : i32
    %dma_start3A_10 = arith.constant 0 : i32
    %dma_start3A_11 = tpu.memref_slice %arg8[%dma_start3A, %dma_start3A_10] : memref<128x128xf32, #tpu.memory_space<vmem>> -> memref<128x128xf32, #tpu.memory_space<vmem>>
    %dma_start3A_12 = arith.constant 0 : i32
    %dma_start3A_13 = tpu.memref_slice %arg10[%add3A_9, %dma_start3A_12] : memref<10112x128xf32, #tpu.memory_space<vmem_shared>> -> memref<128x128xf32, #tpu.memory_space<vmem_shared>>
    %dma_start3A_14 = arith.constant 0 : i32
    %dma_start3A_15 = tpu.memref_slice %arg10[%add3A_9, %dma_start3A_14] : memref<10112x128xf32, #tpu.memory_space<vmem_shared>> -> memref<128x128xf32, #tpu.memory_space<vmem_shared>>
    %dma_start3A_16 = arith.constant 0 : i32
    %dma_start3A_17 = arith.constant 0 : i32
    %dma_start3A_18 = tpu.memref_slice %arg8[%dma_start3A_16, %dma_start3A_17] : memref<128x128xf32, #tpu.memory_space<vmem>> -> memref<128x128xf32, #tpu.memory_space<vmem>>
    tpu.enqueue_dma source(%dma_start3A_18 : memref<128x128xf32, #tpu.memory_space<vmem>>) target(%dma_start3A_15 : memref<128x128xf32, #tpu.memory_space<vmem_shared>>) target_semaphore(%arg13 : memref<!tpu.dma_semaphore, #tpu.memory_space<semaphore_mem>>)
    %mul3A_19 = arith.constant 632 : i32
    %mul3A_20 = arith.muli %arg1, %mul3A_19 : i32
    %add3A_21 = arith.constant 128 : i32
    %add3A_22 = arith.addi %mul3A_20, %add3A_21 : i32
    %dma_start3A_23 = arith.constant 0 : i32
    %dma_start3A_24 = arith.constant 0 : i32
    %dma_start3A_25 = tpu.memref_slice %arg8[%dma_start3A_23, %dma_start3A_24] : memref<128x128xf32, #tpu.memory_space<vmem>> -> memref<128x128xf32, #tpu.memory_space<vmem>>
    %dma_start3A_26 = arith.constant 0 : i32
    %dma_start3A_27 = tpu.memref_slice %arg10[%add3A_22, %dma_start3A_26] : memref<10112x128xf32, #tpu.memory_space<vmem_shared>> -> memref<128x128xf32, #tpu.memory_space<vmem_shared>>
    %dma_start3A_28 = arith.constant 0 : i32
    %dma_start3A_29 = tpu.memref_slice %arg10[%add3A_22, %dma_start3A_28] : memref<10112x128xf32, #tpu.memory_space<vmem_shared>> -> memref<128x128xf32, #tpu.memory_space<vmem_shared>>
    %dma_start3A_30 = arith.constant 0 : i32
    %dma_start3A_31 = arith.constant 0 : i32
    %dma_start3A_32 = tpu.memref_slice %arg8[%dma_start3A_30, %dma_start3A_31] : memref<128x128xf32, #tpu.memory_space<vmem>> -> memref<128x128xf32, #tpu.memory_space<vmem>>
    tpu.enqueue_dma source(%dma_start3A_32 : memref<128x128xf32, #tpu.memory_space<vmem>>) target(%dma_start3A_29 : memref<128x128xf32, #tpu.memory_space<vmem_shared>>) target_semaphore(%arg13 : memref<!tpu.dma_semaphore, #tpu.memory_space<semaphore_mem>>)
    %mul3A_33 = arith.constant 632 : i32
    %mul3A_34 = arith.muli %arg1, %mul3A_33 : i32
    %add3A_35 = arith.constant 256 : i32
    %add3A_36 = arith.addi %mul3A_34, %add3A_35 : i32
    %dma_start3A_37 = arith.constant 0 : i32
    %dma_start3A_38 = arith.constant 0 : i32
    %dma_start3A_39 = tpu.memref_slice %arg8[%dma_start3A_37, %dma_start3A_38] : memref<128x128xf32, #tpu.memory_space<vmem>> -> memref<128x128xf32, #tpu.memory_space<vmem>>
    %dma_start3A_40 = arith.constant 0 : i32
    %dma_start3A_41 = tpu.memref_slice %arg10[%add3A_36, %dma_start3A_40] : memref<10112x128xf32, #tpu.memory_space<vmem_shared>> -> memref<128x128xf32, #tpu.memory_space<vmem_shared>>
    %dma_start3A_42 = arith.constant 0 : i32
    %dma_start3A_43 = tpu.memref_slice %arg10[%add3A_36, %dma_start3A_42] : memref<10112x128xf32, #tpu.memory_space<vmem_shared>> -> memref<128x128xf32, #tpu.memory_space<vmem_shared>>
    %dma_start3A_44 = arith.constant 0 : i32
    %dma_start3A_45 = arith.constant 0 : i32
    %dma_start3A_46 = tpu.memref_slice %arg8[%dma_start3A_44, %dma_start3A_45] : memref<128x128xf32, #tpu.memory_space<vmem>> -> memref<128x128xf32, #tpu.memory_space<vmem>>
    tpu.enqueue_dma source(%dma_start3A_46 : memref<128x128xf32, #tpu.memory_space<vmem>>) target(%dma_start3A_43 : memref<128x128xf32, #tpu.memory_space<vmem_shared>>) target_semaphore(%arg13 : memref<!tpu.dma_semaphore, #tpu.memory_space<semaphore_mem>>)
    %mul3A_47 = arith.constant 632 : i32
    %mul3A_48 = arith.muli %arg1, %mul3A_47 : i32
    %add3A_49 = arith.constant 384 : i32
    %add3A_50 = arith.addi %mul3A_48, %add3A_49 : i32
    %dma_start3A_51 = arith.constant 0 : i32
    %dma_start3A_52 = arith.constant 0 : i32
    %dma_start3A_53 = tpu.memref_slice %arg8[%dma_start3A_51, %dma_start3A_52] : memref<128x128xf32, #tpu.memory_space<vmem>> -> memref<128x128xf32, #tpu.memory_space<vmem>>
    %dma_start3A_54 = arith.constant 0 : i32
    %dma_start3A_55 = tpu.memref_slice %arg10[%add3A_50, %dma_start3A_54] : memref<10112x128xf32, #tpu.memory_space<vmem_shared>> -> memref<128x128xf32, #tpu.memory_space<vmem_shared>>
    %dma_start3A_56 = arith.constant 0 : i32
    %dma_start3A_57 = tpu.memref_slice %arg10[%add3A_50, %dma_start3A_56] : memref<10112x128xf32, #tpu.memory_space<vmem_shared>> -> memref<128x128xf32, #tpu.memory_space<vmem_shared>>
    %dma_start3A_58 = arith.constant 0 : i32
    %dma_start3A_59 = arith.constant 0 : i32
    %dma_start3A_60 = tpu.memref_slice %arg8[%dma_start3A_58, %dma_start3A_59] : memref<128x128xf32, #tpu.memory_space<vmem>> -> memref<128x128xf32, #tpu.memory_space<vmem>>
    tpu.enqueue_dma source(%dma_start3A_60 : memref<128x128xf32, #tpu.memory_space<vmem>>) target(%dma_start3A_57 : memref<128x128xf32, #tpu.memory_space<vmem_shared>>) target_semaphore(%arg13 : memref<!tpu.dma_semaphore, #tpu.memory_space<semaphore_mem>>)
    %mul3A_61 = arith.constant 632 : i32
    %mul3A_62 = arith.muli %arg1, %mul3A_61 : i32
    %add3A_63 = arith.constant 512 : i32
    %add3A_64 = arith.addi %mul3A_62, %add3A_63 : i32
    %dma_start3A_65 = arith.constant 0 : i32
    %dma_start3A_66 = arith.constant 0 : i32
    %dma_start3A_67 = tpu.memref_slice %arg8[%dma_start3A_65, %dma_start3A_66] : memref<128x128xf32, #tpu.memory_space<vmem>> -> memref<120x128xf32, #tpu.memory_space<vmem>>
    %dma_start3A_68 = arith.constant 0 : i32
    %dma_start3A_69 = tpu.memref_slice %arg10[%add3A_64, %dma_start3A_68] : memref<10112x128xf32, #tpu.memory_space<vmem_shared>> -> memref<120x128xf32, #tpu.memory_space<vmem_shared>>
    %dma_start3A_70 = arith.constant 0 : i32
    %dma_start3A_71 = tpu.memref_slice %arg10[%add3A_64, %dma_start3A_70] : memref<10112x128xf32, #tpu.memory_space<vmem_shared>> -> memref<120x128xf32, #tpu.memory_space<vmem_shared>>
    %dma_start3A_72 = arith.constant 0 : i32
    %dma_start3A_73 = arith.constant 0 : i32
    %dma_start3A_74 = tpu.memref_slice %arg8[%dma_start3A_72, %dma_start3A_73] : memref<128x128xf32, #tpu.memory_space<vmem>> -> memref<120x128xf32, #tpu.memory_space<vmem>>
    tpu.enqueue_dma source(%dma_start3A_74 : memref<120x128xf32, #tpu.memory_space<vmem>>) target(%dma_start3A_71 : memref<120x128xf32, #tpu.memory_space<vmem_shared>>) target_semaphore(%arg13 : memref<!tpu.dma_semaphore, #tpu.memory_space<semaphore_mem>>)
    %mul3A_75 = arith.constant 632 : i32
    %mul3A_76 = arith.muli %arg1, %mul3A_75 : i32
    %add3A_77 = arith.constant 0 : i32
    %add3A_78 = arith.addi %mul3A_76, %add3A_77 : i32
    %dma_wait3A = arith.constant 0 : i32
    %dma_wait3A_79 = arith.constant 0 : i32
    %dma_wait3A_80 = tpu.memref_slice %arg8[%dma_wait3A, %dma_wait3A_79] : memref<128x128xf32, #tpu.memory_space<vmem>> -> memref<128x128xf32, #tpu.memory_space<vmem>>
    %dma_wait3A_81 = arith.constant 0 : i32
    %dma_wait3A_82 = tpu.memref_slice %arg10[%add3A_78, %dma_wait3A_81] : memref<10112x128xf32, #tpu.memory_space<vmem_shared>> -> memref<128x128xf32, #tpu.memory_space<vmem_shared>>
    %dma_wait3A_83 = arith.constant 0 : i32
    %dma_wait3A_84 = tpu.memref_slice %arg10[%add3A_78, %dma_wait3A_83] : memref<10112x128xf32, #tpu.memory_space<vmem_shared>> -> memref<128x128xf32, #tpu.memory_space<vmem_shared>>
    %dma_wait3A_85 = arith.constant 0 : i32
    %dma_wait3A_86 = arith.constant 0 : i32
    %dma_wait3A_87 = tpu.memref_slice %arg8[%dma_wait3A_85, %dma_wait3A_86] : memref<128x128xf32, #tpu.memory_space<vmem>> -> memref<128x128xf32, #tpu.memory_space<vmem>>
    tpu.wait_dma2 semaphore(%arg13 : memref<!tpu.dma_semaphore, #tpu.memory_space<semaphore_mem>>) src(%dma_wait3A_87 : memref<128x128xf32, #tpu.memory_space<vmem>>) dst(%dma_wait3A_84 : memref<128x128xf32, #tpu.memory_space<vmem_shared>>)
    %mul3A_88 = arith.constant 632 : i32
    %mul3A_89 = arith.muli %arg1, %mul3A_88 : i32
    %add3A_90 = arith.constant 128 : i32
    %add3A_91 = arith.addi %mul3A_89, %add3A_90 : i32
    %dma_wait3A_92 = arith.constant 0 : i32
    %dma_wait3A_93 = arith.constant 0 : i32
    %dma_wait3A_94 = tpu.memref_slice %arg8[%dma_wait3A_92, %dma_wait3A_93] : memref<128x128xf32, #tpu.memory_space<vmem>> -> memref<128x128xf32, #tpu.memory_space<vmem>>
    %dma_wait3A_95 = arith.constant 0 : i32
    %dma_wait3A_96 = tpu.memref_slice %arg10[%add3A_91, %dma_wait3A_95] : memref<10112x128xf32, #tpu.memory_space<vmem_shared>> -> memref<128x128xf32, #tpu.memory_space<vmem_shared>>
    %dma_wait3A_97 = arith.constant 0 : i32
    %dma_wait3A_98 = tpu.memref_slice %arg10[%add3A_91, %dma_wait3A_97] : memref<10112x128xf32, #tpu.memory_space<vmem_shared>> -> memref<128x128xf32, #tpu.memory_space<vmem_shared>>
    %dma_wait3A_99 = arith.constant 0 : i32
    %dma_wait3A_100 = arith.constant 0 : i32
    %dma_wait3A_101 = tpu.memref_slice %arg8[%dma_wait3A_99, %dma_wait3A_100] : memref<128x128xf32, #tpu.memory_space<vmem>> -> memref<128x128xf32, #tpu.memory_space<vmem>>
    tpu.wait_dma2 semaphore(%arg13 : memref<!tpu.dma_semaphore, #tpu.memory_space<semaphore_mem>>) src(%dma_wait3A_101 : memref<128x128xf32, #tpu.memory_space<vmem>>) dst(%dma_wait3A_98 : memref<128x128xf32, #tpu.memory_space<vmem_shared>>)
    %mul3A_102 = arith.constant 632 : i32
    %mul3A_103 = arith.muli %arg1, %mul3A_102 : i32
    %add3A_104 = arith.constant 256 : i32
    %add3A_105 = arith.addi %mul3A_103, %add3A_104 : i32
    %dma_wait3A_106 = arith.constant 0 : i32
    %dma_wait3A_107 = arith.constant 0 : i32
    %dma_wait3A_108 = tpu.memref_slice %arg8[%dma_wait3A_106, %dma_wait3A_107] : memref<128x128xf32, #tpu.memory_space<vmem>> -> memref<128x128xf32, #tpu.memory_space<vmem>>
    %dma_wait3A_109 = arith.constant 0 : i32
    %dma_wait3A_110 = tpu.memref_slice %arg10[%add3A_105, %dma_wait3A_109] : memref<10112x128xf32, #tpu.memory_space<vmem_shared>> -> memref<128x128xf32, #tpu.memory_space<vmem_shared>>
    %dma_wait3A_111 = arith.constant 0 : i32
    %dma_wait3A_112 = tpu.memref_slice %arg10[%add3A_105, %dma_wait3A_111] : memref<10112x128xf32, #tpu.memory_space<vmem_shared>> -> memref<128x128xf32, #tpu.memory_space<vmem_shared>>
    %dma_wait3A_113 = arith.constant 0 : i32
    %dma_wait3A_114 = arith.constant 0 : i32
    %dma_wait3A_115 = tpu.memref_slice %arg8[%dma_wait3A_113, %dma_wait3A_114] : memref<128x128xf32, #tpu.memory_space<vmem>> -> memref<128x128xf32, #tpu.memory_space<vmem>>
    tpu.wait_dma2 semaphore(%arg13 : memref<!tpu.dma_semaphore, #tpu.memory_space<semaphore_mem>>) src(%dma_wait3A_115 : memref<128x128xf32, #tpu.memory_space<vmem>>) dst(%dma_wait3A_112 : memref<128x128xf32, #tpu.memory_space<vmem_shared>>)
    %mul3A_116 = arith.constant 632 : i32
    %mul3A_117 = arith.muli %arg1, %mul3A_116 : i32
    %add3A_118 = arith.constant 384 : i32
    %add3A_119 = arith.addi %mul3A_117, %add3A_118 : i32
    %dma_wait3A_120 = arith.constant 0 : i32
    %dma_wait3A_121 = arith.constant 0 : i32
    %dma_wait3A_122 = tpu.memref_slice %arg8[%dma_wait3A_120, %dma_wait3A_121] : memref<128x128xf32, #tpu.memory_space<vmem>> -> memref<128x128xf32, #tpu.memory_space<vmem>>
    %dma_wait3A_123 = arith.constant 0 : i32
    %dma_wait3A_124 = tpu.memref_slice %arg10[%add3A_119, %dma_wait3A_123] : memref<10112x128xf32, #tpu.memory_space<vmem_shared>> -> memref<128x128xf32, #tpu.memory_space<vmem_shared>>
    %dma_wait3A_125 = arith.constant 0 : i32
    %dma_wait3A_126 = tpu.memref_slice %arg10[%add3A_119, %dma_wait3A_125] : memref<10112x128xf32, #tpu.memory_space<vmem_shared>> -> memref<128x128xf32, #tpu.memory_space<vmem_shared>>
    %dma_wait3A_127 = arith.constant 0 : i32
    %dma_wait3A_128 = arith.constant 0 : i32
    %dma_wait3A_129 = tpu.memref_slice %arg8[%dma_wait3A_127, %dma_wait3A_128] : memref<128x128xf32, #tpu.memory_space<vmem>> -> memref<128x128xf32, #tpu.memory_space<vmem>>
    tpu.wait_dma2 semaphore(%arg13 : memref<!tpu.dma_semaphore, #tpu.memory_space<semaphore_mem>>) src(%dma_wait3A_129 : memref<128x128xf32, #tpu.memory_space<vmem>>) dst(%dma_wait3A_126 : memref<128x128xf32, #tpu.memory_space<vmem_shared>>)
    %mul3A_130 = arith.constant 632 : i32
    %mul3A_131 = arith.muli %arg1, %mul3A_130 : i32
    %add3A_132 = arith.constant 512 : i32
    %add3A_133 = arith.addi %mul3A_131, %add3A_132 : i32
    %dma_wait3A_134 = arith.constant 0 : i32
    %dma_wait3A_135 = arith.constant 0 : i32
    %dma_wait3A_136 = tpu.memref_slice %arg8[%dma_wait3A_134, %dma_wait3A_135] : memref<128x128xf32, #tpu.memory_space<vmem>> -> memref<120x128xf32, #tpu.memory_space<vmem>>
    %dma_wait3A_137 = arith.constant 0 : i32
    %dma_wait3A_138 = tpu.memref_slice %arg10[%add3A_133, %dma_wait3A_137] : memref<10112x128xf32, #tpu.memory_space<vmem_shared>> -> memref<120x128xf32, #tpu.memory_space<vmem_shared>>
    %dma_wait3A_139 = arith.constant 0 : i32
    %dma_wait3A_140 = tpu.memref_slice %arg10[%add3A_133, %dma_wait3A_139] : memref<10112x128xf32, #tpu.memory_space<vmem_shared>> -> memref<120x128xf32, #tpu.memory_space<vmem_shared>>
    %dma_wait3A_141 = arith.constant 0 : i32
    %dma_wait3A_142 = arith.constant 0 : i32
    %dma_wait3A_143 = tpu.memref_slice %arg8[%dma_wait3A_141, %dma_wait3A_142] : memref<128x128xf32, #tpu.memory_space<vmem>> -> memref<120x128xf32, #tpu.memory_space<vmem>>
    tpu.wait_dma2 semaphore(%arg13 : memref<!tpu.dma_semaphore, #tpu.memory_space<semaphore_mem>>) src(%dma_wait3A_143 : memref<120x128xf32, #tpu.memory_space<vmem>>) dst(%dma_wait3A_140 : memref<120x128xf32, #tpu.memory_space<vmem_shared>>)
    %barrier3A = arith.constant 0 : index
    tpu.barrier barrier_id(%barrier3A)
    %mul3A_144 = arith.constant 80 : i32
    %mul3A_145 = arith.muli %add3A, %mul3A_144 : i32
    %add3A_146 = arith.constant 0 : i32
    %add3A_147 = arith.addi %mul3A_145, %add3A_146 : i32
    "tpu.region"() ({
      %run_scoped3A = tpu.sem_alloc : memref<!tpu.dma_semaphore, #tpu.memory_space<semaphore_mem>>
      %dma_start3A_329 = arith.constant 0 : i32
      %dma_start3A_330 = tpu.memref_slice %arg3[%add3A_147, %dma_start3A_329] : memref<2560x128xi32, #tpu.memory_space<hbm>> -> memref<40x128xi32, #tpu.memory_space<hbm>>
      %dma_start3A_331 = arith.constant 0 : i32
      %dma_start3A_332 = tpu.memref_slice %arg3[%add3A_147, %dma_start3A_331] : memref<2560x128xi32, #tpu.memory_space<hbm>> -> memref<40x128xi32, #tpu.memory_space<hbm>>
      tpu.enqueue_dma source(%dma_start3A_332 : memref<40x128xi32, #tpu.memory_space<hbm>>) target(%arg6 : memref<40x128xi32, #tpu.memory_space<vmem>>) target_semaphore(%run_scoped3A : memref<!tpu.dma_semaphore, #tpu.memory_space<semaphore_mem>>)
      %dma_wait3A_333 = arith.constant 0 : i32
      %dma_wait3A_334 = tpu.memref_slice %arg3[%add3A_147, %dma_wait3A_333] : memref<2560x128xi32, #tpu.memory_space<hbm>> -> memref<40x128xi32, #tpu.memory_space<hbm>>
      %dma_wait3A_335 = arith.constant 0 : i32
      %dma_wait3A_336 = tpu.memref_slice %arg3[%add3A_147, %dma_wait3A_335] : memref<2560x128xi32, #tpu.memory_space<hbm>> -> memref<40x128xi32, #tpu.memory_space<hbm>>
      tpu.wait_dma2 semaphore(%run_scoped3A : memref<!tpu.dma_semaphore, #tpu.memory_space<semaphore_mem>>) src(%dma_wait3A_336 : memref<40x128xi32, #tpu.memory_space<hbm>>) dst(%arg6 : memref<40x128xi32, #tpu.memory_space<vmem>>)
      tpu.yield
    }) : () -> ()
    "tpu.region"() ({
      %run_scoped3A = tpu.sem_alloc : memref<!tpu.dma_semaphore, #tpu.memory_space<semaphore_mem>>
      %dma_start3A_329 = arith.constant 0 : i32
      %dma_start3A_330 = tpu.memref_slice %arg4[%add3A_147, %dma_start3A_329] : memref<2560x128xi32, #tpu.memory_space<hbm>> -> memref<40x128xi32, #tpu.memory_space<hbm>>
      %dma_start3A_331 = arith.constant 0 : i32
      %dma_start3A_332 = tpu.memref_slice %arg4[%add3A_147, %dma_start3A_331] : memref<2560x128xi32, #tpu.memory_space<hbm>> -> memref<40x128xi32, #tpu.memory_space<hbm>>
      tpu.enqueue_dma source(%dma_start3A_332 : memref<40x128xi32, #tpu.memory_space<hbm>>) target(%arg7 : memref<40x128xi32, #tpu.memory_space<vmem>>) target_semaphore(%run_scoped3A : memref<!tpu.dma_semaphore, #tpu.memory_space<semaphore_mem>>)
      %dma_wait3A_333 = arith.constant 0 : i32
      %dma_wait3A_334 = tpu.memref_slice %arg4[%add3A_147, %dma_wait3A_333] : memref<2560x128xi32, #tpu.memory_space<hbm>> -> memref<40x128xi32, #tpu.memory_space<hbm>>
      %dma_wait3A_335 = arith.constant 0 : i32
      %dma_wait3A_336 = tpu.memref_slice %arg4[%add3A_147, %dma_wait3A_335] : memref<2560x128xi32, #tpu.memory_space<hbm>> -> memref<40x128xi32, #tpu.memory_space<hbm>>
      tpu.wait_dma2 semaphore(%run_scoped3A : memref<!tpu.dma_semaphore, #tpu.memory_space<semaphore_mem>>) src(%dma_wait3A_336 : memref<40x128xi32, #tpu.memory_space<hbm>>) dst(%arg7 : memref<40x128xi32, #tpu.memory_space<vmem>>)
      tpu.yield
    }) : () -> ()
    %dma_start3A_148 = arith.constant 0 : i32
    %dma_start3A_149 = arith.constant 0 : i32
    %dma_start3A_150 = tpu.memref_slice %arg6[%dma_start3A_148, %dma_start3A_149] : memref<40x128xi32, #tpu.memory_space<vmem>> -> memref<1x128xi32, #tpu.memory_space<vmem>>
    %dma_start3A_151 = tpu.memref_squeeze %dma_start3A_150 : memref<1x128xi32, #tpu.memory_space<vmem>> -> memref<128xi32, #tpu.memory_space<vmem>>
    %dma_start3A_152 = arith.constant 0 : i32
    %dma_start3A_153 = arith.constant 0 : i32
    %dma_start3A_154 = tpu.memref_slice %arg2[%dma_start3A_152, %dma_start3A_153] : memref<10000x128xf32, #tpu.memory_space<hbm>> -> memref<10000x128xf32, #tpu.memory_space<hbm>>
    tpu.enqueue_indirect_dma source(%dma_start3A_154 : memref<10000x128xf32, #tpu.memory_space<hbm>>) target(%arg8 : memref<128x128xf32, #tpu.memory_space<vmem>>) offsets(%dma_start3A_151 : memref<128xi32, #tpu.memory_space<vmem>>) semaphore(%arg11 : memref<!tpu.dma_semaphore, #tpu.memory_space<semaphore_mem>>)
    %scan3A_155 = arith.constant 0 : i32
    %scan3A_156 = arith.constant 0 : i32
    %scan3A_157 = arith.constant 20 : i32
    %scan3A_158 = arith.addi %scan3A_156, %scan3A_157 : i32
    %scan3A_159 = arith.constant 1 : i32
    scf.for %scan3A_329 = %scan3A_156 to %scan3A_158 step %scan3A_159  : i32 {
      %mul3A_330 = arith.constant 2 : i32
      %mul3A_331 = arith.muli %scan3A_329, %mul3A_330 : i32
      %add3A_332 = arith.constant 0 : i32
      %add3A_333 = arith.addi %mul3A_331, %add3A_332 : i32
      %add3A_334 = arith.constant 1 : i32
      %add3A_335 = arith.addi %add3A_333, %add3A_334 : i32
      %lt3A = arith.constant 40 : i32
      %lt3A_336 = arith.cmpi slt, %add3A_335, %lt3A : i32
      %convert_element_type3A = arith.extui %lt3A_336 : i1 to i32
      %cond3A = arith.constant 0 : i32
      %cond3A_337 = arith.cmpi ne, %convert_element_type3A, %cond3A : i32
      scf.if %cond3A_337 {
        %add3A_361 = arith.constant 1 : i32
        %add3A_362 = arith.addi %add3A_333, %add3A_361 : i32
        %dma_start3A_363 = arith.constant 0 : i32
        %dma_start3A_364 = tpu.memref_slice %arg6[%add3A_362, %dma_start3A_363] : memref<40x128xi32, #tpu.memory_space<vmem>> -> memref<1x128xi32, #tpu.memory_space<vmem>>
        %dma_start3A_365 = tpu.memref_squeeze %dma_start3A_364 : memref<1x128xi32, #tpu.memory_space<vmem>> -> memref<128xi32, #tpu.memory_space<vmem>>
        %dma_start3A_366 = arith.constant 0 : i32
        %dma_start3A_367 = arith.constant 0 : i32
        %dma_start3A_368 = tpu.memref_slice %arg2[%dma_start3A_366, %dma_start3A_367] : memref<10000x128xf32, #tpu.memory_space<hbm>> -> memref<10000x128xf32, #tpu.memory_space<hbm>>
        tpu.enqueue_indirect_dma source(%dma_start3A_368 : memref<10000x128xf32, #tpu.memory_space<hbm>>) target(%arg9 : memref<128x128xf32, #tpu.memory_space<vmem>>) offsets(%dma_start3A_365 : memref<128xi32, #tpu.memory_space<vmem>>) semaphore(%arg12 : memref<!tpu.dma_semaphore, #tpu.memory_space<semaphore_mem>>)
      } else {
      }
      %dma_wait3A_338 = arith.constant 0 : i32
      %dma_wait3A_339 = tpu.memref_slice %arg6[%add3A_333, %dma_wait3A_338] : memref<40x128xi32, #tpu.memory_space<vmem>> -> memref<1x128xi32, #tpu.memory_space<vmem>>
      %dma_wait3A_340 = tpu.memref_squeeze %dma_wait3A_339 : memref<1x128xi32, #tpu.memory_space<vmem>> -> memref<128xi32, #tpu.memory_space<vmem>>
      %dma_wait3A_341 = arith.constant 0 : i32
      %dma_wait3A_342 = arith.constant 0 : i32
      %dma_wait3A_343 = tpu.memref_slice %arg2[%dma_wait3A_341, %dma_wait3A_342] : memref<10000x128xf32, #tpu.memory_space<hbm>> -> memref<10000x128xf32, #tpu.memory_space<hbm>>
      tpu.wait_indirect_dma semaphore(%arg11 : memref<!tpu.dma_semaphore, #tpu.memory_space<semaphore_mem>>) src(%dma_wait3A_343 : memref<10000x128xf32, #tpu.memory_space<hbm>>) dst(%arg8 : memref<128x128xf32, #tpu.memory_space<vmem>>)
      "tpu.region"() ({
        %run_scoped3A = tpu.sem_alloc : memref<!tpu.dma_semaphore, #tpu.memory_space<semaphore_mem>>
        %dma_start3A_361 = arith.constant 0 : i32
        %dma_start3A_362 = tpu.memref_slice %arg7[%add3A_333, %dma_start3A_361] : memref<40x128xi32, #tpu.memory_space<vmem>> -> memref<1x128xi32, #tpu.memory_space<vmem>>
        %dma_start3A_363 = tpu.memref_squeeze %dma_start3A_362 : memref<1x128xi32, #tpu.memory_space<vmem>> -> memref<128xi32, #tpu.memory_space<vmem>>
        %dma_start3A_364 = arith.constant 0 : i32
        %dma_start3A_365 = arith.constant 0 : i32
        %dma_start3A_366 = tpu.memref_slice %arg10[%dma_start3A_364, %dma_start3A_365] : memref<10112x128xf32, #tpu.memory_space<vmem_shared>> -> memref<10112x128xf32, #tpu.memory_space<vmem_shared>>
        tpu.enqueue_indirect_dma source(%arg8 : memref<128x128xf32, #tpu.memory_space<vmem>>) target(%dma_start3A_366 : memref<10112x128xf32, #tpu.memory_space<vmem_shared>>) offsets(%dma_start3A_363 : memref<128xi32, #tpu.memory_space<vmem>>) semaphore(%run_scoped3A : memref<!tpu.dma_semaphore, #tpu.memory_space<semaphore_mem>>) {add = true}
        %dma_wait3A_367 = arith.constant 0 : i32
        %dma_wait3A_368 = tpu.memref_slice %arg7[%add3A_333, %dma_wait3A_367] : memref<40x128xi32, #tpu.memory_space<vmem>> -> memref<1x128xi32, #tpu.memory_space<vmem>>
        %dma_wait3A_369 = tpu.memref_squeeze %dma_wait3A_368 : memref<1x128xi32, #tpu.memory_space<vmem>> -> memref<128xi32, #tpu.memory_space<vmem>>
        %dma_wait3A_370 = arith.constant 0 : i32
        %dma_wait3A_371 = arith.constant 0 : i32
        %dma_wait3A_372 = tpu.memref_slice %arg10[%dma_wait3A_370, %dma_wait3A_371] : memref<10112x128xf32, #tpu.memory_space<vmem_shared>> -> memref<10112x128xf32, #tpu.memory_space<vmem_shared>>
        tpu.wait_indirect_dma semaphore(%run_scoped3A : memref<!tpu.dma_semaphore, #tpu.memory_space<semaphore_mem>>) src(%arg8 : memref<128x128xf32, #tpu.memory_space<vmem>>) dst(%dma_wait3A_372 : memref<10112x128xf32, #tpu.memory_space<vmem_shared>>)
        tpu.yield
      }) : () -> ()
      %mul3A_344 = arith.constant 2 : i32
      %mul3A_345 = arith.muli %scan3A_329, %mul3A_344 : i32
      %add3A_346 = arith.constant 1 : i32
      %add3A_347 = arith.addi %mul3A_345, %add3A_346 : i32
      %add3A_348 = arith.constant 1 : i32
      %add3A_349 = arith.addi %add3A_347, %add3A_348 : i32
      %lt3A_350 = arith.constant 40 : i32
      %lt3A_351 = arith.cmpi slt, %add3A_349, %lt3A_350 : i32
      %convert_element_type3A_352 = arith.extui %lt3A_351 : i1 to i32
      %cond3A_353 = arith.constant 0 : i32
      %cond3A_354 = arith.cmpi ne, %convert_element_type3A_352, %cond3A_353 : i32
      scf.if %cond3A_354 {
        %add3A_361 = arith.constant 1 : i32
        %add3A_362 = arith.addi %add3A_347, %add3A_361 : i32
        %dma_start3A_363 = arith.constant 0 : i32
        %dma_start3A_364 = tpu.memref_slice %arg6[%add3A_362, %dma_start3A_363] : memref<40x128xi32, #tpu.memory_space<vmem>> -> memref<1x128xi32, #tpu.memory_space<vmem>>
        %dma_start3A_365 = tpu.memref_squeeze %dma_start3A_364 : memref<1x128xi32, #tpu.memory_space<vmem>> -> memref<128xi32, #tpu.memory_space<vmem>>
        %dma_start3A_366 = arith.constant 0 : i32
        %dma_start3A_367 = arith.constant 0 : i32
        %dma_start3A_368 = tpu.memref_slice %arg2[%dma_start3A_366, %dma_start3A_367] : memref<10000x128xf32, #tpu.memory_space<hbm>> -> memref<10000x128xf32, #tpu.memory_space<hbm>>
        tpu.enqueue_indirect_dma source(%dma_start3A_368 : memref<10000x128xf32, #tpu.memory_space<hbm>>) target(%arg8 : memref<128x128xf32, #tpu.memory_space<vmem>>) offsets(%dma_start3A_365 : memref<128xi32, #tpu.memory_space<vmem>>) semaphore(%arg11 : memref<!tpu.dma_semaphore, #tpu.memory_space<semaphore_mem>>)
      } else {
      }
      %dma_wait3A_355 = arith.constant 0 : i32
      %dma_wait3A_356 = tpu.memref_slice %arg6[%add3A_347, %dma_wait3A_355] : memref<40x128xi32, #tpu.memory_space<vmem>> -> memref<1x128xi32, #tpu.memory_space<vmem>>
      %dma_wait3A_357 = tpu.memref_squeeze %dma_wait3A_356 : memref<1x128xi32, #tpu.memory_space<vmem>> -> memref<128xi32, #tpu.memory_space<vmem>>
      %dma_wait3A_358 = arith.constant 0 : i32
      %dma_wait3A_359 = arith.constant 0 : i32
      %dma_wait3A_360 = tpu.memref_slice %arg2[%dma_wait3A_358, %dma_wait3A_359] : memref<10000x128xf32, #tpu.memory_space<hbm>> -> memref<10000x128xf32, #tpu.memory_space<hbm>>
      tpu.wait_indirect_dma semaphore(%arg12 : memref<!tpu.dma_semaphore, #tpu.memory_space<semaphore_mem>>) src(%dma_wait3A_360 : memref<10000x128xf32, #tpu.memory_space<hbm>>) dst(%arg9 : memref<128x128xf32, #tpu.memory_space<vmem>>)
      "tpu.region"() ({
        %run_scoped3A = tpu.sem_alloc : memref<!tpu.dma_semaphore, #tpu.memory_space<semaphore_mem>>
        %dma_start3A_361 = arith.constant 0 : i32
        %dma_start3A_362 = tpu.memref_slice %arg7[%add3A_347, %dma_start3A_361] : memref<40x128xi32, #tpu.memory_space<vmem>> -> memref<1x128xi32, #tpu.memory_space<vmem>>
        %dma_start3A_363 = tpu.memref_squeeze %dma_start3A_362 : memref<1x128xi32, #tpu.memory_space<vmem>> -> memref<128xi32, #tpu.memory_space<vmem>>
        %dma_start3A_364 = arith.constant 0 : i32
        %dma_start3A_365 = arith.constant 0 : i32
        %dma_start3A_366 = tpu.memref_slice %arg10[%dma_start3A_364, %dma_start3A_365] : memref<10112x128xf32, #tpu.memory_space<vmem_shared>> -> memref<10112x128xf32, #tpu.memory_space<vmem_shared>>
        tpu.enqueue_indirect_dma source(%arg9 : memref<128x128xf32, #tpu.memory_space<vmem>>) target(%dma_start3A_366 : memref<10112x128xf32, #tpu.memory_space<vmem_shared>>) offsets(%dma_start3A_363 : memref<128xi32, #tpu.memory_space<vmem>>) semaphore(%run_scoped3A : memref<!tpu.dma_semaphore, #tpu.memory_space<semaphore_mem>>) {add = true}
        %dma_wait3A_367 = arith.constant 0 : i32
        %dma_wait3A_368 = tpu.memref_slice %arg7[%add3A_347, %dma_wait3A_367] : memref<40x128xi32, #tpu.memory_space<vmem>> -> memref<1x128xi32, #tpu.memory_space<vmem>>
        %dma_wait3A_369 = tpu.memref_squeeze %dma_wait3A_368 : memref<1x128xi32, #tpu.memory_space<vmem>> -> memref<128xi32, #tpu.memory_space<vmem>>
        %dma_wait3A_370 = arith.constant 0 : i32
        %dma_wait3A_371 = arith.constant 0 : i32
        %dma_wait3A_372 = tpu.memref_slice %arg10[%dma_wait3A_370, %dma_wait3A_371] : memref<10112x128xf32, #tpu.memory_space<vmem_shared>> -> memref<10112x128xf32, #tpu.memory_space<vmem_shared>>
        tpu.wait_indirect_dma semaphore(%run_scoped3A : memref<!tpu.dma_semaphore, #tpu.memory_space<semaphore_mem>>) src(%arg9 : memref<128x128xf32, #tpu.memory_space<vmem>>) dst(%dma_wait3A_372 : memref<10112x128xf32, #tpu.memory_space<vmem_shared>>)
        tpu.yield
      }) : () -> ()
    }
    %scan3A_160 = arith.constant 20 : i32
    %mul3A_161 = arith.constant 80 : i32
    %mul3A_162 = arith.muli %add3A, %mul3A_161 : i32
    %add3A_163 = arith.constant 40 : i32
    %add3A_164 = arith.addi %mul3A_162, %add3A_163 : i32
    "tpu.region"() ({
      %run_scoped3A = tpu.sem_alloc : memref<!tpu.dma_semaphore, #tpu.memory_space<semaphore_mem>>
      %dma_start3A_329 = arith.constant 0 : i32
      %dma_start3A_330 = tpu.memref_slice %arg3[%add3A_164, %dma_start3A_329] : memref<2560x128xi32, #tpu.memory_space<hbm>> -> memref<40x128xi32, #tpu.memory_space<hbm>>
      %dma_start3A_331 = arith.constant 0 : i32
      %dma_start3A_332 = tpu.memref_slice %arg3[%add3A_164, %dma_start3A_331] : memref<2560x128xi32, #tpu.memory_space<hbm>> -> memref<40x128xi32, #tpu.memory_space<hbm>>
      tpu.enqueue_dma source(%dma_start3A_332 : memref<40x128xi32, #tpu.memory_space<hbm>>) target(%arg6 : memref<40x128xi32, #tpu.memory_space<vmem>>) target_semaphore(%run_scoped3A : memref<!tpu.dma_semaphore, #tpu.memory_space<semaphore_mem>>)
      %dma_wait3A_333 = arith.constant 0 : i32
      %dma_wait3A_334 = tpu.memref_slice %arg3[%add3A_164, %dma_wait3A_333] : memref<2560x128xi32, #tpu.memory_space<hbm>> -> memref<40x128xi32, #tpu.memory_space<hbm>>
      %dma_wait3A_335 = arith.constant 0 : i32
      %dma_wait3A_336 = tpu.memref_slice %arg3[%add3A_164, %dma_wait3A_335] : memref<2560x128xi32, #tpu.memory_space<hbm>> -> memref<40x128xi32, #tpu.memory_space<hbm>>
      tpu.wait_dma2 semaphore(%run_scoped3A : memref<!tpu.dma_semaphore, #tpu.memory_space<semaphore_mem>>) src(%dma_wait3A_336 : memref<40x128xi32, #tpu.memory_space<hbm>>) dst(%arg6 : memref<40x128xi32, #tpu.memory_space<vmem>>)
      tpu.yield
    }) : () -> ()
    "tpu.region"() ({
      %run_scoped3A = tpu.sem_alloc : memref<!tpu.dma_semaphore, #tpu.memory_space<semaphore_mem>>
      %dma_start3A_329 = arith.constant 0 : i32
      %dma_start3A_330 = tpu.memref_slice %arg4[%add3A_164, %dma_start3A_329] : memref<2560x128xi32, #tpu.memory_space<hbm>> -> memref<40x128xi32, #tpu.memory_space<hbm>>
      %dma_start3A_331 = arith.constant 0 : i32
      %dma_start3A_332 = tpu.memref_slice %arg4[%add3A_164, %dma_start3A_331] : memref<2560x128xi32, #tpu.memory_space<hbm>> -> memref<40x128xi32, #tpu.memory_space<hbm>>
      tpu.enqueue_dma source(%dma_start3A_332 : memref<40x128xi32, #tpu.memory_space<hbm>>) target(%arg7 : memref<40x128xi32, #tpu.memory_space<vmem>>) target_semaphore(%run_scoped3A : memref<!tpu.dma_semaphore, #tpu.memory_space<semaphore_mem>>)
      %dma_wait3A_333 = arith.constant 0 : i32
      %dma_wait3A_334 = tpu.memref_slice %arg4[%add3A_164, %dma_wait3A_333] : memref<2560x128xi32, #tpu.memory_space<hbm>> -> memref<40x128xi32, #tpu.memory_space<hbm>>
      %dma_wait3A_335 = arith.constant 0 : i32
      %dma_wait3A_336 = tpu.memref_slice %arg4[%add3A_164, %dma_wait3A_335] : memref<2560x128xi32, #tpu.memory_space<hbm>> -> memref<40x128xi32, #tpu.memory_space<hbm>>
      tpu.wait_dma2 semaphore(%run_scoped3A : memref<!tpu.dma_semaphore, #tpu.memory_space<semaphore_mem>>) src(%dma_wait3A_336 : memref<40x128xi32, #tpu.memory_space<hbm>>) dst(%arg7 : memref<40x128xi32, #tpu.memory_space<vmem>>)
      tpu.yield
    }) : () -> ()
    %dma_start3A_165 = arith.constant 0 : i32
    %dma_start3A_166 = arith.constant 0 : i32
    %dma_start3A_167 = tpu.memref_slice %arg6[%dma_start3A_165, %dma_start3A_166] : memref<40x128xi32, #tpu.memory_space<vmem>> -> memref<1x128xi32, #tpu.memory_space<vmem>>
    %dma_start3A_168 = tpu.memref_squeeze %dma_start3A_167 : memref<1x128xi32, #tpu.memory_space<vmem>> -> memref<128xi32, #tpu.memory_space<vmem>>
    %dma_start3A_169 = arith.constant 0 : i32
    %dma_start3A_170 = arith.constant 0 : i32
    %dma_start3A_171 = tpu.memref_slice %arg2[%dma_start3A_169, %dma_start3A_170] : memref<10000x128xf32, #tpu.memory_space<hbm>> -> memref<10000x128xf32, #tpu.memory_space<hbm>>
    tpu.enqueue_indirect_dma source(%dma_start3A_171 : memref<10000x128xf32, #tpu.memory_space<hbm>>) target(%arg8 : memref<128x128xf32, #tpu.memory_space<vmem>>) offsets(%dma_start3A_168 : memref<128xi32, #tpu.memory_space<vmem>>) semaphore(%arg11 : memref<!tpu.dma_semaphore, #tpu.memory_space<semaphore_mem>>)
    %scan3A_172 = arith.constant 0 : i32
    %scan3A_173 = arith.constant 0 : i32
    %scan3A_174 = arith.constant 20 : i32
    %scan3A_175 = arith.addi %scan3A_173, %scan3A_174 : i32
    %scan3A_176 = arith.constant 1 : i32
    scf.for %scan3A_329 = %scan3A_173 to %scan3A_175 step %scan3A_176  : i32 {
      %mul3A_330 = arith.constant 2 : i32
      %mul3A_331 = arith.muli %scan3A_329, %mul3A_330 : i32
      %add3A_332 = arith.constant 0 : i32
      %add3A_333 = arith.addi %mul3A_331, %add3A_332 : i32
      %add3A_334 = arith.constant 1 : i32
      %add3A_335 = arith.addi %add3A_333, %add3A_334 : i32
      %lt3A = arith.constant 40 : i32
      %lt3A_336 = arith.cmpi slt, %add3A_335, %lt3A : i32
      %convert_element_type3A = arith.extui %lt3A_336 : i1 to i32
      %cond3A = arith.constant 0 : i32
      %cond3A_337 = arith.cmpi ne, %convert_element_type3A, %cond3A : i32
      scf.if %cond3A_337 {
        %add3A_361 = arith.constant 1 : i32
        %add3A_362 = arith.addi %add3A_333, %add3A_361 : i32
        %dma_start3A_363 = arith.constant 0 : i32
        %dma_start3A_364 = tpu.memref_slice %arg6[%add3A_362, %dma_start3A_363] : memref<40x128xi32, #tpu.memory_space<vmem>> -> memref<1x128xi32, #tpu.memory_space<vmem>>
        %dma_start3A_365 = tpu.memref_squeeze %dma_start3A_364 : memref<1x128xi32, #tpu.memory_space<vmem>> -> memref<128xi32, #tpu.memory_space<vmem>>
        %dma_start3A_366 = arith.constant 0 : i32
        %dma_start3A_367 = arith.constant 0 : i32
        %dma_start3A_368 = tpu.memref_slice %arg2[%dma_start3A_366, %dma_start3A_367] : memref<10000x128xf32, #tpu.memory_space<hbm>> -> memref<10000x128xf32, #tpu.memory_space<hbm>>
        tpu.enqueue_indirect_dma source(%dma_start3A_368 : memref<10000x128xf32, #tpu.memory_space<hbm>>) target(%arg9 : memref<128x128xf32, #tpu.memory_space<vmem>>) offsets(%dma_start3A_365 : memref<128xi32, #tpu.memory_space<vmem>>) semaphore(%arg12 : memref<!tpu.dma_semaphore, #tpu.memory_space<semaphore_mem>>)
      } else {
      }
      %dma_wait3A_338 = arith.constant 0 : i32
      %dma_wait3A_339 = tpu.memref_slice %arg6[%add3A_333, %dma_wait3A_338] : memref<40x128xi32, #tpu.memory_space<vmem>> -> memref<1x128xi32, #tpu.memory_space<vmem>>
      %dma_wait3A_340 = tpu.memref_squeeze %dma_wait3A_339 : memref<1x128xi32, #tpu.memory_space<vmem>> -> memref<128xi32, #tpu.memory_space<vmem>>
      %dma_wait3A_341 = arith.constant 0 : i32
      %dma_wait3A_342 = arith.constant 0 : i32
      %dma_wait3A_343 = tpu.memref_slice %arg2[%dma_wait3A_341, %dma_wait3A_342] : memref<10000x128xf32, #tpu.memory_space<hbm>> -> memref<10000x128xf32, #tpu.memory_space<hbm>>
      tpu.wait_indirect_dma semaphore(%arg11 : memref<!tpu.dma_semaphore, #tpu.memory_space<semaphore_mem>>) src(%dma_wait3A_343 : memref<10000x128xf32, #tpu.memory_space<hbm>>) dst(%arg8 : memref<128x128xf32, #tpu.memory_space<vmem>>)
      "tpu.region"() ({
        %run_scoped3A = tpu.sem_alloc : memref<!tpu.dma_semaphore, #tpu.memory_space<semaphore_mem>>
        %dma_start3A_361 = arith.constant 0 : i32
        %dma_start3A_362 = tpu.memref_slice %arg7[%add3A_333, %dma_start3A_361] : memref<40x128xi32, #tpu.memory_space<vmem>> -> memref<1x128xi32, #tpu.memory_space<vmem>>
        %dma_start3A_363 = tpu.memref_squeeze %dma_start3A_362 : memref<1x128xi32, #tpu.memory_space<vmem>> -> memref<128xi32, #tpu.memory_space<vmem>>
        %dma_start3A_364 = arith.constant 0 : i32
        %dma_start3A_365 = arith.constant 0 : i32
        %dma_start3A_366 = tpu.memref_slice %arg10[%dma_start3A_364, %dma_start3A_365] : memref<10112x128xf32, #tpu.memory_space<vmem_shared>> -> memref<10112x128xf32, #tpu.memory_space<vmem_shared>>
        tpu.enqueue_indirect_dma source(%arg8 : memref<128x128xf32, #tpu.memory_space<vmem>>) target(%dma_start3A_366 : memref<10112x128xf32, #tpu.memory_space<vmem_shared>>) offsets(%dma_start3A_363 : memref<128xi32, #tpu.memory_space<vmem>>) semaphore(%run_scoped3A : memref<!tpu.dma_semaphore, #tpu.memory_space<semaphore_mem>>) {add = true}
        %dma_wait3A_367 = arith.constant 0 : i32
        %dma_wait3A_368 = tpu.memref_slice %arg7[%add3A_333, %dma_wait3A_367] : memref<40x128xi32, #tpu.memory_space<vmem>> -> memref<1x128xi32, #tpu.memory_space<vmem>>
        %dma_wait3A_369 = tpu.memref_squeeze %dma_wait3A_368 : memref<1x128xi32, #tpu.memory_space<vmem>> -> memref<128xi32, #tpu.memory_space<vmem>>
        %dma_wait3A_370 = arith.constant 0 : i32
        %dma_wait3A_371 = arith.constant 0 : i32
        %dma_wait3A_372 = tpu.memref_slice %arg10[%dma_wait3A_370, %dma_wait3A_371] : memref<10112x128xf32, #tpu.memory_space<vmem_shared>> -> memref<10112x128xf32, #tpu.memory_space<vmem_shared>>
        tpu.wait_indirect_dma semaphore(%run_scoped3A : memref<!tpu.dma_semaphore, #tpu.memory_space<semaphore_mem>>) src(%arg8 : memref<128x128xf32, #tpu.memory_space<vmem>>) dst(%dma_wait3A_372 : memref<10112x128xf32, #tpu.memory_space<vmem_shared>>)
        tpu.yield
      }) : () -> ()
      %mul3A_344 = arith.constant 2 : i32
      %mul3A_345 = arith.muli %scan3A_329, %mul3A_344 : i32
      %add3A_346 = arith.constant 1 : i32
      %add3A_347 = arith.addi %mul3A_345, %add3A_346 : i32
      %add3A_348 = arith.constant 1 : i32
      %add3A_349 = arith.addi %add3A_347, %add3A_348 : i32
      %lt3A_350 = arith.constant 40 : i32
      %lt3A_351 = arith.cmpi slt, %add3A_349, %lt3A_350 : i32
      %convert_element_type3A_352 = arith.extui %lt3A_351 : i1 to i32
      %cond3A_353 = arith.constant 0 : i32
      %cond3A_354 = arith.cmpi ne, %convert_element_type3A_352, %cond3A_353 : i32
      scf.if %cond3A_354 {
        %add3A_361 = arith.constant 1 : i32
        %add3A_362 = arith.addi %add3A_347, %add3A_361 : i32
        %dma_start3A_363 = arith.constant 0 : i32
        %dma_start3A_364 = tpu.memref_slice %arg6[%add3A_362, %dma_start3A_363] : memref<40x128xi32, #tpu.memory_space<vmem>> -> memref<1x128xi32, #tpu.memory_space<vmem>>
        %dma_start3A_365 = tpu.memref_squeeze %dma_start3A_364 : memref<1x128xi32, #tpu.memory_space<vmem>> -> memref<128xi32, #tpu.memory_space<vmem>>
        %dma_start3A_366 = arith.constant 0 : i32
        %dma_start3A_367 = arith.constant 0 : i32
        %dma_start3A_368 = tpu.memref_slice %arg2[%dma_start3A_366, %dma_start3A_367] : memref<10000x128xf32, #tpu.memory_space<hbm>> -> memref<10000x128xf32, #tpu.memory_space<hbm>>
        tpu.enqueue_indirect_dma source(%dma_start3A_368 : memref<10000x128xf32, #tpu.memory_space<hbm>>) target(%arg8 : memref<128x128xf32, #tpu.memory_space<vmem>>) offsets(%dma_start3A_365 : memref<128xi32, #tpu.memory_space<vmem>>) semaphore(%arg11 : memref<!tpu.dma_semaphore, #tpu.memory_space<semaphore_mem>>)
      } else {
      }
      %dma_wait3A_355 = arith.constant 0 : i32
      %dma_wait3A_356 = tpu.memref_slice %arg6[%add3A_347, %dma_wait3A_355] : memref<40x128xi32, #tpu.memory_space<vmem>> -> memref<1x128xi32, #tpu.memory_space<vmem>>
      %dma_wait3A_357 = tpu.memref_squeeze %dma_wait3A_356 : memref<1x128xi32, #tpu.memory_space<vmem>> -> memref<128xi32, #tpu.memory_space<vmem>>
      %dma_wait3A_358 = arith.constant 0 : i32
      %dma_wait3A_359 = arith.constant 0 : i32
      %dma_wait3A_360 = tpu.memref_slice %arg2[%dma_wait3A_358, %dma_wait3A_359] : memref<10000x128xf32, #tpu.memory_space<hbm>> -> memref<10000x128xf32, #tpu.memory_space<hbm>>
      tpu.wait_indirect_dma semaphore(%arg12 : memref<!tpu.dma_semaphore, #tpu.memory_space<semaphore_mem>>) src(%dma_wait3A_360 : memref<10000x128xf32, #tpu.memory_space<hbm>>) dst(%arg9 : memref<128x128xf32, #tpu.memory_space<vmem>>)
      "tpu.region"() ({
        %run_scoped3A = tpu.sem_alloc : memref<!tpu.dma_semaphore, #tpu.memory_space<semaphore_mem>>
        %dma_start3A_361 = arith.constant 0 : i32
        %dma_start3A_362 = tpu.memref_slice %arg7[%add3A_347, %dma_start3A_361] : memref<40x128xi32, #tpu.memory_space<vmem>> -> memref<1x128xi32, #tpu.memory_space<vmem>>
        %dma_start3A_363 = tpu.memref_squeeze %dma_start3A_362 : memref<1x128xi32, #tpu.memory_space<vmem>> -> memref<128xi32, #tpu.memory_space<vmem>>
        %dma_start3A_364 = arith.constant 0 : i32
        %dma_start3A_365 = arith.constant 0 : i32
        %dma_start3A_366 = tpu.memref_slice %arg10[%dma_start3A_364, %dma_start3A_365] : memref<10112x128xf32, #tpu.memory_space<vmem_shared>> -> memref<10112x128xf32, #tpu.memory_space<vmem_shared>>
        tpu.enqueue_indirect_dma source(%arg9 : memref<128x128xf32, #tpu.memory_space<vmem>>) target(%dma_start3A_366 : memref<10112x128xf32, #tpu.memory_space<vmem_shared>>) offsets(%dma_start3A_363 : memref<128xi32, #tpu.memory_space<vmem>>) semaphore(%run_scoped3A : memref<!tpu.dma_semaphore, #tpu.memory_space<semaphore_mem>>) {add = true}
        %dma_wait3A_367 = arith.constant 0 : i32
        %dma_wait3A_368 = tpu.memref_slice %arg7[%add3A_347, %dma_wait3A_367] : memref<40x128xi32, #tpu.memory_space<vmem>> -> memref<1x128xi32, #tpu.memory_space<vmem>>
        %dma_wait3A_369 = tpu.memref_squeeze %dma_wait3A_368 : memref<1x128xi32, #tpu.memory_space<vmem>> -> memref<128xi32, #tpu.memory_space<vmem>>
        %dma_wait3A_370 = arith.constant 0 : i32
        %dma_wait3A_371 = arith.constant 0 : i32
        %dma_wait3A_372 = tpu.memref_slice %arg10[%dma_wait3A_370, %dma_wait3A_371] : memref<10112x128xf32, #tpu.memory_space<vmem_shared>> -> memref<10112x128xf32, #tpu.memory_space<vmem_shared>>
        tpu.wait_indirect_dma semaphore(%run_scoped3A : memref<!tpu.dma_semaphore, #tpu.memory_space<semaphore_mem>>) src(%arg9 : memref<128x128xf32, #tpu.memory_space<vmem>>) dst(%dma_wait3A_372 : memref<10112x128xf32, #tpu.memory_space<vmem_shared>>)
        tpu.yield
      }) : () -> ()
    }
    %scan3A_177 = arith.constant 20 : i32
    %barrier3A_178 = arith.constant 0 : index
    tpu.barrier barrier_id(%barrier3A_178)
    %mul3A_179 = arith.constant 632 : i32
    %mul3A_180 = arith.muli %arg1, %mul3A_179 : i32
    %add3A_181 = arith.constant 0 : i32
    %add3A_182 = arith.addi %mul3A_180, %add3A_181 : i32
    %mul3A_183 = arith.constant 10112 : i32
    %mul3A_184 = arith.muli %arg0, %mul3A_183 : i32
    %mul3A_185 = arith.constant 632 : i32
    %mul3A_186 = arith.muli %arg1, %mul3A_185 : i32
    %add3A_187 = arith.addi %mul3A_184, %mul3A_186 : i32
    %add3A_188 = arith.constant 0 : i32
    %add3A_189 = arith.addi %add3A_187, %add3A_188 : i32
    %dma_start3A_190 = arith.constant 0 : i32
    %dma_start3A_191 = tpu.memref_slice %arg5[%add3A_189, %dma_start3A_190] : memref<20224x128xf32, #tpu.memory_space<hbm>> -> memref<128x128xf32, #tpu.memory_space<hbm>>
    %dma_start3A_192 = arith.constant 0 : i32
    %dma_start3A_193 = tpu.memref_slice %arg10[%add3A_182, %dma_start3A_192] : memref<10112x128xf32, #tpu.memory_space<vmem_shared>> -> memref<128x128xf32, #tpu.memory_space<vmem_shared>>
    tpu.enqueue_dma source(%dma_start3A_193 : memref<128x128xf32, #tpu.memory_space<vmem_shared>>) target(%dma_start3A_191 : memref<128x128xf32, #tpu.memory_space<hbm>>) target_semaphore(%arg14 : memref<!tpu.dma_semaphore, #tpu.memory_space<semaphore_mem>>)
    %mul3A_194 = arith.constant 632 : i32
    %mul3A_195 = arith.muli %arg1, %mul3A_194 : i32
    %add3A_196 = arith.constant 128 : i32
    %add3A_197 = arith.addi %mul3A_195, %add3A_196 : i32
    %mul3A_198 = arith.constant 10112 : i32
    %mul3A_199 = arith.muli %arg0, %mul3A_198 : i32
    %mul3A_200 = arith.constant 632 : i32
    %mul3A_201 = arith.muli %arg1, %mul3A_200 : i32
    %add3A_202 = arith.addi %mul3A_199, %mul3A_201 : i32
    %add3A_203 = arith.constant 128 : i32
    %add3A_204 = arith.addi %add3A_202, %add3A_203 : i32
    %dma_start3A_205 = arith.constant 0 : i32
    %dma_start3A_206 = tpu.memref_slice %arg5[%add3A_204, %dma_start3A_205] : memref<20224x128xf32, #tpu.memory_space<hbm>> -> memref<128x128xf32, #tpu.memory_space<hbm>>
    %dma_start3A_207 = arith.constant 0 : i32
    %dma_start3A_208 = tpu.memref_slice %arg10[%add3A_197, %dma_start3A_207] : memref<10112x128xf32, #tpu.memory_space<vmem_shared>> -> memref<128x128xf32, #tpu.memory_space<vmem_shared>>
    tpu.enqueue_dma source(%dma_start3A_208 : memref<128x128xf32, #tpu.memory_space<vmem_shared>>) target(%dma_start3A_206 : memref<128x128xf32, #tpu.memory_space<hbm>>) target_semaphore(%arg14 : memref<!tpu.dma_semaphore, #tpu.memory_space<semaphore_mem>>)
    %mul3A_209 = arith.constant 632 : i32
    %mul3A_210 = arith.muli %arg1, %mul3A_209 : i32
    %add3A_211 = arith.constant 256 : i32
    %add3A_212 = arith.addi %mul3A_210, %add3A_211 : i32
    %mul3A_213 = arith.constant 10112 : i32
    %mul3A_214 = arith.muli %arg0, %mul3A_213 : i32
    %mul3A_215 = arith.constant 632 : i32
    %mul3A_216 = arith.muli %arg1, %mul3A_215 : i32
    %add3A_217 = arith.addi %mul3A_214, %mul3A_216 : i32
    %add3A_218 = arith.constant 256 : i32
    %add3A_219 = arith.addi %add3A_217, %add3A_218 : i32
    %dma_start3A_220 = arith.constant 0 : i32
    %dma_start3A_221 = tpu.memref_slice %arg5[%add3A_219, %dma_start3A_220] : memref<20224x128xf32, #tpu.memory_space<hbm>> -> memref<128x128xf32, #tpu.memory_space<hbm>>
    %dma_start3A_222 = arith.constant 0 : i32
    %dma_start3A_223 = tpu.memref_slice %arg10[%add3A_212, %dma_start3A_222] : memref<10112x128xf32, #tpu.memory_space<vmem_shared>> -> memref<128x128xf32, #tpu.memory_space<vmem_shared>>
    tpu.enqueue_dma source(%dma_start3A_223 : memref<128x128xf32, #tpu.memory_space<vmem_shared>>) target(%dma_start3A_221 : memref<128x128xf32, #tpu.memory_space<hbm>>) target_semaphore(%arg14 : memref<!tpu.dma_semaphore, #tpu.memory_space<semaphore_mem>>)
    %mul3A_224 = arith.constant 632 : i32
    %mul3A_225 = arith.muli %arg1, %mul3A_224 : i32
    %add3A_226 = arith.constant 384 : i32
    %add3A_227 = arith.addi %mul3A_225, %add3A_226 : i32
    %mul3A_228 = arith.constant 10112 : i32
    %mul3A_229 = arith.muli %arg0, %mul3A_228 : i32
    %mul3A_230 = arith.constant 632 : i32
    %mul3A_231 = arith.muli %arg1, %mul3A_230 : i32
    %add3A_232 = arith.addi %mul3A_229, %mul3A_231 : i32
    %add3A_233 = arith.constant 384 : i32
    %add3A_234 = arith.addi %add3A_232, %add3A_233 : i32
    %dma_start3A_235 = arith.constant 0 : i32
    %dma_start3A_236 = tpu.memref_slice %arg5[%add3A_234, %dma_start3A_235] : memref<20224x128xf32, #tpu.memory_space<hbm>> -> memref<128x128xf32, #tpu.memory_space<hbm>>
    %dma_start3A_237 = arith.constant 0 : i32
    %dma_start3A_238 = tpu.memref_slice %arg10[%add3A_227, %dma_start3A_237] : memref<10112x128xf32, #tpu.memory_space<vmem_shared>> -> memref<128x128xf32, #tpu.memory_space<vmem_shared>>
    tpu.enqueue_dma source(%dma_start3A_238 : memref<128x128xf32, #tpu.memory_space<vmem_shared>>) target(%dma_start3A_236 : memref<128x128xf32, #tpu.memory_space<hbm>>) target_semaphore(%arg14 : memref<!tpu.dma_semaphore, #tpu.memory_space<semaphore_mem>>)
    %mul3A_239 = arith.constant 632 : i32
    %mul3A_240 = arith.muli %arg1, %mul3A_239 : i32
    %add3A_241 = arith.constant 512 : i32
    %add3A_242 = arith.addi %mul3A_240, %add3A_241 : i32
    %mul3A_243 = arith.constant 10112 : i32
    %mul3A_244 = arith.muli %arg0, %mul3A_243 : i32
    %mul3A_245 = arith.constant 632 : i32
    %mul3A_246 = arith.muli %arg1, %mul3A_245 : i32
    %add3A_247 = arith.addi %mul3A_244, %mul3A_246 : i32
    %add3A_248 = arith.constant 512 : i32
    %add3A_249 = arith.addi %add3A_247, %add3A_248 : i32
    %dma_start3A_250 = arith.constant 0 : i32
    %dma_start3A_251 = tpu.memref_slice %arg5[%add3A_249, %dma_start3A_250] : memref<20224x128xf32, #tpu.memory_space<hbm>> -> memref<120x128xf32, #tpu.memory_space<hbm>>
    %dma_start3A_252 = arith.constant 0 : i32
    %dma_start3A_253 = tpu.memref_slice %arg10[%add3A_242, %dma_start3A_252] : memref<10112x128xf32, #tpu.memory_space<vmem_shared>> -> memref<120x128xf32, #tpu.memory_space<vmem_shared>>
    tpu.enqueue_dma source(%dma_start3A_253 : memref<120x128xf32, #tpu.memory_space<vmem_shared>>) target(%dma_start3A_251 : memref<120x128xf32, #tpu.memory_space<hbm>>) target_semaphore(%arg14 : memref<!tpu.dma_semaphore, #tpu.memory_space<semaphore_mem>>)
    %mul3A_254 = arith.constant 632 : i32
    %mul3A_255 = arith.muli %arg1, %mul3A_254 : i32
    %add3A_256 = arith.constant 0 : i32
    %add3A_257 = arith.addi %mul3A_255, %add3A_256 : i32
    %mul3A_258 = arith.constant 10112 : i32
    %mul3A_259 = arith.muli %arg0, %mul3A_258 : i32
    %mul3A_260 = arith.constant 632 : i32
    %mul3A_261 = arith.muli %arg1, %mul3A_260 : i32
    %add3A_262 = arith.addi %mul3A_259, %mul3A_261 : i32
    %add3A_263 = arith.constant 0 : i32
    %add3A_264 = arith.addi %add3A_262, %add3A_263 : i32
    %dma_wait3A_265 = arith.constant 0 : i32
    %dma_wait3A_266 = tpu.memref_slice %arg5[%add3A_264, %dma_wait3A_265] : memref<20224x128xf32, #tpu.memory_space<hbm>> -> memref<128x128xf32, #tpu.memory_space<hbm>>
    %dma_wait3A_267 = arith.constant 0 : i32
    %dma_wait3A_268 = tpu.memref_slice %arg10[%add3A_257, %dma_wait3A_267] : memref<10112x128xf32, #tpu.memory_space<vmem_shared>> -> memref<128x128xf32, #tpu.memory_space<vmem_shared>>
    tpu.wait_dma2 semaphore(%arg14 : memref<!tpu.dma_semaphore, #tpu.memory_space<semaphore_mem>>) src(%dma_wait3A_268 : memref<128x128xf32, #tpu.memory_space<vmem_shared>>) dst(%dma_wait3A_266 : memref<128x128xf32, #tpu.memory_space<hbm>>)
    %mul3A_269 = arith.constant 632 : i32
    %mul3A_270 = arith.muli %arg1, %mul3A_269 : i32
    %add3A_271 = arith.constant 128 : i32
    %add3A_272 = arith.addi %mul3A_270, %add3A_271 : i32
    %mul3A_273 = arith.constant 10112 : i32
    %mul3A_274 = arith.muli %arg0, %mul3A_273 : i32
    %mul3A_275 = arith.constant 632 : i32
    %mul3A_276 = arith.muli %arg1, %mul3A_275 : i32
    %add3A_277 = arith.addi %mul3A_274, %mul3A_276 : i32
    %add3A_278 = arith.constant 128 : i32
    %add3A_279 = arith.addi %add3A_277, %add3A_278 : i32
    %dma_wait3A_280 = arith.constant 0 : i32
    %dma_wait3A_281 = tpu.memref_slice %arg5[%add3A_279, %dma_wait3A_280] : memref<20224x128xf32, #tpu.memory_space<hbm>> -> memref<128x128xf32, #tpu.memory_space<hbm>>
    %dma_wait3A_282 = arith.constant 0 : i32
    %dma_wait3A_283 = tpu.memref_slice %arg10[%add3A_272, %dma_wait3A_282] : memref<10112x128xf32, #tpu.memory_space<vmem_shared>> -> memref<128x128xf32, #tpu.memory_space<vmem_shared>>
    tpu.wait_dma2 semaphore(%arg14 : memref<!tpu.dma_semaphore, #tpu.memory_space<semaphore_mem>>) src(%dma_wait3A_283 : memref<128x128xf32, #tpu.memory_space<vmem_shared>>) dst(%dma_wait3A_281 : memref<128x128xf32, #tpu.memory_space<hbm>>)
    %mul3A_284 = arith.constant 632 : i32
    %mul3A_285 = arith.muli %arg1, %mul3A_284 : i32
    %add3A_286 = arith.constant 256 : i32
    %add3A_287 = arith.addi %mul3A_285, %add3A_286 : i32
    %mul3A_288 = arith.constant 10112 : i32
    %mul3A_289 = arith.muli %arg0, %mul3A_288 : i32
    %mul3A_290 = arith.constant 632 : i32
    %mul3A_291 = arith.muli %arg1, %mul3A_290 : i32
    %add3A_292 = arith.addi %mul3A_289, %mul3A_291 : i32
    %add3A_293 = arith.constant 256 : i32
    %add3A_294 = arith.addi %add3A_292, %add3A_293 : i32
    %dma_wait3A_295 = arith.constant 0 : i32
    %dma_wait3A_296 = tpu.memref_slice %arg5[%add3A_294, %dma_wait3A_295] : memref<20224x128xf32, #tpu.memory_space<hbm>> -> memref<128x128xf32, #tpu.memory_space<hbm>>
    %dma_wait3A_297 = arith.constant 0 : i32
    %dma_wait3A_298 = tpu.memref_slice %arg10[%add3A_287, %dma_wait3A_297] : memref<10112x128xf32, #tpu.memory_space<vmem_shared>> -> memref<128x128xf32, #tpu.memory_space<vmem_shared>>
    tpu.wait_dma2 semaphore(%arg14 : memref<!tpu.dma_semaphore, #tpu.memory_space<semaphore_mem>>) src(%dma_wait3A_298 : memref<128x128xf32, #tpu.memory_space<vmem_shared>>) dst(%dma_wait3A_296 : memref<128x128xf32, #tpu.memory_space<hbm>>)
    %mul3A_299 = arith.constant 632 : i32
    %mul3A_300 = arith.muli %arg1, %mul3A_299 : i32
    %add3A_301 = arith.constant 384 : i32
    %add3A_302 = arith.addi %mul3A_300, %add3A_301 : i32
    %mul3A_303 = arith.constant 10112 : i32
    %mul3A_304 = arith.muli %arg0, %mul3A_303 : i32
    %mul3A_305 = arith.constant 632 : i32
    %mul3A_306 = arith.muli %arg1, %mul3A_305 : i32
    %add3A_307 = arith.addi %mul3A_304, %mul3A_306 : i32
    %add3A_308 = arith.constant 384 : i32
    %add3A_309 = arith.addi %add3A_307, %add3A_308 : i32
    %dma_wait3A_310 = arith.constant 0 : i32
    %dma_wait3A_311 = tpu.memref_slice %arg5[%add3A_309, %dma_wait3A_310] : memref<20224x128xf32, #tpu.memory_space<hbm>> -> memref<128x128xf32, #tpu.memory_space<hbm>>
    %dma_wait3A_312 = arith.constant 0 : i32
    %dma_wait3A_313 = tpu.memref_slice %arg10[%add3A_302, %dma_wait3A_312] : memref<10112x128xf32, #tpu.memory_space<vmem_shared>> -> memref<128x128xf32, #tpu.memory_space<vmem_shared>>
    tpu.wait_dma2 semaphore(%arg14 : memref<!tpu.dma_semaphore, #tpu.memory_space<semaphore_mem>>) src(%dma_wait3A_313 : memref<128x128xf32, #tpu.memory_space<vmem_shared>>) dst(%dma_wait3A_311 : memref<128x128xf32, #tpu.memory_space<hbm>>)
    %mul3A_314 = arith.constant 632 : i32
    %mul3A_315 = arith.muli %arg1, %mul3A_314 : i32
    %add3A_316 = arith.constant 512 : i32
    %add3A_317 = arith.addi %mul3A_315, %add3A_316 : i32
    %mul3A_318 = arith.constant 10112 : i32
    %mul3A_319 = arith.muli %arg0, %mul3A_318 : i32
    %mul3A_320 = arith.constant 632 : i32
    %mul3A_321 = arith.muli %arg1, %mul3A_320 : i32
    %add3A_322 = arith.addi %mul3A_319, %mul3A_321 : i32
    %add3A_323 = arith.constant 512 : i32
    %add3A_324 = arith.addi %add3A_322, %add3A_323 : i32
    %dma_wait3A_325 = arith.constant 0 : i32
    %dma_wait3A_326 = tpu.memref_slice %arg5[%add3A_324, %dma_wait3A_325] : memref<20224x128xf32, #tpu.memory_space<hbm>> -> memref<120x128xf32, #tpu.memory_space<hbm>>
    %dma_wait3A_327 = arith.constant 0 : i32
    %dma_wait3A_328 = tpu.memref_slice %arg10[%add3A_317, %dma_wait3A_327] : memref<10112x128xf32, #tpu.memory_space<vmem_shared>> -> memref<120x128xf32, #tpu.memory_space<vmem_shared>>
    tpu.wait_dma2 semaphore(%arg14 : memref<!tpu.dma_semaphore, #tpu.memory_space<semaphore_mem>>) src(%dma_wait3A_328 : memref<120x128xf32, #tpu.memory_space<vmem_shared>>) dst(%dma_wait3A_326 : memref<120x128xf32, #tpu.memory_space<hbm>>)
    return
  }
}

module attributes {stable_mosaic.version = 14 : i64} {
  func.func @body(%arg0: memref<20224x128xf32, #tpu.memory_space<vmem>>, %arg1: memref<20224x128xf32, #tpu.memory_space<vmem>>, %arg2: memref<10000x128xf32, #tpu.memory_space<vmem>>, %arg3: memref<128x128xf32, #tpu.memory_space<vmem>>, %arg4: memref<128xf32, #tpu.memory_space<vmem>>, %arg5: memref<128x128xf32, #tpu.memory_space<vmem>>, %arg6: memref<128xf32, #tpu.memory_space<vmem>>, %arg7: memref<128xf32, #tpu.memory_space<vmem>>, %arg8: memref<128xf32, #tpu.memory_space<vmem>>, %arg9: memref<10000x1xf32, #tpu.memory_space<vmem>>, %arg10: memref<10000x128xf32, #tpu.memory_space<vmem>>) attributes {dimension_semantics = [], scalar_prefetch = 0 : i64, scratch_operands = 0 : i64, tpu.core_type = #tpu.core_type<tc>} {
    %get3A = arith.constant 0 : index
    %get3A_0 = arith.constant 0 : index
    %get3A_1 = vector.load %arg0[%get3A, %get3A_0] : memref<20224x128xf32, #tpu.memory_space<vmem>>, vector<20224x128xf32>
    %slice3A = vector.extract_strided_slice %get3A_1 {offsets = [0, 0], sizes = [10000, 128], strides = [1, 1]} : vector<20224x128xf32> to vector<10000x128xf32>
    %slice3A_2 = vector.extract_strided_slice %get3A_1 {offsets = [10112, 0], sizes = [10000, 128], strides = [1, 1]} : vector<20224x128xf32> to vector<10000x128xf32>
    %add3A = arith.addf %slice3A, %slice3A_2 : vector<10000x128xf32>
    %get3A_3 = arith.constant 0 : index
    %get3A_4 = arith.constant 0 : index
    %get3A_5 = vector.load %arg1[%get3A_3, %get3A_4] : memref<20224x128xf32, #tpu.memory_space<vmem>>, vector<20224x128xf32>
    %slice3A_6 = vector.extract_strided_slice %get3A_5 {offsets = [0, 0], sizes = [10000, 1], strides = [1, 1]} : vector<20224x128xf32> to vector<10000x1xf32>
    %slice3A_7 = vector.extract_strided_slice %get3A_5 {offsets = [10112, 0], sizes = [10000, 1], strides = [1, 1]} : vector<20224x128xf32> to vector<10000x1xf32>
    %add3A_8 = arith.addf %slice3A_6, %slice3A_7 : vector<10000x1xf32>
    %max3A = arith.constant 1.000000e+00 : f32
    %max3A_9 = vector.broadcast %max3A : f32 to vector<10000x1xf32>
    %max3A_10 = arith.maximumf %add3A_8, %max3A_9 : vector<10000x1xf32>
    %div3A = arith.constant 1.000000e+00 : f32
    %div3A_11 = vector.broadcast %div3A : f32 to vector<10000x1xf32>
    %div3A_12 = arith.divf %div3A_11, %max3A_10 : vector<10000x1xf32>
    %swap3A = arith.constant 0 : index
    %swap3A_13 = arith.constant 0 : index
    %swap3A_14 = vector.load %arg9[%swap3A, %swap3A_13] : memref<10000x1xf32, #tpu.memory_space<vmem>>, vector<10000x1xf32>
    tpu.vector_store %arg9[%swap3A, %swap3A_13], %div3A_12 {strides = array<i32>} : memref<10000x1xf32, #tpu.memory_space<vmem>>, vector<10000x1xf32>,
    %mul3A = vector.broadcast %div3A_12 : vector<10000x1xf32> to vector<10000x128xf32>
    %mul3A_15 = arith.mulf %add3A, %mul3A : vector<10000x128xf32>
    %get3A_16 = arith.constant 0 : index
    %get3A_17 = arith.constant 0 : index
    %get3A_18 = vector.load %arg2[%get3A_16, %get3A_17] : memref<10000x128xf32, #tpu.memory_space<vmem>>, vector<10000x128xf32>
    %get3A_19 = arith.constant 0 : index
    %get3A_20 = arith.constant 0 : index
    %get3A_21 = vector.load %arg3[%get3A_19, %get3A_20] : memref<128x128xf32, #tpu.memory_space<vmem>>, vector<128x128xf32>
    %dot_general3A = arith.constant dense<0.000000e+00> : vector<10000x128xf32>
    %dot_general3A_22 = tpu.matmul %mul3A_15, %get3A_21, %dot_general3A {dimension_numbers = #tpu.dot_dimension_numbers<[1], [0], [0], [1], [0, 0, 1, 1], [], []>, transpose_lhs_hint = false} : vector<10000x128xf32>, vector<128x128xf32>, vector<10000x128xf32> -> vector<10000x128xf32>
    %get3A_23 = arith.constant 0 : index
    %get3A_24 = vector.load %arg4[%get3A_23] : memref<128xf32, #tpu.memory_space<vmem>>, vector<128xf32>
    %broadcast_in_dim3A = vector.shape_cast %get3A_24 : vector<128xf32> to vector<1x128xf32>
    %add3A_25 = vector.broadcast %broadcast_in_dim3A : vector<1x128xf32> to vector<10000x128xf32>
    %add3A_26 = arith.addf %dot_general3A_22, %add3A_25 : vector<10000x128xf32>
    %get3A_27 = arith.constant 0 : index
    %get3A_28 = arith.constant 0 : index
    %get3A_29 = vector.load %arg5[%get3A_27, %get3A_28] : memref<128x128xf32, #tpu.memory_space<vmem>>, vector<128x128xf32>
    %dot_general3A_30 = arith.constant dense<0.000000e+00> : vector<10000x128xf32>
    %dot_general3A_31 = tpu.matmul %get3A_18, %get3A_29, %dot_general3A_30 {dimension_numbers = #tpu.dot_dimension_numbers<[1], [0], [0], [1], [0, 0, 1, 1], [], []>, transpose_lhs_hint = false} : vector<10000x128xf32>, vector<128x128xf32>, vector<10000x128xf32> -> vector<10000x128xf32>
    %add3A_32 = arith.addf %add3A_26, %dot_general3A_31 : vector<10000x128xf32>
    %get3A_33 = arith.constant 0 : index
    %get3A_34 = vector.load %arg6[%get3A_33] : memref<128xf32, #tpu.memory_space<vmem>>, vector<128xf32>
    %broadcast_in_dim3A_35 = vector.shape_cast %get3A_34 : vector<128xf32> to vector<1x128xf32>
    %add3A_36 = vector.broadcast %broadcast_in_dim3A_35 : vector<1x128xf32> to vector<10000x128xf32>
    %add3A_37 = arith.addf %add3A_32, %add3A_36 : vector<10000x128xf32>
    %reduce_sum3A = arith.constant dense<0.000000e+00> : vector<128xf32>
    %reduce_sum3A_38 = vector.multi_reduction <add>, %add3A_37, %reduce_sum3A [0] : vector<10000x128xf32> to vector<128xf32>
    %broadcast_in_dim3A_39 = vector.shape_cast %reduce_sum3A_38 : vector<128xf32> to vector<1x128xf32>
    %div3A_40 = arith.constant 1.000000e+04 : f32
    %div3A_41 = vector.broadcast %div3A_40 : f32 to vector<1x128xf32>
    %div3A_42 = arith.divf %broadcast_in_dim3A_39, %div3A_41 : vector<1x128xf32>
    %sub3A = vector.broadcast %div3A_42 : vector<1x128xf32> to vector<10000x128xf32>
    %sub3A_43 = arith.subf %add3A_37, %sub3A : vector<10000x128xf32>
    %integer_pow3A = arith.mulf %sub3A_43, %sub3A_43 : vector<10000x128xf32>
    %reduce_sum3A_44 = arith.constant dense<0.000000e+00> : vector<128xf32>
    %reduce_sum3A_45 = vector.multi_reduction <add>, %integer_pow3A, %reduce_sum3A_44 [0] : vector<10000x128xf32> to vector<128xf32>
    %broadcast_in_dim3A_46 = vector.shape_cast %reduce_sum3A_45 : vector<128xf32> to vector<1x128xf32>
    %div3A_47 = arith.constant 1.000000e+04 : f32
    %div3A_48 = vector.broadcast %div3A_47 : f32 to vector<1x128xf32>
    %div3A_49 = arith.divf %broadcast_in_dim3A_46, %div3A_48 : vector<1x128xf32>
    %get3A_50 = arith.constant 0 : index
    %get3A_51 = vector.load %arg7[%get3A_50] : memref<128xf32, #tpu.memory_space<vmem>>, vector<128xf32>
    %broadcast_in_dim3A_52 = vector.shape_cast %get3A_51 : vector<128xf32> to vector<1x128xf32>
    %sub3A_53 = vector.broadcast %div3A_42 : vector<1x128xf32> to vector<10000x128xf32>
    %sub3A_54 = arith.subf %add3A_37, %sub3A_53 : vector<10000x128xf32>
    %mul3A_55 = vector.broadcast %broadcast_in_dim3A_52 : vector<1x128xf32> to vector<10000x128xf32>
    %mul3A_56 = arith.mulf %mul3A_55, %sub3A_54 : vector<10000x128xf32>
    %add3A_57 = arith.constant 9.99999974E-6 : f32
    %add3A_58 = vector.broadcast %add3A_57 : f32 to vector<1x128xf32>
    %add3A_59 = arith.addf %div3A_49, %add3A_58 : vector<1x128xf32>
    %sqrt3A = math.sqrt %add3A_59 : vector<1x128xf32>
    %div3A_60 = vector.broadcast %sqrt3A : vector<1x128xf32> to vector<10000x128xf32>
    %div3A_61 = arith.divf %mul3A_56, %div3A_60 : vector<10000x128xf32>
    %get3A_62 = arith.constant 0 : index
    %get3A_63 = vector.load %arg8[%get3A_62] : memref<128xf32, #tpu.memory_space<vmem>>, vector<128xf32>
    %broadcast_in_dim3A_64 = vector.shape_cast %get3A_63 : vector<128xf32> to vector<1x128xf32>
    %add3A_65 = vector.broadcast %broadcast_in_dim3A_64 : vector<1x128xf32> to vector<10000x128xf32>
    %add3A_66 = arith.addf %div3A_61, %add3A_65 : vector<10000x128xf32>
    %max3A_67 = arith.constant 0.000000e+00 : f32
    %max3A_68 = vector.broadcast %max3A_67 : f32 to vector<10000x128xf32>
    %max3A_69 = arith.maximumf %add3A_66, %max3A_68 : vector<10000x128xf32>
    %swap3A_70 = arith.constant 0 : index
    %swap3A_71 = arith.constant 0 : index
    %swap3A_72 = vector.load %arg10[%swap3A_70, %swap3A_71] : memref<10000x128xf32, #tpu.memory_space<vmem>>, vector<10000x128xf32>
    tpu.vector_store %arg10[%swap3A_70, %swap3A_71], %max3A_69 {strides = array<i32>} : memref<10000x128xf32, #tpu.memory_space<vmem>>, vector<10000x128xf32>,
    return
  }
}

module attributes {stable_mosaic.version = 14 : i64} {
  func.func @body(%arg0: memref<20224x128xf32, #tpu.memory_space<vmem>>, %arg1: memref<10000x1xf32, #tpu.memory_space<vmem>>, %arg2: memref<10000x128xf32, #tpu.memory_space<vmem>>, %arg3: memref<128x128xf32, #tpu.memory_space<vmem>>, %arg4: memref<128xf32, #tpu.memory_space<vmem>>, %arg5: memref<128x128xf32, #tpu.memory_space<vmem>>, %arg6: memref<128xf32, #tpu.memory_space<vmem>>, %arg7: memref<128xf32, #tpu.memory_space<vmem>>, %arg8: memref<128xf32, #tpu.memory_space<vmem>>, %arg9: memref<10000x128xf32, #tpu.memory_space<vmem>>, %arg10: memref<10000x128xf32, #tpu.memory_space<vmem>>) attributes {dimension_semantics = [], scalar_prefetch = 0 : i64, scratch_operands = 0 : i64, tpu.core_type = #tpu.core_type<tc>} {
    %get3A = arith.constant 0 : index
    %get3A_0 = arith.constant 0 : index
    %get3A_1 = vector.load %arg0[%get3A, %get3A_0] : memref<20224x128xf32, #tpu.memory_space<vmem>>, vector<20224x128xf32>
    %slice3A = vector.extract_strided_slice %get3A_1 {offsets = [0, 0], sizes = [10000, 128], strides = [1, 1]} : vector<20224x128xf32> to vector<10000x128xf32>
    %slice3A_2 = vector.extract_strided_slice %get3A_1 {offsets = [10112, 0], sizes = [10000, 128], strides = [1, 1]} : vector<20224x128xf32> to vector<10000x128xf32>
    %add3A = arith.addf %slice3A, %slice3A_2 : vector<10000x128xf32>
    %get3A_3 = arith.constant 0 : index
    %get3A_4 = arith.constant 0 : index
    %get3A_5 = vector.load %arg1[%get3A_3, %get3A_4] : memref<10000x1xf32, #tpu.memory_space<vmem>>, vector<10000x1xf32>
    %mul3A = vector.broadcast %get3A_5 : vector<10000x1xf32> to vector<10000x128xf32>
    %mul3A_6 = arith.mulf %add3A, %mul3A : vector<10000x128xf32>
    %get3A_7 = arith.constant 0 : index
    %get3A_8 = arith.constant 0 : index
    %get3A_9 = vector.load %arg2[%get3A_7, %get3A_8] : memref<10000x128xf32, #tpu.memory_space<vmem>>, vector<10000x128xf32>
    %get3A_10 = arith.constant 0 : index
    %get3A_11 = arith.constant 0 : index
    %get3A_12 = vector.load %arg3[%get3A_10, %get3A_11] : memref<128x128xf32, #tpu.memory_space<vmem>>, vector<128x128xf32>
    %dot_general3A = arith.constant dense<0.000000e+00> : vector<10000x128xf32>
    %dot_general3A_13 = tpu.matmul %mul3A_6, %get3A_12, %dot_general3A {dimension_numbers = #tpu.dot_dimension_numbers<[1], [0], [0], [1], [0, 0, 1, 1], [], []>, transpose_lhs_hint = false} : vector<10000x128xf32>, vector<128x128xf32>, vector<10000x128xf32> -> vector<10000x128xf32>
    %get3A_14 = arith.constant 0 : index
    %get3A_15 = vector.load %arg4[%get3A_14] : memref<128xf32, #tpu.memory_space<vmem>>, vector<128xf32>
    %broadcast_in_dim3A = vector.shape_cast %get3A_15 : vector<128xf32> to vector<1x128xf32>
    %add3A_16 = vector.broadcast %broadcast_in_dim3A : vector<1x128xf32> to vector<10000x128xf32>
    %add3A_17 = arith.addf %dot_general3A_13, %add3A_16 : vector<10000x128xf32>
    %get3A_18 = arith.constant 0 : index
    %get3A_19 = arith.constant 0 : index
    %get3A_20 = vector.load %arg5[%get3A_18, %get3A_19] : memref<128x128xf32, #tpu.memory_space<vmem>>, vector<128x128xf32>
    %dot_general3A_21 = arith.constant dense<0.000000e+00> : vector<10000x128xf32>
    %dot_general3A_22 = tpu.matmul %get3A_9, %get3A_20, %dot_general3A_21 {dimension_numbers = #tpu.dot_dimension_numbers<[1], [0], [0], [1], [0, 0, 1, 1], [], []>, transpose_lhs_hint = false} : vector<10000x128xf32>, vector<128x128xf32>, vector<10000x128xf32> -> vector<10000x128xf32>
    %add3A_23 = arith.addf %add3A_17, %dot_general3A_22 : vector<10000x128xf32>
    %get3A_24 = arith.constant 0 : index
    %get3A_25 = vector.load %arg6[%get3A_24] : memref<128xf32, #tpu.memory_space<vmem>>, vector<128xf32>
    %broadcast_in_dim3A_26 = vector.shape_cast %get3A_25 : vector<128xf32> to vector<1x128xf32>
    %add3A_27 = vector.broadcast %broadcast_in_dim3A_26 : vector<1x128xf32> to vector<10000x128xf32>
    %add3A_28 = arith.addf %add3A_23, %add3A_27 : vector<10000x128xf32>
    %swap3A = arith.constant 0 : index
    %swap3A_29 = arith.constant 0 : index
    %swap3A_30 = vector.load %arg9[%swap3A, %swap3A_29] : memref<10000x128xf32, #tpu.memory_space<vmem>>, vector<10000x128xf32>
    tpu.vector_store %arg9[%swap3A, %swap3A_29], %add3A_28 {strides = array<i32>} : memref<10000x128xf32, #tpu.memory_space<vmem>>, vector<10000x128xf32>,
    %reduce_sum3A = arith.constant dense<0.000000e+00> : vector<128xf32>
    %reduce_sum3A_31 = vector.multi_reduction <add>, %add3A_28, %reduce_sum3A [0] : vector<10000x128xf32> to vector<128xf32>
    %broadcast_in_dim3A_32 = vector.shape_cast %reduce_sum3A_31 : vector<128xf32> to vector<1x128xf32>
    %div3A = arith.constant 1.000000e+04 : f32
    %div3A_33 = vector.broadcast %div3A : f32 to vector<1x128xf32>
    %div3A_34 = arith.divf %broadcast_in_dim3A_32, %div3A_33 : vector<1x128xf32>
    %sub3A = vector.broadcast %div3A_34 : vector<1x128xf32> to vector<10000x128xf32>
    %sub3A_35 = arith.subf %add3A_28, %sub3A : vector<10000x128xf32>
    %integer_pow3A = arith.mulf %sub3A_35, %sub3A_35 : vector<10000x128xf32>
    %reduce_sum3A_36 = arith.constant dense<0.000000e+00> : vector<128xf32>
    %reduce_sum3A_37 = vector.multi_reduction <add>, %integer_pow3A, %reduce_sum3A_36 [0] : vector<10000x128xf32> to vector<128xf32>
    %broadcast_in_dim3A_38 = vector.shape_cast %reduce_sum3A_37 : vector<128xf32> to vector<1x128xf32>
    %div3A_39 = arith.constant 1.000000e+04 : f32
    %div3A_40 = vector.broadcast %div3A_39 : f32 to vector<1x128xf32>
    %div3A_41 = arith.divf %broadcast_in_dim3A_38, %div3A_40 : vector<1x128xf32>
    %get3A_42 = arith.constant 0 : index
    %get3A_43 = vector.load %arg7[%get3A_42] : memref<128xf32, #tpu.memory_space<vmem>>, vector<128xf32>
    %broadcast_in_dim3A_44 = vector.shape_cast %get3A_43 : vector<128xf32> to vector<1x128xf32>
    %sub3A_45 = vector.broadcast %div3A_34 : vector<1x128xf32> to vector<10000x128xf32>
    %sub3A_46 = arith.subf %add3A_28, %sub3A_45 : vector<10000x128xf32>
    %mul3A_47 = vector.broadcast %broadcast_in_dim3A_44 : vector<1x128xf32> to vector<10000x128xf32>
    %mul3A_48 = arith.mulf %mul3A_47, %sub3A_46 : vector<10000x128xf32>
    %add3A_49 = arith.constant 9.99999974E-6 : f32
    %add3A_50 = vector.broadcast %add3A_49 : f32 to vector<1x128xf32>
    %add3A_51 = arith.addf %div3A_41, %add3A_50 : vector<1x128xf32>
    %sqrt3A = math.sqrt %add3A_51 : vector<1x128xf32>
    %div3A_52 = vector.broadcast %sqrt3A : vector<1x128xf32> to vector<10000x128xf32>
    %div3A_53 = arith.divf %mul3A_48, %div3A_52 : vector<10000x128xf32>
    %get3A_54 = arith.constant 0 : index
    %get3A_55 = vector.load %arg8[%get3A_54] : memref<128xf32, #tpu.memory_space<vmem>>, vector<128xf32>
    %broadcast_in_dim3A_56 = vector.shape_cast %get3A_55 : vector<128xf32> to vector<1x128xf32>
    %add3A_57 = vector.broadcast %broadcast_in_dim3A_56 : vector<1x128xf32> to vector<10000x128xf32>
    %add3A_58 = arith.addf %div3A_53, %add3A_57 : vector<10000x128xf32>
    %max3A = arith.constant 0.000000e+00 : f32
    %max3A_59 = vector.broadcast %max3A : f32 to vector<10000x128xf32>
    %max3A_60 = arith.maximumf %add3A_58, %max3A_59 : vector<10000x128xf32>
    %swap3A_61 = arith.constant 0 : index
    %swap3A_62 = arith.constant 0 : index
    %swap3A_63 = vector.load %arg10[%swap3A_61, %swap3A_62] : memref<10000x128xf32, #tpu.memory_space<vmem>>, vector<10000x128xf32>
    tpu.vector_store %arg10[%swap3A_61, %swap3A_62], %max3A_60 {strides = array<i32>} : memref<10000x128xf32, #tpu.memory_space<vmem>>, vector<10000x128xf32>,
    return
  }
}

module attributes {stable_mosaic.version = 14 : i64} {
  func.func @body(%arg0: memref<20224x128xf32, #tpu.memory_space<vmem>>, %arg1: memref<10000x1xf32, #tpu.memory_space<vmem>>, %arg2: memref<10000x128xf32, #tpu.memory_space<vmem>>, %arg3: memref<128x128xf32, #tpu.memory_space<vmem>>, %arg4: memref<128xf32, #tpu.memory_space<vmem>>, %arg5: memref<128x128xf32, #tpu.memory_space<vmem>>, %arg6: memref<128xf32, #tpu.memory_space<vmem>>, %arg7: memref<10000x128xf32, #tpu.memory_space<vmem>>) attributes {dimension_semantics = [], scalar_prefetch = 0 : i64, scratch_operands = 0 : i64, tpu.core_type = #tpu.core_type<tc>} {
    %get3A = arith.constant 0 : index
    %get3A_0 = arith.constant 0 : index
    %get3A_1 = vector.load %arg0[%get3A, %get3A_0] : memref<20224x128xf32, #tpu.memory_space<vmem>>, vector<20224x128xf32>
    %slice3A = vector.extract_strided_slice %get3A_1 {offsets = [0, 0], sizes = [10000, 128], strides = [1, 1]} : vector<20224x128xf32> to vector<10000x128xf32>
    %slice3A_2 = vector.extract_strided_slice %get3A_1 {offsets = [10112, 0], sizes = [10000, 128], strides = [1, 1]} : vector<20224x128xf32> to vector<10000x128xf32>
    %add3A = arith.addf %slice3A, %slice3A_2 : vector<10000x128xf32>
    %get3A_3 = arith.constant 0 : index
    %get3A_4 = arith.constant 0 : index
    %get3A_5 = vector.load %arg1[%get3A_3, %get3A_4] : memref<10000x1xf32, #tpu.memory_space<vmem>>, vector<10000x1xf32>
    %mul3A = vector.broadcast %get3A_5 : vector<10000x1xf32> to vector<10000x128xf32>
    %mul3A_6 = arith.mulf %add3A, %mul3A : vector<10000x128xf32>
    %get3A_7 = arith.constant 0 : index
    %get3A_8 = arith.constant 0 : index
    %get3A_9 = vector.load %arg2[%get3A_7, %get3A_8] : memref<10000x128xf32, #tpu.memory_space<vmem>>, vector<10000x128xf32>
    %get3A_10 = arith.constant 0 : index
    %get3A_11 = arith.constant 0 : index
    %get3A_12 = vector.load %arg3[%get3A_10, %get3A_11] : memref<128x128xf32, #tpu.memory_space<vmem>>, vector<128x128xf32>
    %dot_general3A = arith.constant dense<0.000000e+00> : vector<10000x128xf32>
    %dot_general3A_13 = tpu.matmul %mul3A_6, %get3A_12, %dot_general3A {dimension_numbers = #tpu.dot_dimension_numbers<[1], [0], [0], [1], [0, 0, 1, 1], [], []>, transpose_lhs_hint = false} : vector<10000x128xf32>, vector<128x128xf32>, vector<10000x128xf32> -> vector<10000x128xf32>
    %get3A_14 = arith.constant 0 : index
    %get3A_15 = vector.load %arg4[%get3A_14] : memref<128xf32, #tpu.memory_space<vmem>>, vector<128xf32>
    %broadcast_in_dim3A = vector.shape_cast %get3A_15 : vector<128xf32> to vector<1x128xf32>
    %add3A_16 = vector.broadcast %broadcast_in_dim3A : vector<1x128xf32> to vector<10000x128xf32>
    %add3A_17 = arith.addf %dot_general3A_13, %add3A_16 : vector<10000x128xf32>
    %get3A_18 = arith.constant 0 : index
    %get3A_19 = arith.constant 0 : index
    %get3A_20 = vector.load %arg5[%get3A_18, %get3A_19] : memref<128x128xf32, #tpu.memory_space<vmem>>, vector<128x128xf32>
    %dot_general3A_21 = arith.constant dense<0.000000e+00> : vector<10000x128xf32>
    %dot_general3A_22 = tpu.matmul %get3A_9, %get3A_20, %dot_general3A_21 {dimension_numbers = #tpu.dot_dimension_numbers<[1], [0], [0], [1], [0, 0, 1, 1], [], []>, transpose_lhs_hint = false} : vector<10000x128xf32>, vector<128x128xf32>, vector<10000x128xf32> -> vector<10000x128xf32>
    %add3A_23 = arith.addf %add3A_17, %dot_general3A_22 : vector<10000x128xf32>
    %get3A_24 = arith.constant 0 : index
    %get3A_25 = vector.load %arg6[%get3A_24] : memref<128xf32, #tpu.memory_space<vmem>>, vector<128xf32>
    %broadcast_in_dim3A_26 = vector.shape_cast %get3A_25 : vector<128xf32> to vector<1x128xf32>
    %add3A_27 = vector.broadcast %broadcast_in_dim3A_26 : vector<1x128xf32> to vector<10000x128xf32>
    %add3A_28 = arith.addf %add3A_23, %add3A_27 : vector<10000x128xf32>
    %swap3A = arith.constant 0 : index
    %swap3A_29 = arith.constant 0 : index
    %swap3A_30 = vector.load %arg7[%swap3A, %swap3A_29] : memref<10000x128xf32, #tpu.memory_space<vmem>>, vector<10000x128xf32>
    tpu.vector_store %arg7[%swap3A, %swap3A_29], %add3A_28 {strides = array<i32>} : memref<10000x128xf32, #tpu.memory_space<vmem>>, vector<10000x128xf32>,
    return
  }
}

</mosaic_0001>

<sc_bundles>
// kernel: kernel.11.cloned.1.call-start
scs
__scs_entry_jumppad:
0x0: {  	(pc) =	sbr.rel $0x88, $3  }
0x1: {  	(tag) =	ssettag $0x0;
	lr =	simm.s32 $0x1  }
0x2: {  	[smem:$0x3F8F] =	sst lr;
	_ =	strace $0xD0000000  }
0x3: {  	_ = 	snop  }
0x4: {  	_ = 	snop  }
0x5: {  	_ = 	snop  }
0x6: {  	_ = 	snop  }
0x7: {  	_ = 	snop  }
__scs_overlays_trampoline_lowered:
0x8: {  	[smem:$0x3F9E] =	sst s0  }
0x9: {  	[smem:$0x3F9F] =	sst s1  }
0xa: {  	[smem:$0x3FA0] =	sst s2  }
0xb: {  	[smem:$0x3FA1] =	sst s3  }
0xc: {  	[smem:$0x3FA2] =	sst s4  }
0xd: {  	[smem:$0x3FA3] =	sst s5  }
0xe: {  	[smem:$0x3FA4] =	sst s6  }
0xf: {  	[smem:$0x3FA5] =	sst s7  }
0x10: {  	[smem:$0x3FA6] =	sst s8  }
0x11: {  	[smem:$0x3FA7] =	sst s9;
	s0 =	simm.s32 @!p0 $0x0  }
0x12: {  	s1 =	sld [smem:$0x3F8D];
	s0 =	simm.s32 @p0 $0x1  }
0x13: {  	[smem:$0x3FA8] =	sst s0;
	s0 =	simm.s32 @!p1 $0x0  }
0x14: {  	s2 =	sld [smem:$0x3F8C];
	s0 =	simm.s32 @p1 $0x1  }
0x15: {  	[smem:$0x3FA9] =	sst s0;
	s0 =	simm.s32 @!p2 $0x0  }
0x16: {  	s3 =	sld [smem:$0x3FDB];
	s0 =	simm.s32 @p2 $0x1  }
0x17: {  	s4 =	simm.s32 $0x1BF5;
	[smem:$0x3FAB] =	sst s0  }
0x18: {  	s0 =	sld [smem:$0x3F8E];
	_ =	swait.ge [sflag:s4], $0x0  }
0x19: {  	s7 =	sld [smem:$0x3F8F]  }
0x1a: {  	s8 =	sadd.s32 $0xFFFFE003, lr  }
0x1b: {  	s9 =	sadd.s32 $0xFFFFFEF7, lr;
	s5 =	simm.s32 $0xFFFFFFFF;
	p2 =	slt.u32 s8, $0xFFFFF086  }
0x1c: {  	p1 =	slt.u32 s9, $0xF7A;
	s5 =	simm.s32 @!p2 $0x0  }
0x1d: {  	s5 =	simm.s32 @p1 $0x1;
	p0 =	seq.s32 s7, s2  }
0x1e: {  	s7 =	smul.u32 @!p0 $0xF7A, s2;
	p2 =	seq.s32 @!p0 s5, $0x0  }
0x1f: {  	s9 =	smul.u32 $0xF7A, s1;
	s8 =	simm.s32 @!p0 $0x1BF5;
	p2 =	por !p2, p0  }
0x20: {  	[sflag:s8] =	ssyncset.s32 @!p0 $0xFFFFF086;
	s6 =	sadd.s32 @!p0 s3, s7;
	s7 =	simm.s32 @!p0 $0x108  }
0x21: {  	s3 =	sadd.s32 s3, s9;
	s6 =	sadd.s32 @!p0 $0x88, s6;
	s7 =	simm.s32 @p2 $0x1082  }
0x22: {  	[simem:s7], [sflag:s8] =	dma.local @!p0 [hbm:s6], $0xF7A  }
0x23: {  	s9 =	sor.u32 $0xD0000000, s2;
	s6 =	simm.s32 $0x108;
	_ =	swait.ge @!p0 [sflag:s8], $0x0  }
0x24: {  	s3 =	sadd.s32 $0x88, s3;
	s6 =	simm.s32 @!p1 $0x1082;
	[sflag:s4] =	ssyncset.s32 $0xFFFFF086  }
0x25: {  	[simem:s6], [sflag:s4] =	dma.local [hbm:s3], $0xF7A  }
0x26: {  	[smem:$0x3F8F] =	sst s1;
	(tag) =	ssettag s2;
	_ =	strace s9  }
0x27: {  	s1 =	sld [smem:$0x3F9F]  }
0x28: {  	s2 =	sld [smem:$0x3FA0]  }
0x29: {  	s4 =	sld [smem:$0x3FA2]  }
0x2a: {  	p0 =	seq.s32 s5, $0x0;
	s5 =	sld [smem:$0x3FA3]  }
0x2b: {  	s6 =	sld [smem:$0x3FA4]  }
0x2c: {  	s7 =	sld [smem:$0x3FA5]  }
0x2d: {  	s3 =	simm.s32 $0x108;
	s8 =	sld [smem:$0x3FA6]  }
0x2e: {  	s3 =	simm.s32 @!p0 $0x1082;
	s9 =	sld [smem:$0x3FA7]  }
0x2f: {  	lr =	sadd.s32 s0, s3;
	s0 =	sld [smem:$0x3F9E]  }
0x30: {  	s3 =	sld [smem:$0x3FA1]  }
0x31: {  	[smem:$0x3FAA] =	sst s10  }
0x32: {  	s10 =	sld [smem:$0x3FA8];
	_ =	sdelay $0x3  }
0x33: {  	p0 =	seq.s32 s10, $0x1;
	s10 =	sld [smem:$0x3FAA];
	_ =	sdelay $0x3  }
0x34: {  	[smem:$0x3FAA] =	sst s10  }
0x35: {  	s10 =	sld [smem:$0x3FA9];
	_ =	sdelay $0x3  }
0x36: {  	p1 =	seq.s32 s10, $0x1;
	s10 =	sld [smem:$0x3FAA];
	_ =	sdelay $0x3  }
0x37: {  	[smem:$0x3FAA] =	sst s10  }
0x38: {  	s10 =	sld [smem:$0x3FAB]  }
0x39: {  	_ = 	snop;
	(pc) =	sbr.ind lr, $3  }
0x3a: {  	_ = 	snop  }
0x3b: {  	_ = 	snop  }
0x3c: {  	p2 =	seq.s32 s10, $0x1;
	s10 =	sld [smem:$0x3FAA]  }
0x3d: {  	_ =	shalt  }
0x3e: {  	_ =	shalt  }
0x3f: {  	_ =	shalt  }
0x40: {  	_ =	shalt  }
0x41: {  	_ =	shalt  }
0x42: {  	_ =	shalt  }
0x43: {  	_ =	shalt  }
0x44: {  	_ =	shalt  }
0x45: {  	_ =	shalt  }
0x46: {  	_ =	shalt  }
0x47: {  	_ =	shalt  }
0x48: {  	_ =	shalt  }
0x49: {  	_ =	shalt  }
0x4a: {  	_ =	shalt  }
0x4b: {  	_ =	shalt  }
0x4c: {  	_ =	shalt  }
0x4d: {  	_ =	shalt  }
0x4e: {  	_ =	shalt  }
0x4f: {  	_ =	shalt  }
0x50: {  	_ =	shalt  }
0x51: {  	_ =	shalt  }
0x52: {  	_ =	shalt  }
0x53: {  	_ =	shalt  }
0x54: {  	_ =	shalt  }
0x55: {  	_ =	shalt  }
0x56: {  	_ =	shalt  }
0x57: {  	_ =	shalt  }
0x58: {  	_ =	shalt  }
0x59: {  	_ =	shalt  }
0x5a: {  	_ =	shalt  }
0x5b: {  	_ =	shalt  }
0x5c: {  	_ =	shalt  }
0x5d: {  	_ =	shalt  }
0x5e: {  	_ =	shalt  }
0x5f: {  	_ =	shalt  }
0x60: {  	_ =	shalt  }
0x61: {  	_ =	shalt  }
0x62: {  	_ =	shalt  }
0x63: {  	_ =	shalt  }
0x64: {  	_ =	shalt  }
0x65: {  	_ =	shalt  }
0x66: {  	_ =	shalt  }
0x67: {  	_ =	shalt  }
0x68: {  	_ =	shalt  }
0x69: {  	_ =	shalt  }
0x6a: {  	_ =	shalt  }
0x6b: {  	_ =	shalt  }
0x6c: {  	_ =	shalt  }
0x6d: {  	_ =	shalt  }
0x6e: {  	_ =	shalt  }
0x6f: {  	_ =	shalt  }
0x70: {  	_ =	shalt  }
0x71: {  	_ =	shalt  }
0x72: {  	_ =	shalt  }
0x73: {  	_ =	shalt  }
0x74: {  	_ =	shalt  }
0x75: {  	_ =	shalt  }
0x76: {  	_ =	shalt  }
0x77: {  	_ =	shalt  }
0x78: {  	_ =	shalt  }
0x79: {  	_ =	shalt  }
0x7a: {  	_ =	shalt  }
0x7b: {  	_ =	shalt  }
0x7c: {  	_ =	shalt  }
0x7d: {  	_ =	shalt  }
0x7e: {  	_ =	shalt  }
0x7f: {  	_ =	shalt  }
0x80: {  	_ =	shalt  }
0x81: {  	_ =	shalt  }
0x82: {  	_ =	shalt  }
0x83: {  	_ =	shalt  }
0x84: {  	_ =	shalt  }
0x85: {  	_ =	shalt  }
0x86: {  	_ =	shalt  }
0x87: {  	_ =	shalt  }
.Lfunc_end0:
.L_simem_size_0:
called_computation.1_lowered:
.L_overlay_start_0:
0x88: {  	s2 =	sld [smem:$0x3FD9]  }
0x89: {  	s3 =	sld [smem:$0x3FFE];
	_ =	sdelay $0x1  }
0x8a: {  	s1 =	srdreg.scid  }
0x8b: {  	s0 =	sand.u32 $0x1, s1  }
0x8c: {  	s14 =	sshll.u32 s0, $0xA;
	s2 =	sadd.s32 s3, s2  }
0x8d: {  	s2 =	sadd.s32 s2, s14  }
0x8e: {  	[smem:$0x3FB6] =	sst s2  }
0x8f: {  	_ = 	snop  }
0x90: {  	s2 =	sld [smem:$0x3FD0];
	_ =	sdelay $0x2  }
0x91: {  	s15 =	simm.s32 $0xA;
	s4 =	simm.s32 $0x10  }
0x92: {  	[smem:s4], [sflag:s15] =	dma.local [hbm:s2], $0x1  }
0x93: {  	_ =	swait.eq [sflag:s15], $0x1  }
0x94: {  	[sflag:s15] =	ssyncset.done $0x0  }
0x95: {  	[sflag:s15] =	ssyncadd.s32 $0xFFFFFFFF  }
0x96: {  	s16 =	sld [smem:$0x11];
	(tm) =	ssettm $0x1  }
0x97: {  	s17 =	sld [smem:$0x3FFB];
	_ =	sdelay $0x3  }
0x98: {  	_ =	strace s17  }
0x99: {  	s3 =	sld [smem:$0x3FFC];
	_ =	sdelay $0x3  }
0x9a: {  	_ =	strace s3  }
0x9b: {  	s3 =	sld [smem:$0x3FFD];
	_ =	sdelay $0x3  }
0x9c: {  	_ =	strace s3  }
0x9d: {  	_ =	strace $0x8FFFFFFF  }
0x9e: {  	s18 =	sld [smem:$0x3FDB];
	_ =	sdelay $0x1  }
0x9f: {  	s19 =	simm.s32 $_scs_section_size  }
0xa0: {  	s5 =	simm.s32 $_size__tile_overlayer_lowered;
	s6 =	simm.s32 $_tile_overlayer_lowered  }
0xa1: {  	s22 =	simm.s32 $0x1BFF;
	s21 =	sshll.u32 s6, $0x1;
	s3 =	sadd.s32 s19, s18  }
0xa2: {  	s7 =	simm.s32 $0x0;
	s20 =	sshll.u32 s5, $0x1;
	s5 =	sadd.s32 s21, s3  }
0xa3: {  	[timem:s7], [sflag:s22] =	dma.local [hbm:s5], s20  }
0xa4: {  	_ =	swait.ge [sflag:s22], s20  }
0xa5: {  	s4 =	ssub.s32 $0x0, s20;
	[sflag:s22] =	ssyncset.done $0x0  }
0xa6: {  	[sflag:s22] =	ssyncadd.s32 s4;
	_ =	sdelay $0x1  }
0xa7: {  	s23 =	simm.s32 $0x1B8B  }
0xa8: {  	_ =	swait.ge [sflag:s23], $0x1  }
0xa9: {  	[sflag:s23] =	ssyncset.done $0x0  }
0xaa: {  	s25 =	simm.s32 $0x1B8E;
	s24 =	sld [smem:$0x3FFE];
	[sflag:s23] =	ssyncadd.s32 $0xFFFFFFFF  }
0xab: {  	s26 =	simm.s32 $execute0_lowered;
	[smem:$0x3FD2] =	sst s25  }
0xac: {  	s5 =	sshll.u32 s26, $0x1;
	_ =	strace $0x80000049;
	[dreg:$0x1] =	wrdreg $0xFFFFFFFF  }
0xad: {  	s28 =	simm.s32 $_size_execute0_lowered;
	s3 =	sadd.s32 s3, s5;
	[dreg:$0x0] =	wrdreg $0x0  }
0xae: {  	s5 =	sshll.u32 s28, $0x1;
	[dreg:$0x2] =	wrdreg s3  }
0xaf: {  	[dreg:$0x3] =	wrdreg s5  }
0xb0: {  	[dreg:$0x4] =	wrdreg $0xC0  }
0xb1: {  	_ =	task [dreg:s7], $0x5FFFF  }
0xb2: {  	[dreg:$0x1] =	wrdreg $0xFFFFFFFF  }
0xb3: {  	[dreg:$0x0] =	wrdreg $0x60  }
0xb4: {  	[dreg:$0x2] =	wrdreg s16  }
0xb5: {  	[dreg:$0x3] =	wrdreg s24  }
0xb6: {  	[dreg:$0x4] =	wrdreg $0xA8000  }
0xb7: {  	[dreg:$0x5] =	wrdreg $0x9  }
0xb8: {  	_ =	task.clear_ibuf [dreg:s7], $0x6FFFF;
	_ =	strace $0x90000049  }
0xb9: {  	s29 =	simm.s32 $0x9;
	_ =	strace $0x8000004B  }
0xba: {  	_ =	swait.ge [sflag:s29], $0x1  }
0xbb: {  	[sflag:s29] =	ssyncadd.s32 $0xFFFFFFFF  }
0xbc: {  	_ =	strace $0x9000004B  }
0xbd: {  	_ =	sfence  }
0xbe: {  	s30 =	sld [smem:$0x0];
	_ =	sdelay $0x2  }
0xbf: {  	s31 =	sshll.u32 s1, $0xD;
	s1 =	sshrl.u32 s1, $0x2  }
0xc0: {  	s3 =	sand.u32 $0x4000, s31;
	s1 =	sadd.s32 s1, s30  }
0xc1: {  	s0 =	sor.u32 s3, s0;
	s1 =	sshll.u32 s1, $0x11  }
0xc2: {  	s0 =	sor.u32 s1, s0  }
0xc3: {  	s0 =	sadd.s32 $0x8F2B, s0  }
0xc4: {  	[sflag:s0] =	ssyncadd.remote.s32 $0x1  }
0xc5: {  	_ =	sfence.sel $0xFFFF  }
0xc6: {  	[dreg:$0x0] =	wrdreg $0xFFFFFFFF;
	(pc) =	sbr.abs _section_cstart, $3  }
0xc7: {  	[dreg:$0x1] =	wrdreg $0xFFFFFFFF  }
0xc8: {  	_ =	task.clear_ibuf [dreg:s7], $0x2FFFF;
	_ =	strace $0x9FFFFFFF  }
0xc9: {  	(tm) =	ssettm $0x7FFFFFFF  }
tec
execute0_lowered:
.L_overlay_start_1:
0x0: {  	(tag) =	ssettag $0x1  }
0x1: {  	s1 =	rddreg [dreg:$0x0]  }
0x2: {  	s0 =	rddreg [dreg:$0x1]  }
0x3: {  	s2 =	srdreg.scid;
	s7 =	stileid.u32  }
0x4: {  	s3 =	rddreg [dreg:$0x2];
	s4 =	simm.s32 $0x0;
	s28 =	simm.s32 $0x2  }
0x5: {  	s29 =	simm.s32 $0x1380;
	s30 =	simm.s32 $0x2700;
	s31 =	simm.s32 $0x2780  }
0x6: {  	s2 =	sand.u32 $0x1, s2;
	s5 =	smul.u32 $0x278, s7;
	[smem:$0x7FF] =	sst s4  }
0x7: {  	s10 =	sadd.s32 $0x4600, s0;
	s20 =	smul.u32 $0x4F000, s7;
	s13 =	sadd.s32 $0xE600, s0  }
0x8: {  	s21 =	sshll.u32 s7, $0x1;
	s6 =	smul.u32 $0x2780, s2;
	_ =	strace $0x8000004A  }
0x9: {  	s22 =	ssub.s32 $0x2, s2;
	s2 =	sor.u32 s2, s21;
	s21 =	simm.s32 $0x3  }
0xa: {  	s23 =	sshrl.u32 s20, $0x2;
	s24 =	sshrl.u32 s22, $0x1;
	s9 =	smul.u32 $0x2800, s2  }
0xb: {  	s2 =	smul.u32 $0x500, s2;
	s20 =	simm.s32 $0x2800;
	s5 =	sadd.s32 s5, s6  }
0xc: {  	s19 =	ssub.s32 s22, s24;
	s22 =	simm.s32 $0x5;
	s24 =	simm.s32 $0x80  }
0xd: {  	s5 =	sshll.u32 s5, $0x4;
	s11 =	sshrl.u32 s9, $0x3;
	s12 =	sadd.s32 s10, s2  }
0xe: {  	s2 =	sadd.s32 s13, s2;
	s19 =	smax.u32 s19, $0x1;
	s0 =	sadd.s32 s5, s0  }
0xf: {  	s5 =	sadd.s32 s23, s3;
	[dreg:$0x4] =	wrdreg s12;
	s14 =	sadd.s32 $0x280, s11  }
0x10: {  	[dreg:$0x5] =	wrdreg s2;
	s23 =	simm.s32 $0x1400;
	s2 =	simm.s32 $0x4  }
0x11: {  	s6 =	sadd.s32 $0x4000, s5;
	s7 =	sadd.s32 $0x8000, s5;
	s8 =	sadd.s32 $0xC000, s5  }
0x12: {  	s9 =	sadd.s32 $0x10000, s5;
	s25 =	sadd.s32 s10, s14;
	s26 =	sadd.s32 s13, s14  }
0x13: {  	s14 =	sadd.s32 $0x18600, s0;
	s15 =	sadd.s32 $0x18E00, s0;
	s16 =	sadd.s32 $0x19600, s0  }
0x14: {  	s17 =	sadd.s32 $0x19E00, s0;
	s18 =	sadd.s32 $0x1A600, s0;
	[dreg:$0x6] =	wrdreg s25  }
0x15: {  	v0 =	vimm.f32 $0.0e+00;
	[dreg:$0x7] =	wrdreg s26;
	s25 =	simm.s32 $0x6800;
	s26 =	simm.s32 $0x1  }
.LBB2_1:
0x16: {  	s0 =	simm.s32 $0x0;
	s10 =	simm.s32 $0x200  }
.LBB2_2:
0x17: {  	p0 =	sne.s32 s10, $0xFE00;
	[tilespmem:s0+$0x2870] =	vst v0  }
0x18: {  	[tilespmem:s0+$0x2800] =	vst v0  }
0x19: {  	[tilespmem:s0+$0x2810] =	vst v0  }
.Ltmp0:
0x1a: {  	[tilespmem:s0+$0x2820] =	vst v0;
	(pc) =	sbr.rel @p0 .LBB2_2-.Ltmp0, $4  }
0x1b: {  	[tilespmem:s0+$0x2830] =	vst v0  }
0x1c: {  	[tilespmem:s0+$0x2840] =	vst v0  }
0x1d: {  	[tilespmem:s0+$0x2850] =	vst v0  }
0x1e: {  	[tilespmem:s0+$0x2860] =	vst v0;
	s0 =	sshra.s32 s10, $0x2;
	s10 =	sadd.s32 $0x200, s10  }
0x1f: {  	[tilespmem:s0+$0x2870] =	vst v0  }
0x20: {  	[tilespmem:s0+$0x2800] =	vst v0  }
0x21: {  	[tilespmem:s0+$0x2810] =	vst v0  }
0x22: {  	[tilespmem:s0+$0x2820] =	vst v0  }
0x23: {  	[tilespmem:s0+$0x2830] =	vst v0  }
0x24: {  	[tilespmem:s0+$0x2840] =	vst v0  }
0x25: {  	[tilespmem:s0+$0x2850] =	vst v0  }
0x26: {  	[tilespmem:s0+$0x2860] =	vst v0  }
0x27: {  	[spmem:s5] =	stream.linear.scatter [tilespmem:s20], [sflag:$0x3], $0x4000, $0x38;
	[tilespmem:$0x1E400] =	vst v63  }
0x28: {  	_ = 	snop  }
0x29: {  	[spmem:s6] =	stream.linear.scatter [tilespmem:s20], [sflag:$0x3], $0x4000, $0x38;
	[tilespmem:$0x1E400] =	vst v63  }
0x2a: {  	_ = 	snop  }
0x2b: {  	[spmem:s7] =	stream.linear.scatter [tilespmem:s20], [sflag:$0x3], $0x4000, $0x38;
	[tilespmem:$0x1E400] =	vst v63  }
0x2c: {  	_ = 	snop  }
0x2d: {  	[spmem:s8] =	stream.linear.scatter [tilespmem:s20], [sflag:$0x3], $0x4000, $0x38;
	[tilespmem:$0x1E400] =	vst v63  }
0x2e: {  	_ = 	snop  }
0x2f: {  	[spmem:s9] =	stream.linear.scatter [tilespmem:s20], [sflag:$0x3], $0x3C00, $0x38;
	[tilespmem:$0x1E400] =	vst v63  }
0x30: {  	_ =	swait.ge [sflag:s21], $0x4000  }
0x31: {  	[sflag:s21] =	ssyncset.done $0x0  }
0x32: {  	[sflag:s21] =	ssyncadd.s32 $0xFFFFC000  }
0x33: {  	_ =	swait.ge [sflag:s21], $0x4000  }
0x34: {  	[sflag:s21] =	ssyncset.done $0x0  }
0x35: {  	[sflag:s21] =	ssyncadd.s32 $0xFFFFC000  }
0x36: {  	_ =	swait.ge [sflag:s21], $0x4000  }
0x37: {  	[sflag:s21] =	ssyncset.done $0x0  }
0x38: {  	[sflag:s21] =	ssyncadd.s32 $0xFFFFC000  }
0x39: {  	_ =	swait.ge [sflag:s21], $0x4000  }
0x3a: {  	[sflag:s21] =	ssyncset.done $0x0  }
0x3b: {  	[sflag:s21] =	ssyncadd.s32 $0xFFFFC000  }
0x3c: {  	_ =	swait.ge [sflag:s21], $0x3C00  }
0x3d: {  	[sflag:s21] =	ssyncset.done $0x0  }
0x3e: {  	[sflag:s21] =	ssyncadd.s32 $0xFFFFC400  }
0x3f: {  	[bflag:$0x0] =	sbarrier.arrive $0xFFFF  }
0x40: {  	s12 =	simm.s32 $0x0;
	s10 =	rddreg [dreg:$0x4]  }
0x41: {  	[tilespmem:s12], [sflag:$0x5] =	stream.linear.gather [hbm4b:s10+s12], $0x1400, $0x38;
	[tilespmem:$0x1E400] =	vst v63  }
0x42: {  	_ =	swait.ge [sflag:s22], $0x1400  }
0x43: {  	[sflag:s22] =	ssyncset.done $0x0  }
0x44: {  	s13 =	rddreg [dreg:$0x5];
	[sflag:s22] =	ssyncadd.s32 $0xFFFFEC00  }
0x45: {  	[tilespmem:s23], [sflag:$0x5] =	stream.linear.gather [hbm4b:s13+s12], $0x1400, $0x38;
	[tilespmem:$0x1E400] =	vst v63  }
0x46: {  	_ =	swait.ge [sflag:s22], $0x1400  }
0x47: {  	[sflag:s22] =	ssyncset.done $0x0  }
0x48: {  	[sflag:s22] =	ssyncadd.s32 $0xFFFFEC00  }
0x49: {  	[tilespmem:s20], [sflag:$0x1] =	stream.indirect.gather [hbm4b:s1+s24], $0x80, s12, s24, $0xb8;
	[tilespmem:$0x1E400] =	vst v63  }
0x4a: {  	s10 =	simm.s32 $0x80  }
0x4b: {  	[tilespmem:s25], [sflag:$0x2] =	stream.indirect.gather [hbm4b:s1+s24], $0x80, s10, s24, $0xb8;
	[tilespmem:$0x1E400] =	vst v63  }
0x4c: {  	_ =	swait.ge [sflag:s26], $0x4000  }
0x4d: {  	[sflag:s26] =	ssyncset.done $0x0  }
0x4e: {  	s11 =	simm.s32 $0x1400;
	[sflag:s26] =	ssyncadd.s32 $0xFFFFC000  }
0x4f: {  	[spmem:s3] =	stream.indirect.scatter.add.f32 [tilespmem:s20], [sflag:$0x5], $0x80, s11, s24, $0xb8;
	[tilespmem:$0x1E400] =	vst v63  }
0x50: {  	_ =	swait.ge [sflag:s22], $0x4000  }
0x51: {  	[sflag:s22] =	ssyncset.done $0x0  }
0x52: {  	s12 =	simm.s32 $0x100;
	[sflag:s22] =	ssyncadd.s32 $0xFFFFC000  }
0x53: {  	[tilespmem:s20], [sflag:$0x1] =	stream.indirect.gather [hbm4b:s1+s24], $0x80, s12, s24, $0xb8;
	[tilespmem:$0x1E400] =	vst v63  }
0x54: {  	_ =	swait.ge [sflag:s28], $0x4000  }
0x55: {  	[sflag:s28] =	ssyncset.done $0x0  }
0x56: {  	s13 =	simm.s32 $0x1480;
	[sflag:s28] =	ssyncadd.s32 $0xFFFFC000  }
0x57: {  	[spmem:s3] =	stream.indirect.scatter.add.f32 [tilespmem:s25], [sflag:$0x5], $0x80, s13, s24, $0xb8;
	[tilespmem:$0x1E400] =	vst v63  }
0x58: {  	_ =	swait.ge [sflag:s22], $0x4000  }
0x59: {  	s0 =	simm.s32 $0x100;
	s10 =	simm.s32 $0x800;
	[sflag:s22] =	ssyncset.done $0x0  }
.LBB2_4:
0x5a: {  	s11 =	sadd.s32 $0x80, s0  }
0x5b: {  	[sflag:s22] =	ssyncadd.s32 $0xFFFFC000;
	s12 =	smov.u32 s10;
	s13 =	sadd.s32 $0x400, s10  }
0x5c: {  	[tilespmem:s25], [sflag:$0x2] =	stream.indirect.gather [hbm4b:s1+s24], $0x80, s11, s24, $0xb8;
	[tilespmem:$0x1E400] =	vst v63  }
0x5d: {  	p0 =	sne.s32 s10, $0x4800;
	_ =	swait.ge [sflag:s26], $0x4000  }
0x5e: {  	[sflag:s26] =	ssyncset.done $0x0  }
0x5f: {  	s10 =	sadd.s32 $0x1400, s0;
	[sflag:s26] =	ssyncadd.s32 $0xFFFFC000  }
0x60: {  	[spmem:s3] =	stream.indirect.scatter.add.f32 [tilespmem:s20], [sflag:$0x5], $0x80, s10, s24, $0xb8;
	[tilespmem:$0x1E400] =	vst v63  }
0x61: {  	_ =	swait.ge [sflag:s22], $0x4000  }
0x62: {  	[sflag:s22] =	ssyncset.done $0x0  }
0x63: {  	s10 =	sadd.s32 $0x100, s0;
	[sflag:s22] =	ssyncadd.s32 $0xFFFFC000  }
0x64: {  	[tilespmem:s20], [sflag:$0x1] =	stream.indirect.gather [hbm4b:s1+s24], $0x80, s10, s24, $0xb8;
	[tilespmem:$0x1E400] =	vst v63  }
0x65: {  	_ =	swait.ge [sflag:s28], $0x4000  }
.Ltmp1:
0x66: {  	[sflag:s28] =	ssyncset.done $0x0;
	(pc) =	sbr.rel @p0 .LBB2_4-.Ltmp1, $4  }
0x67: {  	s0 =	sadd.s32 $0x1480, s0;
	[sflag:s28] =	ssyncadd.s32 $0xFFFFC000  }
0x68: {  	[spmem:s3] =	stream.indirect.scatter.add.f32 [tilespmem:s25], [sflag:$0x5], $0x80, s0, s24, $0xb8;
	[tilespmem:$0x1E400] =	vst v63  }
0x69: {  	_ =	swait.ge [sflag:s22], $0x4000  }
0x6a: {  	s10 =	smov.u32 s13;
	s0 =	sshra.s32 s12, $0x2;
	[sflag:s22] =	ssyncset.done $0x0  }
0x6b: {  	s10 =	sadd.s32 $0x80, s0;
	[sflag:s22] =	ssyncadd.s32 $0xFFFFC000  }
0x6c: {  	[tilespmem:s25], [sflag:$0x2] =	stream.indirect.gather [hbm4b:s1+s24], $0x80, s10, s24, $0xb8;
	[tilespmem:$0x1E400] =	vst v63  }
0x6d: {  	_ =	swait.ge [sflag:s26], $0x4000  }
0x6e: {  	[sflag:s26] =	ssyncset.done $0x0  }
0x6f: {  	s12 =	sadd.s32 $0x1400, s0;
	[sflag:s26] =	ssyncadd.s32 $0xFFFFC000  }
0x70: {  	[spmem:s3] =	stream.indirect.scatter.add.f32 [tilespmem:s20], [sflag:$0x5], $0x80, s12, s24, $0xb8;
	[tilespmem:$0x1E400] =	vst v63  }
0x71: {  	_ =	swait.ge [sflag:s22], $0x4000  }
0x72: {  	[sflag:s22] =	ssyncset.done $0x0  }
0x73: {  	s13 =	sadd.s32 $0x100, s0;
	[sflag:s22] =	ssyncadd.s32 $0xFFFFC000  }
0x74: {  	[tilespmem:s20], [sflag:$0x1] =	stream.indirect.gather [hbm4b:s1+s24], $0x80, s13, s24, $0xb8;
	[tilespmem:$0x1E400] =	vst v63  }
0x75: {  	_ =	swait.ge [sflag:s28], $0x4000  }
0x76: {  	[sflag:s28] =	ssyncset.done $0x0  }
0x77: {  	s10 =	sadd.s32 $0x1480, s0;
	[sflag:s28] =	ssyncadd.s32 $0xFFFFC000  }
0x78: {  	[spmem:s3] =	stream.indirect.scatter.add.f32 [tilespmem:s25], [sflag:$0x5], $0x80, s10, s24, $0xb8;
	[tilespmem:$0x1E400] =	vst v63  }
0x79: {  	_ =	swait.ge [sflag:s22], $0x4000  }
0x7a: {  	[sflag:s22] =	ssyncset.done $0x0  }
0x7b: {  	[sflag:s22] =	ssyncadd.s32 $0xFFFFC000  }
0x7c: {  	[tilespmem:s25], [sflag:$0x2] =	stream.indirect.gather [hbm4b:s1+s24], $0x80, s29, s24, $0xb8;
	[tilespmem:$0x1E400] =	vst v63  }
0x7d: {  	_ =	swait.ge [sflag:s26], $0x4000  }
0x7e: {  	[sflag:s26] =	ssyncset.done $0x0  }
0x7f: {  	[sflag:s26] =	ssyncadd.s32 $0xFFFFC000  }
0x80: {  	[spmem:s3] =	stream.indirect.scatter.add.f32 [tilespmem:s20], [sflag:$0x5], $0x80, s30, s24, $0xb8;
	[tilespmem:$0x1E400] =	vst v63  }
0x81: {  	_ =	swait.ge [sflag:s22], $0x4000  }
0x82: {  	[sflag:s22] =	ssyncset.done $0x0  }
0x83: {  	[sflag:s22] =	ssyncadd.s32 $0xFFFFC000  }
0x84: {  	_ =	swait.ge [sflag:s28], $0x4000  }
0x85: {  	[sflag:s28] =	ssyncset.done $0x0  }
0x86: {  	[sflag:s28] =	ssyncadd.s32 $0xFFFFC000  }
0x87: {  	[spmem:s3] =	stream.indirect.scatter.add.f32 [tilespmem:s25], [sflag:$0x5], $0x80, s31, s24, $0xb8;
	[tilespmem:$0x1E400] =	vst v63  }
0x88: {  	_ =	swait.ge [sflag:s22], $0x4000  }
0x89: {  	[sflag:s22] =	ssyncset.done $0x0  }
0x8a: {  	s11 =	simm.s32 $0x0;
	s12 =	rddreg [dreg:$0x6];
	[sflag:s22] =	ssyncadd.s32 $0xFFFFC000  }
0x8b: {  	[tilespmem:s11], [sflag:$0x5] =	stream.linear.gather [hbm4b:s12+s11], $0x1400, $0x38;
	[tilespmem:$0x1E400] =	vst v63  }
0x8c: {  	_ =	swait.ge [sflag:s22], $0x1400  }
0x8d: {  	[sflag:s22] =	ssyncset.done $0x0  }
0x8e: {  	s13 =	rddreg [dreg:$0x7];
	[sflag:s22] =	ssyncadd.s32 $0xFFFFEC00  }
0x8f: {  	[tilespmem:s23], [sflag:$0x5] =	stream.linear.gather [hbm4b:s13+s11], $0x1400, $0x38;
	[tilespmem:$0x1E400] =	vst v63  }
0x90: {  	_ =	swait.ge [sflag:s22], $0x1400  }
0x91: {  	[sflag:s22] =	ssyncset.done $0x0  }
0x92: {  	[sflag:s22] =	ssyncadd.s32 $0xFFFFEC00  }
0x93: {  	[tilespmem:s20], [sflag:$0x1] =	stream.indirect.gather [hbm4b:s1+s24], $0x80, s11, s24, $0xb8;
	[tilespmem:$0x1E400] =	vst v63  }
0x94: {  	s10 =	simm.s32 $0x80  }
0x95: {  	[tilespmem:s25], [sflag:$0x2] =	stream.indirect.gather [hbm4b:s1+s24], $0x80, s10, s24, $0xb8;
	[tilespmem:$0x1E400] =	vst v63  }
0x96: {  	_ =	swait.ge [sflag:s26], $0x4000  }
0x97: {  	[sflag:s26] =	ssyncset.done $0x0  }
0x98: {  	s11 =	simm.s32 $0x1400;
	[sflag:s26] =	ssyncadd.s32 $0xFFFFC000  }
0x99: {  	[spmem:s3] =	stream.indirect.scatter.add.f32 [tilespmem:s20], [sflag:$0x5], $0x80, s11, s24, $0xb8;
	[tilespmem:$0x1E400] =	vst v63  }
0x9a: {  	_ =	swait.ge [sflag:s22], $0x4000  }
0x9b: {  	[sflag:s22] =	ssyncset.done $0x0  }
0x9c: {  	s12 =	simm.s32 $0x100;
	[sflag:s22] =	ssyncadd.s32 $0xFFFFC000  }
0x9d: {  	[tilespmem:s20], [sflag:$0x1] =	stream.indirect.gather [hbm4b:s1+s24], $0x80, s12, s24, $0xb8;
	[tilespmem:$0x1E400] =	vst v63  }
0x9e: {  	_ =	swait.ge [sflag:s28], $0x4000  }
0x9f: {  	[sflag:s28] =	ssyncset.done $0x0  }
0xa0: {  	s13 =	simm.s32 $0x1480;
	[sflag:s28] =	ssyncadd.s32 $0xFFFFC000  }
0xa1: {  	[spmem:s3] =	stream.indirect.scatter.add.f32 [tilespmem:s25], [sflag:$0x5], $0x80, s13, s24, $0xb8;
	[tilespmem:$0x1E400] =	vst v63  }
0xa2: {  	_ =	swait.ge [sflag:s22], $0x4000  }
0xa3: {  	s0 =	simm.s32 $0x100;
	s10 =	simm.s32 $0x800;
	[sflag:s22] =	ssyncset.done $0x0  }
.LBB2_6:
0xa4: {  	s11 =	sadd.s32 $0x80, s0  }
0xa5: {  	[sflag:s22] =	ssyncadd.s32 $0xFFFFC000;
	s12 =	smov.u32 s10;
	s13 =	sadd.s32 $0x400, s10  }
0xa6: {  	[tilespmem:s25], [sflag:$0x2] =	stream.indirect.gather [hbm4b:s1+s24], $0x80, s11, s24, $0xb8;
	[tilespmem:$0x1E400] =	vst v63  }
0xa7: {  	p0 =	sne.s32 s10, $0x4800;
	_ =	swait.ge [sflag:s26], $0x4000  }
0xa8: {  	[sflag:s26] =	ssyncset.done $0x0  }
0xa9: {  	s10 =	sadd.s32 $0x1400, s0;
	[sflag:s26] =	ssyncadd.s32 $0xFFFFC000  }
0xaa: {  	[spmem:s3] =	stream.indirect.scatter.add.f32 [tilespmem:s20], [sflag:$0x5], $0x80, s10, s24, $0xb8;
	[tilespmem:$0x1E400] =	vst v63  }
0xab: {  	_ =	swait.ge [sflag:s22], $0x4000  }
0xac: {  	[sflag:s22] =	ssyncset.done $0x0  }
0xad: {  	s10 =	sadd.s32 $0x100, s0;
	[sflag:s22] =	ssyncadd.s32 $0xFFFFC000  }
0xae: {  	[tilespmem:s20], [sflag:$0x1] =	stream.indirect.gather [hbm4b:s1+s24], $0x80, s10, s24, $0xb8;
	[tilespmem:$0x1E400] =	vst v63  }
0xaf: {  	_ =	swait.ge [sflag:s28], $0x4000  }
.Ltmp2:
0xb0: {  	[sflag:s28] =	ssyncset.done $0x0;
	(pc) =	sbr.rel @p0 .LBB2_6-.Ltmp2, $4  }
0xb1: {  	s0 =	sadd.s32 $0x1480, s0;
	[sflag:s28] =	ssyncadd.s32 $0xFFFFC000  }
0xb2: {  	[spmem:s3] =	stream.indirect.scatter.add.f32 [tilespmem:s25], [sflag:$0x5], $0x80, s0, s24, $0xb8;
	[tilespmem:$0x1E400] =	vst v63  }
0xb3: {  	_ =	swait.ge [sflag:s22], $0x4000  }
0xb4: {  	s10 =	smov.u32 s13;
	s0 =	sshra.s32 s12, $0x2;
	[sflag:s22] =	ssyncset.done $0x0  }
0xb5: {  	s10 =	sadd.s32 $0x80, s0;
	[sflag:s22] =	ssyncadd.s32 $0xFFFFC000  }
0xb6: {  	[tilespmem:s25], [sflag:$0x2] =	stream.indirect.gather [hbm4b:s1+s24], $0x80, s10, s24, $0xb8;
	[tilespmem:$0x1E400] =	vst v63  }
0xb7: {  	_ =	swait.ge [sflag:s26], $0x4000  }
0xb8: {  	[sflag:s26] =	ssyncset.done $0x0  }
0xb9: {  	s12 =	sadd.s32 $0x1400, s0;
	[sflag:s26] =	ssyncadd.s32 $0xFFFFC000  }
0xba: {  	[spmem:s3] =	stream.indirect.scatter.add.f32 [tilespmem:s20], [sflag:$0x5], $0x80, s12, s24, $0xb8;
	[tilespmem:$0x1E400] =	vst v63  }
0xbb: {  	_ =	swait.ge [sflag:s22], $0x4000  }
0xbc: {  	[sflag:s22] =	ssyncset.done $0x0  }
0xbd: {  	s13 =	sadd.s32 $0x100, s0;
	[sflag:s22] =	ssyncadd.s32 $0xFFFFC000  }
0xbe: {  	[tilespmem:s20], [sflag:$0x1] =	stream.indirect.gather [hbm4b:s1+s24], $0x80, s13, s24, $0xb8;
	[tilespmem:$0x1E400] =	vst v63  }
0xbf: {  	_ =	swait.ge [sflag:s28], $0x4000  }
0xc0: {  	[sflag:s28] =	ssyncset.done $0x0  }
0xc1: {  	s10 =	sadd.s32 $0x1480, s0;
	[sflag:s28] =	ssyncadd.s32 $0xFFFFC000  }
0xc2: {  	[spmem:s3] =	stream.indirect.scatter.add.f32 [tilespmem:s25], [sflag:$0x5], $0x80, s10, s24, $0xb8;
	[tilespmem:$0x1E400] =	vst v63  }
0xc3: {  	_ =	swait.ge [sflag:s22], $0x4000  }
0xc4: {  	[sflag:s22] =	ssyncset.done $0x0  }
0xc5: {  	[sflag:s22] =	ssyncadd.s32 $0xFFFFC000  }
0xc6: {  	[tilespmem:s25], [sflag:$0x2] =	stream.indirect.gather [hbm4b:s1+s24], $0x80, s29, s24, $0xb8;
	[tilespmem:$0x1E400] =	vst v63  }
0xc7: {  	_ =	swait.ge [sflag:s26], $0x4000  }
0xc8: {  	[sflag:s26] =	ssyncset.done $0x0  }
0xc9: {  	[sflag:s26] =	ssyncadd.s32 $0xFFFFC000  }
0xca: {  	[spmem:s3] =	stream.indirect.scatter.add.f32 [tilespmem:s20], [sflag:$0x5], $0x80, s30, s24, $0xb8;
	[tilespmem:$0x1E400] =	vst v63  }
0xcb: {  	_ =	swait.ge [sflag:s22], $0x4000  }
0xcc: {  	[sflag:s22] =	ssyncset.done $0x0  }
0xcd: {  	[sflag:s22] =	ssyncadd.s32 $0xFFFFC000  }
0xce: {  	_ =	swait.ge [sflag:s28], $0x4000  }
0xcf: {  	[sflag:s28] =	ssyncset.done $0x0  }
0xd0: {  	[sflag:s28] =	ssyncadd.s32 $0xFFFFC000  }
0xd1: {  	[spmem:s3] =	stream.indirect.scatter.add.f32 [tilespmem:s25], [sflag:$0x5], $0x80, s31, s24, $0xb8;
	[tilespmem:$0x1E400] =	vst v63  }
0xd2: {  	s11 =	stileid.u32;
	_ =	swait.ge [sflag:s22], $0x4000  }
0xd3: {  	s0 =	sshll.u32 s11, $0x6;
	[sflag:s22] =	ssyncset.done $0x0  }
0xd4: {  	s0 =	sor.u32 $0x1C04, s0;
	[sflag:s22] =	ssyncadd.s32 $0xFFFFC000  }
0xd5: {  	s12 =	sshrl.u32 s5, $0x3;
	s13 =	sshrl.u32 s6, $0x3;
	[bflag:$0x0] =	sbarrier.arrive $0xFFFF  }
0xd6: {  	[hbm:s14], [sflag:s0] =	dma.local [spmem:s12], $0x800  }
0xd7: {  	[hbm:s15], [sflag:s0] =	dma.local [spmem:s13], $0x800  }
0xd8: {  	s11 =	sshrl.u32 s7, $0x3;
	s12 =	sshrl.u32 s8, $0x3;
	s13 =	sshrl.u32 s9, $0x3  }
0xd9: {  	[hbm:s16], [sflag:s0] =	dma.local [spmem:s11], $0x800  }
0xda: {  	[hbm:s17], [sflag:s0] =	dma.local [spmem:s12], $0x800  }
0xdb: {  	[hbm:s18], [sflag:s0] =	dma.local [spmem:s13], $0x780  }
0xdc: {  	_ =	swait.ge [sflag:s2], $0x800  }
0xdd: {  	[sflag:s2] =	ssyncset.done $0x0  }
0xde: {  	[sflag:s2] =	ssyncadd.s32 $0xFFFFF800  }
0xdf: {  	_ =	swait.ge [sflag:s2], $0x800  }
0xe0: {  	[sflag:s2] =	ssyncset.done $0x0  }
0xe1: {  	[sflag:s2] =	ssyncadd.s32 $0xFFFFF800  }
0xe2: {  	_ =	swait.ge [sflag:s2], $0x800  }
0xe3: {  	[sflag:s2] =	ssyncset.done $0x0  }
0xe4: {  	s4 =	sadd.s32 $0x1, s4;
	[sflag:s2] =	ssyncadd.s32 $0xFFFFF800  }
0xe5: {  	p0 =	sne.s32 s4, s19;
	_ =	swait.ge [sflag:s2], $0x800  }
.Ltmp3:
0xe6: {  	[sflag:s2] =	ssyncset.done $0x0;
	(pc) =	sbr.rel @p0 .LBB2_1-.Ltmp3, $4  }
0xe7: {  	[sflag:s2] =	ssyncadd.s32 $0xFFFFF800  }
0xe8: {  	_ =	swait.ge [sflag:s2], $0x780  }
0xe9: {  	[sflag:s2] =	ssyncset.done $0x0  }
0xea: {  	[sflag:s2] =	ssyncadd.s32 $0xFFFFF880  }
0xeb: {  	_ =	sfence.sel $0x180000  }
0xec: {  	[bflag:$0x0] =	sbarrier.arrive $0xFFFF  }
0xed: {  	_ =	strace $0x9000004A  }
0xee: {  	s0 =	stileid.u32;
	[bflag:$0x2] =	sbarrier.arrive $0xFFFF  }
0xef: {  	p0 =	sne.s32 s0, $0x0;
	s0 =	rddreg [dreg:$0x3]  }
0xf0: {  	s0 =	sadd.s32 @!p0 $0x100000, s0  }
0xf1: {  	[sflag:s0] =	ssyncadd.tile.s32 @!p0 $0x1;
	_ =	shalt  }
.Lfunc_end2:
_tile_overlayer_lowered:
.L_overlay_start_2:
0xf2: {  	(tag) =	ssettag $0x2  }
0xf3: {  	s0 =	rddreg [dreg:$0x0];
	s2 =	stileid.u32  }
0xf4: {  	s1 =	rddreg [dreg:$0x1];
	p0 =	sne.s32 s2, $0x0  }
0xf5: {  	s3 =	rddreg [dreg:$0x2];
	[bflag:$0x3] =	sbarrier.arrive $0xFFFF;
	s2 =	simm.s32 @!p0 $0x1C05  }
0xf6: {  	[timem:s3], [sflag:s2] =	dma.local @!p0 [hbm:s0], s1  }
0xf7: {  	s0 =	simm.s32 @!p0 $0x5  }
0xf8: {  	_ =	swait.ge @!p0 [sflag:s0], s1  }
0xf9: {  	s1 =	ssub.s32 @!p0 $0x0, s1;
	[sflag:s0] =	ssyncset.done @!p0 $0x0  }
0xfa: {  	[sflag:s0] =	ssyncadd.s32 @!p0 s1  }
0xfb: {  	[bflag:$0x3] =	sbarrier.arrive $0xFFFF  }
0xfc: {  	_ =	shalt  }

// kernel: kernel.14.cloned.1.call-start
scs
__scs_entry_jumppad:
0x0: {  	(pc) =	sbr.rel $0x88, $3  }
0x1: {  	(tag) =	ssettag $0x0;
	lr =	simm.s32 $0x1  }
0x2: {  	[smem:$0x3F8F] =	sst lr;
	_ =	strace $0xD0000000  }
0x3: {  	_ = 	snop  }
0x4: {  	_ = 	snop  }
0x5: {  	_ = 	snop  }
0x6: {  	_ = 	snop  }
0x7: {  	_ = 	snop  }
__scs_overlays_trampoline_lowered:
0x8: {  	[smem:$0x3F9E] =	sst s0  }
0x9: {  	[smem:$0x3F9F] =	sst s1  }
0xa: {  	[smem:$0x3FA0] =	sst s2  }
0xb: {  	[smem:$0x3FA1] =	sst s3  }
0xc: {  	[smem:$0x3FA2] =	sst s4  }
0xd: {  	[smem:$0x3FA3] =	sst s5  }
0xe: {  	[smem:$0x3FA4] =	sst s6  }
0xf: {  	[smem:$0x3FA5] =	sst s7  }
0x10: {  	[smem:$0x3FA6] =	sst s8  }
0x11: {  	[smem:$0x3FA7] =	sst s9;
	s0 =	simm.s32 @!p0 $0x0  }
0x12: {  	s1 =	sld [smem:$0x3F8D];
	s0 =	simm.s32 @p0 $0x1  }
0x13: {  	[smem:$0x3FA8] =	sst s0;
	s0 =	simm.s32 @!p1 $0x0  }
0x14: {  	s2 =	sld [smem:$0x3F8C];
	s0 =	simm.s32 @p1 $0x1  }
0x15: {  	[smem:$0x3FA9] =	sst s0;
	s0 =	simm.s32 @!p2 $0x0  }
0x16: {  	s3 =	sld [smem:$0x3FDB];
	s0 =	simm.s32 @p2 $0x1  }
0x17: {  	s4 =	simm.s32 $0x1BF5;
	[smem:$0x3FAB] =	sst s0  }
0x18: {  	s0 =	sld [smem:$0x3F8E];
	_ =	swait.ge [sflag:s4], $0x0  }
0x19: {  	s7 =	sld [smem:$0x3F8F]  }
0x1a: {  	s8 =	sadd.s32 $0xFFFFE003, lr  }
0x1b: {  	s9 =	sadd.s32 $0xFFFFFEF7, lr;
	s5 =	simm.s32 $0xFFFFFFFF;
	p2 =	slt.u32 s8, $0xFFFFF086  }
0x1c: {  	p1 =	slt.u32 s9, $0xF7A;
	s5 =	simm.s32 @!p2 $0x0  }
0x1d: {  	s5 =	simm.s32 @p1 $0x1;
	p0 =	seq.s32 s7, s2  }
0x1e: {  	s7 =	smul.u32 @!p0 $0xF7A, s2;
	p2 =	seq.s32 @!p0 s5, $0x0  }
0x1f: {  	s9 =	smul.u32 $0xF7A, s1;
	s8 =	simm.s32 @!p0 $0x1BF5;
	p2 =	por !p2, p0  }
0x20: {  	[sflag:s8] =	ssyncset.s32 @!p0 $0xFFFFF086;
	s6 =	sadd.s32 @!p0 s3, s7;
	s7 =	simm.s32 @!p0 $0x108  }
0x21: {  	s3 =	sadd.s32 s3, s9;
	s6 =	sadd.s32 @!p0 $0x88, s6;
	s7 =	simm.s32 @p2 $0x1082  }
0x22: {  	[simem:s7], [sflag:s8] =	dma.local @!p0 [hbm:s6], $0xF7A  }
0x23: {  	s9 =	sor.u32 $0xD0000000, s2;
	s6 =	simm.s32 $0x108;
	_ =	swait.ge @!p0 [sflag:s8], $0x0  }
0x24: {  	s3 =	sadd.s32 $0x88, s3;
	s6 =	simm.s32 @!p1 $0x1082;
	[sflag:s4] =	ssyncset.s32 $0xFFFFF086  }
0x25: {  	[simem:s6], [sflag:s4] =	dma.local [hbm:s3], $0xF7A  }
0x26: {  	[smem:$0x3F8F] =	sst s1;
	(tag) =	ssettag s2;
	_ =	strace s9  }
0x27: {  	s1 =	sld [smem:$0x3F9F]  }
0x28: {  	s2 =	sld [smem:$0x3FA0]  }
0x29: {  	s4 =	sld [smem:$0x3FA2]  }
0x2a: {  	p0 =	seq.s32 s5, $0x0;
	s5 =	sld [smem:$0x3FA3]  }
0x2b: {  	s6 =	sld [smem:$0x3FA4]  }
0x2c: {  	s7 =	sld [smem:$0x3FA5]  }
0x2d: {  	s3 =	simm.s32 $0x108;
	s8 =	sld [smem:$0x3FA6]  }
0x2e: {  	s3 =	simm.s32 @!p0 $0x1082;
	s9 =	sld [smem:$0x3FA7]  }
0x2f: {  	lr =	sadd.s32 s0, s3;
	s0 =	sld [smem:$0x3F9E]  }
0x30: {  	s3 =	sld [smem:$0x3FA1]  }
0x31: {  	[smem:$0x3FAA] =	sst s10  }
0x32: {  	s10 =	sld [smem:$0x3FA8];
	_ =	sdelay $0x3  }
0x33: {  	p0 =	seq.s32 s10, $0x1;
	s10 =	sld [smem:$0x3FAA];
	_ =	sdelay $0x3  }
0x34: {  	[smem:$0x3FAA] =	sst s10  }
0x35: {  	s10 =	sld [smem:$0x3FA9];
	_ =	sdelay $0x3  }
0x36: {  	p1 =	seq.s32 s10, $0x1;
	s10 =	sld [smem:$0x3FAA];
	_ =	sdelay $0x3  }
0x37: {  	[smem:$0x3FAA] =	sst s10  }
0x38: {  	s10 =	sld [smem:$0x3FAB]  }
0x39: {  	_ = 	snop;
	(pc) =	sbr.ind lr, $3  }
0x3a: {  	_ = 	snop  }
0x3b: {  	_ = 	snop  }
0x3c: {  	p2 =	seq.s32 s10, $0x1;
	s10 =	sld [smem:$0x3FAA]  }
0x3d: {  	_ =	shalt  }
0x3e: {  	_ =	shalt  }
0x3f: {  	_ =	shalt  }
0x40: {  	_ =	shalt  }
0x41: {  	_ =	shalt  }
0x42: {  	_ =	shalt  }
0x43: {  	_ =	shalt  }
0x44: {  	_ =	shalt  }
0x45: {  	_ =	shalt  }
0x46: {  	_ =	shalt  }
0x47: {  	_ =	shalt  }
0x48: {  	_ =	shalt  }
0x49: {  	_ =	shalt  }
0x4a: {  	_ =	shalt  }
0x4b: {  	_ =	shalt  }
0x4c: {  	_ =	shalt  }
0x4d: {  	_ =	shalt  }
0x4e: {  	_ =	shalt  }
0x4f: {  	_ =	shalt  }
0x50: {  	_ =	shalt  }
0x51: {  	_ =	shalt  }
0x52: {  	_ =	shalt  }
0x53: {  	_ =	shalt  }
0x54: {  	_ =	shalt  }
0x55: {  	_ =	shalt  }
0x56: {  	_ =	shalt  }
0x57: {  	_ =	shalt  }
0x58: {  	_ =	shalt  }
0x59: {  	_ =	shalt  }
0x5a: {  	_ =	shalt  }
0x5b: {  	_ =	shalt  }
0x5c: {  	_ =	shalt  }
0x5d: {  	_ =	shalt  }
0x5e: {  	_ =	shalt  }
0x5f: {  	_ =	shalt  }
0x60: {  	_ =	shalt  }
0x61: {  	_ =	shalt  }
0x62: {  	_ =	shalt  }
0x63: {  	_ =	shalt  }
0x64: {  	_ =	shalt  }
0x65: {  	_ =	shalt  }
0x66: {  	_ =	shalt  }
0x67: {  	_ =	shalt  }
0x68: {  	_ =	shalt  }
0x69: {  	_ =	shalt  }
0x6a: {  	_ =	shalt  }
0x6b: {  	_ =	shalt  }
0x6c: {  	_ =	shalt  }
0x6d: {  	_ =	shalt  }
0x6e: {  	_ =	shalt  }
0x6f: {  	_ =	shalt  }
0x70: {  	_ =	shalt  }
0x71: {  	_ =	shalt  }
0x72: {  	_ =	shalt  }
0x73: {  	_ =	shalt  }
0x74: {  	_ =	shalt  }
0x75: {  	_ =	shalt  }
0x76: {  	_ =	shalt  }
0x77: {  	_ =	shalt  }
0x78: {  	_ =	shalt  }
0x79: {  	_ =	shalt  }
0x7a: {  	_ =	shalt  }
0x7b: {  	_ =	shalt  }
0x7c: {  	_ =	shalt  }
0x7d: {  	_ =	shalt  }
0x7e: {  	_ =	shalt  }
0x7f: {  	_ =	shalt  }
0x80: {  	_ =	shalt  }
0x81: {  	_ =	shalt  }
0x82: {  	_ =	shalt  }
0x83: {  	_ =	shalt  }
0x84: {  	_ =	shalt  }
0x85: {  	_ =	shalt  }
0x86: {  	_ =	shalt  }
0x87: {  	_ =	shalt  }
.Lfunc_end0:
.L_simem_size_0:
called_computation.2_lowered:
.L_overlay_start_0:
0x88: {  	s2 =	sld [smem:$0x3FD9]  }
0x89: {  	s3 =	sld [smem:$0x3FFE];
	_ =	sdelay $0x1  }
0x8a: {  	s1 =	srdreg.scid  }
0x8b: {  	s0 =	sand.u32 $0x1, s1  }
0x8c: {  	s14 =	sshll.u32 s0, $0xA;
	s2 =	sadd.s32 s3, s2  }
0x8d: {  	s2 =	sadd.s32 s2, s14  }
0x8e: {  	[smem:$0x3FB6] =	sst s2  }
0x8f: {  	_ = 	snop  }
0x90: {  	s2 =	sld [smem:$0x3FD0];
	_ =	sdelay $0x2  }
0x91: {  	s15 =	simm.s32 $0xA;
	s4 =	simm.s32 $0x10  }
0x92: {  	[smem:s4], [sflag:s15] =	dma.local [hbm:s2], $0x1  }
0x93: {  	_ =	swait.eq [sflag:s15], $0x1  }
0x94: {  	[sflag:s15] =	ssyncset.done $0x0  }
0x95: {  	[sflag:s15] =	ssyncadd.s32 $0xFFFFFFFF  }
0x96: {  	s16 =	sld [smem:$0x11];
	(tm) =	ssettm $0x1  }
0x97: {  	s17 =	sld [smem:$0x3FFB];
	_ =	sdelay $0x3  }
0x98: {  	_ =	strace s17  }
0x99: {  	s3 =	sld [smem:$0x3FFC];
	_ =	sdelay $0x3  }
0x9a: {  	_ =	strace s3  }
0x9b: {  	s3 =	sld [smem:$0x3FFD];
	_ =	sdelay $0x3  }
0x9c: {  	_ =	strace s3  }
0x9d: {  	_ =	strace $0x8FFFFFFF  }
0x9e: {  	s18 =	sld [smem:$0x3FDB];
	_ =	sdelay $0x1  }
0x9f: {  	s19 =	simm.s32 $_scs_section_size  }
0xa0: {  	s5 =	simm.s32 $_size__tile_overlayer_lowered;
	s6 =	simm.s32 $_tile_overlayer_lowered  }
0xa1: {  	s22 =	simm.s32 $0x1BFF;
	s21 =	sshll.u32 s6, $0x1;
	s3 =	sadd.s32 s19, s18  }
0xa2: {  	s7 =	simm.s32 $0x0;
	s20 =	sshll.u32 s5, $0x1;
	s5 =	sadd.s32 s21, s3  }
0xa3: {  	[timem:s7], [sflag:s22] =	dma.local [hbm:s5], s20  }
0xa4: {  	_ =	swait.ge [sflag:s22], s20  }
0xa5: {  	s4 =	ssub.s32 $0x0, s20;
	[sflag:s22] =	ssyncset.done $0x0  }
0xa6: {  	[sflag:s22] =	ssyncadd.s32 s4;
	_ =	sdelay $0x1  }
0xa7: {  	s23 =	simm.s32 $0x1B8B  }
0xa8: {  	_ =	swait.ge [sflag:s23], $0x1  }
0xa9: {  	[sflag:s23] =	ssyncset.done $0x0  }
0xaa: {  	s25 =	simm.s32 $0x1B8E;
	s24 =	sld [smem:$0x3FFE];
	[sflag:s23] =	ssyncadd.s32 $0xFFFFFFFF  }
0xab: {  	s26 =	simm.s32 $execute0_lowered;
	[smem:$0x3FD2] =	sst s25  }
0xac: {  	s5 =	sshll.u32 s26, $0x1;
	_ =	strace $0x8000004C;
	[dreg:$0x1] =	wrdreg $0xFFFFFFFF  }
0xad: {  	s28 =	simm.s32 $_size_execute0_lowered;
	s3 =	sadd.s32 s3, s5;
	[dreg:$0x0] =	wrdreg $0x0  }
0xae: {  	s5 =	sshll.u32 s28, $0x1;
	[dreg:$0x2] =	wrdreg s3  }
0xaf: {  	[dreg:$0x3] =	wrdreg s5  }
0xb0: {  	[dreg:$0x4] =	wrdreg $0xC0  }
0xb1: {  	_ =	task [dreg:s7], $0x5FFFF  }
0xb2: {  	[dreg:$0x1] =	wrdreg $0xFFFFFFFF  }
0xb3: {  	[dreg:$0x0] =	wrdreg $0x60  }
0xb4: {  	[dreg:$0x2] =	wrdreg s16  }
0xb5: {  	[dreg:$0x3] =	wrdreg s24  }
0xb6: {  	[dreg:$0x4] =	wrdreg $0xA8000  }
0xb7: {  	[dreg:$0x5] =	wrdreg $0x9  }
0xb8: {  	_ =	task.clear_ibuf [dreg:s7], $0x6FFFF;
	_ =	strace $0x9000004C  }
0xb9: {  	s29 =	simm.s32 $0x9;
	_ =	strace $0x8000004E  }
0xba: {  	_ =	swait.ge [sflag:s29], $0x1  }
0xbb: {  	[sflag:s29] =	ssyncadd.s32 $0xFFFFFFFF  }
0xbc: {  	_ =	strace $0x9000004E  }
0xbd: {  	_ =	sfence  }
0xbe: {  	s30 =	sld [smem:$0x0];
	_ =	sdelay $0x2  }
0xbf: {  	s31 =	sshll.u32 s1, $0xD;
	s1 =	sshrl.u32 s1, $0x2  }
0xc0: {  	s3 =	sand.u32 $0x4000, s31;
	s1 =	sadd.s32 s1, s30  }
0xc1: {  	s0 =	sor.u32 s3, s0;
	s1 =	sshll.u32 s1, $0x11  }
0xc2: {  	s0 =	sor.u32 s1, s0  }
0xc3: {  	s0 =	sadd.s32 $0x8F2B, s0  }
0xc4: {  	[sflag:s0] =	ssyncadd.remote.s32 $0x1  }
0xc5: {  	_ =	sfence.sel $0xFFFF  }
0xc6: {  	[dreg:$0x0] =	wrdreg $0xFFFFFFFF;
	(pc) =	sbr.abs _section_cstart, $3  }
0xc7: {  	[dreg:$0x1] =	wrdreg $0xFFFFFFFF  }
0xc8: {  	_ =	task.clear_ibuf [dreg:s7], $0x2FFFF;
	_ =	strace $0x9FFFFFFF  }
0xc9: {  	(tm) =	ssettm $0x7FFFFFFF  }
tec
execute0_lowered:
.L_overlay_start_1:
0x0: {  	(tag) =	ssettag $0x1  }
0x1: {  	s1 =	rddreg [dreg:$0x0]  }
0x2: {  	s0 =	rddreg [dreg:$0x1]  }
0x3: {  	s2 =	srdreg.scid;
	s7 =	stileid.u32  }
0x4: {  	s3 =	rddreg [dreg:$0x2];
	s4 =	simm.s32 $0x0;
	s28 =	simm.s32 $0x2  }
0x5: {  	s29 =	simm.s32 $0x1380;
	s30 =	simm.s32 $0x2700;
	s31 =	simm.s32 $0x2780  }
0x6: {  	s2 =	sand.u32 $0x1, s2;
	s5 =	smul.u32 $0x278, s7;
	[smem:$0x7FF] =	sst s4  }
0x7: {  	s10 =	sadd.s32 $0x4600, s0;
	s20 =	smul.u32 $0x4F000, s7;
	s13 =	sadd.s32 $0xE600, s0  }
0x8: {  	s21 =	sshll.u32 s7, $0x1;
	s6 =	smul.u32 $0x2780, s2;
	_ =	strace $0x8000004D  }
0x9: {  	s22 =	ssub.s32 $0x2, s2;
	s2 =	sor.u32 s2, s21;
	s21 =	simm.s32 $0x3  }
0xa: {  	s23 =	sshrl.u32 s20, $0x2;
	s24 =	sshrl.u32 s22, $0x1;
	s9 =	smul.u32 $0x2800, s2  }
0xb: {  	s2 =	smul.u32 $0x500, s2;
	s20 =	simm.s32 $0x2800;
	s5 =	sadd.s32 s5, s6  }
0xc: {  	s19 =	ssub.s32 s22, s24;
	s22 =	simm.s32 $0x5;
	s24 =	simm.s32 $0x80  }
0xd: {  	s5 =	sshll.u32 s5, $0x4;
	s11 =	sshrl.u32 s9, $0x3;
	s12 =	sadd.s32 s10, s2  }
0xe: {  	s2 =	sadd.s32 s13, s2;
	s19 =	smax.u32 s19, $0x1;
	s0 =	sadd.s32 s5, s0  }
0xf: {  	s5 =	sadd.s32 s23, s3;
	[dreg:$0x4] =	wrdreg s12;
	s14 =	sadd.s32 $0x280, s11  }
0x10: {  	[dreg:$0x5] =	wrdreg s2;
	s23 =	simm.s32 $0x1400;
	s2 =	simm.s32 $0x4  }
0x11: {  	s6 =	sadd.s32 $0x4000, s5;
	s7 =	sadd.s32 $0x8000, s5;
	s8 =	sadd.s32 $0xC000, s5  }
0x12: {  	s9 =	sadd.s32 $0x10000, s5;
	s25 =	sadd.s32 s10, s14;
	s26 =	sadd.s32 s13, s14  }
0x13: {  	s14 =	sadd.s32 $0x18600, s0;
	s15 =	sadd.s32 $0x18E00, s0;
	s16 =	sadd.s32 $0x19600, s0  }
0x14: {  	s17 =	sadd.s32 $0x19E00, s0;
	s18 =	sadd.s32 $0x1A600, s0;
	[dreg:$0x6] =	wrdreg s25  }
0x15: {  	v0 =	vimm.f32 $0.0e+00;
	[dreg:$0x7] =	wrdreg s26;
	s25 =	simm.s32 $0x6800;
	s26 =	simm.s32 $0x1  }
.LBB2_1:
0x16: {  	s0 =	simm.s32 $0x0;
	s10 =	simm.s32 $0x200  }
.LBB2_2:
0x17: {  	p0 =	sne.s32 s10, $0xFE00;
	[tilespmem:s0+$0x2870] =	vst v0  }
0x18: {  	[tilespmem:s0+$0x2800] =	vst v0  }
0x19: {  	[tilespmem:s0+$0x2810] =	vst v0  }
.Ltmp0:
0x1a: {  	[tilespmem:s0+$0x2820] =	vst v0;
	(pc) =	sbr.rel @p0 .LBB2_2-.Ltmp0, $4  }
0x1b: {  	[tilespmem:s0+$0x2830] =	vst v0  }
0x1c: {  	[tilespmem:s0+$0x2840] =	vst v0  }
0x1d: {  	[tilespmem:s0+$0x2850] =	vst v0  }
0x1e: {  	[tilespmem:s0+$0x2860] =	vst v0;
	s0 =	sshra.s32 s10, $0x2;
	s10 =	sadd.s32 $0x200, s10  }
0x1f: {  	[tilespmem:s0+$0x2870] =	vst v0  }
0x20: {  	[tilespmem:s0+$0x2800] =	vst v0  }
0x21: {  	[tilespmem:s0+$0x2810] =	vst v0  }
0x22: {  	[tilespmem:s0+$0x2820] =	vst v0  }
0x23: {  	[tilespmem:s0+$0x2830] =	vst v0  }
0x24: {  	[tilespmem:s0+$0x2840] =	vst v0  }
0x25: {  	[tilespmem:s0+$0x2850] =	vst v0  }
0x26: {  	[tilespmem:s0+$0x2860] =	vst v0  }
0x27: {  	[spmem:s5] =	stream.linear.scatter [tilespmem:s20], [sflag:$0x3], $0x4000, $0x38;
	[tilespmem:$0x1E400] =	vst v63  }
0x28: {  	_ = 	snop  }
0x29: {  	[spmem:s6] =	stream.linear.scatter [tilespmem:s20], [sflag:$0x3], $0x4000, $0x38;
	[tilespmem:$0x1E400] =	vst v63  }
0x2a: {  	_ = 	snop  }
0x2b: {  	[spmem:s7] =	stream.linear.scatter [tilespmem:s20], [sflag:$0x3], $0x4000, $0x38;
	[tilespmem:$0x1E400] =	vst v63  }
0x2c: {  	_ = 	snop  }
0x2d: {  	[spmem:s8] =	stream.linear.scatter [tilespmem:s20], [sflag:$0x3], $0x4000, $0x38;
	[tilespmem:$0x1E400] =	vst v63  }
0x2e: {  	_ = 	snop  }
0x2f: {  	[spmem:s9] =	stream.linear.scatter [tilespmem:s20], [sflag:$0x3], $0x3C00, $0x38;
	[tilespmem:$0x1E400] =	vst v63  }
0x30: {  	_ =	swait.ge [sflag:s21], $0x4000  }
0x31: {  	[sflag:s21] =	ssyncset.done $0x0  }
0x32: {  	[sflag:s21] =	ssyncadd.s32 $0xFFFFC000  }
0x33: {  	_ =	swait.ge [sflag:s21], $0x4000  }
0x34: {  	[sflag:s21] =	ssyncset.done $0x0  }
0x35: {  	[sflag:s21] =	ssyncadd.s32 $0xFFFFC000  }
0x36: {  	_ =	swait.ge [sflag:s21], $0x4000  }
0x37: {  	[sflag:s21] =	ssyncset.done $0x0  }
0x38: {  	[sflag:s21] =	ssyncadd.s32 $0xFFFFC000  }
0x39: {  	_ =	swait.ge [sflag:s21], $0x4000  }
0x3a: {  	[sflag:s21] =	ssyncset.done $0x0  }
0x3b: {  	[sflag:s21] =	ssyncadd.s32 $0xFFFFC000  }
0x3c: {  	_ =	swait.ge [sflag:s21], $0x3C00  }
0x3d: {  	[sflag:s21] =	ssyncset.done $0x0  }
0x3e: {  	[sflag:s21] =	ssyncadd.s32 $0xFFFFC400  }
0x3f: {  	[bflag:$0x0] =	sbarrier.arrive $0xFFFF  }
0x40: {  	s12 =	simm.s32 $0x0;
	s10 =	rddreg [dreg:$0x4]  }
0x41: {  	[tilespmem:s12], [sflag:$0x5] =	stream.linear.gather [hbm4b:s10+s12], $0x1400, $0x38;
	[tilespmem:$0x1E400] =	vst v63  }
0x42: {  	_ =	swait.ge [sflag:s22], $0x1400  }
0x43: {  	[sflag:s22] =	ssyncset.done $0x0  }
0x44: {  	s13 =	rddreg [dreg:$0x5];
	[sflag:s22] =	ssyncadd.s32 $0xFFFFEC00  }
0x45: {  	[tilespmem:s23], [sflag:$0x5] =	stream.linear.gather [hbm4b:s13+s12], $0x1400, $0x38;
	[tilespmem:$0x1E400] =	vst v63  }
0x46: {  	_ =	swait.ge [sflag:s22], $0x1400  }
0x47: {  	[sflag:s22] =	ssyncset.done $0x0  }
0x48: {  	[sflag:s22] =	ssyncadd.s32 $0xFFFFEC00  }
0x49: {  	[tilespmem:s20], [sflag:$0x1] =	stream.indirect.gather [hbm4b:s1+s24], $0x80, s12, s24, $0xb8;
	[tilespmem:$0x1E400] =	vst v63  }
0x4a: {  	s10 =	simm.s32 $0x80  }
0x4b: {  	[tilespmem:s25], [sflag:$0x2] =	stream.indirect.gather [hbm4b:s1+s24], $0x80, s10, s24, $0xb8;
	[tilespmem:$0x1E400] =	vst v63  }
0x4c: {  	_ =	swait.ge [sflag:s26], $0x4000  }
0x4d: {  	[sflag:s26] =	ssyncset.done $0x0  }
0x4e: {  	s11 =	simm.s32 $0x1400;
	[sflag:s26] =	ssyncadd.s32 $0xFFFFC000  }
0x4f: {  	[spmem:s3] =	stream.indirect.scatter.add.f32 [tilespmem:s20], [sflag:$0x5], $0x80, s11, s24, $0xb8;
	[tilespmem:$0x1E400] =	vst v63  }
0x50: {  	_ =	swait.ge [sflag:s22], $0x4000  }
0x51: {  	[sflag:s22] =	ssyncset.done $0x0  }
0x52: {  	s12 =	simm.s32 $0x100;
	[sflag:s22] =	ssyncadd.s32 $0xFFFFC000  }
0x53: {  	[tilespmem:s20], [sflag:$0x1] =	stream.indirect.gather [hbm4b:s1+s24], $0x80, s12, s24, $0xb8;
	[tilespmem:$0x1E400] =	vst v63  }
0x54: {  	_ =	swait.ge [sflag:s28], $0x4000  }
0x55: {  	[sflag:s28] =	ssyncset.done $0x0  }
0x56: {  	s13 =	simm.s32 $0x1480;
	[sflag:s28] =	ssyncadd.s32 $0xFFFFC000  }
0x57: {  	[spmem:s3] =	stream.indirect.scatter.add.f32 [tilespmem:s25], [sflag:$0x5], $0x80, s13, s24, $0xb8;
	[tilespmem:$0x1E400] =	vst v63  }
0x58: {  	_ =	swait.ge [sflag:s22], $0x4000  }
0x59: {  	s0 =	simm.s32 $0x100;
	s10 =	simm.s32 $0x800;
	[sflag:s22] =	ssyncset.done $0x0  }
.LBB2_4:
0x5a: {  	s11 =	sadd.s32 $0x80, s0  }
0x5b: {  	[sflag:s22] =	ssyncadd.s32 $0xFFFFC000;
	s12 =	smov.u32 s10;
	s13 =	sadd.s32 $0x400, s10  }
0x5c: {  	[tilespmem:s25], [sflag:$0x2] =	stream.indirect.gather [hbm4b:s1+s24], $0x80, s11, s24, $0xb8;
	[tilespmem:$0x1E400] =	vst v63  }
0x5d: {  	p0 =	sne.s32 s10, $0x4800;
	_ =	swait.ge [sflag:s26], $0x4000  }
0x5e: {  	[sflag:s26] =	ssyncset.done $0x0  }
0x5f: {  	s10 =	sadd.s32 $0x1400, s0;
	[sflag:s26] =	ssyncadd.s32 $0xFFFFC000  }
0x60: {  	[spmem:s3] =	stream.indirect.scatter.add.f32 [tilespmem:s20], [sflag:$0x5], $0x80, s10, s24, $0xb8;
	[tilespmem:$0x1E400] =	vst v63  }
0x61: {  	_ =	swait.ge [sflag:s22], $0x4000  }
0x62: {  	[sflag:s22] =	ssyncset.done $0x0  }
0x63: {  	s10 =	sadd.s32 $0x100, s0;
	[sflag:s22] =	ssyncadd.s32 $0xFFFFC000  }
0x64: {  	[tilespmem:s20], [sflag:$0x1] =	stream.indirect.gather [hbm4b:s1+s24], $0x80, s10, s24, $0xb8;
	[tilespmem:$0x1E400] =	vst v63  }
0x65: {  	_ =	swait.ge [sflag:s28], $0x4000  }
.Ltmp1:
0x66: {  	[sflag:s28] =	ssyncset.done $0x0;
	(pc) =	sbr.rel @p0 .LBB2_4-.Ltmp1, $4  }
0x67: {  	s0 =	sadd.s32 $0x1480, s0;
	[sflag:s28] =	ssyncadd.s32 $0xFFFFC000  }
0x68: {  	[spmem:s3] =	stream.indirect.scatter.add.f32 [tilespmem:s25], [sflag:$0x5], $0x80, s0, s24, $0xb8;
	[tilespmem:$0x1E400] =	vst v63  }
0x69: {  	_ =	swait.ge [sflag:s22], $0x4000  }
0x6a: {  	s10 =	smov.u32 s13;
	s0 =	sshra.s32 s12, $0x2;
	[sflag:s22] =	ssyncset.done $0x0  }
0x6b: {  	s10 =	sadd.s32 $0x80, s0;
	[sflag:s22] =	ssyncadd.s32 $0xFFFFC000  }
0x6c: {  	[tilespmem:s25], [sflag:$0x2] =	stream.indirect.gather [hbm4b:s1+s24], $0x80, s10, s24, $0xb8;
	[tilespmem:$0x1E400] =	vst v63  }
0x6d: {  	_ =	swait.ge [sflag:s26], $0x4000  }
0x6e: {  	[sflag:s26] =	ssyncset.done $0x0  }
0x6f: {  	s12 =	sadd.s32 $0x1400, s0;
	[sflag:s26] =	ssyncadd.s32 $0xFFFFC000  }
0x70: {  	[spmem:s3] =	stream.indirect.scatter.add.f32 [tilespmem:s20], [sflag:$0x5], $0x80, s12, s24, $0xb8;
	[tilespmem:$0x1E400] =	vst v63  }
0x71: {  	_ =	swait.ge [sflag:s22], $0x4000  }
0x72: {  	[sflag:s22] =	ssyncset.done $0x0  }
0x73: {  	s13 =	sadd.s32 $0x100, s0;
	[sflag:s22] =	ssyncadd.s32 $0xFFFFC000  }
0x74: {  	[tilespmem:s20], [sflag:$0x1] =	stream.indirect.gather [hbm4b:s1+s24], $0x80, s13, s24, $0xb8;
	[tilespmem:$0x1E400] =	vst v63  }
0x75: {  	_ =	swait.ge [sflag:s28], $0x4000  }
0x76: {  	[sflag:s28] =	ssyncset.done $0x0  }
0x77: {  	s10 =	sadd.s32 $0x1480, s0;
	[sflag:s28] =	ssyncadd.s32 $0xFFFFC000  }
0x78: {  	[spmem:s3] =	stream.indirect.scatter.add.f32 [tilespmem:s25], [sflag:$0x5], $0x80, s10, s24, $0xb8;
	[tilespmem:$0x1E400] =	vst v63  }
0x79: {  	_ =	swait.ge [sflag:s22], $0x4000  }
0x7a: {  	[sflag:s22] =	ssyncset.done $0x0  }
0x7b: {  	[sflag:s22] =	ssyncadd.s32 $0xFFFFC000  }
0x7c: {  	[tilespmem:s25], [sflag:$0x2] =	stream.indirect.gather [hbm4b:s1+s24], $0x80, s29, s24, $0xb8;
	[tilespmem:$0x1E400] =	vst v63  }
0x7d: {  	_ =	swait.ge [sflag:s26], $0x4000  }
0x7e: {  	[sflag:s26] =	ssyncset.done $0x0  }
0x7f: {  	[sflag:s26] =	ssyncadd.s32 $0xFFFFC000  }
0x80: {  	[spmem:s3] =	stream.indirect.scatter.add.f32 [tilespmem:s20], [sflag:$0x5], $0x80, s30, s24, $0xb8;
	[tilespmem:$0x1E400] =	vst v63  }
0x81: {  	_ =	swait.ge [sflag:s22], $0x4000  }
0x82: {  	[sflag:s22] =	ssyncset.done $0x0  }
0x83: {  	[sflag:s22] =	ssyncadd.s32 $0xFFFFC000  }
0x84: {  	_ =	swait.ge [sflag:s28], $0x4000  }
0x85: {  	[sflag:s28] =	ssyncset.done $0x0  }
0x86: {  	[sflag:s28] =	ssyncadd.s32 $0xFFFFC000  }
0x87: {  	[spmem:s3] =	stream.indirect.scatter.add.f32 [tilespmem:s25], [sflag:$0x5], $0x80, s31, s24, $0xb8;
	[tilespmem:$0x1E400] =	vst v63  }
0x88: {  	_ =	swait.ge [sflag:s22], $0x4000  }
0x89: {  	[sflag:s22] =	ssyncset.done $0x0  }
0x8a: {  	s11 =	simm.s32 $0x0;
	s12 =	rddreg [dreg:$0x6];
	[sflag:s22] =	ssyncadd.s32 $0xFFFFC000  }
0x8b: {  	[tilespmem:s11], [sflag:$0x5] =	stream.linear.gather [hbm4b:s12+s11], $0x1400, $0x38;
	[tilespmem:$0x1E400] =	vst v63  }
0x8c: {  	_ =	swait.ge [sflag:s22], $0x1400  }
0x8d: {  	[sflag:s22] =	ssyncset.done $0x0  }
0x8e: {  	s13 =	rddreg [dreg:$0x7];
	[sflag:s22] =	ssyncadd.s32 $0xFFFFEC00  }
0x8f: {  	[tilespmem:s23], [sflag:$0x5] =	stream.linear.gather [hbm4b:s13+s11], $0x1400, $0x38;
	[tilespmem:$0x1E400] =	vst v63  }
0x90: {  	_ =	swait.ge [sflag:s22], $0x1400  }
0x91: {  	[sflag:s22] =	ssyncset.done $0x0  }
0x92: {  	[sflag:s22] =	ssyncadd.s32 $0xFFFFEC00  }
0x93: {  	[tilespmem:s20], [sflag:$0x1] =	stream.indirect.gather [hbm4b:s1+s24], $0x80, s11, s24, $0xb8;
	[tilespmem:$0x1E400] =	vst v63  }
0x94: {  	s10 =	simm.s32 $0x80  }
0x95: {  	[tilespmem:s25], [sflag:$0x2] =	stream.indirect.gather [hbm4b:s1+s24], $0x80, s10, s24, $0xb8;
	[tilespmem:$0x1E400] =	vst v63  }
0x96: {  	_ =	swait.ge [sflag:s26], $0x4000  }
0x97: {  	[sflag:s26] =	ssyncset.done $0x0  }
0x98: {  	s11 =	simm.s32 $0x1400;
	[sflag:s26] =	ssyncadd.s32 $0xFFFFC000  }
0x99: {  	[spmem:s3] =	stream.indirect.scatter.add.f32 [tilespmem:s20], [sflag:$0x5], $0x80, s11, s24, $0xb8;
	[tilespmem:$0x1E400] =	vst v63  }
0x9a: {  	_ =	swait.ge [sflag:s22], $0x4000  }
0x9b: {  	[sflag:s22] =	ssyncset.done $0x0  }
0x9c: {  	s12 =	simm.s32 $0x100;
	[sflag:s22] =	ssyncadd.s32 $0xFFFFC000  }
0x9d: {  	[tilespmem:s20], [sflag:$0x1] =	stream.indirect.gather [hbm4b:s1+s24], $0x80, s12, s24, $0xb8;
	[tilespmem:$0x1E400] =	vst v63  }
0x9e: {  	_ =	swait.ge [sflag:s28], $0x4000  }
0x9f: {  	[sflag:s28] =	ssyncset.done $0x0  }
0xa0: {  	s13 =	simm.s32 $0x1480;
	[sflag:s28] =	ssyncadd.s32 $0xFFFFC000  }
0xa1: {  	[spmem:s3] =	stream.indirect.scatter.add.f32 [tilespmem:s25], [sflag:$0x5], $0x80, s13, s24, $0xb8;
	[tilespmem:$0x1E400] =	vst v63  }
0xa2: {  	_ =	swait.ge [sflag:s22], $0x4000  }
0xa3: {  	s0 =	simm.s32 $0x100;
	s10 =	simm.s32 $0x800;
	[sflag:s22] =	ssyncset.done $0x0  }
.LBB2_6:
0xa4: {  	s11 =	sadd.s32 $0x80, s0  }
0xa5: {  	[sflag:s22] =	ssyncadd.s32 $0xFFFFC000;
	s12 =	smov.u32 s10;
	s13 =	sadd.s32 $0x400, s10  }
0xa6: {  	[tilespmem:s25], [sflag:$0x2] =	stream.indirect.gather [hbm4b:s1+s24], $0x80, s11, s24, $0xb8;
	[tilespmem:$0x1E400] =	vst v63  }
0xa7: {  	p0 =	sne.s32 s10, $0x4800;
	_ =	swait.ge [sflag:s26], $0x4000  }
0xa8: {  	[sflag:s26] =	ssyncset.done $0x0  }
0xa9: {  	s10 =	sadd.s32 $0x1400, s0;
	[sflag:s26] =	ssyncadd.s32 $0xFFFFC000  }
0xaa: {  	[spmem:s3] =	stream.indirect.scatter.add.f32 [tilespmem:s20], [sflag:$0x5], $0x80, s10, s24, $0xb8;
	[tilespmem:$0x1E400] =	vst v63  }
0xab: {  	_ =	swait.ge [sflag:s22], $0x4000  }
0xac: {  	[sflag:s22] =	ssyncset.done $0x0  }
0xad: {  	s10 =	sadd.s32 $0x100, s0;
	[sflag:s22] =	ssyncadd.s32 $0xFFFFC000  }
0xae: {  	[tilespmem:s20], [sflag:$0x1] =	stream.indirect.gather [hbm4b:s1+s24], $0x80, s10, s24, $0xb8;
	[tilespmem:$0x1E400] =	vst v63  }
0xaf: {  	_ =	swait.ge [sflag:s28], $0x4000  }
.Ltmp2:
0xb0: {  	[sflag:s28] =	ssyncset.done $0x0;
	(pc) =	sbr.rel @p0 .LBB2_6-.Ltmp2, $4  }
0xb1: {  	s0 =	sadd.s32 $0x1480, s0;
	[sflag:s28] =	ssyncadd.s32 $0xFFFFC000  }
0xb2: {  	[spmem:s3] =	stream.indirect.scatter.add.f32 [tilespmem:s25], [sflag:$0x5], $0x80, s0, s24, $0xb8;
	[tilespmem:$0x1E400] =	vst v63  }
0xb3: {  	_ =	swait.ge [sflag:s22], $0x4000  }
0xb4: {  	s10 =	smov.u32 s13;
	s0 =	sshra.s32 s12, $0x2;
	[sflag:s22] =	ssyncset.done $0x0  }
0xb5: {  	s10 =	sadd.s32 $0x80, s0;
	[sflag:s22] =	ssyncadd.s32 $0xFFFFC000  }
0xb6: {  	[tilespmem:s25], [sflag:$0x2] =	stream.indirect.gather [hbm4b:s1+s24], $0x80, s10, s24, $0xb8;
	[tilespmem:$0x1E400] =	vst v63  }
0xb7: {  	_ =	swait.ge [sflag:s26], $0x4000  }
0xb8: {  	[sflag:s26] =	ssyncset.done $0x0  }
0xb9: {  	s12 =	sadd.s32 $0x1400, s0;
	[sflag:s26] =	ssyncadd.s32 $0xFFFFC000  }
0xba: {  	[spmem:s3] =	stream.indirect.scatter.add.f32 [tilespmem:s20], [sflag:$0x5], $0x80, s12, s24, $0xb8;
	[tilespmem:$0x1E400] =	vst v63  }
0xbb: {  	_ =	swait.ge [sflag:s22], $0x4000  }
0xbc: {  	[sflag:s22] =	ssyncset.done $0x0  }
0xbd: {  	s13 =	sadd.s32 $0x100, s0;
	[sflag:s22] =	ssyncadd.s32 $0xFFFFC000  }
0xbe: {  	[tilespmem:s20], [sflag:$0x1] =	stream.indirect.gather [hbm4b:s1+s24], $0x80, s13, s24, $0xb8;
	[tilespmem:$0x1E400] =	vst v63  }
0xbf: {  	_ =	swait.ge [sflag:s28], $0x4000  }
0xc0: {  	[sflag:s28] =	ssyncset.done $0x0  }
0xc1: {  	s10 =	sadd.s32 $0x1480, s0;
	[sflag:s28] =	ssyncadd.s32 $0xFFFFC000  }
0xc2: {  	[spmem:s3] =	stream.indirect.scatter.add.f32 [tilespmem:s25], [sflag:$0x5], $0x80, s10, s24, $0xb8;
	[tilespmem:$0x1E400] =	vst v63  }
0xc3: {  	_ =	swait.ge [sflag:s22], $0x4000  }
0xc4: {  	[sflag:s22] =	ssyncset.done $0x0  }
0xc5: {  	[sflag:s22] =	ssyncadd.s32 $0xFFFFC000  }
0xc6: {  	[tilespmem:s25], [sflag:$0x2] =	stream.indirect.gather [hbm4b:s1+s24], $0x80, s29, s24, $0xb8;
	[tilespmem:$0x1E400] =	vst v63  }
0xc7: {  	_ =	swait.ge [sflag:s26], $0x4000  }
0xc8: {  	[sflag:s26] =	ssyncset.done $0x0  }
0xc9: {  	[sflag:s26] =	ssyncadd.s32 $0xFFFFC000  }
0xca: {  	[spmem:s3] =	stream.indirect.scatter.add.f32 [tilespmem:s20], [sflag:$0x5], $0x80, s30, s24, $0xb8;
	[tilespmem:$0x1E400] =	vst v63  }
0xcb: {  	_ =	swait.ge [sflag:s22], $0x4000  }
0xcc: {  	[sflag:s22] =	ssyncset.done $0x0  }
0xcd: {  	[sflag:s22] =	ssyncadd.s32 $0xFFFFC000  }
0xce: {  	_ =	swait.ge [sflag:s28], $0x4000  }
0xcf: {  	[sflag:s28] =	ssyncset.done $0x0  }
0xd0: {  	[sflag:s28] =	ssyncadd.s32 $0xFFFFC000  }
0xd1: {  	[spmem:s3] =	stream.indirect.scatter.add.f32 [tilespmem:s25], [sflag:$0x5], $0x80, s31, s24, $0xb8;
	[tilespmem:$0x1E400] =	vst v63  }
0xd2: {  	s11 =	stileid.u32;
	_ =	swait.ge [sflag:s22], $0x4000  }
0xd3: {  	s0 =	sshll.u32 s11, $0x6;
	[sflag:s22] =	ssyncset.done $0x0  }
0xd4: {  	s0 =	sor.u32 $0x1C04, s0;
	[sflag:s22] =	ssyncadd.s32 $0xFFFFC000  }
0xd5: {  	s12 =	sshrl.u32 s5, $0x3;
	s13 =	sshrl.u32 s6, $0x3;
	[bflag:$0x0] =	sbarrier.arrive $0xFFFF  }
0xd6: {  	[hbm:s14], [sflag:s0] =	dma.local [spmem:s12], $0x800  }
0xd7: {  	[hbm:s15], [sflag:s0] =	dma.local [spmem:s13], $0x800  }
0xd8: {  	s11 =	sshrl.u32 s7, $0x3;
	s12 =	sshrl.u32 s8, $0x3;
	s13 =	sshrl.u32 s9, $0x3  }
0xd9: {  	[hbm:s16], [sflag:s0] =	dma.local [spmem:s11], $0x800  }
0xda: {  	[hbm:s17], [sflag:s0] =	dma.local [spmem:s12], $0x800  }
0xdb: {  	[hbm:s18], [sflag:s0] =	dma.local [spmem:s13], $0x780  }
0xdc: {  	_ =	swait.ge [sflag:s2], $0x800  }
0xdd: {  	[sflag:s2] =	ssyncset.done $0x0  }
0xde: {  	[sflag:s2] =	ssyncadd.s32 $0xFFFFF800  }
0xdf: {  	_ =	swait.ge [sflag:s2], $0x800  }
0xe0: {  	[sflag:s2] =	ssyncset.done $0x0  }
0xe1: {  	[sflag:s2] =	ssyncadd.s32 $0xFFFFF800  }
0xe2: {  	_ =	swait.ge [sflag:s2], $0x800  }
0xe3: {  	[sflag:s2] =	ssyncset.done $0x0  }
0xe4: {  	s4 =	sadd.s32 $0x1, s4;
	[sflag:s2] =	ssyncadd.s32 $0xFFFFF800  }
0xe5: {  	p0 =	sne.s32 s4, s19;
	_ =	swait.ge [sflag:s2], $0x800  }
.Ltmp3:
0xe6: {  	[sflag:s2] =	ssyncset.done $0x0;
	(pc) =	sbr.rel @p0 .LBB2_1-.Ltmp3, $4  }
0xe7: {  	[sflag:s2] =	ssyncadd.s32 $0xFFFFF800  }
0xe8: {  	_ =	swait.ge [sflag:s2], $0x780  }
0xe9: {  	[sflag:s2] =	ssyncset.done $0x0  }
0xea: {  	[sflag:s2] =	ssyncadd.s32 $0xFFFFF880  }
0xeb: {  	_ =	sfence.sel $0x180000  }
0xec: {  	[bflag:$0x0] =	sbarrier.arrive $0xFFFF  }
0xed: {  	_ =	strace $0x9000004D  }
0xee: {  	s0 =	stileid.u32;
	[bflag:$0x2] =	sbarrier.arrive $0xFFFF  }
0xef: {  	p0 =	sne.s32 s0, $0x0;
	s0 =	rddreg [dreg:$0x3]  }
0xf0: {  	s0 =	sadd.s32 @!p0 $0x100000, s0  }
0xf1: {  	[sflag:s0] =	ssyncadd.tile.s32 @!p0 $0x1;
	_ =	shalt  }
.Lfunc_end2:
_tile_overlayer_lowered:
.L_overlay_start_2:
0xf2: {  	(tag) =	ssettag $0x2  }
0xf3: {  	s0 =	rddreg [dreg:$0x0];
	s2 =	stileid.u32  }
0xf4: {  	s1 =	rddreg [dreg:$0x1];
	p0 =	sne.s32 s2, $0x0  }
0xf5: {  	s3 =	rddreg [dreg:$0x2];
	[bflag:$0x3] =	sbarrier.arrive $0xFFFF;
	s2 =	simm.s32 @!p0 $0x1C05  }
0xf6: {  	[timem:s3], [sflag:s2] =	dma.local @!p0 [hbm:s0], s1  }
0xf7: {  	s0 =	simm.s32 @!p0 $0x5  }
0xf8: {  	_ =	swait.ge @!p0 [sflag:s0], s1  }
0xf9: {  	s1 =	ssub.s32 @!p0 $0x0, s1;
	[sflag:s0] =	ssyncset.done @!p0 $0x0  }
0xfa: {  	[sflag:s0] =	ssyncadd.s32 @!p0 s1  }
0xfb: {  	[bflag:$0x3] =	sbarrier.arrive $0xFFFF  }
0xfc: {  	_ =	shalt  }

// kernel: kernel.8.cloned.1.call-start
scs
__scs_entry_jumppad:
0x0: {  	(pc) =	sbr.rel $0x88, $3  }
0x1: {  	(tag) =	ssettag $0x0;
	lr =	simm.s32 $0x1  }
0x2: {  	[smem:$0x3F8F] =	sst lr;
	_ =	strace $0xD0000000  }
0x3: {  	_ = 	snop  }
0x4: {  	_ = 	snop  }
0x5: {  	_ = 	snop  }
0x6: {  	_ = 	snop  }
0x7: {  	_ = 	snop  }
__scs_overlays_trampoline_lowered:
0x8: {  	[smem:$0x3F9E] =	sst s0  }
0x9: {  	[smem:$0x3F9F] =	sst s1  }
0xa: {  	[smem:$0x3FA0] =	sst s2  }
0xb: {  	[smem:$0x3FA1] =	sst s3  }
0xc: {  	[smem:$0x3FA2] =	sst s4  }
0xd: {  	[smem:$0x3FA3] =	sst s5  }
0xe: {  	[smem:$0x3FA4] =	sst s6  }
0xf: {  	[smem:$0x3FA5] =	sst s7  }
0x10: {  	[smem:$0x3FA6] =	sst s8  }
0x11: {  	[smem:$0x3FA7] =	sst s9;
	s0 =	simm.s32 @!p0 $0x0  }
0x12: {  	s1 =	sld [smem:$0x3F8D];
	s0 =	simm.s32 @p0 $0x1  }
0x13: {  	[smem:$0x3FA8] =	sst s0;
	s0 =	simm.s32 @!p1 $0x0  }
0x14: {  	s2 =	sld [smem:$0x3F8C];
	s0 =	simm.s32 @p1 $0x1  }
0x15: {  	[smem:$0x3FA9] =	sst s0;
	s0 =	simm.s32 @!p2 $0x0  }
0x16: {  	s3 =	sld [smem:$0x3FDB];
	s0 =	simm.s32 @p2 $0x1  }
0x17: {  	s4 =	simm.s32 $0x1BF5;
	[smem:$0x3FAB] =	sst s0  }
0x18: {  	s0 =	sld [smem:$0x3F8E];
	_ =	swait.ge [sflag:s4], $0x0  }
0x19: {  	s7 =	sld [smem:$0x3F8F]  }
0x1a: {  	s8 =	sadd.s32 $0xFFFFE003, lr  }
0x1b: {  	s9 =	sadd.s32 $0xFFFFFEF7, lr;
	s5 =	simm.s32 $0xFFFFFFFF;
	p2 =	slt.u32 s8, $0xFFFFF086  }
0x1c: {  	p1 =	slt.u32 s9, $0xF7A;
	s5 =	simm.s32 @!p2 $0x0  }
0x1d: {  	s5 =	simm.s32 @p1 $0x1;
	p0 =	seq.s32 s7, s2  }
0x1e: {  	s7 =	smul.u32 @!p0 $0xF7A, s2;
	p2 =	seq.s32 @!p0 s5, $0x0  }
0x1f: {  	s9 =	smul.u32 $0xF7A, s1;
	s8 =	simm.s32 @!p0 $0x1BF5;
	p2 =	por !p2, p0  }
0x20: {  	[sflag:s8] =	ssyncset.s32 @!p0 $0xFFFFF086;
	s6 =	sadd.s32 @!p0 s3, s7;
	s7 =	simm.s32 @!p0 $0x108  }
0x21: {  	s3 =	sadd.s32 s3, s9;
	s6 =	sadd.s32 @!p0 $0x88, s6;
	s7 =	simm.s32 @p2 $0x1082  }
0x22: {  	[simem:s7], [sflag:s8] =	dma.local @!p0 [hbm:s6], $0xF7A  }
0x23: {  	s9 =	sor.u32 $0xD0000000, s2;
	s6 =	simm.s32 $0x108;
	_ =	swait.ge @!p0 [sflag:s8], $0x0  }
0x24: {  	s3 =	sadd.s32 $0x88, s3;
	s6 =	simm.s32 @!p1 $0x1082;
	[sflag:s4] =	ssyncset.s32 $0xFFFFF086  }
0x25: {  	[simem:s6], [sflag:s4] =	dma.local [hbm:s3], $0xF7A  }
0x26: {  	[smem:$0x3F8F] =	sst s1;
	(tag) =	ssettag s2;
	_ =	strace s9  }
0x27: {  	s1 =	sld [smem:$0x3F9F]  }
0x28: {  	s2 =	sld [smem:$0x3FA0]  }
0x29: {  	s4 =	sld [smem:$0x3FA2]  }
0x2a: {  	p0 =	seq.s32 s5, $0x0;
	s5 =	sld [smem:$0x3FA3]  }
0x2b: {  	s6 =	sld [smem:$0x3FA4]  }
0x2c: {  	s7 =	sld [smem:$0x3FA5]  }
0x2d: {  	s3 =	simm.s32 $0x108;
	s8 =	sld [smem:$0x3FA6]  }
0x2e: {  	s3 =	simm.s32 @!p0 $0x1082;
	s9 =	sld [smem:$0x3FA7]  }
0x2f: {  	lr =	sadd.s32 s0, s3;
	s0 =	sld [smem:$0x3F9E]  }
0x30: {  	s3 =	sld [smem:$0x3FA1]  }
0x31: {  	[smem:$0x3FAA] =	sst s10  }
0x32: {  	s10 =	sld [smem:$0x3FA8];
	_ =	sdelay $0x3  }
0x33: {  	p0 =	seq.s32 s10, $0x1;
	s10 =	sld [smem:$0x3FAA];
	_ =	sdelay $0x3  }
0x34: {  	[smem:$0x3FAA] =	sst s10  }
0x35: {  	s10 =	sld [smem:$0x3FA9];
	_ =	sdelay $0x3  }
0x36: {  	p1 =	seq.s32 s10, $0x1;
	s10 =	sld [smem:$0x3FAA];
	_ =	sdelay $0x3  }
0x37: {  	[smem:$0x3FAA] =	sst s10  }
0x38: {  	s10 =	sld [smem:$0x3FAB]  }
0x39: {  	_ = 	snop;
	(pc) =	sbr.ind lr, $3  }
0x3a: {  	_ = 	snop  }
0x3b: {  	_ = 	snop  }
0x3c: {  	p2 =	seq.s32 s10, $0x1;
	s10 =	sld [smem:$0x3FAA]  }
0x3d: {  	_ =	shalt  }
0x3e: {  	_ =	shalt  }
0x3f: {  	_ =	shalt  }
0x40: {  	_ =	shalt  }
0x41: {  	_ =	shalt  }
0x42: {  	_ =	shalt  }
0x43: {  	_ =	shalt  }
0x44: {  	_ =	shalt  }
0x45: {  	_ =	shalt  }
0x46: {  	_ =	shalt  }
0x47: {  	_ =	shalt  }
0x48: {  	_ =	shalt  }
0x49: {  	_ =	shalt  }
0x4a: {  	_ =	shalt  }
0x4b: {  	_ =	shalt  }
0x4c: {  	_ =	shalt  }
0x4d: {  	_ =	shalt  }
0x4e: {  	_ =	shalt  }
0x4f: {  	_ =	shalt  }
0x50: {  	_ =	shalt  }
0x51: {  	_ =	shalt  }
0x52: {  	_ =	shalt  }
0x53: {  	_ =	shalt  }
0x54: {  	_ =	shalt  }
0x55: {  	_ =	shalt  }
0x56: {  	_ =	shalt  }
0x57: {  	_ =	shalt  }
0x58: {  	_ =	shalt  }
0x59: {  	_ =	shalt  }
0x5a: {  	_ =	shalt  }
0x5b: {  	_ =	shalt  }
0x5c: {  	_ =	shalt  }
0x5d: {  	_ =	shalt  }
0x5e: {  	_ =	shalt  }
0x5f: {  	_ =	shalt  }
0x60: {  	_ =	shalt  }
0x61: {  	_ =	shalt  }
0x62: {  	_ =	shalt  }
0x63: {  	_ =	shalt  }
0x64: {  	_ =	shalt  }
0x65: {  	_ =	shalt  }
0x66: {  	_ =	shalt  }
0x67: {  	_ =	shalt  }
0x68: {  	_ =	shalt  }
0x69: {  	_ =	shalt  }
0x6a: {  	_ =	shalt  }
0x6b: {  	_ =	shalt  }
0x6c: {  	_ =	shalt  }
0x6d: {  	_ =	shalt  }
0x6e: {  	_ =	shalt  }
0x6f: {  	_ =	shalt  }
0x70: {  	_ =	shalt  }
0x71: {  	_ =	shalt  }
0x72: {  	_ =	shalt  }
0x73: {  	_ =	shalt  }
0x74: {  	_ =	shalt  }
0x75: {  	_ =	shalt  }
0x76: {  	_ =	shalt  }
0x77: {  	_ =	shalt  }
0x78: {  	_ =	shalt  }
0x79: {  	_ =	shalt  }
0x7a: {  	_ =	shalt  }
0x7b: {  	_ =	shalt  }
0x7c: {  	_ =	shalt  }
0x7d: {  	_ =	shalt  }
0x7e: {  	_ =	shalt  }
0x7f: {  	_ =	shalt  }
0x80: {  	_ =	shalt  }
0x81: {  	_ =	shalt  }
0x82: {  	_ =	shalt  }
0x83: {  	_ =	shalt  }
0x84: {  	_ =	shalt  }
0x85: {  	_ =	shalt  }
0x86: {  	_ =	shalt  }
0x87: {  	_ =	shalt  }
.Lfunc_end0:
.L_simem_size_0:
called_computation_lowered:
.L_overlay_start_0:
0x88: {  	s2 =	sld [smem:$0x3FD9]  }
0x89: {  	s3 =	sld [smem:$0x3FFE];
	_ =	sdelay $0x1  }
0x8a: {  	s1 =	srdreg.scid  }
0x8b: {  	s0 =	sand.u32 $0x1, s1  }
0x8c: {  	s17 =	sshll.u32 s0, $0xA;
	s2 =	sadd.s32 s3, s2  }
0x8d: {  	s2 =	sadd.s32 s2, s17  }
0x8e: {  	[smem:$0x3FB6] =	sst s2  }
0x8f: {  	_ = 	snop  }
0x90: {  	s2 =	sld [smem:$0x3FC9];
	(tm) =	ssettm $0x1  }
0x91: {  	s18 =	sld [smem:$0x3FFB];
	_ =	sdelay $0x3  }
0x92: {  	_ =	strace s18  }
0x93: {  	s3 =	sld [smem:$0x3FFC];
	_ =	sdelay $0x3  }
0x94: {  	_ =	strace s3  }
0x95: {  	s3 =	sld [smem:$0x3FFD];
	_ =	sdelay $0x3  }
0x96: {  	_ =	strace s3  }
0x97: {  	_ =	strace $0x8FFFFFFF  }
0x98: {  	s19 =	sld [smem:$0x3FDB];
	_ =	sdelay $0x1  }
0x99: {  	s4 =	simm.s32 $_scs_section_size  }
0x9a: {  	s5 =	simm.s32 $_size__tile_overlayer_lowered;
	s6 =	simm.s32 $_tile_overlayer_lowered  }
0x9b: {  	s22 =	simm.s32 $0x1BFF;
	s21 =	sshll.u32 s6, $0x1;
	s3 =	sadd.s32 s4, s19  }
0x9c: {  	s7 =	simm.s32 $0x0;
	s20 =	sshll.u32 s5, $0x1;
	s5 =	sadd.s32 s21, s3  }
0x9d: {  	[timem:s7], [sflag:s22] =	dma.local [hbm:s5], s20  }
0x9e: {  	_ =	swait.ge [sflag:s22], s20  }
0x9f: {  	s4 =	ssub.s32 $0x0, s20;
	[sflag:s22] =	ssyncset.done $0x0  }
0xa0: {  	[sflag:s22] =	ssyncadd.s32 s4;
	_ =	sdelay $0x1  }
0xa1: {  	s23 =	simm.s32 $0x1B8B  }
0xa2: {  	_ =	swait.ge [sflag:s23], $0x1  }
0xa3: {  	[sflag:s23] =	ssyncset.done $0x0  }
0xa4: {  	s25 =	simm.s32 $0x1B8E;
	s24 =	sld [smem:$0x3FFE];
	[sflag:s23] =	ssyncadd.s32 $0xFFFFFFFF  }
0xa5: {  	s26 =	simm.s32 $execute0_lowered;
	[smem:$0x3FD2] =	sst s25  }
0xa6: {  	s5 =	sshll.u32 s26, $0x1;
	_ =	strace $0x80000046;
	[dreg:$0x1] =	wrdreg $0xFFFFFFFF  }
0xa7: {  	s28 =	simm.s32 $_size_execute0_lowered;
	s3 =	sadd.s32 s3, s5;
	[dreg:$0x0] =	wrdreg $0x0  }
0xa8: {  	s5 =	sshll.u32 s28, $0x1;
	[dreg:$0x2] =	wrdreg s3  }
0xa9: {  	[dreg:$0x3] =	wrdreg s5  }
0xaa: {  	[dreg:$0x4] =	wrdreg $0xC0  }
0xab: {  	_ =	task [dreg:s7], $0x5FFFF  }
0xac: {  	[dreg:$0x1] =	wrdreg $0xFFFFFFFF  }
0xad: {  	[dreg:$0x0] =	wrdreg $0x60  }
0xae: {  	[dreg:$0x2] =	wrdreg s2  }
0xaf: {  	[dreg:$0x3] =	wrdreg s24  }
0xb0: {  	[dreg:$0x4] =	wrdreg $0xA8000  }
0xb1: {  	[dreg:$0x5] =	wrdreg $0x9  }
0xb2: {  	_ =	task.clear_ibuf [dreg:s7], $0x6FFFF;
	_ =	strace $0x90000046  }
0xb3: {  	s29 =	simm.s32 $0x9;
	_ =	strace $0x80000048  }
0xb4: {  	_ =	swait.ge [sflag:s29], $0x1  }
0xb5: {  	[sflag:s29] =	ssyncadd.s32 $0xFFFFFFFF  }
0xb6: {  	_ =	strace $0x90000048  }
0xb7: {  	_ =	sfence  }
0xb8: {  	s30 =	sld [smem:$0x0];
	_ =	sdelay $0x2  }
0xb9: {  	s31 =	sshll.u32 s1, $0xD;
	s1 =	sshrl.u32 s1, $0x2  }
0xba: {  	s3 =	sand.u32 $0x4000, s31;
	s1 =	sadd.s32 s1, s30  }
0xbb: {  	s0 =	sor.u32 s3, s0;
	s1 =	sshll.u32 s1, $0x11  }
0xbc: {  	s0 =	sor.u32 s1, s0  }
0xbd: {  	s0 =	sadd.s32 $0x8F2B, s0  }
0xbe: {  	[sflag:s0] =	ssyncadd.remote.s32 $0x1  }
0xbf: {  	_ =	sfence.sel $0xFFFF  }
0xc0: {  	[dreg:$0x0] =	wrdreg $0xFFFFFFFF;
	(pc) =	sbr.abs _section_cstart, $3  }
0xc1: {  	[dreg:$0x1] =	wrdreg $0xFFFFFFFF  }
0xc2: {  	_ =	task.clear_ibuf [dreg:s7], $0x2FFFF;
	_ =	strace $0x9FFFFFFF  }
0xc3: {  	(tm) =	ssettm $0x7FFFFFFF  }
tec
execute0_lowered:
.L_overlay_start_1:
0x0: {  	(tag) =	ssettag $0x1  }
0x1: {  	s1 =	rddreg [dreg:$0x0]  }
0x2: {  	s0 =	rddreg [dreg:$0x1]  }
0x3: {  	s2 =	rddreg [dreg:$0x2];
	s22 =	simm.s32 $0x0;
	s5 =	srdreg.scid  }
0x4: {  	s10 =	stileid.u32;
	s28 =	simm.s32 $0x1400;
	s29 =	simm.s32 $0x5  }
0x5: {  	s30 =	simm.s32 $0x80;
	[smem:$0x7FF] =	sst s22;
	s3 =	sadd.s32 $0x4600, s0  }
0x6: {  	s4 =	sadd.s32 $0xE600, s0;
	s12 =	sadd.s32 $0x18600, s0;
	s7 =	smul.u32 $0x4F000, s10  }
0x7: {  	s6 =	sand.u32 $0x1, s5;
	s20 =	sshll.u32 s10, $0x1;
	s10 =	smul.u32 $0x278, s10  }
0x8: {  	s0 =	sadd.s32 $0x67600, s0;
	s9 =	sor.u32 s6, s20;
	s14 =	smul.u32 $0x2780, s6  }
0x9: {  	_ =	strace $0x80000047;
	s8 =	ssub.s32 $0x2, s6;
	s11 =	smul.u32 $0x2800, s9  }
0xa: {  	s21 =	sshrl.u32 s8, $0x1;
	s7 =	sshrl.u32 s7, $0x2;
	s15 =	smul.u32 $0x500, s9  }
0xb: {  	s13 =	ssub.s32 s8, s21;
	s5 =	sadd.s32 s7, s2;
	s10 =	sadd.s32 s10, s14  }
0xc: {  	s6 =	sadd.s32 $0x4000, s5;
	s7 =	sadd.s32 $0x8000, s5;
	s8 =	sadd.s32 $0xC000, s5  }
0xd: {  	s16 =	sshll.u32 s10, $0x4;
	s10 =	sadd.s32 s4, s15;
	s15 =	sadd.s32 s3, s15  }
0xe: {  	s11 =	sshrl.u32 s11, $0x3;
	s24 =	sadd.s32 s0, s16;
	[dreg:$0x8] =	wrdreg s15  }
0xf: {  	s25 =	sadd.s32 $0x800, s16;
	s21 =	sadd.s32 s12, s16;
	[dreg:$0x4] =	wrdreg s24  }
0x10: {  	s17 =	sadd.s32 $0x1000, s16;
	s19 =	sadd.s32 s0, s25;
	[dreg:$0xb] =	wrdreg s21  }
0x11: {  	s18 =	sadd.s32 $0x1800, s16;
	s26 =	sadd.s32 s0, s17;
	[dreg:$0x5] =	wrdreg s19  }
0x12: {  	s23 =	sadd.s32 $0x280, s11;
	s31 =	sadd.s32 s0, s18;
	[dreg:$0x6] =	wrdreg s26  }
0x13: {  	s20 =	sadd.s32 $0x2000, s16;
	s3 =	sadd.s32 s3, s23;
	[dreg:$0x7] =	wrdreg s31  }
0x14: {  	s9 =	sadd.s32 $0x10000, s5;
	s0 =	sadd.s32 s0, s20;
	[dreg:$0x9] =	wrdreg s3  }
0x15: {  	s11 =	sadd.s32 s4, s23;
	s23 =	sadd.s32 s12, s25;
	[dreg:$0xa] =	wrdreg s0  }
0x16: {  	s15 =	simm.s32 $0x2780;
	s24 =	sadd.s32 s12, s17;
	[dreg:$0xc] =	wrdreg s23  }
0x17: {  	s16 =	simm.s32 $0x0;
	s25 =	sadd.s32 s12, s18;
	[dreg:$0xd] =	wrdreg s24  }
0x18: {  	s4 =	simm.s32 $0x6800;
	[dreg:$0xe] =	wrdreg s25;
	s26 =	sadd.s32 s12, s20  }
0x19: {  	s31 =	smax.u32 s13, $0x1;
	s25 =	simm.s32 $0x2800;
	s13 =	simm.s32 $0x1480  }
0x1a: {  	s0 =	simm.s32 $0x4;
	s3 =	simm.s32 $0x1;
	[dreg:$0xf] =	wrdreg s26  }
0x1b: {  	v0 =	vimm.f32 $0.0e+00;
	v1 =	vimm.f32 $1.000000000e+00;
	s12 =	simm.s32 $0x2;
	[dreg:$0x10] =	wrdreg s31;
	s26 =	simm.s32 $0x3  }
.LBB2_1:
0x1c: {  	s17 =	simm.s32 $0x0;
	s18 =	simm.s32 $0x200  }
.LBB2_2:
0x1d: {  	p0 =	sne.s32 s18, $0xFE00;
	[tilespmem:s17+$0x2870] =	vst v0  }
0x1e: {  	[tilespmem:s17+$0x2800] =	vst v0  }
0x1f: {  	[tilespmem:s17+$0x2810] =	vst v0  }
.Ltmp0:
0x20: {  	[tilespmem:s17+$0x2820] =	vst v0;
	(pc) =	sbr.rel @p0 .LBB2_2-.Ltmp0, $4  }
0x21: {  	[tilespmem:s17+$0x2830] =	vst v0  }
0x22: {  	[tilespmem:s17+$0x2840] =	vst v0  }
0x23: {  	[tilespmem:s17+$0x2850] =	vst v0  }
0x24: {  	[tilespmem:s17+$0x2860] =	vst v0;
	s17 =	sshra.s32 s18, $0x2;
	s18 =	sadd.s32 $0x200, s18  }
0x25: {  	[tilespmem:s17+$0x2870] =	vst v0  }
0x26: {  	[tilespmem:s17+$0x2800] =	vst v0  }
0x27: {  	[tilespmem:s17+$0x2810] =	vst v0  }
0x28: {  	[tilespmem:s17+$0x2820] =	vst v0  }
0x29: {  	[tilespmem:s17+$0x2830] =	vst v0  }
0x2a: {  	[tilespmem:s17+$0x2840] =	vst v0  }
0x2b: {  	[tilespmem:s17+$0x2850] =	vst v0  }
0x2c: {  	[tilespmem:s17+$0x2860] =	vst v0  }
0x2d: {  	[spmem:s5] =	stream.linear.scatter [tilespmem:s25], [sflag:$0x3], $0x4000, $0x38;
	[tilespmem:$0x1E400] =	vst v63  }
0x2e: {  	_ = 	snop  }
0x2f: {  	[spmem:s6] =	stream.linear.scatter [tilespmem:s25], [sflag:$0x3], $0x4000, $0x38;
	[tilespmem:$0x1E400] =	vst v63  }
0x30: {  	_ = 	snop  }
0x31: {  	[spmem:s7] =	stream.linear.scatter [tilespmem:s25], [sflag:$0x3], $0x4000, $0x38;
	[tilespmem:$0x1E400] =	vst v63  }
0x32: {  	_ = 	snop  }
0x33: {  	[spmem:s8] =	stream.linear.scatter [tilespmem:s25], [sflag:$0x3], $0x4000, $0x38;
	[tilespmem:$0x1E400] =	vst v63  }
0x34: {  	_ = 	snop  }
0x35: {  	[spmem:s9] =	stream.linear.scatter [tilespmem:s25], [sflag:$0x3], $0x3C00, $0x38;
	[tilespmem:$0x1E400] =	vst v63  }
0x36: {  	_ =	swait.ge [sflag:s26], $0x4000  }
0x37: {  	[sflag:s26] =	ssyncset.done $0x0  }
0x38: {  	[sflag:s26] =	ssyncadd.s32 $0xFFFFC000  }
0x39: {  	_ =	swait.ge [sflag:s26], $0x4000  }
0x3a: {  	[sflag:s26] =	ssyncset.done $0x0  }
0x3b: {  	[sflag:s26] =	ssyncadd.s32 $0xFFFFC000  }
0x3c: {  	_ =	swait.ge [sflag:s26], $0x4000  }
0x3d: {  	[sflag:s26] =	ssyncset.done $0x0  }
0x3e: {  	[sflag:s26] =	ssyncadd.s32 $0xFFFFC000  }
0x3f: {  	_ =	swait.ge [sflag:s26], $0x4000  }
0x40: {  	[sflag:s26] =	ssyncset.done $0x0  }
0x41: {  	[sflag:s26] =	ssyncadd.s32 $0xFFFFC000  }
0x42: {  	_ =	swait.ge [sflag:s26], $0x3C00  }
0x43: {  	[sflag:s26] =	ssyncset.done $0x0  }
0x44: {  	[sflag:s26] =	ssyncadd.s32 $0xFFFFC400  }
0x45: {  	s17 =	simm.s32 $0x0;
	s18 =	simm.s32 $0x200;
	[bflag:$0x0] =	sbarrier.arrive $0xFFFF  }
.LBB2_4:
0x46: {  	p0 =	sne.s32 s18, $0xFE00;
	[tilespmem:s17+$0x2870] =	vst v1  }
0x47: {  	[tilespmem:s17+$0x2800] =	vst v1  }
0x48: {  	[tilespmem:s17+$0x2810] =	vst v1  }
.Ltmp1:
0x49: {  	[tilespmem:s17+$0x2820] =	vst v1;
	(pc) =	sbr.rel @p0 .LBB2_4-.Ltmp1, $4  }
0x4a: {  	[tilespmem:s17+$0x2830] =	vst v1  }
0x4b: {  	[tilespmem:s17+$0x2840] =	vst v1  }
0x4c: {  	[tilespmem:s17+$0x2850] =	vst v1  }
0x4d: {  	[tilespmem:s17+$0x2860] =	vst v1;
	s17 =	sshra.s32 s18, $0x2;
	s18 =	sadd.s32 $0x200, s18  }
0x4e: {  	[tilespmem:s17+$0x2870] =	vst v1  }
0x4f: {  	[tilespmem:s17+$0x2800] =	vst v1  }
0x50: {  	[tilespmem:s17+$0x2810] =	vst v1  }
0x51: {  	[tilespmem:s17+$0x2820] =	vst v1  }
0x52: {  	[tilespmem:s17+$0x2830] =	vst v1  }
0x53: {  	[tilespmem:s17+$0x2840] =	vst v1  }
0x54: {  	[tilespmem:s17+$0x2850] =	vst v1  }
0x55: {  	[tilespmem:s17+$0x2860] =	vst v1  }
0x56: {  	[tilespmem:s28], [sflag:$0x5] =	stream.linear.gather [hbm4b:s10+s22], $0x1400, $0x38;
	[tilespmem:$0x1E400] =	vst v63  }
0x57: {  	_ =	swait.ge [sflag:s29], $0x1400  }
0x58: {  	[sflag:s29] =	ssyncset.done $0x0  }
0x59: {  	[sflag:s29] =	ssyncadd.s32 $0xFFFFEC00  }
0x5a: {  	[spmem:s2] =	stream.indirect.scatter.add.f32 [tilespmem:s25], [sflag:$0x3], $0x80, s28, s30, $0xb8;
	[tilespmem:$0x1E400] =	vst v63  }
0x5b: {  	_ = 	snop  }
0x5c: {  	[spmem:s2] =	stream.indirect.scatter.add.f32 [tilespmem:s25], [sflag:$0x4], $0x80, s13, s30, $0xb8;
	[tilespmem:$0x1E400] =	vst v63  }
0x5d: {  	_ =	swait.ge [sflag:s26], $0x4000  }
0x5e: {  	[sflag:s26] =	ssyncset.done $0x0  }
0x5f: {  	s24 =	simm.s32 $0x1500;
	[sflag:s26] =	ssyncadd.s32 $0xFFFFC000  }
0x60: {  	[spmem:s2] =	stream.indirect.scatter.add.f32 [tilespmem:s25], [sflag:$0x3], $0x80, s24, s30, $0xb8;
	[tilespmem:$0x1E400] =	vst v63  }
0x61: {  	_ =	swait.ge [sflag:s0], $0x4000  }
0x62: {  	[sflag:s0] =	ssyncset.done $0x0  }
0x63: {  	s31 =	simm.s32 $0x1580;
	[sflag:s0] =	ssyncadd.s32 $0xFFFFC000  }
0x64: {  	[spmem:s2] =	stream.indirect.scatter.add.f32 [tilespmem:s25], [sflag:$0x4], $0x80, s31, s30, $0xb8;
	[tilespmem:$0x1E400] =	vst v63  }
0x65: {  	_ =	swait.ge [sflag:s26], $0x4000  }
0x66: {  	s18 =	simm.s32 $0xFFFFBC00;
	s17 =	simm.s32 $0xFFFFEE00;
	[sflag:s26] =	ssyncset.done $0x0  }
.LBB2_6:
0x67: {  	s19 =	sadd.s32 $0x2800, s17  }
0x68: {  	[sflag:s26] =	ssyncadd.s32 $0xFFFFC000;
	s20 =	smov.u32 s18;
	s21 =	sadd.s32 $0x400, s18  }
0x69: {  	[spmem:s2] =	stream.indirect.scatter.add.f32 [tilespmem:s25], [sflag:$0x3], $0x80, s19, s30, $0xb8;
	[tilespmem:$0x1E400] =	vst v63  }
0x6a: {  	p0 =	sne.s32 s18, $0xFFFFFC00;
	_ =	swait.ge [sflag:s0], $0x4000  }
.Ltmp2:
0x6b: {  	[sflag:s0] =	ssyncset.done $0x0;
	(pc) =	sbr.rel @p0 .LBB2_6-.Ltmp2, $4  }
0x6c: {  	s17 =	sadd.s32 $0x2880, s17;
	[sflag:s0] =	ssyncadd.s32 $0xFFFFC000  }
0x6d: {  	[spmem:s2] =	stream.indirect.scatter.add.f32 [tilespmem:s25], [sflag:$0x4], $0x80, s17, s30, $0xb8;
	[tilespmem:$0x1E400] =	vst v63  }
0x6e: {  	_ =	swait.ge [sflag:s26], $0x4000  }
0x6f: {  	s18 =	smov.u32 s21;
	s17 =	sshra.s32 s20, $0x2;
	[sflag:s26] =	ssyncset.done $0x0  }
0x70: {  	s18 =	sadd.s32 $0x2800, s17;
	[sflag:s26] =	ssyncadd.s32 $0xFFFFC000  }
0x71: {  	[spmem:s2] =	stream.indirect.scatter.add.f32 [tilespmem:s25], [sflag:$0x3], $0x80, s18, s30, $0xb8;
	[tilespmem:$0x1E400] =	vst v63  }
0x72: {  	_ =	swait.ge [sflag:s0], $0x4000  }
0x73: {  	[sflag:s0] =	ssyncset.done $0x0  }
0x74: {  	s23 =	sadd.s32 $0x2880, s17;
	[sflag:s0] =	ssyncadd.s32 $0xFFFFC000  }
0x75: {  	[spmem:s2] =	stream.indirect.scatter.add.f32 [tilespmem:s25], [sflag:$0x4], $0x80, s23, s30, $0xb8;
	[tilespmem:$0x1E400] =	vst v63  }
0x76: {  	_ =	swait.ge [sflag:s26], $0x4000  }
0x77: {  	[sflag:s26] =	ssyncset.done $0x0  }
0x78: {  	[sflag:s26] =	ssyncadd.s32 $0xFFFFC000  }
0x79: {  	_ =	swait.ge [sflag:s0], $0x4000  }
0x7a: {  	[sflag:s0] =	ssyncset.done $0x0  }
0x7b: {  	[sflag:s0] =	ssyncadd.s32 $0xFFFFC000  }
0x7c: {  	[tilespmem:s28], [sflag:$0x5] =	stream.linear.gather [hbm4b:s11+s22], $0x1400, $0x38;
	[tilespmem:$0x1E400] =	vst v63  }
0x7d: {  	_ =	swait.ge [sflag:s29], $0x1400  }
0x7e: {  	[sflag:s29] =	ssyncset.done $0x0  }
0x7f: {  	[sflag:s29] =	ssyncadd.s32 $0xFFFFEC00  }
0x80: {  	[spmem:s2] =	stream.indirect.scatter.add.f32 [tilespmem:s25], [sflag:$0x3], $0x80, s28, s30, $0xb8;
	[tilespmem:$0x1E400] =	vst v63  }
0x81: {  	_ = 	snop  }
0x82: {  	[spmem:s2] =	stream.indirect.scatter.add.f32 [tilespmem:s25], [sflag:$0x4], $0x80, s13, s30, $0xb8;
	[tilespmem:$0x1E400] =	vst v63  }
0x83: {  	_ =	swait.ge [sflag:s26], $0x4000  }
0x84: {  	[sflag:s26] =	ssyncset.done $0x0  }
0x85: {  	s24 =	simm.s32 $0x1500;
	[sflag:s26] =	ssyncadd.s32 $0xFFFFC000  }
0x86: {  	[spmem:s2] =	stream.indirect.scatter.add.f32 [tilespmem:s25], [sflag:$0x3], $0x80, s24, s30, $0xb8;
	[tilespmem:$0x1E400] =	vst v63  }
0x87: {  	_ =	swait.ge [sflag:s0], $0x4000  }
0x88: {  	[sflag:s0] =	ssyncset.done $0x0  }
0x89: {  	s31 =	simm.s32 $0x1580;
	[sflag:s0] =	ssyncadd.s32 $0xFFFFC000  }
0x8a: {  	[spmem:s2] =	stream.indirect.scatter.add.f32 [tilespmem:s25], [sflag:$0x4], $0x80, s31, s30, $0xb8;
	[tilespmem:$0x1E400] =	vst v63  }
0x8b: {  	_ =	swait.ge [sflag:s26], $0x4000  }
0x8c: {  	s17 =	simm.s32 $0xFFFFEE00;
	s18 =	simm.s32 $0xFFFFBC00;
	[sflag:s26] =	ssyncset.done $0x0  }
.LBB2_8:
0x8d: {  	s19 =	sadd.s32 $0x2800, s17  }
0x8e: {  	[sflag:s26] =	ssyncadd.s32 $0xFFFFC000;
	s20 =	smov.u32 s18;
	s21 =	sadd.s32 $0x400, s18  }
0x8f: {  	[spmem:s2] =	stream.indirect.scatter.add.f32 [tilespmem:s25], [sflag:$0x3], $0x80, s19, s30, $0xb8;
	[tilespmem:$0x1E400] =	vst v63  }
0x90: {  	p0 =	sne.s32 s18, $0xFFFFFC00;
	_ =	swait.ge [sflag:s0], $0x4000  }
.Ltmp3:
0x91: {  	[sflag:s0] =	ssyncset.done $0x0;
	(pc) =	sbr.rel @p0 .LBB2_8-.Ltmp3, $4  }
0x92: {  	s17 =	sadd.s32 $0x2880, s17;
	[sflag:s0] =	ssyncadd.s32 $0xFFFFC000  }
0x93: {  	[spmem:s2] =	stream.indirect.scatter.add.f32 [tilespmem:s25], [sflag:$0x4], $0x80, s17, s30, $0xb8;
	[tilespmem:$0x1E400] =	vst v63  }
0x94: {  	_ =	swait.ge [sflag:s26], $0x4000  }
0x95: {  	s18 =	smov.u32 s21;
	s17 =	sshra.s32 s20, $0x2;
	[sflag:s26] =	ssyncset.done $0x0  }
0x96: {  	s18 =	sadd.s32 $0x2800, s17;
	[sflag:s26] =	ssyncadd.s32 $0xFFFFC000  }
0x97: {  	[spmem:s2] =	stream.indirect.scatter.add.f32 [tilespmem:s25], [sflag:$0x3], $0x80, s18, s30, $0xb8;
	[tilespmem:$0x1E400] =	vst v63  }
0x98: {  	_ =	swait.ge [sflag:s0], $0x4000  }
0x99: {  	[sflag:s0] =	ssyncset.done $0x0  }
0x9a: {  	s22 =	sadd.s32 $0x2880, s17;
	[sflag:s0] =	ssyncadd.s32 $0xFFFFC000  }
0x9b: {  	[spmem:s2] =	stream.indirect.scatter.add.f32 [tilespmem:s25], [sflag:$0x4], $0x80, s22, s30, $0xb8;
	[tilespmem:$0x1E400] =	vst v63  }
0x9c: {  	_ =	swait.ge [sflag:s26], $0x4000  }
0x9d: {  	[sflag:s26] =	ssyncset.done $0x0  }
0x9e: {  	[sflag:s26] =	ssyncadd.s32 $0xFFFFC000  }
0x9f: {  	_ =	swait.ge [sflag:s0], $0x4000  }
0xa0: {  	[sflag:s0] =	ssyncset.done $0x0  }
0xa1: {  	s13 =	stileid.u32;
	[sflag:s0] =	ssyncadd.s32 $0xFFFFC000  }
0xa2: {  	s23 =	sshll.u32 s13, $0x6;
	[bflag:$0x0] =	sbarrier.arrive $0xFFFF  }
0xa3: {  	s18 =	sshrl.u32 s5, $0x3;
	s17 =	sor.u32 $0x1C04, s23;
	s24 =	rddreg [dreg:$0x4]  }
0xa4: {  	[hbm:s24], [sflag:s17] =	dma.local [spmem:s18], $0x800  }
0xa5: {  	s19 =	sshrl.u32 s6, $0x3;
	s13 =	rddreg [dreg:$0x5]  }
0xa6: {  	[hbm:s13], [sflag:s17] =	dma.local [spmem:s19], $0x800  }
0xa7: {  	s20 =	sshrl.u32 s7, $0x3;
	s13 =	rddreg [dreg:$0x6]  }
0xa8: {  	[hbm:s13], [sflag:s17] =	dma.local [spmem:s20], $0x800  }
0xa9: {  	s21 =	sshrl.u32 s8, $0x3;
	s13 =	rddreg [dreg:$0x7]  }
0xaa: {  	[hbm:s13], [sflag:s17] =	dma.local [spmem:s21], $0x800  }
0xab: {  	s31 =	sshrl.u32 s9, $0x3;
	s13 =	rddreg [dreg:$0xa]  }
0xac: {  	[hbm:s13], [sflag:s17] =	dma.local [spmem:s31], $0x780  }
0xad: {  	_ =	swait.ge [sflag:s0], $0x800  }
0xae: {  	[sflag:s0] =	ssyncset.done $0x0  }
0xaf: {  	[sflag:s0] =	ssyncadd.s32 $0xFFFFF800  }
0xb0: {  	_ =	swait.ge [sflag:s0], $0x800  }
0xb1: {  	[sflag:s0] =	ssyncset.done $0x0  }
0xb2: {  	[sflag:s0] =	ssyncadd.s32 $0xFFFFF800  }
0xb3: {  	_ =	swait.ge [sflag:s0], $0x800  }
0xb4: {  	[sflag:s0] =	ssyncset.done $0x0  }
0xb5: {  	[sflag:s0] =	ssyncadd.s32 $0xFFFFF800  }
0xb6: {  	_ =	swait.ge [sflag:s0], $0x800  }
0xb7: {  	[sflag:s0] =	ssyncset.done $0x0  }
0xb8: {  	[sflag:s0] =	ssyncadd.s32 $0xFFFFF800  }
0xb9: {  	_ =	swait.ge [sflag:s0], $0x780  }
0xba: {  	[sflag:s0] =	ssyncset.done $0x0  }
0xbb: {  	[sflag:s0] =	ssyncadd.s32 $0xFFFFF880  }
0xbc: {  	s23 =	simm.s32 $0x200;
	s22 =	simm.s32 $0x0;
	[bflag:$0x0] =	sbarrier.arrive $0xFFFF  }
.LBB2_10:
0xbd: {  	p0 =	sne.s32 s23, $0xFE00;
	[tilespmem:s22+$0x2870] =	vst v0  }
0xbe: {  	[tilespmem:s22+$0x2800] =	vst v0  }
0xbf: {  	[tilespmem:s22+$0x2810] =	vst v0  }
.Ltmp4:
0xc0: {  	[tilespmem:s22+$0x2820] =	vst v0;
	(pc) =	sbr.rel @p0 .LBB2_10-.Ltmp4, $4  }
0xc1: {  	[tilespmem:s22+$0x2830] =	vst v0  }
0xc2: {  	[tilespmem:s22+$0x2840] =	vst v0  }
0xc3: {  	[tilespmem:s22+$0x2850] =	vst v0  }
0xc4: {  	[tilespmem:s22+$0x2860] =	vst v0;
	s22 =	sshra.s32 s23, $0x2;
	s23 =	sadd.s32 $0x200, s23  }
0xc5: {  	[tilespmem:s22+$0x2870] =	vst v0  }
0xc6: {  	[tilespmem:s22+$0x2800] =	vst v0  }
0xc7: {  	[tilespmem:s22+$0x2810] =	vst v0  }
0xc8: {  	[tilespmem:s22+$0x2820] =	vst v0  }
0xc9: {  	[tilespmem:s22+$0x2830] =	vst v0  }
0xca: {  	[tilespmem:s22+$0x2840] =	vst v0  }
0xcb: {  	[tilespmem:s22+$0x2850] =	vst v0  }
0xcc: {  	[tilespmem:s22+$0x2860] =	vst v0  }
0xcd: {  	[spmem:s5] =	stream.linear.scatter [tilespmem:s25], [sflag:$0x3], $0x4000, $0x38;
	[tilespmem:$0x1E400] =	vst v63  }
0xce: {  	_ = 	snop  }
0xcf: {  	[spmem:s6] =	stream.linear.scatter [tilespmem:s25], [sflag:$0x3], $0x4000, $0x38;
	[tilespmem:$0x1E400] =	vst v63  }
0xd0: {  	_ = 	snop  }
0xd1: {  	[spmem:s7] =	stream.linear.scatter [tilespmem:s25], [sflag:$0x3], $0x4000, $0x38;
	[tilespmem:$0x1E400] =	vst v63  }
0xd2: {  	_ = 	snop  }
0xd3: {  	[spmem:s8] =	stream.linear.scatter [tilespmem:s25], [sflag:$0x3], $0x4000, $0x38;
	[tilespmem:$0x1E400] =	vst v63  }
0xd4: {  	_ = 	snop  }
0xd5: {  	[spmem:s9] =	stream.linear.scatter [tilespmem:s25], [sflag:$0x3], $0x3C00, $0x38;
	[tilespmem:$0x1E400] =	vst v63  }
0xd6: {  	_ =	swait.ge [sflag:s26], $0x4000  }
0xd7: {  	[sflag:s26] =	ssyncset.done $0x0  }
0xd8: {  	[sflag:s26] =	ssyncadd.s32 $0xFFFFC000  }
0xd9: {  	_ =	swait.ge [sflag:s26], $0x4000  }
0xda: {  	[sflag:s26] =	ssyncset.done $0x0  }
0xdb: {  	[sflag:s26] =	ssyncadd.s32 $0xFFFFC000  }
0xdc: {  	_ =	swait.ge [sflag:s26], $0x4000  }
0xdd: {  	[sflag:s26] =	ssyncset.done $0x0  }
0xde: {  	[sflag:s26] =	ssyncadd.s32 $0xFFFFC000  }
0xdf: {  	_ =	swait.ge [sflag:s26], $0x4000  }
0xe0: {  	[sflag:s26] =	ssyncset.done $0x0  }
0xe1: {  	[sflag:s26] =	ssyncadd.s32 $0xFFFFC000  }
0xe2: {  	_ =	swait.ge [sflag:s26], $0x3C00  }
0xe3: {  	[sflag:s26] =	ssyncset.done $0x0  }
0xe4: {  	[sflag:s26] =	ssyncadd.s32 $0xFFFFC400  }
0xe5: {  	[bflag:$0x0] =	sbarrier.arrive $0xFFFF  }
0xe6: {  	s24 =	simm.s32 $0x0;
	s13 =	rddreg [dreg:$0x8]  }
0xe7: {  	[tilespmem:s24], [sflag:$0x5] =	stream.linear.gather [hbm4b:s13+s24], $0x1400, $0x38;
	[tilespmem:$0x1E400] =	vst v63  }
0xe8: {  	_ =	swait.ge [sflag:s29], $0x1400  }
0xe9: {  	[sflag:s29] =	ssyncset.done $0x0  }
0xea: {  	[sflag:s29] =	ssyncadd.s32 $0xFFFFEC00  }
0xeb: {  	[tilespmem:s28], [sflag:$0x5] =	stream.linear.gather [hbm4b:s10+s24], $0x1400, $0x38;
	[tilespmem:$0x1E400] =	vst v63  }
0xec: {  	_ =	swait.ge [sflag:s29], $0x1400  }
0xed: {  	[sflag:s29] =	ssyncset.done $0x0  }
0xee: {  	[sflag:s29] =	ssyncadd.s32 $0xFFFFEC00  }
0xef: {  	[tilespmem:s25], [sflag:$0x1] =	stream.indirect.gather [hbm4b:s1+s30], $0x80, s24, s30, $0xb8;
	[tilespmem:$0x1E400] =	vst v63  }
0xf0: {  	s13 =	simm.s32 $0x80  }
0xf1: {  	[tilespmem:s4], [sflag:$0x2] =	stream.indirect.gather [hbm4b:s1+s30], $0x80, s13, s30, $0xb8;
	[tilespmem:$0x1E400] =	vst v63  }
0xf2: {  	_ =	swait.ge [sflag:s3], $0x4000  }
0xf3: {  	[sflag:s3] =	ssyncset.done $0x0  }
0xf4: {  	s14 =	simm.s32 $0x1400;
	[sflag:s3] =	ssyncadd.s32 $0xFFFFC000  }
0xf5: {  	[spmem:s2] =	stream.indirect.scatter.add.f32 [tilespmem:s25], [sflag:$0x5], $0x80, s14, s30, $0xb8;
	[tilespmem:$0x1E400] =	vst v63  }
0xf6: {  	_ =	swait.ge [sflag:s29], $0x4000  }
0xf7: {  	[sflag:s29] =	ssyncset.done $0x0  }
0xf8: {  	s23 =	simm.s32 $0x100;
	[sflag:s29] =	ssyncadd.s32 $0xFFFFC000  }
0xf9: {  	[tilespmem:s25], [sflag:$0x1] =	stream.indirect.gather [hbm4b:s1+s30], $0x80, s23, s30, $0xb8;
	[tilespmem:$0x1E400] =	vst v63  }
0xfa: {  	_ =	swait.ge [sflag:s12], $0x4000  }
0xfb: {  	[sflag:s12] =	ssyncset.done $0x0  }
0xfc: {  	s24 =	simm.s32 $0x1480;
	[sflag:s12] =	ssyncadd.s32 $0xFFFFC000  }
0xfd: {  	[spmem:s2] =	stream.indirect.scatter.add.f32 [tilespmem:s4], [sflag:$0x5], $0x80, s24, s30, $0xb8;
	[tilespmem:$0x1E400] =	vst v63  }
0xfe: {  	_ =	swait.ge [sflag:s29], $0x4000  }
0xff: {  	s22 =	simm.s32 $0x100;
	s23 =	simm.s32 $0x800;
	[sflag:s29] =	ssyncset.done $0x0  }
.LBB2_12:
0x100: {  	s24 =	sadd.s32 $0x80, s22  }
0x101: {  	[sflag:s29] =	ssyncadd.s32 $0xFFFFC000;
	s13 =	smov.u32 s23;
	s14 =	sadd.s32 $0x400, s23  }
0x102: {  	[tilespmem:s4], [sflag:$0x2] =	stream.indirect.gather [hbm4b:s1+s30], $0x80, s24, s30, $0xb8;
	[tilespmem:$0x1E400] =	vst v63  }
0x103: {  	p0 =	sne.s32 s23, $0x4800;
	_ =	swait.ge [sflag:s3], $0x4000  }
0x104: {  	[sflag:s3] =	ssyncset.done $0x0  }
0x105: {  	s23 =	sadd.s32 $0x1400, s22;
	[sflag:s3] =	ssyncadd.s32 $0xFFFFC000  }
0x106: {  	[spmem:s2] =	stream.indirect.scatter.add.f32 [tilespmem:s25], [sflag:$0x5], $0x80, s23, s30, $0xb8;
	[tilespmem:$0x1E400] =	vst v63  }
0x107: {  	_ =	swait.ge [sflag:s29], $0x4000  }
0x108: {  	[sflag:s29] =	ssyncset.done $0x0  }
0x109: {  	s23 =	sadd.s32 $0x100, s22;
	[sflag:s29] =	ssyncadd.s32 $0xFFFFC000  }
0x10a: {  	[tilespmem:s25], [sflag:$0x1] =	stream.indirect.gather [hbm4b:s1+s30], $0x80, s23, s30, $0xb8;
	[tilespmem:$0x1E400] =	vst v63  }
0x10b: {  	_ =	swait.ge [sflag:s12], $0x4000  }
.Ltmp5:
0x10c: {  	[sflag:s12] =	ssyncset.done $0x0;
	(pc) =	sbr.rel @p0 .LBB2_12-.Ltmp5, $4  }
0x10d: {  	s22 =	sadd.s32 $0x1480, s22;
	[sflag:s12] =	ssyncadd.s32 $0xFFFFC000  }
0x10e: {  	[spmem:s2] =	stream.indirect.scatter.add.f32 [tilespmem:s4], [sflag:$0x5], $0x80, s22, s30, $0xb8;
	[tilespmem:$0x1E400] =	vst v63  }
0x10f: {  	_ =	swait.ge [sflag:s29], $0x4000  }
0x110: {  	s23 =	smov.u32 s14;
	s22 =	sshra.s32 s13, $0x2;
	[sflag:s29] =	ssyncset.done $0x0  }
0x111: {  	s13 =	sadd.s32 $0x80, s22;
	[sflag:s29] =	ssyncadd.s32 $0xFFFFC000  }
0x112: {  	[tilespmem:s4], [sflag:$0x2] =	stream.indirect.gather [hbm4b:s1+s30], $0x80, s13, s30, $0xb8;
	[tilespmem:$0x1E400] =	vst v63  }
0x113: {  	_ =	swait.ge [sflag:s3], $0x4000  }
0x114: {  	[sflag:s3] =	ssyncset.done $0x0  }
0x115: {  	s23 =	sadd.s32 $0x1400, s22;
	[sflag:s3] =	ssyncadd.s32 $0xFFFFC000  }
0x116: {  	[spmem:s2] =	stream.indirect.scatter.add.f32 [tilespmem:s25], [sflag:$0x5], $0x80, s23, s30, $0xb8;
	[tilespmem:$0x1E400] =	vst v63  }
0x117: {  	_ =	swait.ge [sflag:s29], $0x4000  }
0x118: {  	[sflag:s29] =	ssyncset.done $0x0  }
0x119: {  	s24 =	sadd.s32 $0x100, s22;
	[sflag:s29] =	ssyncadd.s32 $0xFFFFC000  }
0x11a: {  	[tilespmem:s25], [sflag:$0x1] =	stream.indirect.gather [hbm4b:s1+s30], $0x80, s24, s30, $0xb8;
	[tilespmem:$0x1E400] =	vst v63  }
0x11b: {  	_ =	swait.ge [sflag:s12], $0x4000  }
0x11c: {  	[sflag:s12] =	ssyncset.done $0x0  }
0x11d: {  	s14 =	sadd.s32 $0x1480, s22;
	[sflag:s12] =	ssyncadd.s32 $0xFFFFC000  }
0x11e: {  	[spmem:s2] =	stream.indirect.scatter.add.f32 [tilespmem:s4], [sflag:$0x5], $0x80, s14, s30, $0xb8;
	[tilespmem:$0x1E400] =	vst v63  }
0x11f: {  	_ =	swait.ge [sflag:s29], $0x4000  }
0x120: {  	[sflag:s29] =	ssyncset.done $0x0  }
0x121: {  	s22 =	simm.s32 $0x1380;
	[sflag:s29] =	ssyncadd.s32 $0xFFFFC000  }
0x122: {  	[tilespmem:s4], [sflag:$0x2] =	stream.indirect.gather [hbm4b:s1+s30], $0x80, s22, s30, $0xb8;
	[tilespmem:$0x1E400] =	vst v63  }
0x123: {  	_ =	swait.ge [sflag:s3], $0x4000  }
0x124: {  	[sflag:s3] =	ssyncset.done $0x0  }
0x125: {  	s23 =	simm.s32 $0x2700;
	[sflag:s3] =	ssyncadd.s32 $0xFFFFC000  }
0x126: {  	[spmem:s2] =	stream.indirect.scatter.add.f32 [tilespmem:s25], [sflag:$0x5], $0x80, s23, s30, $0xb8;
	[tilespmem:$0x1E400] =	vst v63  }
0x127: {  	_ =	swait.ge [sflag:s29], $0x4000  }
0x128: {  	[sflag:s29] =	ssyncset.done $0x0  }
0x129: {  	[sflag:s29] =	ssyncadd.s32 $0xFFFFC000  }
0x12a: {  	_ =	swait.ge [sflag:s12], $0x4000  }
0x12b: {  	[sflag:s12] =	ssyncset.done $0x0  }
0x12c: {  	[sflag:s12] =	ssyncadd.s32 $0xFFFFC000  }
0x12d: {  	[spmem:s2] =	stream.indirect.scatter.add.f32 [tilespmem:s4], [sflag:$0x5], $0x80, s15, s30, $0xb8;
	[tilespmem:$0x1E400] =	vst v63  }
0x12e: {  	_ =	swait.ge [sflag:s29], $0x4000  }
0x12f: {  	[sflag:s29] =	ssyncset.done $0x0  }
0x130: {  	s24 =	simm.s32 $0x0;
	s14 =	rddreg [dreg:$0x9];
	[sflag:s29] =	ssyncadd.s32 $0xFFFFC000  }
0x131: {  	[tilespmem:s24], [sflag:$0x5] =	stream.linear.gather [hbm4b:s14+s24], $0x1400, $0x38;
	[tilespmem:$0x1E400] =	vst v63  }
0x132: {  	_ =	swait.ge [sflag:s29], $0x1400  }
0x133: {  	[sflag:s29] =	ssyncset.done $0x0  }
0x134: {  	[sflag:s29] =	ssyncadd.s32 $0xFFFFEC00  }
0x135: {  	[tilespmem:s28], [sflag:$0x5] =	stream.linear.gather [hbm4b:s11+s24], $0x1400, $0x38;
	[tilespmem:$0x1E400] =	vst v63  }
0x136: {  	_ =	swait.ge [sflag:s29], $0x1400  }
0x137: {  	[sflag:s29] =	ssyncset.done $0x0  }
0x138: {  	[sflag:s29] =	ssyncadd.s32 $0xFFFFEC00  }
0x139: {  	[tilespmem:s25], [sflag:$0x1] =	stream.indirect.gather [hbm4b:s1+s30], $0x80, s24, s30, $0xb8;
	[tilespmem:$0x1E400] =	vst v63  }
0x13a: {  	s14 =	simm.s32 $0x80  }
0x13b: {  	[tilespmem:s4], [sflag:$0x2] =	stream.indirect.gather [hbm4b:s1+s30], $0x80, s14, s30, $0xb8;
	[tilespmem:$0x1E400] =	vst v63  }
0x13c: {  	_ =	swait.ge [sflag:s3], $0x4000  }
0x13d: {  	[sflag:s3] =	ssyncset.done $0x0  }
0x13e: {  	s22 =	simm.s32 $0x1400;
	[sflag:s3] =	ssyncadd.s32 $0xFFFFC000  }
0x13f: {  	[spmem:s2] =	stream.indirect.scatter.add.f32 [tilespmem:s25], [sflag:$0x5], $0x80, s22, s30, $0xb8;
	[tilespmem:$0x1E400] =	vst v63  }
0x140: {  	_ =	swait.ge [sflag:s29], $0x4000  }
0x141: {  	[sflag:s29] =	ssyncset.done $0x0  }
0x142: {  	s23 =	simm.s32 $0x100;
	[sflag:s29] =	ssyncadd.s32 $0xFFFFC000  }
0x143: {  	[tilespmem:s25], [sflag:$0x1] =	stream.indirect.gather [hbm4b:s1+s30], $0x80, s23, s30, $0xb8;
	[tilespmem:$0x1E400] =	vst v63  }
0x144: {  	_ =	swait.ge [sflag:s12], $0x4000  }
0x145: {  	[sflag:s12] =	ssyncset.done $0x0  }
0x146: {  	s24 =	simm.s32 $0x1480;
	[sflag:s12] =	ssyncadd.s32 $0xFFFFC000  }
0x147: {  	[spmem:s2] =	stream.indirect.scatter.add.f32 [tilespmem:s4], [sflag:$0x5], $0x80, s24, s30, $0xb8;
	[tilespmem:$0x1E400] =	vst v63  }
0x148: {  	_ =	swait.ge [sflag:s29], $0x4000  }
0x149: {  	s22 =	simm.s32 $0x100;
	s23 =	simm.s32 $0x800;
	[sflag:s29] =	ssyncset.done $0x0  }
.LBB2_14:
0x14a: {  	s13 =	sadd.s32 $0x80, s22  }
0x14b: {  	[sflag:s29] =	ssyncadd.s32 $0xFFFFC000;
	s14 =	smov.u32 s23;
	s24 =	sadd.s32 $0x400, s23  }
0x14c: {  	[tilespmem:s4], [sflag:$0x2] =	stream.indirect.gather [hbm4b:s1+s30], $0x80, s13, s30, $0xb8;
	[tilespmem:$0x1E400] =	vst v63  }
0x14d: {  	p0 =	sne.s32 s23, $0x4800;
	_ =	swait.ge [sflag:s3], $0x4000  }
0x14e: {  	[sflag:s3] =	ssyncset.done $0x0  }
0x14f: {  	s13 =	sadd.s32 $0x1400, s22;
	[sflag:s3] =	ssyncadd.s32 $0xFFFFC000  }
0x150: {  	[spmem:s2] =	stream.indirect.scatter.add.f32 [tilespmem:s25], [sflag:$0x5], $0x80, s13, s30, $0xb8;
	[tilespmem:$0x1E400] =	vst v63  }
0x151: {  	_ =	swait.ge [sflag:s29], $0x4000  }
0x152: {  	[sflag:s29] =	ssyncset.done $0x0  }
0x153: {  	s13 =	sadd.s32 $0x100, s22;
	[sflag:s29] =	ssyncadd.s32 $0xFFFFC000  }
0x154: {  	[tilespmem:s25], [sflag:$0x1] =	stream.indirect.gather [hbm4b:s1+s30], $0x80, s13, s30, $0xb8;
	[tilespmem:$0x1E400] =	vst v63  }
0x155: {  	_ =	swait.ge [sflag:s12], $0x4000  }
.Ltmp6:
0x156: {  	[sflag:s12] =	ssyncset.done $0x0;
	(pc) =	sbr.rel @p0 .LBB2_14-.Ltmp6, $4  }
0x157: {  	s13 =	sadd.s32 $0x1480, s22;
	[sflag:s12] =	ssyncadd.s32 $0xFFFFC000  }
0x158: {  	[spmem:s2] =	stream.indirect.scatter.add.f32 [tilespmem:s4], [sflag:$0x5], $0x80, s13, s30, $0xb8;
	[tilespmem:$0x1E400] =	vst v63  }
0x159: {  	_ =	swait.ge [sflag:s29], $0x4000  }
0x15a: {  	s23 =	smov.u32 s24;
	s22 =	sshra.s32 s14, $0x2;
	[sflag:s29] =	ssyncset.done $0x0  }
0x15b: {  	s13 =	sadd.s32 $0x80, s22;
	[sflag:s29] =	ssyncadd.s32 $0xFFFFC000  }
0x15c: {  	[tilespmem:s4], [sflag:$0x2] =	stream.indirect.gather [hbm4b:s1+s30], $0x80, s13, s30, $0xb8;
	[tilespmem:$0x1E400] =	vst v63  }
0x15d: {  	_ =	swait.ge [sflag:s3], $0x4000  }
0x15e: {  	[sflag:s3] =	ssyncset.done $0x0  }
0x15f: {  	s23 =	sadd.s32 $0x1400, s22;
	[sflag:s3] =	ssyncadd.s32 $0xFFFFC000  }
0x160: {  	[spmem:s2] =	stream.indirect.scatter.add.f32 [tilespmem:s25], [sflag:$0x5], $0x80, s23, s30, $0xb8;
	[tilespmem:$0x1E400] =	vst v63  }
0x161: {  	_ =	swait.ge [sflag:s29], $0x4000  }
0x162: {  	[sflag:s29] =	ssyncset.done $0x0  }
0x163: {  	s24 =	sadd.s32 $0x100, s22;
	[sflag:s29] =	ssyncadd.s32 $0xFFFFC000  }
0x164: {  	[tilespmem:s25], [sflag:$0x1] =	stream.indirect.gather [hbm4b:s1+s30], $0x80, s24, s30, $0xb8;
	[tilespmem:$0x1E400] =	vst v63  }
0x165: {  	_ =	swait.ge [sflag:s12], $0x4000  }
0x166: {  	[sflag:s12] =	ssyncset.done $0x0  }
0x167: {  	s14 =	sadd.s32 $0x1480, s22;
	[sflag:s12] =	ssyncadd.s32 $0xFFFFC000  }
0x168: {  	[spmem:s2] =	stream.indirect.scatter.add.f32 [tilespmem:s4], [sflag:$0x5], $0x80, s14, s30, $0xb8;
	[tilespmem:$0x1E400] =	vst v63  }
0x169: {  	_ =	swait.ge [sflag:s29], $0x4000  }
0x16a: {  	[sflag:s29] =	ssyncset.done $0x0  }
0x16b: {  	s22 =	simm.s32 $0x1380;
	[sflag:s29] =	ssyncadd.s32 $0xFFFFC000  }
0x16c: {  	[tilespmem:s4], [sflag:$0x2] =	stream.indirect.gather [hbm4b:s1+s30], $0x80, s22, s30, $0xb8;
	[tilespmem:$0x1E400] =	vst v63  }
0x16d: {  	_ =	swait.ge [sflag:s3], $0x4000  }
0x16e: {  	[sflag:s3] =	ssyncset.done $0x0  }
0x16f: {  	s23 =	simm.s32 $0x2700;
	[sflag:s3] =	ssyncadd.s32 $0xFFFFC000  }
0x170: {  	[spmem:s2] =	stream.indirect.scatter.add.f32 [tilespmem:s25], [sflag:$0x5], $0x80, s23, s30, $0xb8;
	[tilespmem:$0x1E400] =	vst v63  }
0x171: {  	_ =	swait.ge [sflag:s29], $0x4000  }
0x172: {  	[sflag:s29] =	ssyncset.done $0x0  }
0x173: {  	[sflag:s29] =	ssyncadd.s32 $0xFFFFC000  }
0x174: {  	_ =	swait.ge [sflag:s12], $0x4000  }
0x175: {  	[sflag:s12] =	ssyncset.done $0x0  }
0x176: {  	[sflag:s12] =	ssyncadd.s32 $0xFFFFC000  }
0x177: {  	[spmem:s2] =	stream.indirect.scatter.add.f32 [tilespmem:s4], [sflag:$0x5], $0x80, s15, s30, $0xb8;
	[tilespmem:$0x1E400] =	vst v63  }
0x178: {  	_ =	swait.ge [sflag:s29], $0x4000  }
0x179: {  	[sflag:s29] =	ssyncset.done $0x0  }
0x17a: {  	[sflag:s29] =	ssyncadd.s32 $0xFFFFC000  }
0x17b: {  	[bflag:$0x0] =	sbarrier.arrive $0xFFFF  }
0x17c: {  	s24 =	rddreg [dreg:$0xb]  }
0x17d: {  	[hbm:s24], [sflag:s17] =	dma.local [spmem:s18], $0x800  }
0x17e: {  	s13 =	rddreg [dreg:$0xc]  }
0x17f: {  	[hbm:s13], [sflag:s17] =	dma.local [spmem:s19], $0x800  }
0x180: {  	s13 =	rddreg [dreg:$0xd]  }
0x181: {  	[hbm:s13], [sflag:s17] =	dma.local [spmem:s20], $0x800  }
0x182: {  	s13 =	rddreg [dreg:$0xe]  }
0x183: {  	[hbm:s13], [sflag:s17] =	dma.local [spmem:s21], $0x800  }
0x184: {  	s13 =	rddreg [dreg:$0xf]  }
0x185: {  	[hbm:s13], [sflag:s17] =	dma.local [spmem:s31], $0x780  }
0x186: {  	_ =	swait.ge [sflag:s0], $0x800  }
0x187: {  	[sflag:s0] =	ssyncset.done $0x0  }
0x188: {  	[sflag:s0] =	ssyncadd.s32 $0xFFFFF800  }
0x189: {  	_ =	swait.ge [sflag:s0], $0x800  }
0x18a: {  	[sflag:s0] =	ssyncset.done $0x0  }
0x18b: {  	[sflag:s0] =	ssyncadd.s32 $0xFFFFF800  }
0x18c: {  	_ =	swait.ge [sflag:s0], $0x800  }
0x18d: {  	[sflag:s0] =	ssyncset.done $0x0  }
0x18e: {  	[sflag:s0] =	ssyncadd.s32 $0xFFFFF800  }
0x18f: {  	_ =	swait.ge [sflag:s0], $0x800  }
0x190: {  	[sflag:s0] =	ssyncset.done $0x0  }
0x191: {  	[sflag:s0] =	ssyncadd.s32 $0xFFFFF800  }
0x192: {  	_ =	swait.ge [sflag:s0], $0x780  }
0x193: {  	s16 =	sadd.s32 $0x1, s16;
	s31 =	rddreg [dreg:$0x10]  }
0x194: {  	p0 =	sne.s32 s16, s31  }
.Ltmp7:
0x195: {  	_ = 	snop;
	(pc) =	sbr.rel @p0 .LBB2_1-.Ltmp7, $3  }
0x196: {  	_ =	sdelay $0x1  }
0x197: {  	[sflag:s0] =	ssyncset.done $0x0  }
0x198: {  	s22 =	simm.s32 $0x0;
	s13 =	simm.s32 $0x1480;
	[sflag:s0] =	ssyncadd.s32 $0xFFFFF880  }
0x199: {  	_ =	sfence.sel $0x180000  }
0x19a: {  	[bflag:$0x0] =	sbarrier.arrive $0xFFFF  }
0x19b: {  	_ =	strace $0x90000047  }
0x19c: {  	s0 =	stileid.u32;
	[bflag:$0x2] =	sbarrier.arrive $0xFFFF  }
0x19d: {  	p0 =	sne.s32 s0, $0x0;
	s0 =	rddreg [dreg:$0x3]  }
0x19e: {  	s0 =	sadd.s32 @!p0 $0x100000, s0  }
0x19f: {  	[sflag:s0] =	ssyncadd.tile.s32 @!p0 $0x1;
	_ =	shalt  }
.Lfunc_end2:
_tile_overlayer_lowered:
.L_overlay_start_2:
0x1a0: {  	(tag) =	ssettag $0x2  }
0x1a1: {  	s0 =	rddreg [dreg:$0x0];
	s2 =	stileid.u32  }
0x1a2: {  	s1 =	rddreg [dreg:$0x1];
	p0 =	sne.s32 s2, $0x0  }
0x1a3: {  	s3 =	rddreg [dreg:$0x2];
	[bflag:$0x3] =	sbarrier.arrive $0xFFFF;
	s2 =	simm.s32 @!p0 $0x1C05  }
0x1a4: {  	[timem:s3], [sflag:s2] =	dma.local @!p0 [hbm:s0], s1  }
0x1a5: {  	s0 =	simm.s32 @!p0 $0x5  }
0x1a6: {  	_ =	swait.ge @!p0 [sflag:s0], s1  }
0x1a7: {  	s1 =	ssub.s32 @!p0 $0x0, s1;
	[sflag:s0] =	ssyncset.done @!p0 $0x0  }
0x1a8: {  	[sflag:s0] =	ssyncadd.s32 @!p0 s1  }
0x1a9: {  	[bflag:$0x3] =	sbarrier.arrive $0xFFFF  }
0x1aa: {  	_ =	shalt  }

</sc_bundles>
